<compile_context>
chip_gen: v7x
topology: tpu7x:2x2x1
jax: 0.10.2.dev20260603
libtpu: 0.0.44.dev20260713+nightly
codegen_flags: <defaults>
</compile_context>

<pallas_src>
import functools

import jax
import jax.numpy as jnp
from jax import lax
from jax.experimental import pallas as pl
from jax.experimental.pallas import tpu as pltpu
from jax.experimental.pallas import tpu_sc as plsc

_N = 10000
_NPAD = 10240
_D = 16
_F = 128
_E = 320000
_NTILES = 32
_CH = 128
_NCHUNK = 80
_EPAD = _NTILES * _NCHUNK * _CH
_K = 8
_NGRP = _NCHUNK // _K
_ROWS_PER_SUB = _NPAD // 16
_XCH = 26

_mesh = plsc.VectorSubcoreMesh(core_axis_name="c", subcore_axis_name="s")
_params = pltpu.CompilerParams(use_tc_tiling_on_sc=False,
                               needs_layout_passes=False)


def _zero_vmem(buf, nrows):

    def z(k, carry):
        buf[pl.ds(k * 16, 16)] = jnp.zeros((16,), jnp.float32)
        return carry

    lax.fori_loop(0, nrows // 16, z, 0)


def _newton_dinv(deg_v, dinv_v):

    def dchunk(k, carry):
        d = deg_v[pl.ds(k * 16, 16)] + 1.0
        xi = 0x5F3759DF - lax.shift_right_logical(
            plsc.bitcast(d, jnp.int32), 1)
        xf = plsc.bitcast(xi, jnp.float32)
        for _ in range(3):
            xf = xf * (1.5 - 0.5 * d * xf * xf)
        dinv_v[pl.ds(k * 16, 16)] = xf
        return carry

    lax.fori_loop(0, _ROWS_PER_SUB // 16, dchunk, 0)


def _bcast(dinv_v, r):
    return plsc.load_gather(dinv_v, [jnp.full((16,), 0, jnp.int32) + r])


@functools.partial(
    pl.kernel,
    out_type=jax.ShapeDtypeStruct((2, _NPAD), jnp.float32),
    mesh=_mesh,
    compiler_params=_params,
    scratch_types=[
        pltpu.VMEM((_NCHUNK, _CH), jnp.int32),
        pltpu.VMEM((_CH,), jnp.float32),
        pltpu.VMEM((_ROWS_PER_SUB,), jnp.float32),
        pltpu.VMEM_SHARED((_NPAD,), jnp.float32),
        pltpu.SemaphoreType.DMA,
    ],
)
def _sc_deg(col_hbm, degp_hbm, col_v, ones_v, zbuf, deg_sh, ssem):
    c = lax.axis_index("c")
    s = lax.axis_index("s")
    tid = c * 16 + s
    sl = pl.ds(s * _ROWS_PER_SUB, _ROWS_PER_SUB)
    _zero_vmem(zbuf, _ROWS_PER_SUB)

    def o(k, carry):
        ones_v[pl.ds(k * 16, 16)] = jnp.ones((16,), jnp.float32)
        return carry

    lax.fori_loop(0, _CH // 16, o, 0)
    pltpu.sync_copy(zbuf, deg_sh.at[sl])
    pltpu.sync_copy(col_hbm.at[tid], col_v)
    plsc.subcore_barrier()

    def grp(g, carry):
        for i in range(_K):
            pltpu.async_copy(ones_v, deg_sh.at[col_v.at[g * _K + i]], ssem,
                             add=True)
        for i in range(_K):
            pltpu.make_async_copy(ones_v, deg_sh.at[col_v.at[g * _K + i]],
                                  ssem).wait()
        return carry

    lax.fori_loop(0, _NGRP, grp, 0)
    plsc.subcore_barrier()
    pltpu.sync_copy(deg_sh.at[sl], degp_hbm.at[c, sl])


@functools.partial(
    pl.kernel,
    out_type=jax.ShapeDtypeStruct((2, _NPAD, _D), jnp.float32),
    mesh=_mesh,
    compiler_params=_params,
    scratch_types=[
        pltpu.VMEM((_NCHUNK, _CH), jnp.int32),
        pltpu.VMEM((_NCHUNK, _CH), jnp.int32),
        pltpu.VMEM((_K, _CH, _D), jnp.float32),
        pltpu.VMEM((_K, _CH, _D), jnp.float32),
        pltpu.VMEM((_ROWS_PER_SUB, _D), jnp.float32),
        pltpu.VMEM((_ROWS_PER_SUB, _D), jnp.float32),
        pltpu.VMEM((_ROWS_PER_SUB,), jnp.float32),
        pltpu.VMEM((_ROWS_PER_SUB,), jnp.float32),
        pltpu.VMEM_SHARED((_NPAD, _D), jnp.float32),
        pltpu.VMEM_SHARED((_NPAD, _D), jnp.float32),
        pltpu.SemaphoreType.DMA,
        pltpu.SemaphoreType.DMA,
        pltpu.SemaphoreType.DMA,
        pltpu.SemaphoreType.DMA,
    ],
)
def _sc_seg(xw_hbm, degp_hbm, row_hbm, col_hbm, sp_hbm,
            row_v, col_v, buf_a, buf_b, nod_v, y_v, deg_v, dinv_v,
            y_sh, s_sh, gsem_a, gsem_b, ssem_a, ssem_b):
    c = lax.axis_index("c")
    s = lax.axis_index("s")
    tid = c * 16 + s
    sl = pl.ds(s * _ROWS_PER_SUB, _ROWS_PER_SUB)
    pltpu.sync_copy(row_hbm.at[tid], row_v)
    pltpu.sync_copy(col_hbm.at[tid], col_v)
    pltpu.sync_copy(xw_hbm.at[sl], nod_v)
    pltpu.sync_copy(degp_hbm.at[0, sl], deg_v)
    pltpu.sync_copy(degp_hbm.at[1, sl], dinv_v)

    def addp(k, carry):
        deg_v[pl.ds(k * 16, 16)] = (deg_v[pl.ds(k * 16, 16)]
                                    + dinv_v[pl.ds(k * 16, 16)])
        return carry

    lax.fori_loop(0, _ROWS_PER_SUB // 16, addp, 0)
    _newton_dinv(deg_v, dinv_v)

    def yrow(r, carry):
        y_v[r, :] = nod_v[r, :] * _bcast(dinv_v, r)
        return carry

    lax.fori_loop(0, _ROWS_PER_SUB, yrow, 0)
    pltpu.sync_copy(y_v, y_sh.at[sl])

    def zrow(r, carry):
        nod_v[r, :] = jnp.zeros((16,), jnp.float32)
        return carry

    lax.fori_loop(0, _ROWS_PER_SUB, zrow, 0)
    pltpu.sync_copy(nod_v, s_sh.at[sl])
    plsc.subcore_barrier()

    def gather_grp(g, buf, sem):
        for i in range(_K):
            pltpu.async_copy(y_sh.at[row_v.at[g * _K + i]], buf.at[i], sem)

    def wait_gather(buf, sem):
        for i in range(_K):
            pltpu.make_async_copy(y_sh.at[row_v.at[0]], buf.at[i], sem).wait()

    def scatter_grp(g, buf, sem):
        for i in range(_K):
            pltpu.async_copy(buf.at[i], s_sh.at[col_v.at[g * _K + i]], sem,
                             add=True)

    def wait_scatter(buf, sem):
        for i in range(_K):
            pltpu.make_async_copy(buf.at[i], s_sh.at[col_v.at[0]], sem).wait()

    gather_grp(0, buf_a, gsem_a)

    def body(m, carry):
        ga = 2 * m
        gb = 2 * m + 1
        wait_gather(buf_a, gsem_a)
        gather_grp(gb, buf_b, gsem_b)
        scatter_grp(ga, buf_a, ssem_a)
        wait_gather(buf_b, gsem_b)
        wait_scatter(buf_a, ssem_a)

        @pl.when(m < _NGRP // 2 - 1)
        def _():
            gather_grp(ga + 2, buf_a, gsem_a)

        scatter_grp(gb, buf_b, ssem_b)
        wait_scatter(buf_b, ssem_b)
        return carry

    lax.fori_loop(0, _NGRP // 2, body, 0)
    plsc.subcore_barrier()
    pltpu.sync_copy(s_sh.at[sl], sp_hbm.at[c, sl])


@functools.partial(
    pl.kernel,
    out_type=jax.ShapeDtypeStruct((_NTILES * _XCH * 128, _D), jnp.float32),
    mesh=_mesh,
    compiler_params=_params,
    scratch_types=[
        pltpu.VMEM((_XCH, 128), jnp.int32),
        pltpu.VMEM((_ROWS_PER_SUB, _D), jnp.float32),
        pltpu.VMEM((_ROWS_PER_SUB, _D), jnp.float32),
        pltpu.VMEM((_ROWS_PER_SUB, _D), jnp.float32),
        pltpu.VMEM((_ROWS_PER_SUB,), jnp.float32),
        pltpu.VMEM((_ROWS_PER_SUB,), jnp.float32),
        pltpu.VMEM((_D,), jnp.float32),
        pltpu.VMEM_SHARED((_NPAD, _D), jnp.float32),
        pltpu.VMEM((128, _D), jnp.float32),
        pltpu.VMEM((128, _D), jnp.float32),
        pltpu.SemaphoreType.DMA,
        pltpu.SemaphoreType.DMA,
        pltpu.SemaphoreType.DMA,
        pltpu.SemaphoreType.DMA,
    ],
)
def _sc_emb_gather(sp_hbm, degp_hbm, xw_hbm, bvec_hbm, x_hbm, out_hbm,
                   x_v, s0_v, s1_v, y_v, deg_v, dinv_v, b_v, emb_sh,
                   buf0, buf1, g0, g1, w0, w1):
    c = lax.axis_index("c")
    s = lax.axis_index("s")
    tid = c * 16 + s
    base = tid * (_XCH * 128)
    sl = pl.ds(s * _ROWS_PER_SUB, _ROWS_PER_SUB)
    pltpu.sync_copy(x_hbm.at[tid], x_v)
    pltpu.sync_copy(sp_hbm.at[0, sl], s0_v)
    pltpu.sync_copy(sp_hbm.at[1, sl], s1_v)
    pltpu.sync_copy(xw_hbm.at[sl], y_v)
    pltpu.sync_copy(degp_hbm.at[0, sl], deg_v)
    pltpu.sync_copy(degp_hbm.at[1, sl], dinv_v)
    pltpu.sync_copy(bvec_hbm, b_v)

    def addp(k, carry):
        deg_v[pl.ds(k * 16, 16)] = (deg_v[pl.ds(k * 16, 16)]
                                    + dinv_v[pl.ds(k * 16, 16)])
        return carry

    lax.fori_loop(0, _ROWS_PER_SUB // 16, addp, 0)
    _newton_dinv(deg_v, dinv_v)
    bv = b_v[...]

    def embrow(r, carry):
        bc = _bcast(dinv_v, r)
        s0_v[r, :] = bc * (s0_v[r, :] + s1_v[r, :] + y_v[r, :] * bc) + bv
        return carry

    lax.fori_loop(0, _ROWS_PER_SUB, embrow, 0)
    pltpu.sync_copy(s0_v, emb_sh.at[sl])
    plsc.subcore_barrier()

    def body(m, carry):
        ja = 2 * m
        jb = 2 * m + 1
        pltpu.make_async_copy(emb_sh.at[x_v.at[0]], buf0, g0).wait()
        pltpu.async_copy(emb_sh.at[x_v.at[jb]], buf1, g1)
        pltpu.async_copy(buf0, out_hbm.at[pl.ds(base + ja * 128, 128)], w0)
        pltpu.make_async_copy(emb_sh.at[x_v.at[0]], buf1, g1).wait()
        pltpu.make_async_copy(buf0, out_hbm.at[pl.ds(base, 128)], w0).wait()

        @pl.when(m < _XCH // 2 - 1)
        def _():
            pltpu.async_copy(emb_sh.at[x_v.at[ja + 2]], buf0, g0)

        pltpu.async_copy(buf1, out_hbm.at[pl.ds(base + jb * 128, 128)], w1)
        pltpu.make_async_copy(buf1, out_hbm.at[pl.ds(base, 128)], w1).wait()
        return carry

    pltpu.async_copy(emb_sh.at[x_v.at[0]], buf0, g0)
    lax.fori_loop(0, _XCH // 2, body, 0)


def _tc_xw_body(feat_ref, w_ref, xw_ref):
    xw_ref[...] = jnp.dot(feat_ref[...], w_ref[...],
                          preferred_element_type=jnp.float32)


def kernel(features, train_mat_edges, x, W, b):
    f32 = jnp.float32
    row = train_mat_edges[0]
    col = train_mat_edges[1]
    pad = _EPAD - _E
    rowp = jnp.concatenate(
        [row, jnp.full((pad,), _N, jnp.int32)]).reshape(_NTILES, _NCHUNK, _CH)
    colp = jnp.concatenate(
        [col, jnp.full((pad,), _NPAD - 1, jnp.int32)]).reshape(
            _NTILES, _NCHUNK, _CH)
    featp = jnp.concatenate(
        [features, jnp.zeros((_NPAD - _N, _F), f32)], axis=0)
    x3 = x.reshape(_NTILES, _XCH, 128)

    xw = pl.pallas_call(
        _tc_xw_body,
        out_shape=jax.ShapeDtypeStruct((_NPAD, _D), f32),
    )(featp, W)
    degp = _sc_deg(colp)
    sp = _sc_seg(xw, degp, rowp, colp)
    outflat = _sc_emb_gather(sp, degp, xw, b, x3)
    return outflat.reshape(x.shape[0], x.shape[1], _D)

# --- scband reference (transcript-rebuilt; emitter-appended) ---
"""Pipeline reference for scband-gce-25074019074051 (READ-ONLY COPY).

The authoritative reference and input builder live on the scoring server;
editing this copy changes nothing except your own understanding.
"""

import jax, jax.numpy as jnp
import numpy as np

N = 10000     # n_nodes
E = 320000    # n_edges
F = 128       # in_channels (field_dims)
D = 16        # embed_dim
B = 4096      # batch_size
NF = 26       # num_fields


def setup_inputs(seed: int = 0) -> dict:
    key = jax.random.key(seed)
    k1, k2, k3, k4 = jax.random.split(key, 4)
    features = jax.random.normal(k1, (N, F), dtype=jnp.float32)
    train_mat_edges = jax.random.randint(k2, (2, E), 0, N, dtype=jnp.int32)
    x = jax.random.randint(k4, (B, NF), 0, N, dtype=jnp.int32)
    # GCNConv learned parameters
    W = jax.random.normal(k3, (F, D), dtype=jnp.float32) * (1.0 / np.sqrt(F))
    b = jnp.zeros((D,), dtype=jnp.float32)
    return {"features": features, "train_mat_edges": train_mat_edges, "x": x, "W": W, "b": b}


def _gcn_conv(features, edge_index, W, b):
    # PyG GCNConv: out = D^{-1/2} (A + I) D^{-1/2} X W + b
    n = features.shape[0]
    loops = jnp.arange(n, dtype=edge_index.dtype)
    ei = jnp.concatenate([edge_index, jnp.stack([loops, loops])], axis=1)
    row, col = ei[0], ei[1]
    xw = features @ W
    ones = jnp.ones((ei.shape[1],), dtype=features.dtype)
    deg = jax.ops.segment_sum(ones, col, num_segments=n)
    dinv = jnp.where(deg > 0, jax.lax.rsqrt(jnp.maximum(deg, 1e-12)), 0.0)
    norm = dinv[row] * dinv[col]
    msg = xw[row] * norm[:, None]
    out = jax.ops.segment_sum(msg, col, num_segments=n) + b
    return out


def reference(features, train_mat_edges, x, W, b):
    node_emb = _gcn_conv(features, train_mat_edges, W, b)
    return node_emb[x]

if __name__ == "__main__":
    import jax
    _d = setup_inputs()
    print(jax.jit(kernel)(*tuple(_d.values())))

</pallas_src>

<mosaic_0001>
#map = affine_map<(d0, d1) -> (0, 0, 0)>
#map1 = affine_map<(d0, d1) -> (0, 0)>
#map2 = affine_map<(d0, d1) -> (0)>
module attributes {stable_mosaic.version = 14 : i64} {
  func.func @_sc_emb_gather(%arg0: i32, %arg1: i32, %arg2: memref<2x10240x16xf32, #tpu.memory_space<hbm>>, %arg3: memref<2x10240xf32, #tpu.memory_space<hbm>>, %arg4: memref<10240x16xf32, #tpu.memory_space<hbm>>, %arg5: memref<16xf32, #tpu.memory_space<hbm>>, %arg6: memref<32x26x128xi32, #tpu.memory_space<hbm>>, %arg7: memref<106496x16xf32, #tpu.memory_space<hbm>>, %arg8: memref<26x128xi32, #tpu.memory_space<vmem>>, %arg9: memref<640x16xf32, #tpu.memory_space<vmem>>, %arg10: memref<640x16xf32, #tpu.memory_space<vmem>>, %arg11: memref<640x16xf32, #tpu.memory_space<vmem>>, %arg12: memref<640xf32, #tpu.memory_space<vmem>>, %arg13: memref<640xf32, #tpu.memory_space<vmem>>, %arg14: memref<16xf32, #tpu.memory_space<vmem>>, %arg15: memref<10240x16xf32, #tpu.memory_space<vmem_shared>>, %arg16: memref<128x16xf32, #tpu.memory_space<vmem>>, %arg17: memref<128x16xf32, #tpu.memory_space<vmem>>, %arg18: memref<!tpu.dma_semaphore, #tpu.memory_space<semaphore_mem>>, %arg19: memref<!tpu.dma_semaphore, #tpu.memory_space<semaphore_mem>>, %arg20: memref<!tpu.dma_semaphore, #tpu.memory_space<semaphore_mem>>, %arg21: memref<!tpu.dma_semaphore, #tpu.memory_space<semaphore_mem>>) attributes {dimension_semantics = [#tpu.dimension_semantics<core_parallel>, #tpu.dimension_semantics<subcore_parallel>], iteration_bounds = array<i64: 2, 16>, scalar_prefetch = 0 : i64, scratch_operands = 14 : i64, tpu.core_type = #tpu.core_type<sc_vector_subcore>, window_params = [{transform_indices = #map}, {transform_indices = #map1}, {transform_indices = #map1}, {transform_indices = #map2}, {transform_indices = #map}, {transform_indices = #map1}]} {
    %mul3A = arith.constant 16 : i32
    %mul3A_0 = arith.muli %arg0, %mul3A : i32
    %add3A = arith.addi %mul3A_0, %arg1 : i32
    %mul3A_1 = arith.constant 3328 : i32
    %mul3A_2 = arith.muli %add3A, %mul3A_1 : i32
    %mul3A_3 = arith.constant 640 : i32
    %mul3A_4 = arith.muli %arg1, %mul3A_3 : i32
    "tpu.region"() ({
      %run_scoped3A_38 = tpu.sem_alloc : memref<!tpu.dma_semaphore, #tpu.memory_space<semaphore_mem>>
      %dma_start3A_39 = arith.constant 0 : i32
      %dma_start3A_40 = arith.constant 0 : i32
      %dma_start3A_41 = tpu.memref_slice %arg6[%add3A, %dma_start3A_39, %dma_start3A_40] : memref<32x26x128xi32, #tpu.memory_space<hbm>> -> memref<1x26x128xi32, #tpu.memory_space<hbm>>
      %dma_start3A_42 = tpu.memref_squeeze %dma_start3A_41 : memref<1x26x128xi32, #tpu.memory_space<hbm>> -> memref<26x128xi32, #tpu.memory_space<hbm>>
      %dma_start3A_43 = arith.constant 0 : i32
      %dma_start3A_44 = arith.constant 0 : i32
      %dma_start3A_45 = tpu.memref_slice %arg6[%add3A, %dma_start3A_43, %dma_start3A_44] : memref<32x26x128xi32, #tpu.memory_space<hbm>> -> memref<1x26x128xi32, #tpu.memory_space<hbm>>
      %dma_start3A_46 = tpu.memref_squeeze %dma_start3A_45 : memref<1x26x128xi32, #tpu.memory_space<hbm>> -> memref<26x128xi32, #tpu.memory_space<hbm>>
      tpu.enqueue_dma source(%dma_start3A_46 : memref<26x128xi32, #tpu.memory_space<hbm>>) target(%arg8 : memref<26x128xi32, #tpu.memory_space<vmem>>) target_semaphore(%run_scoped3A_38 : memref<!tpu.dma_semaphore, #tpu.memory_space<semaphore_mem>>)
      %dma_wait3A = arith.constant 0 : i32
      %dma_wait3A_47 = arith.constant 0 : i32
      %dma_wait3A_48 = tpu.memref_slice %arg6[%add3A, %dma_wait3A, %dma_wait3A_47] : memref<32x26x128xi32, #tpu.memory_space<hbm>> -> memref<1x26x128xi32, #tpu.memory_space<hbm>>
      %dma_wait3A_49 = tpu.memref_squeeze %dma_wait3A_48 : memref<1x26x128xi32, #tpu.memory_space<hbm>> -> memref<26x128xi32, #tpu.memory_space<hbm>>
      %dma_wait3A_50 = arith.constant 0 : i32
      %dma_wait3A_51 = arith.constant 0 : i32
      %dma_wait3A_52 = tpu.memref_slice %arg6[%add3A, %dma_wait3A_50, %dma_wait3A_51] : memref<32x26x128xi32, #tpu.memory_space<hbm>> -> memref<1x26x128xi32, #tpu.memory_space<hbm>>
      %dma_wait3A_53 = tpu.memref_squeeze %dma_wait3A_52 : memref<1x26x128xi32, #tpu.memory_space<hbm>> -> memref<26x128xi32, #tpu.memory_space<hbm>>
      tpu.wait_dma2 semaphore(%run_scoped3A_38 : memref<!tpu.dma_semaphore, #tpu.memory_space<semaphore_mem>>) src(%dma_wait3A_53 : memref<26x128xi32, #tpu.memory_space<hbm>>) dst(%arg8 : memref<26x128xi32, #tpu.memory_space<vmem>>)
      tpu.yield
    }) : () -> ()
    %run_scoped3A = arith.constant 0 : i32
    "tpu.region"() ({
      %run_scoped3A_38 = tpu.sem_alloc : memref<!tpu.dma_semaphore, #tpu.memory_space<semaphore_mem>>
      %dma_start3A_39 = arith.constant 0 : i32
      %dma_start3A_40 = tpu.memref_slice %arg2[%run_scoped3A, %mul3A_4, %dma_start3A_39] : memref<2x10240x16xf32, #tpu.memory_space<hbm>> -> memref<1x640x16xf32, #tpu.memory_space<hbm>>
      %dma_start3A_41 = tpu.memref_squeeze %dma_start3A_40 : memref<1x640x16xf32, #tpu.memory_space<hbm>> -> memref<640x16xf32, #tpu.memory_space<hbm>>
      %dma_start3A_42 = arith.constant 0 : i32
      %dma_start3A_43 = tpu.memref_slice %arg2[%run_scoped3A, %mul3A_4, %dma_start3A_42] : memref<2x10240x16xf32, #tpu.memory_space<hbm>> -> memref<1x640x16xf32, #tpu.memory_space<hbm>>
      %dma_start3A_44 = tpu.memref_squeeze %dma_start3A_43 : memref<1x640x16xf32, #tpu.memory_space<hbm>> -> memref<640x16xf32, #tpu.memory_space<hbm>>
      tpu.enqueue_dma source(%dma_start3A_44 : memref<640x16xf32, #tpu.memory_space<hbm>>) target(%arg9 : memref<640x16xf32, #tpu.memory_space<vmem>>) target_semaphore(%run_scoped3A_38 : memref<!tpu.dma_semaphore, #tpu.memory_space<semaphore_mem>>)
      %dma_wait3A = arith.constant 0 : i32
      %dma_wait3A_45 = tpu.memref_slice %arg2[%run_scoped3A, %mul3A_4, %dma_wait3A] : memref<2x10240x16xf32, #tpu.memory_space<hbm>> -> memref<1x640x16xf32, #tpu.memory_space<hbm>>
      %dma_wait3A_46 = tpu.memref_squeeze %dma_wait3A_45 : memref<1x640x16xf32, #tpu.memory_space<hbm>> -> memref<640x16xf32, #tpu.memory_space<hbm>>
      %dma_wait3A_47 = arith.constant 0 : i32
      %dma_wait3A_48 = tpu.memref_slice %arg2[%run_scoped3A, %mul3A_4, %dma_wait3A_47] : memref<2x10240x16xf32, #tpu.memory_space<hbm>> -> memref<1x640x16xf32, #tpu.memory_space<hbm>>
      %dma_wait3A_49 = tpu.memref_squeeze %dma_wait3A_48 : memref<1x640x16xf32, #tpu.memory_space<hbm>> -> memref<640x16xf32, #tpu.memory_space<hbm>>
      tpu.wait_dma2 semaphore(%run_scoped3A_38 : memref<!tpu.dma_semaphore, #tpu.memory_space<semaphore_mem>>) src(%dma_wait3A_49 : memref<640x16xf32, #tpu.memory_space<hbm>>) dst(%arg9 : memref<640x16xf32, #tpu.memory_space<vmem>>)
      tpu.yield
    }) : () -> ()
    %run_scoped3A_5 = arith.constant 1 : i32
    "tpu.region"() ({
      %run_scoped3A_38 = tpu.sem_alloc : memref<!tpu.dma_semaphore, #tpu.memory_space<semaphore_mem>>
      %dma_start3A_39 = arith.constant 0 : i32
      %dma_start3A_40 = tpu.memref_slice %arg2[%run_scoped3A_5, %mul3A_4, %dma_start3A_39] : memref<2x10240x16xf32, #tpu.memory_space<hbm>> -> memref<1x640x16xf32, #tpu.memory_space<hbm>>
      %dma_start3A_41 = tpu.memref_squeeze %dma_start3A_40 : memref<1x640x16xf32, #tpu.memory_space<hbm>> -> memref<640x16xf32, #tpu.memory_space<hbm>>
      %dma_start3A_42 = arith.constant 0 : i32
      %dma_start3A_43 = tpu.memref_slice %arg2[%run_scoped3A_5, %mul3A_4, %dma_start3A_42] : memref<2x10240x16xf32, #tpu.memory_space<hbm>> -> memref<1x640x16xf32, #tpu.memory_space<hbm>>
      %dma_start3A_44 = tpu.memref_squeeze %dma_start3A_43 : memref<1x640x16xf32, #tpu.memory_space<hbm>> -> memref<640x16xf32, #tpu.memory_space<hbm>>
      tpu.enqueue_dma source(%dma_start3A_44 : memref<640x16xf32, #tpu.memory_space<hbm>>) target(%arg10 : memref<640x16xf32, #tpu.memory_space<vmem>>) target_semaphore(%run_scoped3A_38 : memref<!tpu.dma_semaphore, #tpu.memory_space<semaphore_mem>>)
      %dma_wait3A = arith.constant 0 : i32
      %dma_wait3A_45 = tpu.memref_slice %arg2[%run_scoped3A_5, %mul3A_4, %dma_wait3A] : memref<2x10240x16xf32, #tpu.memory_space<hbm>> -> memref<1x640x16xf32, #tpu.memory_space<hbm>>
      %dma_wait3A_46 = tpu.memref_squeeze %dma_wait3A_45 : memref<1x640x16xf32, #tpu.memory_space<hbm>> -> memref<640x16xf32, #tpu.memory_space<hbm>>
      %dma_wait3A_47 = arith.constant 0 : i32
      %dma_wait3A_48 = tpu.memref_slice %arg2[%run_scoped3A_5, %mul3A_4, %dma_wait3A_47] : memref<2x10240x16xf32, #tpu.memory_space<hbm>> -> memref<1x640x16xf32, #tpu.memory_space<hbm>>
      %dma_wait3A_49 = tpu.memref_squeeze %dma_wait3A_48 : memref<1x640x16xf32, #tpu.memory_space<hbm>> -> memref<640x16xf32, #tpu.memory_space<hbm>>
      tpu.wait_dma2 semaphore(%run_scoped3A_38 : memref<!tpu.dma_semaphore, #tpu.memory_space<semaphore_mem>>) src(%dma_wait3A_49 : memref<640x16xf32, #tpu.memory_space<hbm>>) dst(%arg10 : memref<640x16xf32, #tpu.memory_space<vmem>>)
      tpu.yield
    }) : () -> ()
    "tpu.region"() ({
      %run_scoped3A_38 = tpu.sem_alloc : memref<!tpu.dma_semaphore, #tpu.memory_space<semaphore_mem>>
      %dma_start3A_39 = arith.constant 0 : i32
      %dma_start3A_40 = tpu.memref_slice %arg4[%mul3A_4, %dma_start3A_39] : memref<10240x16xf32, #tpu.memory_space<hbm>> -> memref<640x16xf32, #tpu.memory_space<hbm>>
      %dma_start3A_41 = arith.constant 0 : i32
      %dma_start3A_42 = tpu.memref_slice %arg4[%mul3A_4, %dma_start3A_41] : memref<10240x16xf32, #tpu.memory_space<hbm>> -> memref<640x16xf32, #tpu.memory_space<hbm>>
      tpu.enqueue_dma source(%dma_start3A_42 : memref<640x16xf32, #tpu.memory_space<hbm>>) target(%arg11 : memref<640x16xf32, #tpu.memory_space<vmem>>) target_semaphore(%run_scoped3A_38 : memref<!tpu.dma_semaphore, #tpu.memory_space<semaphore_mem>>)
      %dma_wait3A = arith.constant 0 : i32
      %dma_wait3A_43 = tpu.memref_slice %arg4[%mul3A_4, %dma_wait3A] : memref<10240x16xf32, #tpu.memory_space<hbm>> -> memref<640x16xf32, #tpu.memory_space<hbm>>
      %dma_wait3A_44 = arith.constant 0 : i32
      %dma_wait3A_45 = tpu.memref_slice %arg4[%mul3A_4, %dma_wait3A_44] : memref<10240x16xf32, #tpu.memory_space<hbm>> -> memref<640x16xf32, #tpu.memory_space<hbm>>
      tpu.wait_dma2 semaphore(%run_scoped3A_38 : memref<!tpu.dma_semaphore, #tpu.memory_space<semaphore_mem>>) src(%dma_wait3A_45 : memref<640x16xf32, #tpu.memory_space<hbm>>) dst(%arg11 : memref<640x16xf32, #tpu.memory_space<vmem>>)
      tpu.yield
    }) : () -> ()
    %run_scoped3A_6 = arith.constant 0 : i32
    "tpu.region"() ({
      %run_scoped3A_38 = tpu.sem_alloc : memref<!tpu.dma_semaphore, #tpu.memory_space<semaphore_mem>>
      %dma_start3A_39 = tpu.memref_slice %arg3[%run_scoped3A_6, %mul3A_4] : memref<2x10240xf32, #tpu.memory_space<hbm>> -> memref<1x640xf32, #tpu.memory_space<hbm>>
      %dma_start3A_40 = tpu.memref_squeeze %dma_start3A_39 : memref<1x640xf32, #tpu.memory_space<hbm>> -> memref<640xf32, #tpu.memory_space<hbm>>
      %dma_start3A_41 = tpu.memref_slice %arg3[%run_scoped3A_6, %mul3A_4] : memref<2x10240xf32, #tpu.memory_space<hbm>> -> memref<1x640xf32, #tpu.memory_space<hbm>>
      %dma_start3A_42 = tpu.memref_squeeze %dma_start3A_41 : memref<1x640xf32, #tpu.memory_space<hbm>> -> memref<640xf32, #tpu.memory_space<hbm>>
      tpu.enqueue_dma source(%dma_start3A_42 : memref<640xf32, #tpu.memory_space<hbm>>) target(%arg12 : memref<640xf32, #tpu.memory_space<vmem>>) target_semaphore(%run_scoped3A_38 : memref<!tpu.dma_semaphore, #tpu.memory_space<semaphore_mem>>)
      %dma_wait3A = tpu.memref_slice %arg3[%run_scoped3A_6, %mul3A_4] : memref<2x10240xf32, #tpu.memory_space<hbm>> -> memref<1x640xf32, #tpu.memory_space<hbm>>
      %dma_wait3A_43 = tpu.memref_squeeze %dma_wait3A : memref<1x640xf32, #tpu.memory_space<hbm>> -> memref<640xf32, #tpu.memory_space<hbm>>
      %dma_wait3A_44 = tpu.memref_slice %arg3[%run_scoped3A_6, %mul3A_4] : memref<2x10240xf32, #tpu.memory_space<hbm>> -> memref<1x640xf32, #tpu.memory_space<hbm>>
      %dma_wait3A_45 = tpu.memref_squeeze %dma_wait3A_44 : memref<1x640xf32, #tpu.memory_space<hbm>> -> memref<640xf32, #tpu.memory_space<hbm>>
      tpu.wait_dma2 semaphore(%run_scoped3A_38 : memref<!tpu.dma_semaphore, #tpu.memory_space<semaphore_mem>>) src(%dma_wait3A_45 : memref<640xf32, #tpu.memory_space<hbm>>) dst(%arg12 : memref<640xf32, #tpu.memory_space<vmem>>)
      tpu.yield
    }) : () -> ()
    %run_scoped3A_7 = arith.constant 1 : i32
    "tpu.region"() ({
      %run_scoped3A_38 = tpu.sem_alloc : memref<!tpu.dma_semaphore, #tpu.memory_space<semaphore_mem>>
      %dma_start3A_39 = tpu.memref_slice %arg3[%run_scoped3A_7, %mul3A_4] : memref<2x10240xf32, #tpu.memory_space<hbm>> -> memref<1x640xf32, #tpu.memory_space<hbm>>
      %dma_start3A_40 = tpu.memref_squeeze %dma_start3A_39 : memref<1x640xf32, #tpu.memory_space<hbm>> -> memref<640xf32, #tpu.memory_space<hbm>>
      %dma_start3A_41 = tpu.memref_slice %arg3[%run_scoped3A_7, %mul3A_4] : memref<2x10240xf32, #tpu.memory_space<hbm>> -> memref<1x640xf32, #tpu.memory_space<hbm>>
      %dma_start3A_42 = tpu.memref_squeeze %dma_start3A_41 : memref<1x640xf32, #tpu.memory_space<hbm>> -> memref<640xf32, #tpu.memory_space<hbm>>
      tpu.enqueue_dma source(%dma_start3A_42 : memref<640xf32, #tpu.memory_space<hbm>>) target(%arg13 : memref<640xf32, #tpu.memory_space<vmem>>) target_semaphore(%run_scoped3A_38 : memref<!tpu.dma_semaphore, #tpu.memory_space<semaphore_mem>>)
      %dma_wait3A = tpu.memref_slice %arg3[%run_scoped3A_7, %mul3A_4] : memref<2x10240xf32, #tpu.memory_space<hbm>> -> memref<1x640xf32, #tpu.memory_space<hbm>>
      %dma_wait3A_43 = tpu.memref_squeeze %dma_wait3A : memref<1x640xf32, #tpu.memory_space<hbm>> -> memref<640xf32, #tpu.memory_space<hbm>>
      %dma_wait3A_44 = tpu.memref_slice %arg3[%run_scoped3A_7, %mul3A_4] : memref<2x10240xf32, #tpu.memory_space<hbm>> -> memref<1x640xf32, #tpu.memory_space<hbm>>
      %dma_wait3A_45 = tpu.memref_squeeze %dma_wait3A_44 : memref<1x640xf32, #tpu.memory_space<hbm>> -> memref<640xf32, #tpu.memory_space<hbm>>
      tpu.wait_dma2 semaphore(%run_scoped3A_38 : memref<!tpu.dma_semaphore, #tpu.memory_space<semaphore_mem>>) src(%dma_wait3A_45 : memref<640xf32, #tpu.memory_space<hbm>>) dst(%arg13 : memref<640xf32, #tpu.memory_space<vmem>>)
      tpu.yield
    }) : () -> ()
    "tpu.region"() ({
      %run_scoped3A_38 = tpu.sem_alloc : memref<!tpu.dma_semaphore, #tpu.memory_space<semaphore_mem>>
      tpu.enqueue_dma source(%arg5 : memref<16xf32, #tpu.memory_space<hbm>>) target(%arg14 : memref<16xf32, #tpu.memory_space<vmem>>) target_semaphore(%run_scoped3A_38 : memref<!tpu.dma_semaphore, #tpu.memory_space<semaphore_mem>>)
      tpu.wait_dma2 semaphore(%run_scoped3A_38 : memref<!tpu.dma_semaphore, #tpu.memory_space<semaphore_mem>>) src(%arg5 : memref<16xf32, #tpu.memory_space<hbm>>) dst(%arg14 : memref<16xf32, #tpu.memory_space<vmem>>)
      tpu.yield
    }) : () -> ()
    %scan3A = arith.constant 0 : i32
    %scan3A_8 = arith.constant 0 : i32
    %scan3A_9 = arith.constant 40 : i32
    %scan3A_10 = arith.addi %scan3A_8, %scan3A_9 : i32
    %scan3A_11 = arith.constant 1 : i32
    scf.for %scan3A_38 = %scan3A_8 to %scan3A_10 step %scan3A_11  : i32 {
      %mul3A_39 = arith.constant 16 : i32
      %mul3A_40 = arith.muli %scan3A_38, %mul3A_39 : i32
      %get3A_41 = arith.index_cast %mul3A_40 : i32 to index
      %get3A_42 = tpu.vector_load %arg12[%get3A_41] {strides = array<i32>} : memref<640xf32, #tpu.memory_space<vmem>>, vector<16xf32>,
      %mul3A_43 = arith.constant 16 : i32
      %mul3A_44 = arith.muli %scan3A_38, %mul3A_43 : i32
      %get3A_45 = arith.index_cast %mul3A_44 : i32 to index
      %get3A_46 = tpu.vector_load %arg13[%get3A_45] {strides = array<i32>} : memref<640xf32, #tpu.memory_space<vmem>>, vector<16xf32>,
      %add3A_47 = arith.addf %get3A_42, %get3A_46 : vector<16xf32>
      %mul3A_48 = arith.constant 16 : i32
      %mul3A_49 = arith.muli %scan3A_38, %mul3A_48 : i32
      %swap3A = arith.index_cast %mul3A_49 : i32 to index
      %swap3A_50 = tpu.vector_load %arg12[%swap3A] {strides = array<i32>} : memref<640xf32, #tpu.memory_space<vmem>>, vector<16xf32>,
      tpu.vector_store %arg12[%swap3A], %add3A_47 {strides = array<i32>} : memref<640xf32, #tpu.memory_space<vmem>>, vector<16xf32>,
    }
    %scan3A_12 = arith.constant 40 : i32
    %scan3A_13 = arith.constant 0 : i32
    %scan3A_14 = arith.constant 0 : i32
    %scan3A_15 = arith.constant 40 : i32
    %scan3A_16 = arith.addi %scan3A_14, %scan3A_15 : i32
    %scan3A_17 = arith.constant 1 : i32
    scf.for %scan3A_38 = %scan3A_14 to %scan3A_16 step %scan3A_17  : i32 {
      %mul3A_39 = arith.constant 16 : i32
      %mul3A_40 = arith.muli %scan3A_38, %mul3A_39 : i32
      %get3A_41 = arith.index_cast %mul3A_40 : i32 to index
      %get3A_42 = tpu.vector_load %arg12[%get3A_41] {strides = array<i32>} : memref<640xf32, #tpu.memory_space<vmem>>, vector<16xf32>,
      %add3A_43 = arith.constant 1.000000e+00 : f32
      %add3A_44 = vector.broadcast %add3A_43 : f32 to vector<16xf32>
      %add3A_45 = arith.addf %get3A_42, %add3A_44 : vector<16xf32>
      %bitcast3A = vector.bitcast %add3A_45 : vector<16xf32> to vector<16xi32>
      %shift_right_logical3A = arith.constant 1 : i32
      %shift_right_logical3A_46 = vector.broadcast %shift_right_logical3A : i32 to vector<16xi32>
      %shift_right_logical3A_47 = arith.shrui %bitcast3A, %shift_right_logical3A_46 : vector<16xi32>
      %sub3A = arith.constant 1597463007 : i32
      %sub3A_48 = vector.broadcast %sub3A : i32 to vector<16xi32>
      %sub3A_49 = arith.subi %sub3A_48, %shift_right_logical3A_47 : vector<16xi32>
      %bitcast3A_50 = vector.bitcast %sub3A_49 : vector<16xi32> to vector<16xf32>
      %mul3A_51 = arith.constant 5.000000e-01 : f32
      %mul3A_52 = vector.broadcast %mul3A_51 : f32 to vector<16xf32>
      %mul3A_53 = arith.mulf %mul3A_52, %add3A_45 : vector<16xf32>
      %mul3A_54 = arith.mulf %mul3A_53, %bitcast3A_50 : vector<16xf32>
      %mul3A_55 = arith.mulf %mul3A_54, %bitcast3A_50 : vector<16xf32>
      %sub3A_56 = arith.constant 1.500000e+00 : f32
      %sub3A_57 = vector.broadcast %sub3A_56 : f32 to vector<16xf32>
      %sub3A_58 = arith.subf %sub3A_57, %mul3A_55 : vector<16xf32>
      %mul3A_59 = arith.mulf %bitcast3A_50, %sub3A_58 : vector<16xf32>
      %mul3A_60 = arith.constant 5.000000e-01 : f32
      %mul3A_61 = vector.broadcast %mul3A_60 : f32 to vector<16xf32>
      %mul3A_62 = arith.mulf %mul3A_61, %add3A_45 : vector<16xf32>
      %mul3A_63 = arith.mulf %mul3A_62, %mul3A_59 : vector<16xf32>
      %mul3A_64 = arith.mulf %mul3A_63, %mul3A_59 : vector<16xf32>
      %sub3A_65 = arith.constant 1.500000e+00 : f32
      %sub3A_66 = vector.broadcast %sub3A_65 : f32 to vector<16xf32>
      %sub3A_67 = arith.subf %sub3A_66, %mul3A_64 : vector<16xf32>
      %mul3A_68 = arith.mulf %mul3A_59, %sub3A_67 : vector<16xf32>
      %mul3A_69 = arith.constant 5.000000e-01 : f32
      %mul3A_70 = vector.broadcast %mul3A_69 : f32 to vector<16xf32>
      %mul3A_71 = arith.mulf %mul3A_70, %add3A_45 : vector<16xf32>
      %mul3A_72 = arith.mulf %mul3A_71, %mul3A_68 : vector<16xf32>
      %mul3A_73 = arith.mulf %mul3A_72, %mul3A_68 : vector<16xf32>
      %sub3A_74 = arith.constant 1.500000e+00 : f32
      %sub3A_75 = vector.broadcast %sub3A_74 : f32 to vector<16xf32>
      %sub3A_76 = arith.subf %sub3A_75, %mul3A_73 : vector<16xf32>
      %mul3A_77 = arith.mulf %mul3A_68, %sub3A_76 : vector<16xf32>
      %mul3A_78 = arith.constant 16 : i32
      %mul3A_79 = arith.muli %scan3A_38, %mul3A_78 : i32
      %swap3A = arith.index_cast %mul3A_79 : i32 to index
      %swap3A_80 = tpu.vector_load %arg13[%swap3A] {strides = array<i32>} : memref<640xf32, #tpu.memory_space<vmem>>, vector<16xf32>,
      tpu.vector_store %arg13[%swap3A], %mul3A_77 {strides = array<i32>} : memref<640xf32, #tpu.memory_space<vmem>>, vector<16xf32>,
    }
    %scan3A_18 = arith.constant 40 : i32
    %get3A = arith.constant 0 : index
    %get3A_19 = tpu.vector_load %arg14[%get3A] {strides = array<i32>} : memref<16xf32, #tpu.memory_space<vmem>>, vector<16xf32>,
    %scan3A_20 = arith.constant 0 : i32
    %scan3A_21 = arith.constant 0 : i32
    %scan3A_22 = arith.constant 640 : i32
    %scan3A_23 = arith.addi %scan3A_21, %scan3A_22 : i32
    %scan3A_24 = arith.constant 1 : i32
    scf.for %scan3A_38 = %scan3A_21 to %scan3A_23 step %scan3A_24  : i32 {
      %broadcast_in_dim3A = arith.constant 0 : i32
      %broadcast_in_dim3A_39 = vector.broadcast %broadcast_in_dim3A : i32 to vector<16xi32>
      %add3A_40 = vector.broadcast %scan3A_38 : i32 to vector<16xi32>
      %add3A_41 = arith.addi %broadcast_in_dim3A_39, %add3A_40 : vector<16xi32>
      %gather3A = tpu.vector_load_idx %arg13[%add3A_41] : memref<640xf32, #tpu.memory_space<vmem>>[vector<16xi32>], vector<16xf32>,
      %get3A_42 = arith.index_cast %scan3A_38 : i32 to index
      %get3A_43 = arith.constant 0 : index
      %get3A_44 = tpu.vector_load %arg9[%get3A_42, %get3A_43] {strides = array<i32>} : memref<640x16xf32, #tpu.memory_space<vmem>>, vector<16xf32>,
      %get3A_45 = arith.index_cast %scan3A_38 : i32 to index
      %get3A_46 = arith.constant 0 : index
      %get3A_47 = tpu.vector_load %arg10[%get3A_45, %get3A_46] {strides = array<i32>} : memref<640x16xf32, #tpu.memory_space<vmem>>, vector<16xf32>,
      %add3A_48 = arith.addf %get3A_44, %get3A_47 : vector<16xf32>
      %get3A_49 = arith.index_cast %scan3A_38 : i32 to index
      %get3A_50 = arith.constant 0 : index
      %get3A_51 = tpu.vector_load %arg11[%get3A_49, %get3A_50] {strides = array<i32>} : memref<640x16xf32, #tpu.memory_space<vmem>>, vector<16xf32>,
      %mul3A_52 = arith.mulf %get3A_51, %gather3A : vector<16xf32>
      %add3A_53 = arith.addf %add3A_48, %mul3A_52 : vector<16xf32>
      %mul3A_54 = arith.mulf %gather3A, %add3A_53 : vector<16xf32>
      %add3A_55 = arith.addf %mul3A_54, %get3A_19 : vector<16xf32>
      %swap3A = arith.index_cast %scan3A_38 : i32 to index
      %swap3A_56 = arith.constant 0 : index
      %swap3A_57 = tpu.vector_load %arg9[%swap3A, %swap3A_56] {strides = array<i32>} : memref<640x16xf32, #tpu.memory_space<vmem>>, vector<16xf32>,
      tpu.vector_store %arg9[%swap3A, %swap3A_56], %add3A_55 {strides = array<i32>} : memref<640x16xf32, #tpu.memory_space<vmem>>, vector<16xf32>,
    }
    %scan3A_25 = arith.constant 640 : i32
    "tpu.region"() ({
      %run_scoped3A_38 = tpu.sem_alloc : memref<!tpu.dma_semaphore, #tpu.memory_space<semaphore_mem>>
      %dma_start3A_39 = arith.constant 0 : i32
      %dma_start3A_40 = tpu.memref_slice %arg15[%mul3A_4, %dma_start3A_39] : memref<10240x16xf32, #tpu.memory_space<vmem_shared>> -> memref<640x16xf32, #tpu.memory_space<vmem_shared>>
      %dma_start3A_41 = arith.constant 0 : i32
      %dma_start3A_42 = tpu.memref_slice %arg15[%mul3A_4, %dma_start3A_41] : memref<10240x16xf32, #tpu.memory_space<vmem_shared>> -> memref<640x16xf32, #tpu.memory_space<vmem_shared>>
      tpu.enqueue_dma source(%arg9 : memref<640x16xf32, #tpu.memory_space<vmem>>) target(%dma_start3A_42 : memref<640x16xf32, #tpu.memory_space<vmem_shared>>) target_semaphore(%run_scoped3A_38 : memref<!tpu.dma_semaphore, #tpu.memory_space<semaphore_mem>>)
      %dma_wait3A = arith.constant 0 : i32
      %dma_wait3A_43 = tpu.memref_slice %arg15[%mul3A_4, %dma_wait3A] : memref<10240x16xf32, #tpu.memory_space<vmem_shared>> -> memref<640x16xf32, #tpu.memory_space<vmem_shared>>
      %dma_wait3A_44 = arith.constant 0 : i32
      %dma_wait3A_45 = tpu.memref_slice %arg15[%mul3A_4, %dma_wait3A_44] : memref<10240x16xf32, #tpu.memory_space<vmem_shared>> -> memref<640x16xf32, #tpu.memory_space<vmem_shared>>
      tpu.wait_dma2 semaphore(%run_scoped3A_38 : memref<!tpu.dma_semaphore, #tpu.memory_space<semaphore_mem>>) src(%arg9 : memref<640x16xf32, #tpu.memory_space<vmem>>) dst(%dma_wait3A_45 : memref<640x16xf32, #tpu.memory_space<vmem_shared>>)
      tpu.yield
    }) : () -> ()
    %barrier3A = arith.constant 0 : index
    tpu.barrier barrier_id(%barrier3A)
    %dma_start3A = arith.constant 0 : i32
    %dma_start3A_26 = arith.constant 0 : i32
    %dma_start3A_27 = tpu.memref_slice %arg8[%dma_start3A, %dma_start3A_26] : memref<26x128xi32, #tpu.memory_space<vmem>> -> memref<1x128xi32, #tpu.memory_space<vmem>>
    %dma_start3A_28 = tpu.memref_squeeze %dma_start3A_27 : memref<1x128xi32, #tpu.memory_space<vmem>> -> memref<128xi32, #tpu.memory_space<vmem>>
    %dma_start3A_29 = arith.constant 0 : i32
    %dma_start3A_30 = arith.constant 0 : i32
    %dma_start3A_31 = tpu.memref_slice %arg15[%dma_start3A_29, %dma_start3A_30] : memref<10240x16xf32, #tpu.memory_space<vmem_shared>> -> memref<10240x16xf32, #tpu.memory_space<vmem_shared>>
    tpu.enqueue_indirect_dma source(%dma_start3A_31 : memref<10240x16xf32, #tpu.memory_space<vmem_shared>>) target(%arg16 : memref<128x16xf32, #tpu.memory_space<vmem>>) offsets(%dma_start3A_28 : memref<128xi32, #tpu.memory_space<vmem>>) semaphore(%arg18 : memref<!tpu.dma_semaphore, #tpu.memory_space<semaphore_mem>>)
    %scan3A_32 = arith.constant 0 : i32
    %scan3A_33 = arith.constant 0 : i32
    %scan3A_34 = arith.constant 13 : i32
    %scan3A_35 = arith.addi %scan3A_33, %scan3A_34 : i32
    %scan3A_36 = arith.constant 1 : i32
    scf.for %scan3A_38 = %scan3A_33 to %scan3A_35 step %scan3A_36  : i32 {
      %mul3A_39 = arith.constant 2 : i32
      %mul3A_40 = arith.muli %mul3A_39, %scan3A_38 : i32
      %mul3A_41 = arith.constant 2 : i32
      %mul3A_42 = arith.muli %mul3A_41, %scan3A_38 : i32
      %add3A_43 = arith.constant 1 : i32
      %add3A_44 = arith.addi %mul3A_42, %add3A_43 : i32
      %dma_wait3A = arith.constant 0 : i32
      %dma_wait3A_45 = arith.constant 0 : i32
      %dma_wait3A_46 = tpu.memref_slice %arg8[%dma_wait3A, %dma_wait3A_45] : memref<26x128xi32, #tpu.memory_space<vmem>> -> memref<1x128xi32, #tpu.memory_space<vmem>>
      %dma_wait3A_47 = tpu.memref_squeeze %dma_wait3A_46 : memref<1x128xi32, #tpu.memory_space<vmem>> -> memref<128xi32, #tpu.memory_space<vmem>>
      %dma_wait3A_48 = arith.constant 0 : i32
      %dma_wait3A_49 = arith.constant 0 : i32
      %dma_wait3A_50 = tpu.memref_slice %arg15[%dma_wait3A_48, %dma_wait3A_49] : memref<10240x16xf32, #tpu.memory_space<vmem_shared>> -> memref<10240x16xf32, #tpu.memory_space<vmem_shared>>
      tpu.wait_indirect_dma semaphore(%arg18 : memref<!tpu.dma_semaphore, #tpu.memory_space<semaphore_mem>>) src(%dma_wait3A_50 : memref<10240x16xf32, #tpu.memory_space<vmem_shared>>) dst(%arg16 : memref<128x16xf32, #tpu.memory_space<vmem>>)
      %dma_start3A_51 = arith.constant 0 : i32
      %dma_start3A_52 = tpu.memref_slice %arg8[%add3A_44, %dma_start3A_51] : memref<26x128xi32, #tpu.memory_space<vmem>> -> memref<1x128xi32, #tpu.memory_space<vmem>>
      %dma_start3A_53 = tpu.memref_squeeze %dma_start3A_52 : memref<1x128xi32, #tpu.memory_space<vmem>> -> memref<128xi32, #tpu.memory_space<vmem>>
      %dma_start3A_54 = arith.constant 0 : i32
      %dma_start3A_55 = arith.constant 0 : i32
      %dma_start3A_56 = tpu.memref_slice %arg15[%dma_start3A_54, %dma_start3A_55] : memref<10240x16xf32, #tpu.memory_space<vmem_shared>> -> memref<10240x16xf32, #tpu.memory_space<vmem_shared>>
      tpu.enqueue_indirect_dma source(%dma_start3A_56 : memref<10240x16xf32, #tpu.memory_space<vmem_shared>>) target(%arg17 : memref<128x16xf32, #tpu.memory_space<vmem>>) offsets(%dma_start3A_53 : memref<128xi32, #tpu.memory_space<vmem>>) semaphore(%arg19 : memref<!tpu.dma_semaphore, #tpu.memory_space<semaphore_mem>>)
      %mul3A_57 = arith.constant 128 : i32
      %mul3A_58 = arith.muli %mul3A_40, %mul3A_57 : i32
      %add3A_59 = arith.addi %mul3A_2, %mul3A_58 : i32
      %dma_start3A_60 = arith.constant 0 : i32
      %dma_start3A_61 = tpu.memref_slice %arg7[%add3A_59, %dma_start3A_60] : memref<106496x16xf32, #tpu.memory_space<hbm>> -> memref<128x16xf32, #tpu.memory_space<hbm>>
      %dma_start3A_62 = arith.constant 0 : i32
      %dma_start3A_63 = tpu.memref_slice %arg7[%add3A_59, %dma_start3A_62] : memref<106496x16xf32, #tpu.memory_space<hbm>> -> memref<128x16xf32, #tpu.memory_space<hbm>>
      tpu.enqueue_dma source(%arg16 : memref<128x16xf32, #tpu.memory_space<vmem>>) target(%dma_start3A_63 : memref<128x16xf32, #tpu.memory_space<hbm>>) target_semaphore(%arg20 : memref<!tpu.dma_semaphore, #tpu.memory_space<semaphore_mem>>)
      %dma_wait3A_64 = arith.constant 0 : i32
      %dma_wait3A_65 = arith.constant 0 : i32
      %dma_wait3A_66 = tpu.memref_slice %arg8[%dma_wait3A_64, %dma_wait3A_65] : memref<26x128xi32, #tpu.memory_space<vmem>> -> memref<1x128xi32, #tpu.memory_space<vmem>>
      %dma_wait3A_67 = tpu.memref_squeeze %dma_wait3A_66 : memref<1x128xi32, #tpu.memory_space<vmem>> -> memref<128xi32, #tpu.memory_space<vmem>>
      %dma_wait3A_68 = arith.constant 0 : i32
      %dma_wait3A_69 = arith.constant 0 : i32
      %dma_wait3A_70 = tpu.memref_slice %arg15[%dma_wait3A_68, %dma_wait3A_69] : memref<10240x16xf32, #tpu.memory_space<vmem_shared>> -> memref<10240x16xf32, #tpu.memory_space<vmem_shared>>
      tpu.wait_indirect_dma semaphore(%arg19 : memref<!tpu.dma_semaphore, #tpu.memory_space<semaphore_mem>>) src(%dma_wait3A_70 : memref<10240x16xf32, #tpu.memory_space<vmem_shared>>) dst(%arg17 : memref<128x16xf32, #tpu.memory_space<vmem>>)
      %dma_wait3A_71 = arith.constant 0 : i32
      %dma_wait3A_72 = tpu.memref_slice %arg7[%mul3A_2, %dma_wait3A_71] : memref<106496x16xf32, #tpu.memory_space<hbm>> -> memref<128x16xf32, #tpu.memory_space<hbm>>
      %dma_wait3A_73 = arith.constant 0 : i32
      %dma_wait3A_74 = tpu.memref_slice %arg7[%mul3A_2, %dma_wait3A_73] : memref<106496x16xf32, #tpu.memory_space<hbm>> -> memref<128x16xf32, #tpu.memory_space<hbm>>
      tpu.wait_dma2 semaphore(%arg20 : memref<!tpu.dma_semaphore, #tpu.memory_space<semaphore_mem>>) src(%arg16 : memref<128x16xf32, #tpu.memory_space<vmem>>) dst(%dma_wait3A_74 : memref<128x16xf32, #tpu.memory_space<hbm>>)
      %lt3A = arith.constant 12 : i32
      %lt3A_75 = arith.cmpi slt, %scan3A_38, %lt3A : i32
      %convert_element_type3A = arith.extui %lt3A_75 : i1 to i32
      %cond3A = arith.constant 0 : i32
      %cond3A_76 = arith.cmpi ne, %convert_element_type3A, %cond3A : i32
      scf.if %cond3A_76 {
        %add3A_88 = arith.constant 2 : i32
        %add3A_89 = arith.addi %mul3A_40, %add3A_88 : i32
        %dma_start3A_90 = arith.constant 0 : i32
        %dma_start3A_91 = tpu.memref_slice %arg8[%add3A_89, %dma_start3A_90] : memref<26x128xi32, #tpu.memory_space<vmem>> -> memref<1x128xi32, #tpu.memory_space<vmem>>
        %dma_start3A_92 = tpu.memref_squeeze %dma_start3A_91 : memref<1x128xi32, #tpu.memory_space<vmem>> -> memref<128xi32, #tpu.memory_space<vmem>>
        %dma_start3A_93 = arith.constant 0 : i32
        %dma_start3A_94 = arith.constant 0 : i32
        %dma_start3A_95 = tpu.memref_slice %arg15[%dma_start3A_93, %dma_start3A_94] : memref<10240x16xf32, #tpu.memory_space<vmem_shared>> -> memref<10240x16xf32, #tpu.memory_space<vmem_shared>>
        tpu.enqueue_indirect_dma source(%dma_start3A_95 : memref<10240x16xf32, #tpu.memory_space<vmem_shared>>) target(%arg16 : memref<128x16xf32, #tpu.memory_space<vmem>>) offsets(%dma_start3A_92 : memref<128xi32, #tpu.memory_space<vmem>>) semaphore(%arg18 : memref<!tpu.dma_semaphore, #tpu.memory_space<semaphore_mem>>)
      } else {
      }
      %mul3A_77 = arith.constant 128 : i32
      %mul3A_78 = arith.muli %add3A_44, %mul3A_77 : i32
      %add3A_79 = arith.addi %mul3A_2, %mul3A_78 : i32
      %dma_start3A_80 = arith.constant 0 : i32
      %dma_start3A_81 = tpu.memref_slice %arg7[%add3A_79, %dma_start3A_80] : memref<106496x16xf32, #tpu.memory_space<hbm>> -> memref<128x16xf32, #tpu.memory_space<hbm>>
      %dma_start3A_82 = arith.constant 0 : i32
      %dma_start3A_83 = tpu.memref_slice %arg7[%add3A_79, %dma_start3A_82] : memref<106496x16xf32, #tpu.memory_space<hbm>> -> memref<128x16xf32, #tpu.memory_space<hbm>>
      tpu.enqueue_dma source(%arg17 : memref<128x16xf32, #tpu.memory_space<vmem>>) target(%dma_start3A_83 : memref<128x16xf32, #tpu.memory_space<hbm>>) target_semaphore(%arg21 : memref<!tpu.dma_semaphore, #tpu.memory_space<semaphore_mem>>)
      %dma_wait3A_84 = arith.constant 0 : i32
      %dma_wait3A_85 = tpu.memref_slice %arg7[%mul3A_2, %dma_wait3A_84] : memref<106496x16xf32, #tpu.memory_space<hbm>> -> memref<128x16xf32, #tpu.memory_space<hbm>>
      %dma_wait3A_86 = arith.constant 0 : i32
      %dma_wait3A_87 = tpu.memref_slice %arg7[%mul3A_2, %dma_wait3A_86] : memref<106496x16xf32, #tpu.memory_space<hbm>> -> memref<128x16xf32, #tpu.memory_space<hbm>>
      tpu.wait_dma2 semaphore(%arg21 : memref<!tpu.dma_semaphore, #tpu.memory_space<semaphore_mem>>) src(%arg17 : memref<128x16xf32, #tpu.memory_space<vmem>>) dst(%dma_wait3A_87 : memref<128x16xf32, #tpu.memory_space<hbm>>)
    }
    %scan3A_37 = arith.constant 13 : i32
    return
  }
}

#map = affine_map<(d0, d1) -> (0, 0)>
#map1 = affine_map<(d0, d1) -> (0, 0, 0)>
module attributes {stable_mosaic.version = 14 : i64} {
  func.func @_sc_seg(%arg0: i32, %arg1: i32, %arg2: memref<10240x16xf32, #tpu.memory_space<hbm>>, %arg3: memref<2x10240xf32, #tpu.memory_space<hbm>>, %arg4: memref<32x80x128xi32, #tpu.memory_space<hbm>>, %arg5: memref<32x80x128xi32, #tpu.memory_space<hbm>>, %arg6: memref<2x10240x16xf32, #tpu.memory_space<hbm>>, %arg7: memref<80x128xi32, #tpu.memory_space<vmem>>, %arg8: memref<80x128xi32, #tpu.memory_space<vmem>>, %arg9: memref<8x128x16xf32, #tpu.memory_space<vmem>>, %arg10: memref<8x128x16xf32, #tpu.memory_space<vmem>>, %arg11: memref<640x16xf32, #tpu.memory_space<vmem>>, %arg12: memref<640x16xf32, #tpu.memory_space<vmem>>, %arg13: memref<640xf32, #tpu.memory_space<vmem>>, %arg14: memref<640xf32, #tpu.memory_space<vmem>>, %arg15: memref<10240x16xf32, #tpu.memory_space<vmem_shared>>, %arg16: memref<10240x16xf32, #tpu.memory_space<vmem_shared>>, %arg17: memref<!tpu.dma_semaphore, #tpu.memory_space<semaphore_mem>>, %arg18: memref<!tpu.dma_semaphore, #tpu.memory_space<semaphore_mem>>, %arg19: memref<!tpu.dma_semaphore, #tpu.memory_space<semaphore_mem>>, %arg20: memref<!tpu.dma_semaphore, #tpu.memory_space<semaphore_mem>>) attributes {dimension_semantics = [#tpu.dimension_semantics<core_parallel>, #tpu.dimension_semantics<subcore_parallel>], iteration_bounds = array<i64: 2, 16>, scalar_prefetch = 0 : i64, scratch_operands = 14 : i64, tpu.core_type = #tpu.core_type<sc_vector_subcore>, window_params = [{transform_indices = #map}, {transform_indices = #map}, {transform_indices = #map1}, {transform_indices = #map1}, {transform_indices = #map1}]} {
    %mul3A = arith.constant 16 : i32
    %mul3A_0 = arith.muli %arg0, %mul3A : i32
    %add3A = arith.addi %mul3A_0, %arg1 : i32
    %mul3A_1 = arith.constant 640 : i32
    %mul3A_2 = arith.muli %arg1, %mul3A_1 : i32
    "tpu.region"() ({
      %run_scoped3A_129 = tpu.sem_alloc : memref<!tpu.dma_semaphore, #tpu.memory_space<semaphore_mem>>
      %dma_start3A_130 = arith.constant 0 : i32
      %dma_start3A_131 = arith.constant 0 : i32
      %dma_start3A_132 = tpu.memref_slice %arg4[%add3A, %dma_start3A_130, %dma_start3A_131] : memref<32x80x128xi32, #tpu.memory_space<hbm>> -> memref<1x80x128xi32, #tpu.memory_space<hbm>>
      %dma_start3A_133 = tpu.memref_squeeze %dma_start3A_132 : memref<1x80x128xi32, #tpu.memory_space<hbm>> -> memref<80x128xi32, #tpu.memory_space<hbm>>
      %dma_start3A_134 = arith.constant 0 : i32
      %dma_start3A_135 = arith.constant 0 : i32
      %dma_start3A_136 = tpu.memref_slice %arg4[%add3A, %dma_start3A_134, %dma_start3A_135] : memref<32x80x128xi32, #tpu.memory_space<hbm>> -> memref<1x80x128xi32, #tpu.memory_space<hbm>>
      %dma_start3A_137 = tpu.memref_squeeze %dma_start3A_136 : memref<1x80x128xi32, #tpu.memory_space<hbm>> -> memref<80x128xi32, #tpu.memory_space<hbm>>
      tpu.enqueue_dma source(%dma_start3A_137 : memref<80x128xi32, #tpu.memory_space<hbm>>) target(%arg7 : memref<80x128xi32, #tpu.memory_space<vmem>>) target_semaphore(%run_scoped3A_129 : memref<!tpu.dma_semaphore, #tpu.memory_space<semaphore_mem>>)
      %dma_wait3A = arith.constant 0 : i32
      %dma_wait3A_138 = arith.constant 0 : i32
      %dma_wait3A_139 = tpu.memref_slice %arg4[%add3A, %dma_wait3A, %dma_wait3A_138] : memref<32x80x128xi32, #tpu.memory_space<hbm>> -> memref<1x80x128xi32, #tpu.memory_space<hbm>>
      %dma_wait3A_140 = tpu.memref_squeeze %dma_wait3A_139 : memref<1x80x128xi32, #tpu.memory_space<hbm>> -> memref<80x128xi32, #tpu.memory_space<hbm>>
      %dma_wait3A_141 = arith.constant 0 : i32
      %dma_wait3A_142 = arith.constant 0 : i32
      %dma_wait3A_143 = tpu.memref_slice %arg4[%add3A, %dma_wait3A_141, %dma_wait3A_142] : memref<32x80x128xi32, #tpu.memory_space<hbm>> -> memref<1x80x128xi32, #tpu.memory_space<hbm>>
      %dma_wait3A_144 = tpu.memref_squeeze %dma_wait3A_143 : memref<1x80x128xi32, #tpu.memory_space<hbm>> -> memref<80x128xi32, #tpu.memory_space<hbm>>
      tpu.wait_dma2 semaphore(%run_scoped3A_129 : memref<!tpu.dma_semaphore, #tpu.memory_space<semaphore_mem>>) src(%dma_wait3A_144 : memref<80x128xi32, #tpu.memory_space<hbm>>) dst(%arg7 : memref<80x128xi32, #tpu.memory_space<vmem>>)
      tpu.yield
    }) : () -> ()
    "tpu.region"() ({
      %run_scoped3A_129 = tpu.sem_alloc : memref<!tpu.dma_semaphore, #tpu.memory_space<semaphore_mem>>
      %dma_start3A_130 = arith.constant 0 : i32
      %dma_start3A_131 = arith.constant 0 : i32
      %dma_start3A_132 = tpu.memref_slice %arg5[%add3A, %dma_start3A_130, %dma_start3A_131] : memref<32x80x128xi32, #tpu.memory_space<hbm>> -> memref<1x80x128xi32, #tpu.memory_space<hbm>>
      %dma_start3A_133 = tpu.memref_squeeze %dma_start3A_132 : memref<1x80x128xi32, #tpu.memory_space<hbm>> -> memref<80x128xi32, #tpu.memory_space<hbm>>
      %dma_start3A_134 = arith.constant 0 : i32
      %dma_start3A_135 = arith.constant 0 : i32
      %dma_start3A_136 = tpu.memref_slice %arg5[%add3A, %dma_start3A_134, %dma_start3A_135] : memref<32x80x128xi32, #tpu.memory_space<hbm>> -> memref<1x80x128xi32, #tpu.memory_space<hbm>>
      %dma_start3A_137 = tpu.memref_squeeze %dma_start3A_136 : memref<1x80x128xi32, #tpu.memory_space<hbm>> -> memref<80x128xi32, #tpu.memory_space<hbm>>
      tpu.enqueue_dma source(%dma_start3A_137 : memref<80x128xi32, #tpu.memory_space<hbm>>) target(%arg8 : memref<80x128xi32, #tpu.memory_space<vmem>>) target_semaphore(%run_scoped3A_129 : memref<!tpu.dma_semaphore, #tpu.memory_space<semaphore_mem>>)
      %dma_wait3A = arith.constant 0 : i32
      %dma_wait3A_138 = arith.constant 0 : i32
      %dma_wait3A_139 = tpu.memref_slice %arg5[%add3A, %dma_wait3A, %dma_wait3A_138] : memref<32x80x128xi32, #tpu.memory_space<hbm>> -> memref<1x80x128xi32, #tpu.memory_space<hbm>>
      %dma_wait3A_140 = tpu.memref_squeeze %dma_wait3A_139 : memref<1x80x128xi32, #tpu.memory_space<hbm>> -> memref<80x128xi32, #tpu.memory_space<hbm>>
      %dma_wait3A_141 = arith.constant 0 : i32
      %dma_wait3A_142 = arith.constant 0 : i32
      %dma_wait3A_143 = tpu.memref_slice %arg5[%add3A, %dma_wait3A_141, %dma_wait3A_142] : memref<32x80x128xi32, #tpu.memory_space<hbm>> -> memref<1x80x128xi32, #tpu.memory_space<hbm>>
      %dma_wait3A_144 = tpu.memref_squeeze %dma_wait3A_143 : memref<1x80x128xi32, #tpu.memory_space<hbm>> -> memref<80x128xi32, #tpu.memory_space<hbm>>
      tpu.wait_dma2 semaphore(%run_scoped3A_129 : memref<!tpu.dma_semaphore, #tpu.memory_space<semaphore_mem>>) src(%dma_wait3A_144 : memref<80x128xi32, #tpu.memory_space<hbm>>) dst(%arg8 : memref<80x128xi32, #tpu.memory_space<vmem>>)
      tpu.yield
    }) : () -> ()
    "tpu.region"() ({
      %run_scoped3A_129 = tpu.sem_alloc : memref<!tpu.dma_semaphore, #tpu.memory_space<semaphore_mem>>
      %dma_start3A_130 = arith.constant 0 : i32
      %dma_start3A_131 = tpu.memref_slice %arg2[%mul3A_2, %dma_start3A_130] : memref<10240x16xf32, #tpu.memory_space<hbm>> -> memref<640x16xf32, #tpu.memory_space<hbm>>
      %dma_start3A_132 = arith.constant 0 : i32
      %dma_start3A_133 = tpu.memref_slice %arg2[%mul3A_2, %dma_start3A_132] : memref<10240x16xf32, #tpu.memory_space<hbm>> -> memref<640x16xf32, #tpu.memory_space<hbm>>
      tpu.enqueue_dma source(%dma_start3A_133 : memref<640x16xf32, #tpu.memory_space<hbm>>) target(%arg11 : memref<640x16xf32, #tpu.memory_space<vmem>>) target_semaphore(%run_scoped3A_129 : memref<!tpu.dma_semaphore, #tpu.memory_space<semaphore_mem>>)
      %dma_wait3A = arith.constant 0 : i32
      %dma_wait3A_134 = tpu.memref_slice %arg2[%mul3A_2, %dma_wait3A] : memref<10240x16xf32, #tpu.memory_space<hbm>> -> memref<640x16xf32, #tpu.memory_space<hbm>>
      %dma_wait3A_135 = arith.constant 0 : i32
      %dma_wait3A_136 = tpu.memref_slice %arg2[%mul3A_2, %dma_wait3A_135] : memref<10240x16xf32, #tpu.memory_space<hbm>> -> memref<640x16xf32, #tpu.memory_space<hbm>>
      tpu.wait_dma2 semaphore(%run_scoped3A_129 : memref<!tpu.dma_semaphore, #tpu.memory_space<semaphore_mem>>) src(%dma_wait3A_136 : memref<640x16xf32, #tpu.memory_space<hbm>>) dst(%arg11 : memref<640x16xf32, #tpu.memory_space<vmem>>)
      tpu.yield
    }) : () -> ()
    %run_scoped3A = arith.constant 0 : i32
    "tpu.region"() ({
      %run_scoped3A_129 = tpu.sem_alloc : memref<!tpu.dma_semaphore, #tpu.memory_space<semaphore_mem>>
      %dma_start3A_130 = tpu.memref_slice %arg3[%run_scoped3A, %mul3A_2] : memref<2x10240xf32, #tpu.memory_space<hbm>> -> memref<1x640xf32, #tpu.memory_space<hbm>>
      %dma_start3A_131 = tpu.memref_squeeze %dma_start3A_130 : memref<1x640xf32, #tpu.memory_space<hbm>> -> memref<640xf32, #tpu.memory_space<hbm>>
      %dma_start3A_132 = tpu.memref_slice %arg3[%run_scoped3A, %mul3A_2] : memref<2x10240xf32, #tpu.memory_space<hbm>> -> memref<1x640xf32, #tpu.memory_space<hbm>>
      %dma_start3A_133 = tpu.memref_squeeze %dma_start3A_132 : memref<1x640xf32, #tpu.memory_space<hbm>> -> memref<640xf32, #tpu.memory_space<hbm>>
      tpu.enqueue_dma source(%dma_start3A_133 : memref<640xf32, #tpu.memory_space<hbm>>) target(%arg13 : memref<640xf32, #tpu.memory_space<vmem>>) target_semaphore(%run_scoped3A_129 : memref<!tpu.dma_semaphore, #tpu.memory_space<semaphore_mem>>)
      %dma_wait3A = tpu.memref_slice %arg3[%run_scoped3A, %mul3A_2] : memref<2x10240xf32, #tpu.memory_space<hbm>> -> memref<1x640xf32, #tpu.memory_space<hbm>>
      %dma_wait3A_134 = tpu.memref_squeeze %dma_wait3A : memref<1x640xf32, #tpu.memory_space<hbm>> -> memref<640xf32, #tpu.memory_space<hbm>>
      %dma_wait3A_135 = tpu.memref_slice %arg3[%run_scoped3A, %mul3A_2] : memref<2x10240xf32, #tpu.memory_space<hbm>> -> memref<1x640xf32, #tpu.memory_space<hbm>>
      %dma_wait3A_136 = tpu.memref_squeeze %dma_wait3A_135 : memref<1x640xf32, #tpu.memory_space<hbm>> -> memref<640xf32, #tpu.memory_space<hbm>>
      tpu.wait_dma2 semaphore(%run_scoped3A_129 : memref<!tpu.dma_semaphore, #tpu.memory_space<semaphore_mem>>) src(%dma_wait3A_136 : memref<640xf32, #tpu.memory_space<hbm>>) dst(%arg13 : memref<640xf32, #tpu.memory_space<vmem>>)
      tpu.yield
    }) : () -> ()
    %run_scoped3A_3 = arith.constant 1 : i32
    "tpu.region"() ({
      %run_scoped3A_129 = tpu.sem_alloc : memref<!tpu.dma_semaphore, #tpu.memory_space<semaphore_mem>>
      %dma_start3A_130 = tpu.memref_slice %arg3[%run_scoped3A_3, %mul3A_2] : memref<2x10240xf32, #tpu.memory_space<hbm>> -> memref<1x640xf32, #tpu.memory_space<hbm>>
      %dma_start3A_131 = tpu.memref_squeeze %dma_start3A_130 : memref<1x640xf32, #tpu.memory_space<hbm>> -> memref<640xf32, #tpu.memory_space<hbm>>
      %dma_start3A_132 = tpu.memref_slice %arg3[%run_scoped3A_3, %mul3A_2] : memref<2x10240xf32, #tpu.memory_space<hbm>> -> memref<1x640xf32, #tpu.memory_space<hbm>>
      %dma_start3A_133 = tpu.memref_squeeze %dma_start3A_132 : memref<1x640xf32, #tpu.memory_space<hbm>> -> memref<640xf32, #tpu.memory_space<hbm>>
      tpu.enqueue_dma source(%dma_start3A_133 : memref<640xf32, #tpu.memory_space<hbm>>) target(%arg14 : memref<640xf32, #tpu.memory_space<vmem>>) target_semaphore(%run_scoped3A_129 : memref<!tpu.dma_semaphore, #tpu.memory_space<semaphore_mem>>)
      %dma_wait3A = tpu.memref_slice %arg3[%run_scoped3A_3, %mul3A_2] : memref<2x10240xf32, #tpu.memory_space<hbm>> -> memref<1x640xf32, #tpu.memory_space<hbm>>
      %dma_wait3A_134 = tpu.memref_squeeze %dma_wait3A : memref<1x640xf32, #tpu.memory_space<hbm>> -> memref<640xf32, #tpu.memory_space<hbm>>
      %dma_wait3A_135 = tpu.memref_slice %arg3[%run_scoped3A_3, %mul3A_2] : memref<2x10240xf32, #tpu.memory_space<hbm>> -> memref<1x640xf32, #tpu.memory_space<hbm>>
      %dma_wait3A_136 = tpu.memref_squeeze %dma_wait3A_135 : memref<1x640xf32, #tpu.memory_space<hbm>> -> memref<640xf32, #tpu.memory_space<hbm>>
      tpu.wait_dma2 semaphore(%run_scoped3A_129 : memref<!tpu.dma_semaphore, #tpu.memory_space<semaphore_mem>>) src(%dma_wait3A_136 : memref<640xf32, #tpu.memory_space<hbm>>) dst(%arg14 : memref<640xf32, #tpu.memory_space<vmem>>)
      tpu.yield
    }) : () -> ()
    %scan3A = arith.constant 0 : i32
    %scan3A_4 = arith.constant 0 : i32
    %scan3A_5 = arith.constant 40 : i32
    %scan3A_6 = arith.addi %scan3A_4, %scan3A_5 : i32
    %scan3A_7 = arith.constant 1 : i32
    scf.for %scan3A_129 = %scan3A_4 to %scan3A_6 step %scan3A_7  : i32 {
      %mul3A_130 = arith.constant 16 : i32
      %mul3A_131 = arith.muli %scan3A_129, %mul3A_130 : i32
      %get3A = arith.index_cast %mul3A_131 : i32 to index
      %get3A_132 = tpu.vector_load %arg13[%get3A] {strides = array<i32>} : memref<640xf32, #tpu.memory_space<vmem>>, vector<16xf32>,
      %mul3A_133 = arith.constant 16 : i32
      %mul3A_134 = arith.muli %scan3A_129, %mul3A_133 : i32
      %get3A_135 = arith.index_cast %mul3A_134 : i32 to index
      %get3A_136 = tpu.vector_load %arg14[%get3A_135] {strides = array<i32>} : memref<640xf32, #tpu.memory_space<vmem>>, vector<16xf32>,
      %add3A_137 = arith.addf %get3A_132, %get3A_136 : vector<16xf32>
      %mul3A_138 = arith.constant 16 : i32
      %mul3A_139 = arith.muli %scan3A_129, %mul3A_138 : i32
      %swap3A = arith.index_cast %mul3A_139 : i32 to index
      %swap3A_140 = tpu.vector_load %arg13[%swap3A] {strides = array<i32>} : memref<640xf32, #tpu.memory_space<vmem>>, vector<16xf32>,
      tpu.vector_store %arg13[%swap3A], %add3A_137 {strides = array<i32>} : memref<640xf32, #tpu.memory_space<vmem>>, vector<16xf32>,
    }
    %scan3A_8 = arith.constant 40 : i32
    %scan3A_9 = arith.constant 0 : i32
    %scan3A_10 = arith.constant 0 : i32
    %scan3A_11 = arith.constant 40 : i32
    %scan3A_12 = arith.addi %scan3A_10, %scan3A_11 : i32
    %scan3A_13 = arith.constant 1 : i32
    scf.for %scan3A_129 = %scan3A_10 to %scan3A_12 step %scan3A_13  : i32 {
      %mul3A_130 = arith.constant 16 : i32
      %mul3A_131 = arith.muli %scan3A_129, %mul3A_130 : i32
      %get3A = arith.index_cast %mul3A_131 : i32 to index
      %get3A_132 = tpu.vector_load %arg13[%get3A] {strides = array<i32>} : memref<640xf32, #tpu.memory_space<vmem>>, vector<16xf32>,
      %add3A_133 = arith.constant 1.000000e+00 : f32
      %add3A_134 = vector.broadcast %add3A_133 : f32 to vector<16xf32>
      %add3A_135 = arith.addf %get3A_132, %add3A_134 : vector<16xf32>
      %bitcast3A = vector.bitcast %add3A_135 : vector<16xf32> to vector<16xi32>
      %shift_right_logical3A = arith.constant 1 : i32
      %shift_right_logical3A_136 = vector.broadcast %shift_right_logical3A : i32 to vector<16xi32>
      %shift_right_logical3A_137 = arith.shrui %bitcast3A, %shift_right_logical3A_136 : vector<16xi32>
      %sub3A = arith.constant 1597463007 : i32
      %sub3A_138 = vector.broadcast %sub3A : i32 to vector<16xi32>
      %sub3A_139 = arith.subi %sub3A_138, %shift_right_logical3A_137 : vector<16xi32>
      %bitcast3A_140 = vector.bitcast %sub3A_139 : vector<16xi32> to vector<16xf32>
      %mul3A_141 = arith.constant 5.000000e-01 : f32
      %mul3A_142 = vector.broadcast %mul3A_141 : f32 to vector<16xf32>
      %mul3A_143 = arith.mulf %mul3A_142, %add3A_135 : vector<16xf32>
      %mul3A_144 = arith.mulf %mul3A_143, %bitcast3A_140 : vector<16xf32>
      %mul3A_145 = arith.mulf %mul3A_144, %bitcast3A_140 : vector<16xf32>
      %sub3A_146 = arith.constant 1.500000e+00 : f32
      %sub3A_147 = vector.broadcast %sub3A_146 : f32 to vector<16xf32>
      %sub3A_148 = arith.subf %sub3A_147, %mul3A_145 : vector<16xf32>
      %mul3A_149 = arith.mulf %bitcast3A_140, %sub3A_148 : vector<16xf32>
      %mul3A_150 = arith.constant 5.000000e-01 : f32
      %mul3A_151 = vector.broadcast %mul3A_150 : f32 to vector<16xf32>
      %mul3A_152 = arith.mulf %mul3A_151, %add3A_135 : vector<16xf32>
      %mul3A_153 = arith.mulf %mul3A_152, %mul3A_149 : vector<16xf32>
      %mul3A_154 = arith.mulf %mul3A_153, %mul3A_149 : vector<16xf32>
      %sub3A_155 = arith.constant 1.500000e+00 : f32
      %sub3A_156 = vector.broadcast %sub3A_155 : f32 to vector<16xf32>
      %sub3A_157 = arith.subf %sub3A_156, %mul3A_154 : vector<16xf32>
      %mul3A_158 = arith.mulf %mul3A_149, %sub3A_157 : vector<16xf32>
      %mul3A_159 = arith.constant 5.000000e-01 : f32
      %mul3A_160 = vector.broadcast %mul3A_159 : f32 to vector<16xf32>
      %mul3A_161 = arith.mulf %mul3A_160, %add3A_135 : vector<16xf32>
      %mul3A_162 = arith.mulf %mul3A_161, %mul3A_158 : vector<16xf32>
      %mul3A_163 = arith.mulf %mul3A_162, %mul3A_158 : vector<16xf32>
      %sub3A_164 = arith.constant 1.500000e+00 : f32
      %sub3A_165 = vector.broadcast %sub3A_164 : f32 to vector<16xf32>
      %sub3A_166 = arith.subf %sub3A_165, %mul3A_163 : vector<16xf32>
      %mul3A_167 = arith.mulf %mul3A_158, %sub3A_166 : vector<16xf32>
      %mul3A_168 = arith.constant 16 : i32
      %mul3A_169 = arith.muli %scan3A_129, %mul3A_168 : i32
      %swap3A = arith.index_cast %mul3A_169 : i32 to index
      %swap3A_170 = tpu.vector_load %arg14[%swap3A] {strides = array<i32>} : memref<640xf32, #tpu.memory_space<vmem>>, vector<16xf32>,
      tpu.vector_store %arg14[%swap3A], %mul3A_167 {strides = array<i32>} : memref<640xf32, #tpu.memory_space<vmem>>, vector<16xf32>,
    }
    %scan3A_14 = arith.constant 40 : i32
    %scan3A_15 = arith.constant 0 : i32
    %scan3A_16 = arith.constant 0 : i32
    %scan3A_17 = arith.constant 640 : i32
    %scan3A_18 = arith.addi %scan3A_16, %scan3A_17 : i32
    %scan3A_19 = arith.constant 1 : i32
    scf.for %scan3A_129 = %scan3A_16 to %scan3A_18 step %scan3A_19  : i32 {
      %get3A = arith.index_cast %scan3A_129 : i32 to index
      %get3A_130 = arith.constant 0 : index
      %get3A_131 = tpu.vector_load %arg11[%get3A, %get3A_130] {strides = array<i32>} : memref<640x16xf32, #tpu.memory_space<vmem>>, vector<16xf32>,
      %broadcast_in_dim3A = arith.constant 0 : i32
      %broadcast_in_dim3A_132 = vector.broadcast %broadcast_in_dim3A : i32 to vector<16xi32>
      %add3A_133 = vector.broadcast %scan3A_129 : i32 to vector<16xi32>
      %add3A_134 = arith.addi %broadcast_in_dim3A_132, %add3A_133 : vector<16xi32>
      %gather3A = tpu.vector_load_idx %arg14[%add3A_134] : memref<640xf32, #tpu.memory_space<vmem>>[vector<16xi32>], vector<16xf32>,
      %mul3A_135 = arith.mulf %get3A_131, %gather3A : vector<16xf32>
      %swap3A = arith.index_cast %scan3A_129 : i32 to index
      %swap3A_136 = arith.constant 0 : index
      %swap3A_137 = tpu.vector_load %arg12[%swap3A, %swap3A_136] {strides = array<i32>} : memref<640x16xf32, #tpu.memory_space<vmem>>, vector<16xf32>,
      tpu.vector_store %arg12[%swap3A, %swap3A_136], %mul3A_135 {strides = array<i32>} : memref<640x16xf32, #tpu.memory_space<vmem>>, vector<16xf32>,
    }
    %scan3A_20 = arith.constant 640 : i32
    "tpu.region"() ({
      %run_scoped3A_129 = tpu.sem_alloc : memref<!tpu.dma_semaphore, #tpu.memory_space<semaphore_mem>>
      %dma_start3A_130 = arith.constant 0 : i32
      %dma_start3A_131 = tpu.memref_slice %arg15[%mul3A_2, %dma_start3A_130] : memref<10240x16xf32, #tpu.memory_space<vmem_shared>> -> memref<640x16xf32, #tpu.memory_space<vmem_shared>>
      %dma_start3A_132 = arith.constant 0 : i32
      %dma_start3A_133 = tpu.memref_slice %arg15[%mul3A_2, %dma_start3A_132] : memref<10240x16xf32, #tpu.memory_space<vmem_shared>> -> memref<640x16xf32, #tpu.memory_space<vmem_shared>>
      tpu.enqueue_dma source(%arg12 : memref<640x16xf32, #tpu.memory_space<vmem>>) target(%dma_start3A_133 : memref<640x16xf32, #tpu.memory_space<vmem_shared>>) target_semaphore(%run_scoped3A_129 : memref<!tpu.dma_semaphore, #tpu.memory_space<semaphore_mem>>)
      %dma_wait3A = arith.constant 0 : i32
      %dma_wait3A_134 = tpu.memref_slice %arg15[%mul3A_2, %dma_wait3A] : memref<10240x16xf32, #tpu.memory_space<vmem_shared>> -> memref<640x16xf32, #tpu.memory_space<vmem_shared>>
      %dma_wait3A_135 = arith.constant 0 : i32
      %dma_wait3A_136 = tpu.memref_slice %arg15[%mul3A_2, %dma_wait3A_135] : memref<10240x16xf32, #tpu.memory_space<vmem_shared>> -> memref<640x16xf32, #tpu.memory_space<vmem_shared>>
      tpu.wait_dma2 semaphore(%run_scoped3A_129 : memref<!tpu.dma_semaphore, #tpu.memory_space<semaphore_mem>>) src(%arg12 : memref<640x16xf32, #tpu.memory_space<vmem>>) dst(%dma_wait3A_136 : memref<640x16xf32, #tpu.memory_space<vmem_shared>>)
      tpu.yield
    }) : () -> ()
    %scan3A_21 = arith.constant 0 : i32
    %scan3A_22 = arith.constant 0 : i32
    %scan3A_23 = arith.constant 640 : i32
    %scan3A_24 = arith.addi %scan3A_22, %scan3A_23 : i32
    %scan3A_25 = arith.constant 1 : i32
    scf.for %scan3A_129 = %scan3A_22 to %scan3A_24 step %scan3A_25  : i32 {
      %broadcast_in_dim3A = arith.constant 0.000000e+00 : f32
      %broadcast_in_dim3A_130 = vector.broadcast %broadcast_in_dim3A : f32 to vector<16xf32>
      %swap3A = arith.index_cast %scan3A_129 : i32 to index
      %swap3A_131 = arith.constant 0 : index
      %swap3A_132 = tpu.vector_load %arg11[%swap3A, %swap3A_131] {strides = array<i32>} : memref<640x16xf32, #tpu.memory_space<vmem>>, vector<16xf32>,
      tpu.vector_store %arg11[%swap3A, %swap3A_131], %broadcast_in_dim3A_130 {strides = array<i32>} : memref<640x16xf32, #tpu.memory_space<vmem>>, vector<16xf32>,
    }
    %scan3A_26 = arith.constant 640 : i32
    "tpu.region"() ({
      %run_scoped3A_129 = tpu.sem_alloc : memref<!tpu.dma_semaphore, #tpu.memory_space<semaphore_mem>>
      %dma_start3A_130 = arith.constant 0 : i32
      %dma_start3A_131 = tpu.memref_slice %arg16[%mul3A_2, %dma_start3A_130] : memref<10240x16xf32, #tpu.memory_space<vmem_shared>> -> memref<640x16xf32, #tpu.memory_space<vmem_shared>>
      %dma_start3A_132 = arith.constant 0 : i32
      %dma_start3A_133 = tpu.memref_slice %arg16[%mul3A_2, %dma_start3A_132] : memref<10240x16xf32, #tpu.memory_space<vmem_shared>> -> memref<640x16xf32, #tpu.memory_space<vmem_shared>>
      tpu.enqueue_dma source(%arg11 : memref<640x16xf32, #tpu.memory_space<vmem>>) target(%dma_start3A_133 : memref<640x16xf32, #tpu.memory_space<vmem_shared>>) target_semaphore(%run_scoped3A_129 : memref<!tpu.dma_semaphore, #tpu.memory_space<semaphore_mem>>)
      %dma_wait3A = arith.constant 0 : i32
      %dma_wait3A_134 = tpu.memref_slice %arg16[%mul3A_2, %dma_wait3A] : memref<10240x16xf32, #tpu.memory_space<vmem_shared>> -> memref<640x16xf32, #tpu.memory_space<vmem_shared>>
      %dma_wait3A_135 = arith.constant 0 : i32
      %dma_wait3A_136 = tpu.memref_slice %arg16[%mul3A_2, %dma_wait3A_135] : memref<10240x16xf32, #tpu.memory_space<vmem_shared>> -> memref<640x16xf32, #tpu.memory_space<vmem_shared>>
      tpu.wait_dma2 semaphore(%run_scoped3A_129 : memref<!tpu.dma_semaphore, #tpu.memory_space<semaphore_mem>>) src(%arg11 : memref<640x16xf32, #tpu.memory_space<vmem>>) dst(%dma_wait3A_136 : memref<640x16xf32, #tpu.memory_space<vmem_shared>>)
      tpu.yield
    }) : () -> ()
    %barrier3A = arith.constant 0 : index
    tpu.barrier barrier_id(%barrier3A)
    %dma_start3A = arith.constant 0 : i32
    %dma_start3A_27 = arith.constant 0 : i32
    %dma_start3A_28 = arith.constant 0 : i32
    %dma_start3A_29 = arith.constant 0 : i32
    %dma_start3A_30 = tpu.memref_slice %arg9[%dma_start3A_27, %dma_start3A_28, %dma_start3A_29] : memref<8x128x16xf32, #tpu.memory_space<vmem>> -> memref<1x128x16xf32, #tpu.memory_space<vmem>>
    %dma_start3A_31 = tpu.memref_squeeze %dma_start3A_30 : memref<1x128x16xf32, #tpu.memory_space<vmem>> -> memref<128x16xf32, #tpu.memory_space<vmem>>
    %dma_start3A_32 = arith.constant 0 : i32
    %dma_start3A_33 = tpu.memref_slice %arg7[%dma_start3A, %dma_start3A_32] : memref<80x128xi32, #tpu.memory_space<vmem>> -> memref<1x128xi32, #tpu.memory_space<vmem>>
    %dma_start3A_34 = tpu.memref_squeeze %dma_start3A_33 : memref<1x128xi32, #tpu.memory_space<vmem>> -> memref<128xi32, #tpu.memory_space<vmem>>
    %dma_start3A_35 = arith.constant 0 : i32
    %dma_start3A_36 = arith.constant 0 : i32
    %dma_start3A_37 = tpu.memref_slice %arg15[%dma_start3A_35, %dma_start3A_36] : memref<10240x16xf32, #tpu.memory_space<vmem_shared>> -> memref<10240x16xf32, #tpu.memory_space<vmem_shared>>
    tpu.enqueue_indirect_dma source(%dma_start3A_37 : memref<10240x16xf32, #tpu.memory_space<vmem_shared>>) target(%dma_start3A_31 : memref<128x16xf32, #tpu.memory_space<vmem>>) offsets(%dma_start3A_34 : memref<128xi32, #tpu.memory_space<vmem>>) semaphore(%arg17 : memref<!tpu.dma_semaphore, #tpu.memory_space<semaphore_mem>>)
    %dma_start3A_38 = arith.constant 1 : i32
    %dma_start3A_39 = arith.constant 1 : i32
    %dma_start3A_40 = arith.constant 0 : i32
    %dma_start3A_41 = arith.constant 0 : i32
    %dma_start3A_42 = tpu.memref_slice %arg9[%dma_start3A_39, %dma_start3A_40, %dma_start3A_41] : memref<8x128x16xf32, #tpu.memory_space<vmem>> -> memref<1x128x16xf32, #tpu.memory_space<vmem>>
    %dma_start3A_43 = tpu.memref_squeeze %dma_start3A_42 : memref<1x128x16xf32, #tpu.memory_space<vmem>> -> memref<128x16xf32, #tpu.memory_space<vmem>>
    %dma_start3A_44 = arith.constant 0 : i32
    %dma_start3A_45 = tpu.memref_slice %arg7[%dma_start3A_38, %dma_start3A_44] : memref<80x128xi32, #tpu.memory_space<vmem>> -> memref<1x128xi32, #tpu.memory_space<vmem>>
    %dma_start3A_46 = tpu.memref_squeeze %dma_start3A_45 : memref<1x128xi32, #tpu.memory_space<vmem>> -> memref<128xi32, #tpu.memory_space<vmem>>
    %dma_start3A_47 = arith.constant 0 : i32
    %dma_start3A_48 = arith.constant 0 : i32
    %dma_start3A_49 = tpu.memref_slice %arg15[%dma_start3A_47, %dma_start3A_48] : memref<10240x16xf32, #tpu.memory_space<vmem_shared>> -> memref<10240x16xf32, #tpu.memory_space<vmem_shared>>
    tpu.enqueue_indirect_dma source(%dma_start3A_49 : memref<10240x16xf32, #tpu.memory_space<vmem_shared>>) target(%dma_start3A_43 : memref<128x16xf32, #tpu.memory_space<vmem>>) offsets(%dma_start3A_46 : memref<128xi32, #tpu.memory_space<vmem>>) semaphore(%arg17 : memref<!tpu.dma_semaphore, #tpu.memory_space<semaphore_mem>>)
    %dma_start3A_50 = arith.constant 2 : i32
    %dma_start3A_51 = arith.constant 2 : i32
    %dma_start3A_52 = arith.constant 0 : i32
    %dma_start3A_53 = arith.constant 0 : i32
    %dma_start3A_54 = tpu.memref_slice %arg9[%dma_start3A_51, %dma_start3A_52, %dma_start3A_53] : memref<8x128x16xf32, #tpu.memory_space<vmem>> -> memref<1x128x16xf32, #tpu.memory_space<vmem>>
    %dma_start3A_55 = tpu.memref_squeeze %dma_start3A_54 : memref<1x128x16xf32, #tpu.memory_space<vmem>> -> memref<128x16xf32, #tpu.memory_space<vmem>>
    %dma_start3A_56 = arith.constant 0 : i32
    %dma_start3A_57 = tpu.memref_slice %arg7[%dma_start3A_50, %dma_start3A_56] : memref<80x128xi32, #tpu.memory_space<vmem>> -> memref<1x128xi32, #tpu.memory_space<vmem>>
    %dma_start3A_58 = tpu.memref_squeeze %dma_start3A_57 : memref<1x128xi32, #tpu.memory_space<vmem>> -> memref<128xi32, #tpu.memory_space<vmem>>
    %dma_start3A_59 = arith.constant 0 : i32
    %dma_start3A_60 = arith.constant 0 : i32
    %dma_start3A_61 = tpu.memref_slice %arg15[%dma_start3A_59, %dma_start3A_60] : memref<10240x16xf32, #tpu.memory_space<vmem_shared>> -> memref<10240x16xf32, #tpu.memory_space<vmem_shared>>
    tpu.enqueue_indirect_dma source(%dma_start3A_61 : memref<10240x16xf32, #tpu.memory_space<vmem_shared>>) target(%dma_start3A_55 : memref<128x16xf32, #tpu.memory_space<vmem>>) offsets(%dma_start3A_58 : memref<128xi32, #tpu.memory_space<vmem>>) semaphore(%arg17 : memref<!tpu.dma_semaphore, #tpu.memory_space<semaphore_mem>>)
    %dma_start3A_62 = arith.constant 3 : i32
    %dma_start3A_63 = arith.constant 3 : i32
    %dma_start3A_64 = arith.constant 0 : i32
    %dma_start3A_65 = arith.constant 0 : i32
    %dma_start3A_66 = tpu.memref_slice %arg9[%dma_start3A_63, %dma_start3A_64, %dma_start3A_65] : memref<8x128x16xf32, #tpu.memory_space<vmem>> -> memref<1x128x16xf32, #tpu.memory_space<vmem>>
    %dma_start3A_67 = tpu.memref_squeeze %dma_start3A_66 : memref<1x128x16xf32, #tpu.memory_space<vmem>> -> memref<128x16xf32, #tpu.memory_space<vmem>>
    %dma_start3A_68 = arith.constant 0 : i32
    %dma_start3A_69 = tpu.memref_slice %arg7[%dma_start3A_62, %dma_start3A_68] : memref<80x128xi32, #tpu.memory_space<vmem>> -> memref<1x128xi32, #tpu.memory_space<vmem>>
    %dma_start3A_70 = tpu.memref_squeeze %dma_start3A_69 : memref<1x128xi32, #tpu.memory_space<vmem>> -> memref<128xi32, #tpu.memory_space<vmem>>
    %dma_start3A_71 = arith.constant 0 : i32
    %dma_start3A_72 = arith.constant 0 : i32
    %dma_start3A_73 = tpu.memref_slice %arg15[%dma_start3A_71, %dma_start3A_72] : memref<10240x16xf32, #tpu.memory_space<vmem_shared>> -> memref<10240x16xf32, #tpu.memory_space<vmem_shared>>
    tpu.enqueue_indirect_dma source(%dma_start3A_73 : memref<10240x16xf32, #tpu.memory_space<vmem_shared>>) target(%dma_start3A_67 : memref<128x16xf32, #tpu.memory_space<vmem>>) offsets(%dma_start3A_70 : memref<128xi32, #tpu.memory_space<vmem>>) semaphore(%arg17 : memref<!tpu.dma_semaphore, #tpu.memory_space<semaphore_mem>>)
    %dma_start3A_74 = arith.constant 4 : i32
    %dma_start3A_75 = arith.constant 4 : i32
    %dma_start3A_76 = arith.constant 0 : i32
    %dma_start3A_77 = arith.constant 0 : i32
    %dma_start3A_78 = tpu.memref_slice %arg9[%dma_start3A_75, %dma_start3A_76, %dma_start3A_77] : memref<8x128x16xf32, #tpu.memory_space<vmem>> -> memref<1x128x16xf32, #tpu.memory_space<vmem>>
    %dma_start3A_79 = tpu.memref_squeeze %dma_start3A_78 : memref<1x128x16xf32, #tpu.memory_space<vmem>> -> memref<128x16xf32, #tpu.memory_space<vmem>>
    %dma_start3A_80 = arith.constant 0 : i32
    %dma_start3A_81 = tpu.memref_slice %arg7[%dma_start3A_74, %dma_start3A_80] : memref<80x128xi32, #tpu.memory_space<vmem>> -> memref<1x128xi32, #tpu.memory_space<vmem>>
    %dma_start3A_82 = tpu.memref_squeeze %dma_start3A_81 : memref<1x128xi32, #tpu.memory_space<vmem>> -> memref<128xi32, #tpu.memory_space<vmem>>
    %dma_start3A_83 = arith.constant 0 : i32
    %dma_start3A_84 = arith.constant 0 : i32
    %dma_start3A_85 = tpu.memref_slice %arg15[%dma_start3A_83, %dma_start3A_84] : memref<10240x16xf32, #tpu.memory_space<vmem_shared>> -> memref<10240x16xf32, #tpu.memory_space<vmem_shared>>
    tpu.enqueue_indirect_dma source(%dma_start3A_85 : memref<10240x16xf32, #tpu.memory_space<vmem_shared>>) target(%dma_start3A_79 : memref<128x16xf32, #tpu.memory_space<vmem>>) offsets(%dma_start3A_82 : memref<128xi32, #tpu.memory_space<vmem>>) semaphore(%arg17 : memref<!tpu.dma_semaphore, #tpu.memory_space<semaphore_mem>>)
    %dma_start3A_86 = arith.constant 5 : i32
    %dma_start3A_87 = arith.constant 5 : i32
    %dma_start3A_88 = arith.constant 0 : i32
    %dma_start3A_89 = arith.constant 0 : i32
    %dma_start3A_90 = tpu.memref_slice %arg9[%dma_start3A_87, %dma_start3A_88, %dma_start3A_89] : memref<8x128x16xf32, #tpu.memory_space<vmem>> -> memref<1x128x16xf32, #tpu.memory_space<vmem>>
    %dma_start3A_91 = tpu.memref_squeeze %dma_start3A_90 : memref<1x128x16xf32, #tpu.memory_space<vmem>> -> memref<128x16xf32, #tpu.memory_space<vmem>>
    %dma_start3A_92 = arith.constant 0 : i32
    %dma_start3A_93 = tpu.memref_slice %arg7[%dma_start3A_86, %dma_start3A_92] : memref<80x128xi32, #tpu.memory_space<vmem>> -> memref<1x128xi32, #tpu.memory_space<vmem>>
    %dma_start3A_94 = tpu.memref_squeeze %dma_start3A_93 : memref<1x128xi32, #tpu.memory_space<vmem>> -> memref<128xi32, #tpu.memory_space<vmem>>
    %dma_start3A_95 = arith.constant 0 : i32
    %dma_start3A_96 = arith.constant 0 : i32
    %dma_start3A_97 = tpu.memref_slice %arg15[%dma_start3A_95, %dma_start3A_96] : memref<10240x16xf32, #tpu.memory_space<vmem_shared>> -> memref<10240x16xf32, #tpu.memory_space<vmem_shared>>
    tpu.enqueue_indirect_dma source(%dma_start3A_97 : memref<10240x16xf32, #tpu.memory_space<vmem_shared>>) target(%dma_start3A_91 : memref<128x16xf32, #tpu.memory_space<vmem>>) offsets(%dma_start3A_94 : memref<128xi32, #tpu.memory_space<vmem>>) semaphore(%arg17 : memref<!tpu.dma_semaphore, #tpu.memory_space<semaphore_mem>>)
    %dma_start3A_98 = arith.constant 6 : i32
    %dma_start3A_99 = arith.constant 6 : i32
    %dma_start3A_100 = arith.constant 0 : i32
    %dma_start3A_101 = arith.constant 0 : i32
    %dma_start3A_102 = tpu.memref_slice %arg9[%dma_start3A_99, %dma_start3A_100, %dma_start3A_101] : memref<8x128x16xf32, #tpu.memory_space<vmem>> -> memref<1x128x16xf32, #tpu.memory_space<vmem>>
    %dma_start3A_103 = tpu.memref_squeeze %dma_start3A_102 : memref<1x128x16xf32, #tpu.memory_space<vmem>> -> memref<128x16xf32, #tpu.memory_space<vmem>>
    %dma_start3A_104 = arith.constant 0 : i32
    %dma_start3A_105 = tpu.memref_slice %arg7[%dma_start3A_98, %dma_start3A_104] : memref<80x128xi32, #tpu.memory_space<vmem>> -> memref<1x128xi32, #tpu.memory_space<vmem>>
    %dma_start3A_106 = tpu.memref_squeeze %dma_start3A_105 : memref<1x128xi32, #tpu.memory_space<vmem>> -> memref<128xi32, #tpu.memory_space<vmem>>
    %dma_start3A_107 = arith.constant 0 : i32
    %dma_start3A_108 = arith.constant 0 : i32
    %dma_start3A_109 = tpu.memref_slice %arg15[%dma_start3A_107, %dma_start3A_108] : memref<10240x16xf32, #tpu.memory_space<vmem_shared>> -> memref<10240x16xf32, #tpu.memory_space<vmem_shared>>
    tpu.enqueue_indirect_dma source(%dma_start3A_109 : memref<10240x16xf32, #tpu.memory_space<vmem_shared>>) target(%dma_start3A_103 : memref<128x16xf32, #tpu.memory_space<vmem>>) offsets(%dma_start3A_106 : memref<128xi32, #tpu.memory_space<vmem>>) semaphore(%arg17 : memref<!tpu.dma_semaphore, #tpu.memory_space<semaphore_mem>>)
    %dma_start3A_110 = arith.constant 7 : i32
    %dma_start3A_111 = arith.constant 7 : i32
    %dma_start3A_112 = arith.constant 0 : i32
    %dma_start3A_113 = arith.constant 0 : i32
    %dma_start3A_114 = tpu.memref_slice %arg9[%dma_start3A_111, %dma_start3A_112, %dma_start3A_113] : memref<8x128x16xf32, #tpu.memory_space<vmem>> -> memref<1x128x16xf32, #tpu.memory_space<vmem>>
    %dma_start3A_115 = tpu.memref_squeeze %dma_start3A_114 : memref<1x128x16xf32, #tpu.memory_space<vmem>> -> memref<128x16xf32, #tpu.memory_space<vmem>>
    %dma_start3A_116 = arith.constant 0 : i32
    %dma_start3A_117 = tpu.memref_slice %arg7[%dma_start3A_110, %dma_start3A_116] : memref<80x128xi32, #tpu.memory_space<vmem>> -> memref<1x128xi32, #tpu.memory_space<vmem>>
    %dma_start3A_118 = tpu.memref_squeeze %dma_start3A_117 : memref<1x128xi32, #tpu.memory_space<vmem>> -> memref<128xi32, #tpu.memory_space<vmem>>
    %dma_start3A_119 = arith.constant 0 : i32
    %dma_start3A_120 = arith.constant 0 : i32
    %dma_start3A_121 = tpu.memref_slice %arg15[%dma_start3A_119, %dma_start3A_120] : memref<10240x16xf32, #tpu.memory_space<vmem_shared>> -> memref<10240x16xf32, #tpu.memory_space<vmem_shared>>
    tpu.enqueue_indirect_dma source(%dma_start3A_121 : memref<10240x16xf32, #tpu.memory_space<vmem_shared>>) target(%dma_start3A_115 : memref<128x16xf32, #tpu.memory_space<vmem>>) offsets(%dma_start3A_118 : memref<128xi32, #tpu.memory_space<vmem>>) semaphore(%arg17 : memref<!tpu.dma_semaphore, #tpu.memory_space<semaphore_mem>>)
    %scan3A_122 = arith.constant 0 : i32
    %scan3A_123 = arith.constant 0 : i32
    %scan3A_124 = arith.constant 5 : i32
    %scan3A_125 = arith.addi %scan3A_123, %scan3A_124 : i32
    %scan3A_126 = arith.constant 1 : i32
    scf.for %scan3A_129 = %scan3A_123 to %scan3A_125 step %scan3A_126  : i32 {
      %mul3A_130 = arith.constant 2 : i32
      %mul3A_131 = arith.muli %mul3A_130, %scan3A_129 : i32
      %mul3A_132 = arith.constant 2 : i32
      %mul3A_133 = arith.muli %mul3A_132, %scan3A_129 : i32
      %add3A_134 = arith.constant 1 : i32
      %add3A_135 = arith.addi %mul3A_133, %add3A_134 : i32
      %dma_wait3A = arith.constant 0 : i32
      %dma_wait3A_136 = arith.constant 0 : i32
      %dma_wait3A_137 = arith.constant 0 : i32
      %dma_wait3A_138 = arith.constant 0 : i32
      %dma_wait3A_139 = tpu.memref_slice %arg9[%dma_wait3A_136, %dma_wait3A_137, %dma_wait3A_138] : memref<8x128x16xf32, #tpu.memory_space<vmem>> -> memref<1x128x16xf32, #tpu.memory_space<vmem>>
      %dma_wait3A_140 = tpu.memref_squeeze %dma_wait3A_139 : memref<1x128x16xf32, #tpu.memory_space<vmem>> -> memref<128x16xf32, #tpu.memory_space<vmem>>
      %dma_wait3A_141 = arith.constant 0 : i32
      %dma_wait3A_142 = tpu.memref_slice %arg7[%dma_wait3A, %dma_wait3A_141] : memref<80x128xi32, #tpu.memory_space<vmem>> -> memref<1x128xi32, #tpu.memory_space<vmem>>
      %dma_wait3A_143 = tpu.memref_squeeze %dma_wait3A_142 : memref<1x128xi32, #tpu.memory_space<vmem>> -> memref<128xi32, #tpu.memory_space<vmem>>
      %dma_wait3A_144 = arith.constant 0 : i32
      %dma_wait3A_145 = arith.constant 0 : i32
      %dma_wait3A_146 = tpu.memref_slice %arg15[%dma_wait3A_144, %dma_wait3A_145] : memref<10240x16xf32, #tpu.memory_space<vmem_shared>> -> memref<10240x16xf32, #tpu.memory_space<vmem_shared>>
      tpu.wait_indirect_dma semaphore(%arg17 : memref<!tpu.dma_semaphore, #tpu.memory_space<semaphore_mem>>) src(%dma_wait3A_146 : memref<10240x16xf32, #tpu.memory_space<vmem_shared>>) dst(%dma_wait3A_140 : memref<128x16xf32, #tpu.memory_space<vmem>>)
      %dma_wait3A_147 = arith.constant 0 : i32
      %dma_wait3A_148 = arith.constant 1 : i32
      %dma_wait3A_149 = arith.constant 0 : i32
      %dma_wait3A_150 = arith.constant 0 : i32
      %dma_wait3A_151 = tpu.memref_slice %arg9[%dma_wait3A_148, %dma_wait3A_149, %dma_wait3A_150] : memref<8x128x16xf32, #tpu.memory_space<vmem>> -> memref<1x128x16xf32, #tpu.memory_space<vmem>>
      %dma_wait3A_152 = tpu.memref_squeeze %dma_wait3A_151 : memref<1x128x16xf32, #tpu.memory_space<vmem>> -> memref<128x16xf32, #tpu.memory_space<vmem>>
      %dma_wait3A_153 = arith.constant 0 : i32
      %dma_wait3A_154 = tpu.memref_slice %arg7[%dma_wait3A_147, %dma_wait3A_153] : memref<80x128xi32, #tpu.memory_space<vmem>> -> memref<1x128xi32, #tpu.memory_space<vmem>>
      %dma_wait3A_155 = tpu.memref_squeeze %dma_wait3A_154 : memref<1x128xi32, #tpu.memory_space<vmem>> -> memref<128xi32, #tpu.memory_space<vmem>>
      %dma_wait3A_156 = arith.constant 0 : i32
      %dma_wait3A_157 = arith.constant 0 : i32
      %dma_wait3A_158 = tpu.memref_slice %arg15[%dma_wait3A_156, %dma_wait3A_157] : memref<10240x16xf32, #tpu.memory_space<vmem_shared>> -> memref<10240x16xf32, #tpu.memory_space<vmem_shared>>
      tpu.wait_indirect_dma semaphore(%arg17 : memref<!tpu.dma_semaphore, #tpu.memory_space<semaphore_mem>>) src(%dma_wait3A_158 : memref<10240x16xf32, #tpu.memory_space<vmem_shared>>) dst(%dma_wait3A_152 : memref<128x16xf32, #tpu.memory_space<vmem>>)
      %dma_wait3A_159 = arith.constant 0 : i32
      %dma_wait3A_160 = arith.constant 2 : i32
      %dma_wait3A_161 = arith.constant 0 : i32
      %dma_wait3A_162 = arith.constant 0 : i32
      %dma_wait3A_163 = tpu.memref_slice %arg9[%dma_wait3A_160, %dma_wait3A_161, %dma_wait3A_162] : memref<8x128x16xf32, #tpu.memory_space<vmem>> -> memref<1x128x16xf32, #tpu.memory_space<vmem>>
      %dma_wait3A_164 = tpu.memref_squeeze %dma_wait3A_163 : memref<1x128x16xf32, #tpu.memory_space<vmem>> -> memref<128x16xf32, #tpu.memory_space<vmem>>
      %dma_wait3A_165 = arith.constant 0 : i32
      %dma_wait3A_166 = tpu.memref_slice %arg7[%dma_wait3A_159, %dma_wait3A_165] : memref<80x128xi32, #tpu.memory_space<vmem>> -> memref<1x128xi32, #tpu.memory_space<vmem>>
      %dma_wait3A_167 = tpu.memref_squeeze %dma_wait3A_166 : memref<1x128xi32, #tpu.memory_space<vmem>> -> memref<128xi32, #tpu.memory_space<vmem>>
      %dma_wait3A_168 = arith.constant 0 : i32
      %dma_wait3A_169 = arith.constant 0 : i32
      %dma_wait3A_170 = tpu.memref_slice %arg15[%dma_wait3A_168, %dma_wait3A_169] : memref<10240x16xf32, #tpu.memory_space<vmem_shared>> -> memref<10240x16xf32, #tpu.memory_space<vmem_shared>>
      tpu.wait_indirect_dma semaphore(%arg17 : memref<!tpu.dma_semaphore, #tpu.memory_space<semaphore_mem>>) src(%dma_wait3A_170 : memref<10240x16xf32, #tpu.memory_space<vmem_shared>>) dst(%dma_wait3A_164 : memref<128x16xf32, #tpu.memory_space<vmem>>)
      %dma_wait3A_171 = arith.constant 0 : i32
      %dma_wait3A_172 = arith.constant 3 : i32
      %dma_wait3A_173 = arith.constant 0 : i32
      %dma_wait3A_174 = arith.constant 0 : i32
      %dma_wait3A_175 = tpu.memref_slice %arg9[%dma_wait3A_172, %dma_wait3A_173, %dma_wait3A_174] : memref<8x128x16xf32, #tpu.memory_space<vmem>> -> memref<1x128x16xf32, #tpu.memory_space<vmem>>
      %dma_wait3A_176 = tpu.memref_squeeze %dma_wait3A_175 : memref<1x128x16xf32, #tpu.memory_space<vmem>> -> memref<128x16xf32, #tpu.memory_space<vmem>>
      %dma_wait3A_177 = arith.constant 0 : i32
      %dma_wait3A_178 = tpu.memref_slice %arg7[%dma_wait3A_171, %dma_wait3A_177] : memref<80x128xi32, #tpu.memory_space<vmem>> -> memref<1x128xi32, #tpu.memory_space<vmem>>
      %dma_wait3A_179 = tpu.memref_squeeze %dma_wait3A_178 : memref<1x128xi32, #tpu.memory_space<vmem>> -> memref<128xi32, #tpu.memory_space<vmem>>
      %dma_wait3A_180 = arith.constant 0 : i32
      %dma_wait3A_181 = arith.constant 0 : i32
      %dma_wait3A_182 = tpu.memref_slice %arg15[%dma_wait3A_180, %dma_wait3A_181] : memref<10240x16xf32, #tpu.memory_space<vmem_shared>> -> memref<10240x16xf32, #tpu.memory_space<vmem_shared>>
      tpu.wait_indirect_dma semaphore(%arg17 : memref<!tpu.dma_semaphore, #tpu.memory_space<semaphore_mem>>) src(%dma_wait3A_182 : memref<10240x16xf32, #tpu.memory_space<vmem_shared>>) dst(%dma_wait3A_176 : memref<128x16xf32, #tpu.memory_space<vmem>>)
      %dma_wait3A_183 = arith.constant 0 : i32
      %dma_wait3A_184 = arith.constant 4 : i32
      %dma_wait3A_185 = arith.constant 0 : i32
      %dma_wait3A_186 = arith.constant 0 : i32
      %dma_wait3A_187 = tpu.memref_slice %arg9[%dma_wait3A_184, %dma_wait3A_185, %dma_wait3A_186] : memref<8x128x16xf32, #tpu.memory_space<vmem>> -> memref<1x128x16xf32, #tpu.memory_space<vmem>>
      %dma_wait3A_188 = tpu.memref_squeeze %dma_wait3A_187 : memref<1x128x16xf32, #tpu.memory_space<vmem>> -> memref<128x16xf32, #tpu.memory_space<vmem>>
      %dma_wait3A_189 = arith.constant 0 : i32
      %dma_wait3A_190 = tpu.memref_slice %arg7[%dma_wait3A_183, %dma_wait3A_189] : memref<80x128xi32, #tpu.memory_space<vmem>> -> memref<1x128xi32, #tpu.memory_space<vmem>>
      %dma_wait3A_191 = tpu.memref_squeeze %dma_wait3A_190 : memref<1x128xi32, #tpu.memory_space<vmem>> -> memref<128xi32, #tpu.memory_space<vmem>>
      %dma_wait3A_192 = arith.constant 0 : i32
      %dma_wait3A_193 = arith.constant 0 : i32
      %dma_wait3A_194 = tpu.memref_slice %arg15[%dma_wait3A_192, %dma_wait3A_193] : memref<10240x16xf32, #tpu.memory_space<vmem_shared>> -> memref<10240x16xf32, #tpu.memory_space<vmem_shared>>
      tpu.wait_indirect_dma semaphore(%arg17 : memref<!tpu.dma_semaphore, #tpu.memory_space<semaphore_mem>>) src(%dma_wait3A_194 : memref<10240x16xf32, #tpu.memory_space<vmem_shared>>) dst(%dma_wait3A_188 : memref<128x16xf32, #tpu.memory_space<vmem>>)
      %dma_wait3A_195 = arith.constant 0 : i32
      %dma_wait3A_196 = arith.constant 5 : i32
      %dma_wait3A_197 = arith.constant 0 : i32
      %dma_wait3A_198 = arith.constant 0 : i32
      %dma_wait3A_199 = tpu.memref_slice %arg9[%dma_wait3A_196, %dma_wait3A_197, %dma_wait3A_198] : memref<8x128x16xf32, #tpu.memory_space<vmem>> -> memref<1x128x16xf32, #tpu.memory_space<vmem>>
      %dma_wait3A_200 = tpu.memref_squeeze %dma_wait3A_199 : memref<1x128x16xf32, #tpu.memory_space<vmem>> -> memref<128x16xf32, #tpu.memory_space<vmem>>
      %dma_wait3A_201 = arith.constant 0 : i32
      %dma_wait3A_202 = tpu.memref_slice %arg7[%dma_wait3A_195, %dma_wait3A_201] : memref<80x128xi32, #tpu.memory_space<vmem>> -> memref<1x128xi32, #tpu.memory_space<vmem>>
      %dma_wait3A_203 = tpu.memref_squeeze %dma_wait3A_202 : memref<1x128xi32, #tpu.memory_space<vmem>> -> memref<128xi32, #tpu.memory_space<vmem>>
      %dma_wait3A_204 = arith.constant 0 : i32
      %dma_wait3A_205 = arith.constant 0 : i32
      %dma_wait3A_206 = tpu.memref_slice %arg15[%dma_wait3A_204, %dma_wait3A_205] : memref<10240x16xf32, #tpu.memory_space<vmem_shared>> -> memref<10240x16xf32, #tpu.memory_space<vmem_shared>>
      tpu.wait_indirect_dma semaphore(%arg17 : memref<!tpu.dma_semaphore, #tpu.memory_space<semaphore_mem>>) src(%dma_wait3A_206 : memref<10240x16xf32, #tpu.memory_space<vmem_shared>>) dst(%dma_wait3A_200 : memref<128x16xf32, #tpu.memory_space<vmem>>)
      %dma_wait3A_207 = arith.constant 0 : i32
      %dma_wait3A_208 = arith.constant 6 : i32
      %dma_wait3A_209 = arith.constant 0 : i32
      %dma_wait3A_210 = arith.constant 0 : i32
      %dma_wait3A_211 = tpu.memref_slice %arg9[%dma_wait3A_208, %dma_wait3A_209, %dma_wait3A_210] : memref<8x128x16xf32, #tpu.memory_space<vmem>> -> memref<1x128x16xf32, #tpu.memory_space<vmem>>
      %dma_wait3A_212 = tpu.memref_squeeze %dma_wait3A_211 : memref<1x128x16xf32, #tpu.memory_space<vmem>> -> memref<128x16xf32, #tpu.memory_space<vmem>>
      %dma_wait3A_213 = arith.constant 0 : i32
      %dma_wait3A_214 = tpu.memref_slice %arg7[%dma_wait3A_207, %dma_wait3A_213] : memref<80x128xi32, #tpu.memory_space<vmem>> -> memref<1x128xi32, #tpu.memory_space<vmem>>
      %dma_wait3A_215 = tpu.memref_squeeze %dma_wait3A_214 : memref<1x128xi32, #tpu.memory_space<vmem>> -> memref<128xi32, #tpu.memory_space<vmem>>
      %dma_wait3A_216 = arith.constant 0 : i32
      %dma_wait3A_217 = arith.constant 0 : i32
      %dma_wait3A_218 = tpu.memref_slice %arg15[%dma_wait3A_216, %dma_wait3A_217] : memref<10240x16xf32, #tpu.memory_space<vmem_shared>> -> memref<10240x16xf32, #tpu.memory_space<vmem_shared>>
      tpu.wait_indirect_dma semaphore(%arg17 : memref<!tpu.dma_semaphore, #tpu.memory_space<semaphore_mem>>) src(%dma_wait3A_218 : memref<10240x16xf32, #tpu.memory_space<vmem_shared>>) dst(%dma_wait3A_212 : memref<128x16xf32, #tpu.memory_space<vmem>>)
      %dma_wait3A_219 = arith.constant 0 : i32
      %dma_wait3A_220 = arith.constant 7 : i32
      %dma_wait3A_221 = arith.constant 0 : i32
      %dma_wait3A_222 = arith.constant 0 : i32
      %dma_wait3A_223 = tpu.memref_slice %arg9[%dma_wait3A_220, %dma_wait3A_221, %dma_wait3A_222] : memref<8x128x16xf32, #tpu.memory_space<vmem>> -> memref<1x128x16xf32, #tpu.memory_space<vmem>>
      %dma_wait3A_224 = tpu.memref_squeeze %dma_wait3A_223 : memref<1x128x16xf32, #tpu.memory_space<vmem>> -> memref<128x16xf32, #tpu.memory_space<vmem>>
      %dma_wait3A_225 = arith.constant 0 : i32
      %dma_wait3A_226 = tpu.memref_slice %arg7[%dma_wait3A_219, %dma_wait3A_225] : memref<80x128xi32, #tpu.memory_space<vmem>> -> memref<1x128xi32, #tpu.memory_space<vmem>>
      %dma_wait3A_227 = tpu.memref_squeeze %dma_wait3A_226 : memref<1x128xi32, #tpu.memory_space<vmem>> -> memref<128xi32, #tpu.memory_space<vmem>>
      %dma_wait3A_228 = arith.constant 0 : i32
      %dma_wait3A_229 = arith.constant 0 : i32
      %dma_wait3A_230 = tpu.memref_slice %arg15[%dma_wait3A_228, %dma_wait3A_229] : memref<10240x16xf32, #tpu.memory_space<vmem_shared>> -> memref<10240x16xf32, #tpu.memory_space<vmem_shared>>
      tpu.wait_indirect_dma semaphore(%arg17 : memref<!tpu.dma_semaphore, #tpu.memory_space<semaphore_mem>>) src(%dma_wait3A_230 : memref<10240x16xf32, #tpu.memory_space<vmem_shared>>) dst(%dma_wait3A_224 : memref<128x16xf32, #tpu.memory_space<vmem>>)
      %mul3A_231 = arith.constant 8 : i32
      %mul3A_232 = arith.muli %add3A_135, %mul3A_231 : i32
      %add3A_233 = arith.constant 0 : i32
      %add3A_234 = arith.addi %mul3A_232, %add3A_233 : i32
      %dma_start3A_235 = arith.constant 0 : i32
      %dma_start3A_236 = arith.constant 0 : i32
      %dma_start3A_237 = arith.constant 0 : i32
      %dma_start3A_238 = tpu.memref_slice %arg10[%dma_start3A_235, %dma_start3A_236, %dma_start3A_237] : memref<8x128x16xf32, #tpu.memory_space<vmem>> -> memref<1x128x16xf32, #tpu.memory_space<vmem>>
      %dma_start3A_239 = tpu.memref_squeeze %dma_start3A_238 : memref<1x128x16xf32, #tpu.memory_space<vmem>> -> memref<128x16xf32, #tpu.memory_space<vmem>>
      %dma_start3A_240 = arith.constant 0 : i32
      %dma_start3A_241 = tpu.memref_slice %arg7[%add3A_234, %dma_start3A_240] : memref<80x128xi32, #tpu.memory_space<vmem>> -> memref<1x128xi32, #tpu.memory_space<vmem>>
      %dma_start3A_242 = tpu.memref_squeeze %dma_start3A_241 : memref<1x128xi32, #tpu.memory_space<vmem>> -> memref<128xi32, #tpu.memory_space<vmem>>
      %dma_start3A_243 = arith.constant 0 : i32
      %dma_start3A_244 = arith.constant 0 : i32
      %dma_start3A_245 = tpu.memref_slice %arg15[%dma_start3A_243, %dma_start3A_244] : memref<10240x16xf32, #tpu.memory_space<vmem_shared>> -> memref<10240x16xf32, #tpu.memory_space<vmem_shared>>
      tpu.enqueue_indirect_dma source(%dma_start3A_245 : memref<10240x16xf32, #tpu.memory_space<vmem_shared>>) target(%dma_start3A_239 : memref<128x16xf32, #tpu.memory_space<vmem>>) offsets(%dma_start3A_242 : memref<128xi32, #tpu.memory_space<vmem>>) semaphore(%arg18 : memref<!tpu.dma_semaphore, #tpu.memory_space<semaphore_mem>>)
      %mul3A_246 = arith.constant 8 : i32
      %mul3A_247 = arith.muli %add3A_135, %mul3A_246 : i32
      %add3A_248 = arith.constant 1 : i32
      %add3A_249 = arith.addi %mul3A_247, %add3A_248 : i32
      %dma_start3A_250 = arith.constant 1 : i32
      %dma_start3A_251 = arith.constant 0 : i32
      %dma_start3A_252 = arith.constant 0 : i32
      %dma_start3A_253 = tpu.memref_slice %arg10[%dma_start3A_250, %dma_start3A_251, %dma_start3A_252] : memref<8x128x16xf32, #tpu.memory_space<vmem>> -> memref<1x128x16xf32, #tpu.memory_space<vmem>>
      %dma_start3A_254 = tpu.memref_squeeze %dma_start3A_253 : memref<1x128x16xf32, #tpu.memory_space<vmem>> -> memref<128x16xf32, #tpu.memory_space<vmem>>
      %dma_start3A_255 = arith.constant 0 : i32
      %dma_start3A_256 = tpu.memref_slice %arg7[%add3A_249, %dma_start3A_255] : memref<80x128xi32, #tpu.memory_space<vmem>> -> memref<1x128xi32, #tpu.memory_space<vmem>>
      %dma_start3A_257 = tpu.memref_squeeze %dma_start3A_256 : memref<1x128xi32, #tpu.memory_space<vmem>> -> memref<128xi32, #tpu.memory_space<vmem>>
      %dma_start3A_258 = arith.constant 0 : i32
      %dma_start3A_259 = arith.constant 0 : i32
      %dma_start3A_260 = tpu.memref_slice %arg15[%dma_start3A_258, %dma_start3A_259] : memref<10240x16xf32, #tpu.memory_space<vmem_shared>> -> memref<10240x16xf32, #tpu.memory_space<vmem_shared>>
      tpu.enqueue_indirect_dma source(%dma_start3A_260 : memref<10240x16xf32, #tpu.memory_space<vmem_shared>>) target(%dma_start3A_254 : memref<128x16xf32, #tpu.memory_space<vmem>>) offsets(%dma_start3A_257 : memref<128xi32, #tpu.memory_space<vmem>>) semaphore(%arg18 : memref<!tpu.dma_semaphore, #tpu.memory_space<semaphore_mem>>)
      %mul3A_261 = arith.constant 8 : i32
      %mul3A_262 = arith.muli %add3A_135, %mul3A_261 : i32
      %add3A_263 = arith.constant 2 : i32
      %add3A_264 = arith.addi %mul3A_262, %add3A_263 : i32
      %dma_start3A_265 = arith.constant 2 : i32
      %dma_start3A_266 = arith.constant 0 : i32
      %dma_start3A_267 = arith.constant 0 : i32
      %dma_start3A_268 = tpu.memref_slice %arg10[%dma_start3A_265, %dma_start3A_266, %dma_start3A_267] : memref<8x128x16xf32, #tpu.memory_space<vmem>> -> memref<1x128x16xf32, #tpu.memory_space<vmem>>
      %dma_start3A_269 = tpu.memref_squeeze %dma_start3A_268 : memref<1x128x16xf32, #tpu.memory_space<vmem>> -> memref<128x16xf32, #tpu.memory_space<vmem>>
      %dma_start3A_270 = arith.constant 0 : i32
      %dma_start3A_271 = tpu.memref_slice %arg7[%add3A_264, %dma_start3A_270] : memref<80x128xi32, #tpu.memory_space<vmem>> -> memref<1x128xi32, #tpu.memory_space<vmem>>
      %dma_start3A_272 = tpu.memref_squeeze %dma_start3A_271 : memref<1x128xi32, #tpu.memory_space<vmem>> -> memref<128xi32, #tpu.memory_space<vmem>>
      %dma_start3A_273 = arith.constant 0 : i32
      %dma_start3A_274 = arith.constant 0 : i32
      %dma_start3A_275 = tpu.memref_slice %arg15[%dma_start3A_273, %dma_start3A_274] : memref<10240x16xf32, #tpu.memory_space<vmem_shared>> -> memref<10240x16xf32, #tpu.memory_space<vmem_shared>>
      tpu.enqueue_indirect_dma source(%dma_start3A_275 : memref<10240x16xf32, #tpu.memory_space<vmem_shared>>) target(%dma_start3A_269 : memref<128x16xf32, #tpu.memory_space<vmem>>) offsets(%dma_start3A_272 : memref<128xi32, #tpu.memory_space<vmem>>) semaphore(%arg18 : memref<!tpu.dma_semaphore, #tpu.memory_space<semaphore_mem>>)
      %mul3A_276 = arith.constant 8 : i32
      %mul3A_277 = arith.muli %add3A_135, %mul3A_276 : i32
      %add3A_278 = arith.constant 3 : i32
      %add3A_279 = arith.addi %mul3A_277, %add3A_278 : i32
      %dma_start3A_280 = arith.constant 3 : i32
      %dma_start3A_281 = arith.constant 0 : i32
      %dma_start3A_282 = arith.constant 0 : i32
      %dma_start3A_283 = tpu.memref_slice %arg10[%dma_start3A_280, %dma_start3A_281, %dma_start3A_282] : memref<8x128x16xf32, #tpu.memory_space<vmem>> -> memref<1x128x16xf32, #tpu.memory_space<vmem>>
      %dma_start3A_284 = tpu.memref_squeeze %dma_start3A_283 : memref<1x128x16xf32, #tpu.memory_space<vmem>> -> memref<128x16xf32, #tpu.memory_space<vmem>>
      %dma_start3A_285 = arith.constant 0 : i32
      %dma_start3A_286 = tpu.memref_slice %arg7[%add3A_279, %dma_start3A_285] : memref<80x128xi32, #tpu.memory_space<vmem>> -> memref<1x128xi32, #tpu.memory_space<vmem>>
      %dma_start3A_287 = tpu.memref_squeeze %dma_start3A_286 : memref<1x128xi32, #tpu.memory_space<vmem>> -> memref<128xi32, #tpu.memory_space<vmem>>
      %dma_start3A_288 = arith.constant 0 : i32
      %dma_start3A_289 = arith.constant 0 : i32
      %dma_start3A_290 = tpu.memref_slice %arg15[%dma_start3A_288, %dma_start3A_289] : memref<10240x16xf32, #tpu.memory_space<vmem_shared>> -> memref<10240x16xf32, #tpu.memory_space<vmem_shared>>
      tpu.enqueue_indirect_dma source(%dma_start3A_290 : memref<10240x16xf32, #tpu.memory_space<vmem_shared>>) target(%dma_start3A_284 : memref<128x16xf32, #tpu.memory_space<vmem>>) offsets(%dma_start3A_287 : memref<128xi32, #tpu.memory_space<vmem>>) semaphore(%arg18 : memref<!tpu.dma_semaphore, #tpu.memory_space<semaphore_mem>>)
      %mul3A_291 = arith.constant 8 : i32
      %mul3A_292 = arith.muli %add3A_135, %mul3A_291 : i32
      %add3A_293 = arith.constant 4 : i32
      %add3A_294 = arith.addi %mul3A_292, %add3A_293 : i32
      %dma_start3A_295 = arith.constant 4 : i32
      %dma_start3A_296 = arith.constant 0 : i32
      %dma_start3A_297 = arith.constant 0 : i32
      %dma_start3A_298 = tpu.memref_slice %arg10[%dma_start3A_295, %dma_start3A_296, %dma_start3A_297] : memref<8x128x16xf32, #tpu.memory_space<vmem>> -> memref<1x128x16xf32, #tpu.memory_space<vmem>>
      %dma_start3A_299 = tpu.memref_squeeze %dma_start3A_298 : memref<1x128x16xf32, #tpu.memory_space<vmem>> -> memref<128x16xf32, #tpu.memory_space<vmem>>
      %dma_start3A_300 = arith.constant 0 : i32
      %dma_start3A_301 = tpu.memref_slice %arg7[%add3A_294, %dma_start3A_300] : memref<80x128xi32, #tpu.memory_space<vmem>> -> memref<1x128xi32, #tpu.memory_space<vmem>>
      %dma_start3A_302 = tpu.memref_squeeze %dma_start3A_301 : memref<1x128xi32, #tpu.memory_space<vmem>> -> memref<128xi32, #tpu.memory_space<vmem>>
      %dma_start3A_303 = arith.constant 0 : i32
      %dma_start3A_304 = arith.constant 0 : i32
      %dma_start3A_305 = tpu.memref_slice %arg15[%dma_start3A_303, %dma_start3A_304] : memref<10240x16xf32, #tpu.memory_space<vmem_shared>> -> memref<10240x16xf32, #tpu.memory_space<vmem_shared>>
      tpu.enqueue_indirect_dma source(%dma_start3A_305 : memref<10240x16xf32, #tpu.memory_space<vmem_shared>>) target(%dma_start3A_299 : memref<128x16xf32, #tpu.memory_space<vmem>>) offsets(%dma_start3A_302 : memref<128xi32, #tpu.memory_space<vmem>>) semaphore(%arg18 : memref<!tpu.dma_semaphore, #tpu.memory_space<semaphore_mem>>)
      %mul3A_306 = arith.constant 8 : i32
      %mul3A_307 = arith.muli %add3A_135, %mul3A_306 : i32
      %add3A_308 = arith.constant 5 : i32
      %add3A_309 = arith.addi %mul3A_307, %add3A_308 : i32
      %dma_start3A_310 = arith.constant 5 : i32
      %dma_start3A_311 = arith.constant 0 : i32
      %dma_start3A_312 = arith.constant 0 : i32
      %dma_start3A_313 = tpu.memref_slice %arg10[%dma_start3A_310, %dma_start3A_311, %dma_start3A_312] : memref<8x128x16xf32, #tpu.memory_space<vmem>> -> memref<1x128x16xf32, #tpu.memory_space<vmem>>
      %dma_start3A_314 = tpu.memref_squeeze %dma_start3A_313 : memref<1x128x16xf32, #tpu.memory_space<vmem>> -> memref<128x16xf32, #tpu.memory_space<vmem>>
      %dma_start3A_315 = arith.constant 0 : i32
      %dma_start3A_316 = tpu.memref_slice %arg7[%add3A_309, %dma_start3A_315] : memref<80x128xi32, #tpu.memory_space<vmem>> -> memref<1x128xi32, #tpu.memory_space<vmem>>
      %dma_start3A_317 = tpu.memref_squeeze %dma_start3A_316 : memref<1x128xi32, #tpu.memory_space<vmem>> -> memref<128xi32, #tpu.memory_space<vmem>>
      %dma_start3A_318 = arith.constant 0 : i32
      %dma_start3A_319 = arith.constant 0 : i32
      %dma_start3A_320 = tpu.memref_slice %arg15[%dma_start3A_318, %dma_start3A_319] : memref<10240x16xf32, #tpu.memory_space<vmem_shared>> -> memref<10240x16xf32, #tpu.memory_space<vmem_shared>>
      tpu.enqueue_indirect_dma source(%dma_start3A_320 : memref<10240x16xf32, #tpu.memory_space<vmem_shared>>) target(%dma_start3A_314 : memref<128x16xf32, #tpu.memory_space<vmem>>) offsets(%dma_start3A_317 : memref<128xi32, #tpu.memory_space<vmem>>) semaphore(%arg18 : memref<!tpu.dma_semaphore, #tpu.memory_space<semaphore_mem>>)
      %mul3A_321 = arith.constant 8 : i32
      %mul3A_322 = arith.muli %add3A_135, %mul3A_321 : i32
      %add3A_323 = arith.constant 6 : i32
      %add3A_324 = arith.addi %mul3A_322, %add3A_323 : i32
      %dma_start3A_325 = arith.constant 6 : i32
      %dma_start3A_326 = arith.constant 0 : i32
      %dma_start3A_327 = arith.constant 0 : i32
      %dma_start3A_328 = tpu.memref_slice %arg10[%dma_start3A_325, %dma_start3A_326, %dma_start3A_327] : memref<8x128x16xf32, #tpu.memory_space<vmem>> -> memref<1x128x16xf32, #tpu.memory_space<vmem>>
      %dma_start3A_329 = tpu.memref_squeeze %dma_start3A_328 : memref<1x128x16xf32, #tpu.memory_space<vmem>> -> memref<128x16xf32, #tpu.memory_space<vmem>>
      %dma_start3A_330 = arith.constant 0 : i32
      %dma_start3A_331 = tpu.memref_slice %arg7[%add3A_324, %dma_start3A_330] : memref<80x128xi32, #tpu.memory_space<vmem>> -> memref<1x128xi32, #tpu.memory_space<vmem>>
      %dma_start3A_332 = tpu.memref_squeeze %dma_start3A_331 : memref<1x128xi32, #tpu.memory_space<vmem>> -> memref<128xi32, #tpu.memory_space<vmem>>
      %dma_start3A_333 = arith.constant 0 : i32
      %dma_start3A_334 = arith.constant 0 : i32
      %dma_start3A_335 = tpu.memref_slice %arg15[%dma_start3A_333, %dma_start3A_334] : memref<10240x16xf32, #tpu.memory_space<vmem_shared>> -> memref<10240x16xf32, #tpu.memory_space<vmem_shared>>
      tpu.enqueue_indirect_dma source(%dma_start3A_335 : memref<10240x16xf32, #tpu.memory_space<vmem_shared>>) target(%dma_start3A_329 : memref<128x16xf32, #tpu.memory_space<vmem>>) offsets(%dma_start3A_332 : memref<128xi32, #tpu.memory_space<vmem>>) semaphore(%arg18 : memref<!tpu.dma_semaphore, #tpu.memory_space<semaphore_mem>>)
      %mul3A_336 = arith.constant 8 : i32
      %mul3A_337 = arith.muli %add3A_135, %mul3A_336 : i32
      %add3A_338 = arith.constant 7 : i32
      %add3A_339 = arith.addi %mul3A_337, %add3A_338 : i32
      %dma_start3A_340 = arith.constant 7 : i32
      %dma_start3A_341 = arith.constant 0 : i32
      %dma_start3A_342 = arith.constant 0 : i32
      %dma_start3A_343 = tpu.memref_slice %arg10[%dma_start3A_340, %dma_start3A_341, %dma_start3A_342] : memref<8x128x16xf32, #tpu.memory_space<vmem>> -> memref<1x128x16xf32, #tpu.memory_space<vmem>>
      %dma_start3A_344 = tpu.memref_squeeze %dma_start3A_343 : memref<1x128x16xf32, #tpu.memory_space<vmem>> -> memref<128x16xf32, #tpu.memory_space<vmem>>
      %dma_start3A_345 = arith.constant 0 : i32
      %dma_start3A_346 = tpu.memref_slice %arg7[%add3A_339, %dma_start3A_345] : memref<80x128xi32, #tpu.memory_space<vmem>> -> memref<1x128xi32, #tpu.memory_space<vmem>>
      %dma_start3A_347 = tpu.memref_squeeze %dma_start3A_346 : memref<1x128xi32, #tpu.memory_space<vmem>> -> memref<128xi32, #tpu.memory_space<vmem>>
      %dma_start3A_348 = arith.constant 0 : i32
      %dma_start3A_349 = arith.constant 0 : i32
      %dma_start3A_350 = tpu.memref_slice %arg15[%dma_start3A_348, %dma_start3A_349] : memref<10240x16xf32, #tpu.memory_space<vmem_shared>> -> memref<10240x16xf32, #tpu.memory_space<vmem_shared>>
      tpu.enqueue_indirect_dma source(%dma_start3A_350 : memref<10240x16xf32, #tpu.memory_space<vmem_shared>>) target(%dma_start3A_344 : memref<128x16xf32, #tpu.memory_space<vmem>>) offsets(%dma_start3A_347 : memref<128xi32, #tpu.memory_space<vmem>>) semaphore(%arg18 : memref<!tpu.dma_semaphore, #tpu.memory_space<semaphore_mem>>)
      %mul3A_351 = arith.constant 8 : i32
      %mul3A_352 = arith.muli %mul3A_131, %mul3A_351 : i32
      %add3A_353 = arith.constant 0 : i32
      %add3A_354 = arith.addi %mul3A_352, %add3A_353 : i32
      %dma_start3A_355 = arith.constant 0 : i32
      %dma_start3A_356 = arith.constant 0 : i32
      %dma_start3A_357 = arith.constant 0 : i32
      %dma_start3A_358 = tpu.memref_slice %arg9[%dma_start3A_355, %dma_start3A_356, %dma_start3A_357] : memref<8x128x16xf32, #tpu.memory_space<vmem>> -> memref<1x128x16xf32, #tpu.memory_space<vmem>>
      %dma_start3A_359 = tpu.memref_squeeze %dma_start3A_358 : memref<1x128x16xf32, #tpu.memory_space<vmem>> -> memref<128x16xf32, #tpu.memory_space<vmem>>
      %dma_start3A_360 = arith.constant 0 : i32
      %dma_start3A_361 = tpu.memref_slice %arg8[%add3A_354, %dma_start3A_360] : memref<80x128xi32, #tpu.memory_space<vmem>> -> memref<1x128xi32, #tpu.memory_space<vmem>>
      %dma_start3A_362 = tpu.memref_squeeze %dma_start3A_361 : memref<1x128xi32, #tpu.memory_space<vmem>> -> memref<128xi32, #tpu.memory_space<vmem>>
      %dma_start3A_363 = arith.constant 0 : i32
      %dma_start3A_364 = arith.constant 0 : i32
      %dma_start3A_365 = tpu.memref_slice %arg16[%dma_start3A_363, %dma_start3A_364] : memref<10240x16xf32, #tpu.memory_space<vmem_shared>> -> memref<10240x16xf32, #tpu.memory_space<vmem_shared>>
      tpu.enqueue_indirect_dma source(%dma_start3A_359 : memref<128x16xf32, #tpu.memory_space<vmem>>) target(%dma_start3A_365 : memref<10240x16xf32, #tpu.memory_space<vmem_shared>>) offsets(%dma_start3A_362 : memref<128xi32, #tpu.memory_space<vmem>>) semaphore(%arg19 : memref<!tpu.dma_semaphore, #tpu.memory_space<semaphore_mem>>) {add = true}
      %mul3A_366 = arith.constant 8 : i32
      %mul3A_367 = arith.muli %mul3A_131, %mul3A_366 : i32
      %add3A_368 = arith.constant 1 : i32
      %add3A_369 = arith.addi %mul3A_367, %add3A_368 : i32
      %dma_start3A_370 = arith.constant 1 : i32
      %dma_start3A_371 = arith.constant 0 : i32
      %dma_start3A_372 = arith.constant 0 : i32
      %dma_start3A_373 = tpu.memref_slice %arg9[%dma_start3A_370, %dma_start3A_371, %dma_start3A_372] : memref<8x128x16xf32, #tpu.memory_space<vmem>> -> memref<1x128x16xf32, #tpu.memory_space<vmem>>
      %dma_start3A_374 = tpu.memref_squeeze %dma_start3A_373 : memref<1x128x16xf32, #tpu.memory_space<vmem>> -> memref<128x16xf32, #tpu.memory_space<vmem>>
      %dma_start3A_375 = arith.constant 0 : i32
      %dma_start3A_376 = tpu.memref_slice %arg8[%add3A_369, %dma_start3A_375] : memref<80x128xi32, #tpu.memory_space<vmem>> -> memref<1x128xi32, #tpu.memory_space<vmem>>
      %dma_start3A_377 = tpu.memref_squeeze %dma_start3A_376 : memref<1x128xi32, #tpu.memory_space<vmem>> -> memref<128xi32, #tpu.memory_space<vmem>>
      %dma_start3A_378 = arith.constant 0 : i32
      %dma_start3A_379 = arith.constant 0 : i32
      %dma_start3A_380 = tpu.memref_slice %arg16[%dma_start3A_378, %dma_start3A_379] : memref<10240x16xf32, #tpu.memory_space<vmem_shared>> -> memref<10240x16xf32, #tpu.memory_space<vmem_shared>>
      tpu.enqueue_indirect_dma source(%dma_start3A_374 : memref<128x16xf32, #tpu.memory_space<vmem>>) target(%dma_start3A_380 : memref<10240x16xf32, #tpu.memory_space<vmem_shared>>) offsets(%dma_start3A_377 : memref<128xi32, #tpu.memory_space<vmem>>) semaphore(%arg19 : memref<!tpu.dma_semaphore, #tpu.memory_space<semaphore_mem>>) {add = true}
      %mul3A_381 = arith.constant 8 : i32
      %mul3A_382 = arith.muli %mul3A_131, %mul3A_381 : i32
      %add3A_383 = arith.constant 2 : i32
      %add3A_384 = arith.addi %mul3A_382, %add3A_383 : i32
      %dma_start3A_385 = arith.constant 2 : i32
      %dma_start3A_386 = arith.constant 0 : i32
      %dma_start3A_387 = arith.constant 0 : i32
      %dma_start3A_388 = tpu.memref_slice %arg9[%dma_start3A_385, %dma_start3A_386, %dma_start3A_387] : memref<8x128x16xf32, #tpu.memory_space<vmem>> -> memref<1x128x16xf32, #tpu.memory_space<vmem>>
      %dma_start3A_389 = tpu.memref_squeeze %dma_start3A_388 : memref<1x128x16xf32, #tpu.memory_space<vmem>> -> memref<128x16xf32, #tpu.memory_space<vmem>>
      %dma_start3A_390 = arith.constant 0 : i32
      %dma_start3A_391 = tpu.memref_slice %arg8[%add3A_384, %dma_start3A_390] : memref<80x128xi32, #tpu.memory_space<vmem>> -> memref<1x128xi32, #tpu.memory_space<vmem>>
      %dma_start3A_392 = tpu.memref_squeeze %dma_start3A_391 : memref<1x128xi32, #tpu.memory_space<vmem>> -> memref<128xi32, #tpu.memory_space<vmem>>
      %dma_start3A_393 = arith.constant 0 : i32
      %dma_start3A_394 = arith.constant 0 : i32
      %dma_start3A_395 = tpu.memref_slice %arg16[%dma_start3A_393, %dma_start3A_394] : memref<10240x16xf32, #tpu.memory_space<vmem_shared>> -> memref<10240x16xf32, #tpu.memory_space<vmem_shared>>
      tpu.enqueue_indirect_dma source(%dma_start3A_389 : memref<128x16xf32, #tpu.memory_space<vmem>>) target(%dma_start3A_395 : memref<10240x16xf32, #tpu.memory_space<vmem_shared>>) offsets(%dma_start3A_392 : memref<128xi32, #tpu.memory_space<vmem>>) semaphore(%arg19 : memref<!tpu.dma_semaphore, #tpu.memory_space<semaphore_mem>>) {add = true}
      %mul3A_396 = arith.constant 8 : i32
      %mul3A_397 = arith.muli %mul3A_131, %mul3A_396 : i32
      %add3A_398 = arith.constant 3 : i32
      %add3A_399 = arith.addi %mul3A_397, %add3A_398 : i32
      %dma_start3A_400 = arith.constant 3 : i32
      %dma_start3A_401 = arith.constant 0 : i32
      %dma_start3A_402 = arith.constant 0 : i32
      %dma_start3A_403 = tpu.memref_slice %arg9[%dma_start3A_400, %dma_start3A_401, %dma_start3A_402] : memref<8x128x16xf32, #tpu.memory_space<vmem>> -> memref<1x128x16xf32, #tpu.memory_space<vmem>>
      %dma_start3A_404 = tpu.memref_squeeze %dma_start3A_403 : memref<1x128x16xf32, #tpu.memory_space<vmem>> -> memref<128x16xf32, #tpu.memory_space<vmem>>
      %dma_start3A_405 = arith.constant 0 : i32
      %dma_start3A_406 = tpu.memref_slice %arg8[%add3A_399, %dma_start3A_405] : memref<80x128xi32, #tpu.memory_space<vmem>> -> memref<1x128xi32, #tpu.memory_space<vmem>>
      %dma_start3A_407 = tpu.memref_squeeze %dma_start3A_406 : memref<1x128xi32, #tpu.memory_space<vmem>> -> memref<128xi32, #tpu.memory_space<vmem>>
      %dma_start3A_408 = arith.constant 0 : i32
      %dma_start3A_409 = arith.constant 0 : i32
      %dma_start3A_410 = tpu.memref_slice %arg16[%dma_start3A_408, %dma_start3A_409] : memref<10240x16xf32, #tpu.memory_space<vmem_shared>> -> memref<10240x16xf32, #tpu.memory_space<vmem_shared>>
      tpu.enqueue_indirect_dma source(%dma_start3A_404 : memref<128x16xf32, #tpu.memory_space<vmem>>) target(%dma_start3A_410 : memref<10240x16xf32, #tpu.memory_space<vmem_shared>>) offsets(%dma_start3A_407 : memref<128xi32, #tpu.memory_space<vmem>>) semaphore(%arg19 : memref<!tpu.dma_semaphore, #tpu.memory_space<semaphore_mem>>) {add = true}
      %mul3A_411 = arith.constant 8 : i32
      %mul3A_412 = arith.muli %mul3A_131, %mul3A_411 : i32
      %add3A_413 = arith.constant 4 : i32
      %add3A_414 = arith.addi %mul3A_412, %add3A_413 : i32
      %dma_start3A_415 = arith.constant 4 : i32
      %dma_start3A_416 = arith.constant 0 : i32
      %dma_start3A_417 = arith.constant 0 : i32
      %dma_start3A_418 = tpu.memref_slice %arg9[%dma_start3A_415, %dma_start3A_416, %dma_start3A_417] : memref<8x128x16xf32, #tpu.memory_space<vmem>> -> memref<1x128x16xf32, #tpu.memory_space<vmem>>
      %dma_start3A_419 = tpu.memref_squeeze %dma_start3A_418 : memref<1x128x16xf32, #tpu.memory_space<vmem>> -> memref<128x16xf32, #tpu.memory_space<vmem>>
      %dma_start3A_420 = arith.constant 0 : i32
      %dma_start3A_421 = tpu.memref_slice %arg8[%add3A_414, %dma_start3A_420] : memref<80x128xi32, #tpu.memory_space<vmem>> -> memref<1x128xi32, #tpu.memory_space<vmem>>
      %dma_start3A_422 = tpu.memref_squeeze %dma_start3A_421 : memref<1x128xi32, #tpu.memory_space<vmem>> -> memref<128xi32, #tpu.memory_space<vmem>>
      %dma_start3A_423 = arith.constant 0 : i32
      %dma_start3A_424 = arith.constant 0 : i32
      %dma_start3A_425 = tpu.memref_slice %arg16[%dma_start3A_423, %dma_start3A_424] : memref<10240x16xf32, #tpu.memory_space<vmem_shared>> -> memref<10240x16xf32, #tpu.memory_space<vmem_shared>>
      tpu.enqueue_indirect_dma source(%dma_start3A_419 : memref<128x16xf32, #tpu.memory_space<vmem>>) target(%dma_start3A_425 : memref<10240x16xf32, #tpu.memory_space<vmem_shared>>) offsets(%dma_start3A_422 : memref<128xi32, #tpu.memory_space<vmem>>) semaphore(%arg19 : memref<!tpu.dma_semaphore, #tpu.memory_space<semaphore_mem>>) {add = true}
      %mul3A_426 = arith.constant 8 : i32
      %mul3A_427 = arith.muli %mul3A_131, %mul3A_426 : i32
      %add3A_428 = arith.constant 5 : i32
      %add3A_429 = arith.addi %mul3A_427, %add3A_428 : i32
      %dma_start3A_430 = arith.constant 5 : i32
      %dma_start3A_431 = arith.constant 0 : i32
      %dma_start3A_432 = arith.constant 0 : i32
      %dma_start3A_433 = tpu.memref_slice %arg9[%dma_start3A_430, %dma_start3A_431, %dma_start3A_432] : memref<8x128x16xf32, #tpu.memory_space<vmem>> -> memref<1x128x16xf32, #tpu.memory_space<vmem>>
      %dma_start3A_434 = tpu.memref_squeeze %dma_start3A_433 : memref<1x128x16xf32, #tpu.memory_space<vmem>> -> memref<128x16xf32, #tpu.memory_space<vmem>>
      %dma_start3A_435 = arith.constant 0 : i32
      %dma_start3A_436 = tpu.memref_slice %arg8[%add3A_429, %dma_start3A_435] : memref<80x128xi32, #tpu.memory_space<vmem>> -> memref<1x128xi32, #tpu.memory_space<vmem>>
      %dma_start3A_437 = tpu.memref_squeeze %dma_start3A_436 : memref<1x128xi32, #tpu.memory_space<vmem>> -> memref<128xi32, #tpu.memory_space<vmem>>
      %dma_start3A_438 = arith.constant 0 : i32
      %dma_start3A_439 = arith.constant 0 : i32
      %dma_start3A_440 = tpu.memref_slice %arg16[%dma_start3A_438, %dma_start3A_439] : memref<10240x16xf32, #tpu.memory_space<vmem_shared>> -> memref<10240x16xf32, #tpu.memory_space<vmem_shared>>
      tpu.enqueue_indirect_dma source(%dma_start3A_434 : memref<128x16xf32, #tpu.memory_space<vmem>>) target(%dma_start3A_440 : memref<10240x16xf32, #tpu.memory_space<vmem_shared>>) offsets(%dma_start3A_437 : memref<128xi32, #tpu.memory_space<vmem>>) semaphore(%arg19 : memref<!tpu.dma_semaphore, #tpu.memory_space<semaphore_mem>>) {add = true}
      %mul3A_441 = arith.constant 8 : i32
      %mul3A_442 = arith.muli %mul3A_131, %mul3A_441 : i32
      %add3A_443 = arith.constant 6 : i32
      %add3A_444 = arith.addi %mul3A_442, %add3A_443 : i32
      %dma_start3A_445 = arith.constant 6 : i32
      %dma_start3A_446 = arith.constant 0 : i32
      %dma_start3A_447 = arith.constant 0 : i32
      %dma_start3A_448 = tpu.memref_slice %arg9[%dma_start3A_445, %dma_start3A_446, %dma_start3A_447] : memref<8x128x16xf32, #tpu.memory_space<vmem>> -> memref<1x128x16xf32, #tpu.memory_space<vmem>>
      %dma_start3A_449 = tpu.memref_squeeze %dma_start3A_448 : memref<1x128x16xf32, #tpu.memory_space<vmem>> -> memref<128x16xf32, #tpu.memory_space<vmem>>
      %dma_start3A_450 = arith.constant 0 : i32
      %dma_start3A_451 = tpu.memref_slice %arg8[%add3A_444, %dma_start3A_450] : memref<80x128xi32, #tpu.memory_space<vmem>> -> memref<1x128xi32, #tpu.memory_space<vmem>>
      %dma_start3A_452 = tpu.memref_squeeze %dma_start3A_451 : memref<1x128xi32, #tpu.memory_space<vmem>> -> memref<128xi32, #tpu.memory_space<vmem>>
      %dma_start3A_453 = arith.constant 0 : i32
      %dma_start3A_454 = arith.constant 0 : i32
      %dma_start3A_455 = tpu.memref_slice %arg16[%dma_start3A_453, %dma_start3A_454] : memref<10240x16xf32, #tpu.memory_space<vmem_shared>> -> memref<10240x16xf32, #tpu.memory_space<vmem_shared>>
      tpu.enqueue_indirect_dma source(%dma_start3A_449 : memref<128x16xf32, #tpu.memory_space<vmem>>) target(%dma_start3A_455 : memref<10240x16xf32, #tpu.memory_space<vmem_shared>>) offsets(%dma_start3A_452 : memref<128xi32, #tpu.memory_space<vmem>>) semaphore(%arg19 : memref<!tpu.dma_semaphore, #tpu.memory_space<semaphore_mem>>) {add = true}
      %mul3A_456 = arith.constant 8 : i32
      %mul3A_457 = arith.muli %mul3A_131, %mul3A_456 : i32
      %add3A_458 = arith.constant 7 : i32
      %add3A_459 = arith.addi %mul3A_457, %add3A_458 : i32
      %dma_start3A_460 = arith.constant 7 : i32
      %dma_start3A_461 = arith.constant 0 : i32
      %dma_start3A_462 = arith.constant 0 : i32
      %dma_start3A_463 = tpu.memref_slice %arg9[%dma_start3A_460, %dma_start3A_461, %dma_start3A_462] : memref<8x128x16xf32, #tpu.memory_space<vmem>> -> memref<1x128x16xf32, #tpu.memory_space<vmem>>
      %dma_start3A_464 = tpu.memref_squeeze %dma_start3A_463 : memref<1x128x16xf32, #tpu.memory_space<vmem>> -> memref<128x16xf32, #tpu.memory_space<vmem>>
      %dma_start3A_465 = arith.constant 0 : i32
      %dma_start3A_466 = tpu.memref_slice %arg8[%add3A_459, %dma_start3A_465] : memref<80x128xi32, #tpu.memory_space<vmem>> -> memref<1x128xi32, #tpu.memory_space<vmem>>
      %dma_start3A_467 = tpu.memref_squeeze %dma_start3A_466 : memref<1x128xi32, #tpu.memory_space<vmem>> -> memref<128xi32, #tpu.memory_space<vmem>>
      %dma_start3A_468 = arith.constant 0 : i32
      %dma_start3A_469 = arith.constant 0 : i32
      %dma_start3A_470 = tpu.memref_slice %arg16[%dma_start3A_468, %dma_start3A_469] : memref<10240x16xf32, #tpu.memory_space<vmem_shared>> -> memref<10240x16xf32, #tpu.memory_space<vmem_shared>>
      tpu.enqueue_indirect_dma source(%dma_start3A_464 : memref<128x16xf32, #tpu.memory_space<vmem>>) target(%dma_start3A_470 : memref<10240x16xf32, #tpu.memory_space<vmem_shared>>) offsets(%dma_start3A_467 : memref<128xi32, #tpu.memory_space<vmem>>) semaphore(%arg19 : memref<!tpu.dma_semaphore, #tpu.memory_space<semaphore_mem>>) {add = true}
      %dma_wait3A_471 = arith.constant 0 : i32
      %dma_wait3A_472 = arith.constant 0 : i32
      %dma_wait3A_473 = arith.constant 0 : i32
      %dma_wait3A_474 = arith.constant 0 : i32
      %dma_wait3A_475 = tpu.memref_slice %arg10[%dma_wait3A_472, %dma_wait3A_473, %dma_wait3A_474] : memref<8x128x16xf32, #tpu.memory_space<vmem>> -> memref<1x128x16xf32, #tpu.memory_space<vmem>>
      %dma_wait3A_476 = tpu.memref_squeeze %dma_wait3A_475 : memref<1x128x16xf32, #tpu.memory_space<vmem>> -> memref<128x16xf32, #tpu.memory_space<vmem>>
      %dma_wait3A_477 = arith.constant 0 : i32
      %dma_wait3A_478 = tpu.memref_slice %arg7[%dma_wait3A_471, %dma_wait3A_477] : memref<80x128xi32, #tpu.memory_space<vmem>> -> memref<1x128xi32, #tpu.memory_space<vmem>>
      %dma_wait3A_479 = tpu.memref_squeeze %dma_wait3A_478 : memref<1x128xi32, #tpu.memory_space<vmem>> -> memref<128xi32, #tpu.memory_space<vmem>>
      %dma_wait3A_480 = arith.constant 0 : i32
      %dma_wait3A_481 = arith.constant 0 : i32
      %dma_wait3A_482 = tpu.memref_slice %arg15[%dma_wait3A_480, %dma_wait3A_481] : memref<10240x16xf32, #tpu.memory_space<vmem_shared>> -> memref<10240x16xf32, #tpu.memory_space<vmem_shared>>
      tpu.wait_indirect_dma semaphore(%arg18 : memref<!tpu.dma_semaphore, #tpu.memory_space<semaphore_mem>>) src(%dma_wait3A_482 : memref<10240x16xf32, #tpu.memory_space<vmem_shared>>) dst(%dma_wait3A_476 : memref<128x16xf32, #tpu.memory_space<vmem>>)
      %dma_wait3A_483 = arith.constant 0 : i32
      %dma_wait3A_484 = arith.constant 1 : i32
      %dma_wait3A_485 = arith.constant 0 : i32
      %dma_wait3A_486 = arith.constant 0 : i32
      %dma_wait3A_487 = tpu.memref_slice %arg10[%dma_wait3A_484, %dma_wait3A_485, %dma_wait3A_486] : memref<8x128x16xf32, #tpu.memory_space<vmem>> -> memref<1x128x16xf32, #tpu.memory_space<vmem>>
      %dma_wait3A_488 = tpu.memref_squeeze %dma_wait3A_487 : memref<1x128x16xf32, #tpu.memory_space<vmem>> -> memref<128x16xf32, #tpu.memory_space<vmem>>
      %dma_wait3A_489 = arith.constant 0 : i32
      %dma_wait3A_490 = tpu.memref_slice %arg7[%dma_wait3A_483, %dma_wait3A_489] : memref<80x128xi32, #tpu.memory_space<vmem>> -> memref<1x128xi32, #tpu.memory_space<vmem>>
      %dma_wait3A_491 = tpu.memref_squeeze %dma_wait3A_490 : memref<1x128xi32, #tpu.memory_space<vmem>> -> memref<128xi32, #tpu.memory_space<vmem>>
      %dma_wait3A_492 = arith.constant 0 : i32
      %dma_wait3A_493 = arith.constant 0 : i32
      %dma_wait3A_494 = tpu.memref_slice %arg15[%dma_wait3A_492, %dma_wait3A_493] : memref<10240x16xf32, #tpu.memory_space<vmem_shared>> -> memref<10240x16xf32, #tpu.memory_space<vmem_shared>>
      tpu.wait_indirect_dma semaphore(%arg18 : memref<!tpu.dma_semaphore, #tpu.memory_space<semaphore_mem>>) src(%dma_wait3A_494 : memref<10240x16xf32, #tpu.memory_space<vmem_shared>>) dst(%dma_wait3A_488 : memref<128x16xf32, #tpu.memory_space<vmem>>)
      %dma_wait3A_495 = arith.constant 0 : i32
      %dma_wait3A_496 = arith.constant 2 : i32
      %dma_wait3A_497 = arith.constant 0 : i32
      %dma_wait3A_498 = arith.constant 0 : i32
      %dma_wait3A_499 = tpu.memref_slice %arg10[%dma_wait3A_496, %dma_wait3A_497, %dma_wait3A_498] : memref<8x128x16xf32, #tpu.memory_space<vmem>> -> memref<1x128x16xf32, #tpu.memory_space<vmem>>
      %dma_wait3A_500 = tpu.memref_squeeze %dma_wait3A_499 : memref<1x128x16xf32, #tpu.memory_space<vmem>> -> memref<128x16xf32, #tpu.memory_space<vmem>>
      %dma_wait3A_501 = arith.constant 0 : i32
      %dma_wait3A_502 = tpu.memref_slice %arg7[%dma_wait3A_495, %dma_wait3A_501] : memref<80x128xi32, #tpu.memory_space<vmem>> -> memref<1x128xi32, #tpu.memory_space<vmem>>
      %dma_wait3A_503 = tpu.memref_squeeze %dma_wait3A_502 : memref<1x128xi32, #tpu.memory_space<vmem>> -> memref<128xi32, #tpu.memory_space<vmem>>
      %dma_wait3A_504 = arith.constant 0 : i32
      %dma_wait3A_505 = arith.constant 0 : i32
      %dma_wait3A_506 = tpu.memref_slice %arg15[%dma_wait3A_504, %dma_wait3A_505] : memref<10240x16xf32, #tpu.memory_space<vmem_shared>> -> memref<10240x16xf32, #tpu.memory_space<vmem_shared>>
      tpu.wait_indirect_dma semaphore(%arg18 : memref<!tpu.dma_semaphore, #tpu.memory_space<semaphore_mem>>) src(%dma_wait3A_506 : memref<10240x16xf32, #tpu.memory_space<vmem_shared>>) dst(%dma_wait3A_500 : memref<128x16xf32, #tpu.memory_space<vmem>>)
      %dma_wait3A_507 = arith.constant 0 : i32
      %dma_wait3A_508 = arith.constant 3 : i32
      %dma_wait3A_509 = arith.constant 0 : i32
      %dma_wait3A_510 = arith.constant 0 : i32
      %dma_wait3A_511 = tpu.memref_slice %arg10[%dma_wait3A_508, %dma_wait3A_509, %dma_wait3A_510] : memref<8x128x16xf32, #tpu.memory_space<vmem>> -> memref<1x128x16xf32, #tpu.memory_space<vmem>>
      %dma_wait3A_512 = tpu.memref_squeeze %dma_wait3A_511 : memref<1x128x16xf32, #tpu.memory_space<vmem>> -> memref<128x16xf32, #tpu.memory_space<vmem>>
      %dma_wait3A_513 = arith.constant 0 : i32
      %dma_wait3A_514 = tpu.memref_slice %arg7[%dma_wait3A_507, %dma_wait3A_513] : memref<80x128xi32, #tpu.memory_space<vmem>> -> memref<1x128xi32, #tpu.memory_space<vmem>>
      %dma_wait3A_515 = tpu.memref_squeeze %dma_wait3A_514 : memref<1x128xi32, #tpu.memory_space<vmem>> -> memref<128xi32, #tpu.memory_space<vmem>>
      %dma_wait3A_516 = arith.constant 0 : i32
      %dma_wait3A_517 = arith.constant 0 : i32
      %dma_wait3A_518 = tpu.memref_slice %arg15[%dma_wait3A_516, %dma_wait3A_517] : memref<10240x16xf32, #tpu.memory_space<vmem_shared>> -> memref<10240x16xf32, #tpu.memory_space<vmem_shared>>
      tpu.wait_indirect_dma semaphore(%arg18 : memref<!tpu.dma_semaphore, #tpu.memory_space<semaphore_mem>>) src(%dma_wait3A_518 : memref<10240x16xf32, #tpu.memory_space<vmem_shared>>) dst(%dma_wait3A_512 : memref<128x16xf32, #tpu.memory_space<vmem>>)
      %dma_wait3A_519 = arith.constant 0 : i32
      %dma_wait3A_520 = arith.constant 4 : i32
      %dma_wait3A_521 = arith.constant 0 : i32
      %dma_wait3A_522 = arith.constant 0 : i32
      %dma_wait3A_523 = tpu.memref_slice %arg10[%dma_wait3A_520, %dma_wait3A_521, %dma_wait3A_522] : memref<8x128x16xf32, #tpu.memory_space<vmem>> -> memref<1x128x16xf32, #tpu.memory_space<vmem>>
      %dma_wait3A_524 = tpu.memref_squeeze %dma_wait3A_523 : memref<1x128x16xf32, #tpu.memory_space<vmem>> -> memref<128x16xf32, #tpu.memory_space<vmem>>
      %dma_wait3A_525 = arith.constant 0 : i32
      %dma_wait3A_526 = tpu.memref_slice %arg7[%dma_wait3A_519, %dma_wait3A_525] : memref<80x128xi32, #tpu.memory_space<vmem>> -> memref<1x128xi32, #tpu.memory_space<vmem>>
      %dma_wait3A_527 = tpu.memref_squeeze %dma_wait3A_526 : memref<1x128xi32, #tpu.memory_space<vmem>> -> memref<128xi32, #tpu.memory_space<vmem>>
      %dma_wait3A_528 = arith.constant 0 : i32
      %dma_wait3A_529 = arith.constant 0 : i32
      %dma_wait3A_530 = tpu.memref_slice %arg15[%dma_wait3A_528, %dma_wait3A_529] : memref<10240x16xf32, #tpu.memory_space<vmem_shared>> -> memref<10240x16xf32, #tpu.memory_space<vmem_shared>>
      tpu.wait_indirect_dma semaphore(%arg18 : memref<!tpu.dma_semaphore, #tpu.memory_space<semaphore_mem>>) src(%dma_wait3A_530 : memref<10240x16xf32, #tpu.memory_space<vmem_shared>>) dst(%dma_wait3A_524 : memref<128x16xf32, #tpu.memory_space<vmem>>)
      %dma_wait3A_531 = arith.constant 0 : i32
      %dma_wait3A_532 = arith.constant 5 : i32
      %dma_wait3A_533 = arith.constant 0 : i32
      %dma_wait3A_534 = arith.constant 0 : i32
      %dma_wait3A_535 = tpu.memref_slice %arg10[%dma_wait3A_532, %dma_wait3A_533, %dma_wait3A_534] : memref<8x128x16xf32, #tpu.memory_space<vmem>> -> memref<1x128x16xf32, #tpu.memory_space<vmem>>
      %dma_wait3A_536 = tpu.memref_squeeze %dma_wait3A_535 : memref<1x128x16xf32, #tpu.memory_space<vmem>> -> memref<128x16xf32, #tpu.memory_space<vmem>>
      %dma_wait3A_537 = arith.constant 0 : i32
      %dma_wait3A_538 = tpu.memref_slice %arg7[%dma_wait3A_531, %dma_wait3A_537] : memref<80x128xi32, #tpu.memory_space<vmem>> -> memref<1x128xi32, #tpu.memory_space<vmem>>
      %dma_wait3A_539 = tpu.memref_squeeze %dma_wait3A_538 : memref<1x128xi32, #tpu.memory_space<vmem>> -> memref<128xi32, #tpu.memory_space<vmem>>
      %dma_wait3A_540 = arith.constant 0 : i32
      %dma_wait3A_541 = arith.constant 0 : i32
      %dma_wait3A_542 = tpu.memref_slice %arg15[%dma_wait3A_540, %dma_wait3A_541] : memref<10240x16xf32, #tpu.memory_space<vmem_shared>> -> memref<10240x16xf32, #tpu.memory_space<vmem_shared>>
      tpu.wait_indirect_dma semaphore(%arg18 : memref<!tpu.dma_semaphore, #tpu.memory_space<semaphore_mem>>) src(%dma_wait3A_542 : memref<10240x16xf32, #tpu.memory_space<vmem_shared>>) dst(%dma_wait3A_536 : memref<128x16xf32, #tpu.memory_space<vmem>>)
      %dma_wait3A_543 = arith.constant 0 : i32
      %dma_wait3A_544 = arith.constant 6 : i32
      %dma_wait3A_545 = arith.constant 0 : i32
      %dma_wait3A_546 = arith.constant 0 : i32
      %dma_wait3A_547 = tpu.memref_slice %arg10[%dma_wait3A_544, %dma_wait3A_545, %dma_wait3A_546] : memref<8x128x16xf32, #tpu.memory_space<vmem>> -> memref<1x128x16xf32, #tpu.memory_space<vmem>>
      %dma_wait3A_548 = tpu.memref_squeeze %dma_wait3A_547 : memref<1x128x16xf32, #tpu.memory_space<vmem>> -> memref<128x16xf32, #tpu.memory_space<vmem>>
      %dma_wait3A_549 = arith.constant 0 : i32
      %dma_wait3A_550 = tpu.memref_slice %arg7[%dma_wait3A_543, %dma_wait3A_549] : memref<80x128xi32, #tpu.memory_space<vmem>> -> memref<1x128xi32, #tpu.memory_space<vmem>>
      %dma_wait3A_551 = tpu.memref_squeeze %dma_wait3A_550 : memref<1x128xi32, #tpu.memory_space<vmem>> -> memref<128xi32, #tpu.memory_space<vmem>>
      %dma_wait3A_552 = arith.constant 0 : i32
      %dma_wait3A_553 = arith.constant 0 : i32
      %dma_wait3A_554 = tpu.memref_slice %arg15[%dma_wait3A_552, %dma_wait3A_553] : memref<10240x16xf32, #tpu.memory_space<vmem_shared>> -> memref<10240x16xf32, #tpu.memory_space<vmem_shared>>
      tpu.wait_indirect_dma semaphore(%arg18 : memref<!tpu.dma_semaphore, #tpu.memory_space<semaphore_mem>>) src(%dma_wait3A_554 : memref<10240x16xf32, #tpu.memory_space<vmem_shared>>) dst(%dma_wait3A_548 : memref<128x16xf32, #tpu.memory_space<vmem>>)
      %dma_wait3A_555 = arith.constant 0 : i32
      %dma_wait3A_556 = arith.constant 7 : i32
      %dma_wait3A_557 = arith.constant 0 : i32
      %dma_wait3A_558 = arith.constant 0 : i32
      %dma_wait3A_559 = tpu.memref_slice %arg10[%dma_wait3A_556, %dma_wait3A_557, %dma_wait3A_558] : memref<8x128x16xf32, #tpu.memory_space<vmem>> -> memref<1x128x16xf32, #tpu.memory_space<vmem>>
      %dma_wait3A_560 = tpu.memref_squeeze %dma_wait3A_559 : memref<1x128x16xf32, #tpu.memory_space<vmem>> -> memref<128x16xf32, #tpu.memory_space<vmem>>
      %dma_wait3A_561 = arith.constant 0 : i32
      %dma_wait3A_562 = tpu.memref_slice %arg7[%dma_wait3A_555, %dma_wait3A_561] : memref<80x128xi32, #tpu.memory_space<vmem>> -> memref<1x128xi32, #tpu.memory_space<vmem>>
      %dma_wait3A_563 = tpu.memref_squeeze %dma_wait3A_562 : memref<1x128xi32, #tpu.memory_space<vmem>> -> memref<128xi32, #tpu.memory_space<vmem>>
      %dma_wait3A_564 = arith.constant 0 : i32
      %dma_wait3A_565 = arith.constant 0 : i32
      %dma_wait3A_566 = tpu.memref_slice %arg15[%dma_wait3A_564, %dma_wait3A_565] : memref<10240x16xf32, #tpu.memory_space<vmem_shared>> -> memref<10240x16xf32, #tpu.memory_space<vmem_shared>>
      tpu.wait_indirect_dma semaphore(%arg18 : memref<!tpu.dma_semaphore, #tpu.memory_space<semaphore_mem>>) src(%dma_wait3A_566 : memref<10240x16xf32, #tpu.memory_space<vmem_shared>>) dst(%dma_wait3A_560 : memref<128x16xf32, #tpu.memory_space<vmem>>)
      %dma_wait3A_567 = arith.constant 0 : i32
      %dma_wait3A_568 = arith.constant 0 : i32
      %dma_wait3A_569 = arith.constant 0 : i32
      %dma_wait3A_570 = arith.constant 0 : i32
      %dma_wait3A_571 = tpu.memref_slice %arg9[%dma_wait3A_567, %dma_wait3A_569, %dma_wait3A_570] : memref<8x128x16xf32, #tpu.memory_space<vmem>> -> memref<1x128x16xf32, #tpu.memory_space<vmem>>
      %dma_wait3A_572 = tpu.memref_squeeze %dma_wait3A_571 : memref<1x128x16xf32, #tpu.memory_space<vmem>> -> memref<128x16xf32, #tpu.memory_space<vmem>>
      %dma_wait3A_573 = arith.constant 0 : i32
      %dma_wait3A_574 = tpu.memref_slice %arg8[%dma_wait3A_568, %dma_wait3A_573] : memref<80x128xi32, #tpu.memory_space<vmem>> -> memref<1x128xi32, #tpu.memory_space<vmem>>
      %dma_wait3A_575 = tpu.memref_squeeze %dma_wait3A_574 : memref<1x128xi32, #tpu.memory_space<vmem>> -> memref<128xi32, #tpu.memory_space<vmem>>
      %dma_wait3A_576 = arith.constant 0 : i32
      %dma_wait3A_577 = arith.constant 0 : i32
      %dma_wait3A_578 = tpu.memref_slice %arg16[%dma_wait3A_576, %dma_wait3A_577] : memref<10240x16xf32, #tpu.memory_space<vmem_shared>> -> memref<10240x16xf32, #tpu.memory_space<vmem_shared>>
      tpu.wait_indirect_dma semaphore(%arg19 : memref<!tpu.dma_semaphore, #tpu.memory_space<semaphore_mem>>) src(%dma_wait3A_572 : memref<128x16xf32, #tpu.memory_space<vmem>>) dst(%dma_wait3A_578 : memref<10240x16xf32, #tpu.memory_space<vmem_shared>>)
      %dma_wait3A_579 = arith.constant 1 : i32
      %dma_wait3A_580 = arith.constant 0 : i32
      %dma_wait3A_581 = arith.constant 0 : i32
      %dma_wait3A_582 = arith.constant 0 : i32
      %dma_wait3A_583 = tpu.memref_slice %arg9[%dma_wait3A_579, %dma_wait3A_581, %dma_wait3A_582] : memref<8x128x16xf32, #tpu.memory_space<vmem>> -> memref<1x128x16xf32, #tpu.memory_space<vmem>>
      %dma_wait3A_584 = tpu.memref_squeeze %dma_wait3A_583 : memref<1x128x16xf32, #tpu.memory_space<vmem>> -> memref<128x16xf32, #tpu.memory_space<vmem>>
      %dma_wait3A_585 = arith.constant 0 : i32
      %dma_wait3A_586 = tpu.memref_slice %arg8[%dma_wait3A_580, %dma_wait3A_585] : memref<80x128xi32, #tpu.memory_space<vmem>> -> memref<1x128xi32, #tpu.memory_space<vmem>>
      %dma_wait3A_587 = tpu.memref_squeeze %dma_wait3A_586 : memref<1x128xi32, #tpu.memory_space<vmem>> -> memref<128xi32, #tpu.memory_space<vmem>>
      %dma_wait3A_588 = arith.constant 0 : i32
      %dma_wait3A_589 = arith.constant 0 : i32
      %dma_wait3A_590 = tpu.memref_slice %arg16[%dma_wait3A_588, %dma_wait3A_589] : memref<10240x16xf32, #tpu.memory_space<vmem_shared>> -> memref<10240x16xf32, #tpu.memory_space<vmem_shared>>
      tpu.wait_indirect_dma semaphore(%arg19 : memref<!tpu.dma_semaphore, #tpu.memory_space<semaphore_mem>>) src(%dma_wait3A_584 : memref<128x16xf32, #tpu.memory_space<vmem>>) dst(%dma_wait3A_590 : memref<10240x16xf32, #tpu.memory_space<vmem_shared>>)
      %dma_wait3A_591 = arith.constant 2 : i32
      %dma_wait3A_592 = arith.constant 0 : i32
      %dma_wait3A_593 = arith.constant 0 : i32
      %dma_wait3A_594 = arith.constant 0 : i32
      %dma_wait3A_595 = tpu.memref_slice %arg9[%dma_wait3A_591, %dma_wait3A_593, %dma_wait3A_594] : memref<8x128x16xf32, #tpu.memory_space<vmem>> -> memref<1x128x16xf32, #tpu.memory_space<vmem>>
      %dma_wait3A_596 = tpu.memref_squeeze %dma_wait3A_595 : memref<1x128x16xf32, #tpu.memory_space<vmem>> -> memref<128x16xf32, #tpu.memory_space<vmem>>
      %dma_wait3A_597 = arith.constant 0 : i32
      %dma_wait3A_598 = tpu.memref_slice %arg8[%dma_wait3A_592, %dma_wait3A_597] : memref<80x128xi32, #tpu.memory_space<vmem>> -> memref<1x128xi32, #tpu.memory_space<vmem>>
      %dma_wait3A_599 = tpu.memref_squeeze %dma_wait3A_598 : memref<1x128xi32, #tpu.memory_space<vmem>> -> memref<128xi32, #tpu.memory_space<vmem>>
      %dma_wait3A_600 = arith.constant 0 : i32
      %dma_wait3A_601 = arith.constant 0 : i32
      %dma_wait3A_602 = tpu.memref_slice %arg16[%dma_wait3A_600, %dma_wait3A_601] : memref<10240x16xf32, #tpu.memory_space<vmem_shared>> -> memref<10240x16xf32, #tpu.memory_space<vmem_shared>>
      tpu.wait_indirect_dma semaphore(%arg19 : memref<!tpu.dma_semaphore, #tpu.memory_space<semaphore_mem>>) src(%dma_wait3A_596 : memref<128x16xf32, #tpu.memory_space<vmem>>) dst(%dma_wait3A_602 : memref<10240x16xf32, #tpu.memory_space<vmem_shared>>)
      %dma_wait3A_603 = arith.constant 3 : i32
      %dma_wait3A_604 = arith.constant 0 : i32
      %dma_wait3A_605 = arith.constant 0 : i32
      %dma_wait3A_606 = arith.constant 0 : i32
      %dma_wait3A_607 = tpu.memref_slice %arg9[%dma_wait3A_603, %dma_wait3A_605, %dma_wait3A_606] : memref<8x128x16xf32, #tpu.memory_space<vmem>> -> memref<1x128x16xf32, #tpu.memory_space<vmem>>
      %dma_wait3A_608 = tpu.memref_squeeze %dma_wait3A_607 : memref<1x128x16xf32, #tpu.memory_space<vmem>> -> memref<128x16xf32, #tpu.memory_space<vmem>>
      %dma_wait3A_609 = arith.constant 0 : i32
      %dma_wait3A_610 = tpu.memref_slice %arg8[%dma_wait3A_604, %dma_wait3A_609] : memref<80x128xi32, #tpu.memory_space<vmem>> -> memref<1x128xi32, #tpu.memory_space<vmem>>
      %dma_wait3A_611 = tpu.memref_squeeze %dma_wait3A_610 : memref<1x128xi32, #tpu.memory_space<vmem>> -> memref<128xi32, #tpu.memory_space<vmem>>
      %dma_wait3A_612 = arith.constant 0 : i32
      %dma_wait3A_613 = arith.constant 0 : i32
      %dma_wait3A_614 = tpu.memref_slice %arg16[%dma_wait3A_612, %dma_wait3A_613] : memref<10240x16xf32, #tpu.memory_space<vmem_shared>> -> memref<10240x16xf32, #tpu.memory_space<vmem_shared>>
      tpu.wait_indirect_dma semaphore(%arg19 : memref<!tpu.dma_semaphore, #tpu.memory_space<semaphore_mem>>) src(%dma_wait3A_608 : memref<128x16xf32, #tpu.memory_space<vmem>>) dst(%dma_wait3A_614 : memref<10240x16xf32, #tpu.memory_space<vmem_shared>>)
      %dma_wait3A_615 = arith.constant 4 : i32
      %dma_wait3A_616 = arith.constant 0 : i32
      %dma_wait3A_617 = arith.constant 0 : i32
      %dma_wait3A_618 = arith.constant 0 : i32
      %dma_wait3A_619 = tpu.memref_slice %arg9[%dma_wait3A_615, %dma_wait3A_617, %dma_wait3A_618] : memref<8x128x16xf32, #tpu.memory_space<vmem>> -> memref<1x128x16xf32, #tpu.memory_space<vmem>>
      %dma_wait3A_620 = tpu.memref_squeeze %dma_wait3A_619 : memref<1x128x16xf32, #tpu.memory_space<vmem>> -> memref<128x16xf32, #tpu.memory_space<vmem>>
      %dma_wait3A_621 = arith.constant 0 : i32
      %dma_wait3A_622 = tpu.memref_slice %arg8[%dma_wait3A_616, %dma_wait3A_621] : memref<80x128xi32, #tpu.memory_space<vmem>> -> memref<1x128xi32, #tpu.memory_space<vmem>>
      %dma_wait3A_623 = tpu.memref_squeeze %dma_wait3A_622 : memref<1x128xi32, #tpu.memory_space<vmem>> -> memref<128xi32, #tpu.memory_space<vmem>>
      %dma_wait3A_624 = arith.constant 0 : i32
      %dma_wait3A_625 = arith.constant 0 : i32
      %dma_wait3A_626 = tpu.memref_slice %arg16[%dma_wait3A_624, %dma_wait3A_625] : memref<10240x16xf32, #tpu.memory_space<vmem_shared>> -> memref<10240x16xf32, #tpu.memory_space<vmem_shared>>
      tpu.wait_indirect_dma semaphore(%arg19 : memref<!tpu.dma_semaphore, #tpu.memory_space<semaphore_mem>>) src(%dma_wait3A_620 : memref<128x16xf32, #tpu.memory_space<vmem>>) dst(%dma_wait3A_626 : memref<10240x16xf32, #tpu.memory_space<vmem_shared>>)
      %dma_wait3A_627 = arith.constant 5 : i32
      %dma_wait3A_628 = arith.constant 0 : i32
      %dma_wait3A_629 = arith.constant 0 : i32
      %dma_wait3A_630 = arith.constant 0 : i32
      %dma_wait3A_631 = tpu.memref_slice %arg9[%dma_wait3A_627, %dma_wait3A_629, %dma_wait3A_630] : memref<8x128x16xf32, #tpu.memory_space<vmem>> -> memref<1x128x16xf32, #tpu.memory_space<vmem>>
      %dma_wait3A_632 = tpu.memref_squeeze %dma_wait3A_631 : memref<1x128x16xf32, #tpu.memory_space<vmem>> -> memref<128x16xf32, #tpu.memory_space<vmem>>
      %dma_wait3A_633 = arith.constant 0 : i32
      %dma_wait3A_634 = tpu.memref_slice %arg8[%dma_wait3A_628, %dma_wait3A_633] : memref<80x128xi32, #tpu.memory_space<vmem>> -> memref<1x128xi32, #tpu.memory_space<vmem>>
      %dma_wait3A_635 = tpu.memref_squeeze %dma_wait3A_634 : memref<1x128xi32, #tpu.memory_space<vmem>> -> memref<128xi32, #tpu.memory_space<vmem>>
      %dma_wait3A_636 = arith.constant 0 : i32
      %dma_wait3A_637 = arith.constant 0 : i32
      %dma_wait3A_638 = tpu.memref_slice %arg16[%dma_wait3A_636, %dma_wait3A_637] : memref<10240x16xf32, #tpu.memory_space<vmem_shared>> -> memref<10240x16xf32, #tpu.memory_space<vmem_shared>>
      tpu.wait_indirect_dma semaphore(%arg19 : memref<!tpu.dma_semaphore, #tpu.memory_space<semaphore_mem>>) src(%dma_wait3A_632 : memref<128x16xf32, #tpu.memory_space<vmem>>) dst(%dma_wait3A_638 : memref<10240x16xf32, #tpu.memory_space<vmem_shared>>)
      %dma_wait3A_639 = arith.constant 6 : i32
      %dma_wait3A_640 = arith.constant 0 : i32
      %dma_wait3A_641 = arith.constant 0 : i32
      %dma_wait3A_642 = arith.constant 0 : i32
      %dma_wait3A_643 = tpu.memref_slice %arg9[%dma_wait3A_639, %dma_wait3A_641, %dma_wait3A_642] : memref<8x128x16xf32, #tpu.memory_space<vmem>> -> memref<1x128x16xf32, #tpu.memory_space<vmem>>
      %dma_wait3A_644 = tpu.memref_squeeze %dma_wait3A_643 : memref<1x128x16xf32, #tpu.memory_space<vmem>> -> memref<128x16xf32, #tpu.memory_space<vmem>>
      %dma_wait3A_645 = arith.constant 0 : i32
      %dma_wait3A_646 = tpu.memref_slice %arg8[%dma_wait3A_640, %dma_wait3A_645] : memref<80x128xi32, #tpu.memory_space<vmem>> -> memref<1x128xi32, #tpu.memory_space<vmem>>
      %dma_wait3A_647 = tpu.memref_squeeze %dma_wait3A_646 : memref<1x128xi32, #tpu.memory_space<vmem>> -> memref<128xi32, #tpu.memory_space<vmem>>
      %dma_wait3A_648 = arith.constant 0 : i32
      %dma_wait3A_649 = arith.constant 0 : i32
      %dma_wait3A_650 = tpu.memref_slice %arg16[%dma_wait3A_648, %dma_wait3A_649] : memref<10240x16xf32, #tpu.memory_space<vmem_shared>> -> memref<10240x16xf32, #tpu.memory_space<vmem_shared>>
      tpu.wait_indirect_dma semaphore(%arg19 : memref<!tpu.dma_semaphore, #tpu.memory_space<semaphore_mem>>) src(%dma_wait3A_644 : memref<128x16xf32, #tpu.memory_space<vmem>>) dst(%dma_wait3A_650 : memref<10240x16xf32, #tpu.memory_space<vmem_shared>>)
      %dma_wait3A_651 = arith.constant 7 : i32
      %dma_wait3A_652 = arith.constant 0 : i32
      %dma_wait3A_653 = arith.constant 0 : i32
      %dma_wait3A_654 = arith.constant 0 : i32
      %dma_wait3A_655 = tpu.memref_slice %arg9[%dma_wait3A_651, %dma_wait3A_653, %dma_wait3A_654] : memref<8x128x16xf32, #tpu.memory_space<vmem>> -> memref<1x128x16xf32, #tpu.memory_space<vmem>>
      %dma_wait3A_656 = tpu.memref_squeeze %dma_wait3A_655 : memref<1x128x16xf32, #tpu.memory_space<vmem>> -> memref<128x16xf32, #tpu.memory_space<vmem>>
      %dma_wait3A_657 = arith.constant 0 : i32
      %dma_wait3A_658 = tpu.memref_slice %arg8[%dma_wait3A_652, %dma_wait3A_657] : memref<80x128xi32, #tpu.memory_space<vmem>> -> memref<1x128xi32, #tpu.memory_space<vmem>>
      %dma_wait3A_659 = tpu.memref_squeeze %dma_wait3A_658 : memref<1x128xi32, #tpu.memory_space<vmem>> -> memref<128xi32, #tpu.memory_space<vmem>>
      %dma_wait3A_660 = arith.constant 0 : i32
      %dma_wait3A_661 = arith.constant 0 : i32
      %dma_wait3A_662 = tpu.memref_slice %arg16[%dma_wait3A_660, %dma_wait3A_661] : memref<10240x16xf32, #tpu.memory_space<vmem_shared>> -> memref<10240x16xf32, #tpu.memory_space<vmem_shared>>
      tpu.wait_indirect_dma semaphore(%arg19 : memref<!tpu.dma_semaphore, #tpu.memory_space<semaphore_mem>>) src(%dma_wait3A_656 : memref<128x16xf32, #tpu.memory_space<vmem>>) dst(%dma_wait3A_662 : memref<10240x16xf32, #tpu.memory_space<vmem_shared>>)
      %lt3A = arith.constant 4 : i32
      %lt3A_663 = arith.cmpi slt, %scan3A_129, %lt3A : i32
      %convert_element_type3A = arith.extui %lt3A_663 : i1 to i32
      %cond3A = arith.constant 0 : i32
      %cond3A_664 = arith.cmpi ne, %convert_element_type3A, %cond3A : i32
      scf.if %cond3A_664 {
        %add3A_881 = arith.constant 2 : i32
        %add3A_882 = arith.addi %mul3A_131, %add3A_881 : i32
        %mul3A_883 = arith.constant 8 : i32
        %mul3A_884 = arith.muli %add3A_882, %mul3A_883 : i32
        %add3A_885 = arith.constant 0 : i32
        %add3A_886 = arith.addi %mul3A_884, %add3A_885 : i32
        %dma_start3A_887 = arith.constant 0 : i32
        %dma_start3A_888 = arith.constant 0 : i32
        %dma_start3A_889 = arith.constant 0 : i32
        %dma_start3A_890 = tpu.memref_slice %arg9[%dma_start3A_887, %dma_start3A_888, %dma_start3A_889] : memref<8x128x16xf32, #tpu.memory_space<vmem>> -> memref<1x128x16xf32, #tpu.memory_space<vmem>>
        %dma_start3A_891 = tpu.memref_squeeze %dma_start3A_890 : memref<1x128x16xf32, #tpu.memory_space<vmem>> -> memref<128x16xf32, #tpu.memory_space<vmem>>
        %dma_start3A_892 = arith.constant 0 : i32
        %dma_start3A_893 = tpu.memref_slice %arg7[%add3A_886, %dma_start3A_892] : memref<80x128xi32, #tpu.memory_space<vmem>> -> memref<1x128xi32, #tpu.memory_space<vmem>>
        %dma_start3A_894 = tpu.memref_squeeze %dma_start3A_893 : memref<1x128xi32, #tpu.memory_space<vmem>> -> memref<128xi32, #tpu.memory_space<vmem>>
        %dma_start3A_895 = arith.constant 0 : i32
        %dma_start3A_896 = arith.constant 0 : i32
        %dma_start3A_897 = tpu.memref_slice %arg15[%dma_start3A_895, %dma_start3A_896] : memref<10240x16xf32, #tpu.memory_space<vmem_shared>> -> memref<10240x16xf32, #tpu.memory_space<vmem_shared>>
        tpu.enqueue_indirect_dma source(%dma_start3A_897 : memref<10240x16xf32, #tpu.memory_space<vmem_shared>>) target(%dma_start3A_891 : memref<128x16xf32, #tpu.memory_space<vmem>>) offsets(%dma_start3A_894 : memref<128xi32, #tpu.memory_space<vmem>>) semaphore(%arg17 : memref<!tpu.dma_semaphore, #tpu.memory_space<semaphore_mem>>)
        %mul3A_898 = arith.constant 8 : i32
        %mul3A_899 = arith.muli %add3A_882, %mul3A_898 : i32
        %add3A_900 = arith.constant 1 : i32
        %add3A_901 = arith.addi %mul3A_899, %add3A_900 : i32
        %dma_start3A_902 = arith.constant 1 : i32
        %dma_start3A_903 = arith.constant 0 : i32
        %dma_start3A_904 = arith.constant 0 : i32
        %dma_start3A_905 = tpu.memref_slice %arg9[%dma_start3A_902, %dma_start3A_903, %dma_start3A_904] : memref<8x128x16xf32, #tpu.memory_space<vmem>> -> memref<1x128x16xf32, #tpu.memory_space<vmem>>
        %dma_start3A_906 = tpu.memref_squeeze %dma_start3A_905 : memref<1x128x16xf32, #tpu.memory_space<vmem>> -> memref<128x16xf32, #tpu.memory_space<vmem>>
        %dma_start3A_907 = arith.constant 0 : i32
        %dma_start3A_908 = tpu.memref_slice %arg7[%add3A_901, %dma_start3A_907] : memref<80x128xi32, #tpu.memory_space<vmem>> -> memref<1x128xi32, #tpu.memory_space<vmem>>
        %dma_start3A_909 = tpu.memref_squeeze %dma_start3A_908 : memref<1x128xi32, #tpu.memory_space<vmem>> -> memref<128xi32, #tpu.memory_space<vmem>>
        %dma_start3A_910 = arith.constant 0 : i32
        %dma_start3A_911 = arith.constant 0 : i32
        %dma_start3A_912 = tpu.memref_slice %arg15[%dma_start3A_910, %dma_start3A_911] : memref<10240x16xf32, #tpu.memory_space<vmem_shared>> -> memref<10240x16xf32, #tpu.memory_space<vmem_shared>>
        tpu.enqueue_indirect_dma source(%dma_start3A_912 : memref<10240x16xf32, #tpu.memory_space<vmem_shared>>) target(%dma_start3A_906 : memref<128x16xf32, #tpu.memory_space<vmem>>) offsets(%dma_start3A_909 : memref<128xi32, #tpu.memory_space<vmem>>) semaphore(%arg17 : memref<!tpu.dma_semaphore, #tpu.memory_space<semaphore_mem>>)
        %mul3A_913 = arith.constant 8 : i32
        %mul3A_914 = arith.muli %add3A_882, %mul3A_913 : i32
        %add3A_915 = arith.constant 2 : i32
        %add3A_916 = arith.addi %mul3A_914, %add3A_915 : i32
        %dma_start3A_917 = arith.constant 2 : i32
        %dma_start3A_918 = arith.constant 0 : i32
        %dma_start3A_919 = arith.constant 0 : i32
        %dma_start3A_920 = tpu.memref_slice %arg9[%dma_start3A_917, %dma_start3A_918, %dma_start3A_919] : memref<8x128x16xf32, #tpu.memory_space<vmem>> -> memref<1x128x16xf32, #tpu.memory_space<vmem>>
        %dma_start3A_921 = tpu.memref_squeeze %dma_start3A_920 : memref<1x128x16xf32, #tpu.memory_space<vmem>> -> memref<128x16xf32, #tpu.memory_space<vmem>>
        %dma_start3A_922 = arith.constant 0 : i32
        %dma_start3A_923 = tpu.memref_slice %arg7[%add3A_916, %dma_start3A_922] : memref<80x128xi32, #tpu.memory_space<vmem>> -> memref<1x128xi32, #tpu.memory_space<vmem>>
        %dma_start3A_924 = tpu.memref_squeeze %dma_start3A_923 : memref<1x128xi32, #tpu.memory_space<vmem>> -> memref<128xi32, #tpu.memory_space<vmem>>
        %dma_start3A_925 = arith.constant 0 : i32
        %dma_start3A_926 = arith.constant 0 : i32
        %dma_start3A_927 = tpu.memref_slice %arg15[%dma_start3A_925, %dma_start3A_926] : memref<10240x16xf32, #tpu.memory_space<vmem_shared>> -> memref<10240x16xf32, #tpu.memory_space<vmem_shared>>
        tpu.enqueue_indirect_dma source(%dma_start3A_927 : memref<10240x16xf32, #tpu.memory_space<vmem_shared>>) target(%dma_start3A_921 : memref<128x16xf32, #tpu.memory_space<vmem>>) offsets(%dma_start3A_924 : memref<128xi32, #tpu.memory_space<vmem>>) semaphore(%arg17 : memref<!tpu.dma_semaphore, #tpu.memory_space<semaphore_mem>>)
        %mul3A_928 = arith.constant 8 : i32
        %mul3A_929 = arith.muli %add3A_882, %mul3A_928 : i32
        %add3A_930 = arith.constant 3 : i32
        %add3A_931 = arith.addi %mul3A_929, %add3A_930 : i32
        %dma_start3A_932 = arith.constant 3 : i32
        %dma_start3A_933 = arith.constant 0 : i32
        %dma_start3A_934 = arith.constant 0 : i32
        %dma_start3A_935 = tpu.memref_slice %arg9[%dma_start3A_932, %dma_start3A_933, %dma_start3A_934] : memref<8x128x16xf32, #tpu.memory_space<vmem>> -> memref<1x128x16xf32, #tpu.memory_space<vmem>>
        %dma_start3A_936 = tpu.memref_squeeze %dma_start3A_935 : memref<1x128x16xf32, #tpu.memory_space<vmem>> -> memref<128x16xf32, #tpu.memory_space<vmem>>
        %dma_start3A_937 = arith.constant 0 : i32
        %dma_start3A_938 = tpu.memref_slice %arg7[%add3A_931, %dma_start3A_937] : memref<80x128xi32, #tpu.memory_space<vmem>> -> memref<1x128xi32, #tpu.memory_space<vmem>>
        %dma_start3A_939 = tpu.memref_squeeze %dma_start3A_938 : memref<1x128xi32, #tpu.memory_space<vmem>> -> memref<128xi32, #tpu.memory_space<vmem>>
        %dma_start3A_940 = arith.constant 0 : i32
        %dma_start3A_941 = arith.constant 0 : i32
        %dma_start3A_942 = tpu.memref_slice %arg15[%dma_start3A_940, %dma_start3A_941] : memref<10240x16xf32, #tpu.memory_space<vmem_shared>> -> memref<10240x16xf32, #tpu.memory_space<vmem_shared>>
        tpu.enqueue_indirect_dma source(%dma_start3A_942 : memref<10240x16xf32, #tpu.memory_space<vmem_shared>>) target(%dma_start3A_936 : memref<128x16xf32, #tpu.memory_space<vmem>>) offsets(%dma_start3A_939 : memref<128xi32, #tpu.memory_space<vmem>>) semaphore(%arg17 : memref<!tpu.dma_semaphore, #tpu.memory_space<semaphore_mem>>)
        %mul3A_943 = arith.constant 8 : i32
        %mul3A_944 = arith.muli %add3A_882, %mul3A_943 : i32
        %add3A_945 = arith.constant 4 : i32
        %add3A_946 = arith.addi %mul3A_944, %add3A_945 : i32
        %dma_start3A_947 = arith.constant 4 : i32
        %dma_start3A_948 = arith.constant 0 : i32
        %dma_start3A_949 = arith.constant 0 : i32
        %dma_start3A_950 = tpu.memref_slice %arg9[%dma_start3A_947, %dma_start3A_948, %dma_start3A_949] : memref<8x128x16xf32, #tpu.memory_space<vmem>> -> memref<1x128x16xf32, #tpu.memory_space<vmem>>
        %dma_start3A_951 = tpu.memref_squeeze %dma_start3A_950 : memref<1x128x16xf32, #tpu.memory_space<vmem>> -> memref<128x16xf32, #tpu.memory_space<vmem>>
        %dma_start3A_952 = arith.constant 0 : i32
        %dma_start3A_953 = tpu.memref_slice %arg7[%add3A_946, %dma_start3A_952] : memref<80x128xi32, #tpu.memory_space<vmem>> -> memref<1x128xi32, #tpu.memory_space<vmem>>
        %dma_start3A_954 = tpu.memref_squeeze %dma_start3A_953 : memref<1x128xi32, #tpu.memory_space<vmem>> -> memref<128xi32, #tpu.memory_space<vmem>>
        %dma_start3A_955 = arith.constant 0 : i32
        %dma_start3A_956 = arith.constant 0 : i32
        %dma_start3A_957 = tpu.memref_slice %arg15[%dma_start3A_955, %dma_start3A_956] : memref<10240x16xf32, #tpu.memory_space<vmem_shared>> -> memref<10240x16xf32, #tpu.memory_space<vmem_shared>>
        tpu.enqueue_indirect_dma source(%dma_start3A_957 : memref<10240x16xf32, #tpu.memory_space<vmem_shared>>) target(%dma_start3A_951 : memref<128x16xf32, #tpu.memory_space<vmem>>) offsets(%dma_start3A_954 : memref<128xi32, #tpu.memory_space<vmem>>) semaphore(%arg17 : memref<!tpu.dma_semaphore, #tpu.memory_space<semaphore_mem>>)
        %mul3A_958 = arith.constant 8 : i32
        %mul3A_959 = arith.muli %add3A_882, %mul3A_958 : i32
        %add3A_960 = arith.constant 5 : i32
        %add3A_961 = arith.addi %mul3A_959, %add3A_960 : i32
        %dma_start3A_962 = arith.constant 5 : i32
        %dma_start3A_963 = arith.constant 0 : i32
        %dma_start3A_964 = arith.constant 0 : i32
        %dma_start3A_965 = tpu.memref_slice %arg9[%dma_start3A_962, %dma_start3A_963, %dma_start3A_964] : memref<8x128x16xf32, #tpu.memory_space<vmem>> -> memref<1x128x16xf32, #tpu.memory_space<vmem>>
        %dma_start3A_966 = tpu.memref_squeeze %dma_start3A_965 : memref<1x128x16xf32, #tpu.memory_space<vmem>> -> memref<128x16xf32, #tpu.memory_space<vmem>>
        %dma_start3A_967 = arith.constant 0 : i32
        %dma_start3A_968 = tpu.memref_slice %arg7[%add3A_961, %dma_start3A_967] : memref<80x128xi32, #tpu.memory_space<vmem>> -> memref<1x128xi32, #tpu.memory_space<vmem>>
        %dma_start3A_969 = tpu.memref_squeeze %dma_start3A_968 : memref<1x128xi32, #tpu.memory_space<vmem>> -> memref<128xi32, #tpu.memory_space<vmem>>
        %dma_start3A_970 = arith.constant 0 : i32
        %dma_start3A_971 = arith.constant 0 : i32
        %dma_start3A_972 = tpu.memref_slice %arg15[%dma_start3A_970, %dma_start3A_971] : memref<10240x16xf32, #tpu.memory_space<vmem_shared>> -> memref<10240x16xf32, #tpu.memory_space<vmem_shared>>
        tpu.enqueue_indirect_dma source(%dma_start3A_972 : memref<10240x16xf32, #tpu.memory_space<vmem_shared>>) target(%dma_start3A_966 : memref<128x16xf32, #tpu.memory_space<vmem>>) offsets(%dma_start3A_969 : memref<128xi32, #tpu.memory_space<vmem>>) semaphore(%arg17 : memref<!tpu.dma_semaphore, #tpu.memory_space<semaphore_mem>>)
        %mul3A_973 = arith.constant 8 : i32
        %mul3A_974 = arith.muli %add3A_882, %mul3A_973 : i32
        %add3A_975 = arith.constant 6 : i32
        %add3A_976 = arith.addi %mul3A_974, %add3A_975 : i32
        %dma_start3A_977 = arith.constant 6 : i32
        %dma_start3A_978 = arith.constant 0 : i32
        %dma_start3A_979 = arith.constant 0 : i32
        %dma_start3A_980 = tpu.memref_slice %arg9[%dma_start3A_977, %dma_start3A_978, %dma_start3A_979] : memref<8x128x16xf32, #tpu.memory_space<vmem>> -> memref<1x128x16xf32, #tpu.memory_space<vmem>>
        %dma_start3A_981 = tpu.memref_squeeze %dma_start3A_980 : memref<1x128x16xf32, #tpu.memory_space<vmem>> -> memref<128x16xf32, #tpu.memory_space<vmem>>
        %dma_start3A_982 = arith.constant 0 : i32
        %dma_start3A_983 = tpu.memref_slice %arg7[%add3A_976, %dma_start3A_982] : memref<80x128xi32, #tpu.memory_space<vmem>> -> memref<1x128xi32, #tpu.memory_space<vmem>>
        %dma_start3A_984 = tpu.memref_squeeze %dma_start3A_983 : memref<1x128xi32, #tpu.memory_space<vmem>> -> memref<128xi32, #tpu.memory_space<vmem>>
        %dma_start3A_985 = arith.constant 0 : i32
        %dma_start3A_986 = arith.constant 0 : i32
        %dma_start3A_987 = tpu.memref_slice %arg15[%dma_start3A_985, %dma_start3A_986] : memref<10240x16xf32, #tpu.memory_space<vmem_shared>> -> memref<10240x16xf32, #tpu.memory_space<vmem_shared>>
        tpu.enqueue_indirect_dma source(%dma_start3A_987 : memref<10240x16xf32, #tpu.memory_space<vmem_shared>>) target(%dma_start3A_981 : memref<128x16xf32, #tpu.memory_space<vmem>>) offsets(%dma_start3A_984 : memref<128xi32, #tpu.memory_space<vmem>>) semaphore(%arg17 : memref<!tpu.dma_semaphore, #tpu.memory_space<semaphore_mem>>)
        %mul3A_988 = arith.constant 8 : i32
        %mul3A_989 = arith.muli %add3A_882, %mul3A_988 : i32
        %add3A_990 = arith.constant 7 : i32
        %add3A_991 = arith.addi %mul3A_989, %add3A_990 : i32
        %dma_start3A_992 = arith.constant 7 : i32
        %dma_start3A_993 = arith.constant 0 : i32
        %dma_start3A_994 = arith.constant 0 : i32
        %dma_start3A_995 = tpu.memref_slice %arg9[%dma_start3A_992, %dma_start3A_993, %dma_start3A_994] : memref<8x128x16xf32, #tpu.memory_space<vmem>> -> memref<1x128x16xf32, #tpu.memory_space<vmem>>
        %dma_start3A_996 = tpu.memref_squeeze %dma_start3A_995 : memref<1x128x16xf32, #tpu.memory_space<vmem>> -> memref<128x16xf32, #tpu.memory_space<vmem>>
        %dma_start3A_997 = arith.constant 0 : i32
        %dma_start3A_998 = tpu.memref_slice %arg7[%add3A_991, %dma_start3A_997] : memref<80x128xi32, #tpu.memory_space<vmem>> -> memref<1x128xi32, #tpu.memory_space<vmem>>
        %dma_start3A_999 = tpu.memref_squeeze %dma_start3A_998 : memref<1x128xi32, #tpu.memory_space<vmem>> -> memref<128xi32, #tpu.memory_space<vmem>>
        %dma_start3A_1000 = arith.constant 0 : i32
        %dma_start3A_1001 = arith.constant 0 : i32
        %dma_start3A_1002 = tpu.memref_slice %arg15[%dma_start3A_1000, %dma_start3A_1001] : memref<10240x16xf32, #tpu.memory_space<vmem_shared>> -> memref<10240x16xf32, #tpu.memory_space<vmem_shared>>
        tpu.enqueue_indirect_dma source(%dma_start3A_1002 : memref<10240x16xf32, #tpu.memory_space<vmem_shared>>) target(%dma_start3A_996 : memref<128x16xf32, #tpu.memory_space<vmem>>) offsets(%dma_start3A_999 : memref<128xi32, #tpu.memory_space<vmem>>) semaphore(%arg17 : memref<!tpu.dma_semaphore, #tpu.memory_space<semaphore_mem>>)
      } else {
      }
      %mul3A_665 = arith.constant 8 : i32
      %mul3A_666 = arith.muli %add3A_135, %mul3A_665 : i32
      %add3A_667 = arith.constant 0 : i32
      %add3A_668 = arith.addi %mul3A_666, %add3A_667 : i32
      %dma_start3A_669 = arith.constant 0 : i32
      %dma_start3A_670 = arith.constant 0 : i32
      %dma_start3A_671 = arith.constant 0 : i32
      %dma_start3A_672 = tpu.memref_slice %arg10[%dma_start3A_669, %dma_start3A_670, %dma_start3A_671] : memref<8x128x16xf32, #tpu.memory_space<vmem>> -> memref<1x128x16xf32, #tpu.memory_space<vmem>>
      %dma_start3A_673 = tpu.memref_squeeze %dma_start3A_672 : memref<1x128x16xf32, #tpu.memory_space<vmem>> -> memref<128x16xf32, #tpu.memory_space<vmem>>
      %dma_start3A_674 = arith.constant 0 : i32
      %dma_start3A_675 = tpu.memref_slice %arg8[%add3A_668, %dma_start3A_674] : memref<80x128xi32, #tpu.memory_space<vmem>> -> memref<1x128xi32, #tpu.memory_space<vmem>>
      %dma_start3A_676 = tpu.memref_squeeze %dma_start3A_675 : memref<1x128xi32, #tpu.memory_space<vmem>> -> memref<128xi32, #tpu.memory_space<vmem>>
      %dma_start3A_677 = arith.constant 0 : i32
      %dma_start3A_678 = arith.constant 0 : i32
      %dma_start3A_679 = tpu.memref_slice %arg16[%dma_start3A_677, %dma_start3A_678] : memref<10240x16xf32, #tpu.memory_space<vmem_shared>> -> memref<10240x16xf32, #tpu.memory_space<vmem_shared>>
      tpu.enqueue_indirect_dma source(%dma_start3A_673 : memref<128x16xf32, #tpu.memory_space<vmem>>) target(%dma_start3A_679 : memref<10240x16xf32, #tpu.memory_space<vmem_shared>>) offsets(%dma_start3A_676 : memref<128xi32, #tpu.memory_space<vmem>>) semaphore(%arg20 : memref<!tpu.dma_semaphore, #tpu.memory_space<semaphore_mem>>) {add = true}
      %mul3A_680 = arith.constant 8 : i32
      %mul3A_681 = arith.muli %add3A_135, %mul3A_680 : i32
      %add3A_682 = arith.constant 1 : i32
      %add3A_683 = arith.addi %mul3A_681, %add3A_682 : i32
      %dma_start3A_684 = arith.constant 1 : i32
      %dma_start3A_685 = arith.constant 0 : i32
      %dma_start3A_686 = arith.constant 0 : i32
      %dma_start3A_687 = tpu.memref_slice %arg10[%dma_start3A_684, %dma_start3A_685, %dma_start3A_686] : memref<8x128x16xf32, #tpu.memory_space<vmem>> -> memref<1x128x16xf32, #tpu.memory_space<vmem>>
      %dma_start3A_688 = tpu.memref_squeeze %dma_start3A_687 : memref<1x128x16xf32, #tpu.memory_space<vmem>> -> memref<128x16xf32, #tpu.memory_space<vmem>>
      %dma_start3A_689 = arith.constant 0 : i32
      %dma_start3A_690 = tpu.memref_slice %arg8[%add3A_683, %dma_start3A_689] : memref<80x128xi32, #tpu.memory_space<vmem>> -> memref<1x128xi32, #tpu.memory_space<vmem>>
      %dma_start3A_691 = tpu.memref_squeeze %dma_start3A_690 : memref<1x128xi32, #tpu.memory_space<vmem>> -> memref<128xi32, #tpu.memory_space<vmem>>
      %dma_start3A_692 = arith.constant 0 : i32
      %dma_start3A_693 = arith.constant 0 : i32
      %dma_start3A_694 = tpu.memref_slice %arg16[%dma_start3A_692, %dma_start3A_693] : memref<10240x16xf32, #tpu.memory_space<vmem_shared>> -> memref<10240x16xf32, #tpu.memory_space<vmem_shared>>
      tpu.enqueue_indirect_dma source(%dma_start3A_688 : memref<128x16xf32, #tpu.memory_space<vmem>>) target(%dma_start3A_694 : memref<10240x16xf32, #tpu.memory_space<vmem_shared>>) offsets(%dma_start3A_691 : memref<128xi32, #tpu.memory_space<vmem>>) semaphore(%arg20 : memref<!tpu.dma_semaphore, #tpu.memory_space<semaphore_mem>>) {add = true}
      %mul3A_695 = arith.constant 8 : i32
      %mul3A_696 = arith.muli %add3A_135, %mul3A_695 : i32
      %add3A_697 = arith.constant 2 : i32
      %add3A_698 = arith.addi %mul3A_696, %add3A_697 : i32
      %dma_start3A_699 = arith.constant 2 : i32
      %dma_start3A_700 = arith.constant 0 : i32
      %dma_start3A_701 = arith.constant 0 : i32
      %dma_start3A_702 = tpu.memref_slice %arg10[%dma_start3A_699, %dma_start3A_700, %dma_start3A_701] : memref<8x128x16xf32, #tpu.memory_space<vmem>> -> memref<1x128x16xf32, #tpu.memory_space<vmem>>
      %dma_start3A_703 = tpu.memref_squeeze %dma_start3A_702 : memref<1x128x16xf32, #tpu.memory_space<vmem>> -> memref<128x16xf32, #tpu.memory_space<vmem>>
      %dma_start3A_704 = arith.constant 0 : i32
      %dma_start3A_705 = tpu.memref_slice %arg8[%add3A_698, %dma_start3A_704] : memref<80x128xi32, #tpu.memory_space<vmem>> -> memref<1x128xi32, #tpu.memory_space<vmem>>
      %dma_start3A_706 = tpu.memref_squeeze %dma_start3A_705 : memref<1x128xi32, #tpu.memory_space<vmem>> -> memref<128xi32, #tpu.memory_space<vmem>>
      %dma_start3A_707 = arith.constant 0 : i32
      %dma_start3A_708 = arith.constant 0 : i32
      %dma_start3A_709 = tpu.memref_slice %arg16[%dma_start3A_707, %dma_start3A_708] : memref<10240x16xf32, #tpu.memory_space<vmem_shared>> -> memref<10240x16xf32, #tpu.memory_space<vmem_shared>>
      tpu.enqueue_indirect_dma source(%dma_start3A_703 : memref<128x16xf32, #tpu.memory_space<vmem>>) target(%dma_start3A_709 : memref<10240x16xf32, #tpu.memory_space<vmem_shared>>) offsets(%dma_start3A_706 : memref<128xi32, #tpu.memory_space<vmem>>) semaphore(%arg20 : memref<!tpu.dma_semaphore, #tpu.memory_space<semaphore_mem>>) {add = true}
      %mul3A_710 = arith.constant 8 : i32
      %mul3A_711 = arith.muli %add3A_135, %mul3A_710 : i32
      %add3A_712 = arith.constant 3 : i32
      %add3A_713 = arith.addi %mul3A_711, %add3A_712 : i32
      %dma_start3A_714 = arith.constant 3 : i32
      %dma_start3A_715 = arith.constant 0 : i32
      %dma_start3A_716 = arith.constant 0 : i32
      %dma_start3A_717 = tpu.memref_slice %arg10[%dma_start3A_714, %dma_start3A_715, %dma_start3A_716] : memref<8x128x16xf32, #tpu.memory_space<vmem>> -> memref<1x128x16xf32, #tpu.memory_space<vmem>>
      %dma_start3A_718 = tpu.memref_squeeze %dma_start3A_717 : memref<1x128x16xf32, #tpu.memory_space<vmem>> -> memref<128x16xf32, #tpu.memory_space<vmem>>
      %dma_start3A_719 = arith.constant 0 : i32
      %dma_start3A_720 = tpu.memref_slice %arg8[%add3A_713, %dma_start3A_719] : memref<80x128xi32, #tpu.memory_space<vmem>> -> memref<1x128xi32, #tpu.memory_space<vmem>>
      %dma_start3A_721 = tpu.memref_squeeze %dma_start3A_720 : memref<1x128xi32, #tpu.memory_space<vmem>> -> memref<128xi32, #tpu.memory_space<vmem>>
      %dma_start3A_722 = arith.constant 0 : i32
      %dma_start3A_723 = arith.constant 0 : i32
      %dma_start3A_724 = tpu.memref_slice %arg16[%dma_start3A_722, %dma_start3A_723] : memref<10240x16xf32, #tpu.memory_space<vmem_shared>> -> memref<10240x16xf32, #tpu.memory_space<vmem_shared>>
      tpu.enqueue_indirect_dma source(%dma_start3A_718 : memref<128x16xf32, #tpu.memory_space<vmem>>) target(%dma_start3A_724 : memref<10240x16xf32, #tpu.memory_space<vmem_shared>>) offsets(%dma_start3A_721 : memref<128xi32, #tpu.memory_space<vmem>>) semaphore(%arg20 : memref<!tpu.dma_semaphore, #tpu.memory_space<semaphore_mem>>) {add = true}
      %mul3A_725 = arith.constant 8 : i32
      %mul3A_726 = arith.muli %add3A_135, %mul3A_725 : i32
      %add3A_727 = arith.constant 4 : i32
      %add3A_728 = arith.addi %mul3A_726, %add3A_727 : i32
      %dma_start3A_729 = arith.constant 4 : i32
      %dma_start3A_730 = arith.constant 0 : i32
      %dma_start3A_731 = arith.constant 0 : i32
      %dma_start3A_732 = tpu.memref_slice %arg10[%dma_start3A_729, %dma_start3A_730, %dma_start3A_731] : memref<8x128x16xf32, #tpu.memory_space<vmem>> -> memref<1x128x16xf32, #tpu.memory_space<vmem>>
      %dma_start3A_733 = tpu.memref_squeeze %dma_start3A_732 : memref<1x128x16xf32, #tpu.memory_space<vmem>> -> memref<128x16xf32, #tpu.memory_space<vmem>>
      %dma_start3A_734 = arith.constant 0 : i32
      %dma_start3A_735 = tpu.memref_slice %arg8[%add3A_728, %dma_start3A_734] : memref<80x128xi32, #tpu.memory_space<vmem>> -> memref<1x128xi32, #tpu.memory_space<vmem>>
      %dma_start3A_736 = tpu.memref_squeeze %dma_start3A_735 : memref<1x128xi32, #tpu.memory_space<vmem>> -> memref<128xi32, #tpu.memory_space<vmem>>
      %dma_start3A_737 = arith.constant 0 : i32
      %dma_start3A_738 = arith.constant 0 : i32
      %dma_start3A_739 = tpu.memref_slice %arg16[%dma_start3A_737, %dma_start3A_738] : memref<10240x16xf32, #tpu.memory_space<vmem_shared>> -> memref<10240x16xf32, #tpu.memory_space<vmem_shared>>
      tpu.enqueue_indirect_dma source(%dma_start3A_733 : memref<128x16xf32, #tpu.memory_space<vmem>>) target(%dma_start3A_739 : memref<10240x16xf32, #tpu.memory_space<vmem_shared>>) offsets(%dma_start3A_736 : memref<128xi32, #tpu.memory_space<vmem>>) semaphore(%arg20 : memref<!tpu.dma_semaphore, #tpu.memory_space<semaphore_mem>>) {add = true}
      %mul3A_740 = arith.constant 8 : i32
      %mul3A_741 = arith.muli %add3A_135, %mul3A_740 : i32
      %add3A_742 = arith.constant 5 : i32
      %add3A_743 = arith.addi %mul3A_741, %add3A_742 : i32
      %dma_start3A_744 = arith.constant 5 : i32
      %dma_start3A_745 = arith.constant 0 : i32
      %dma_start3A_746 = arith.constant 0 : i32
      %dma_start3A_747 = tpu.memref_slice %arg10[%dma_start3A_744, %dma_start3A_745, %dma_start3A_746] : memref<8x128x16xf32, #tpu.memory_space<vmem>> -> memref<1x128x16xf32, #tpu.memory_space<vmem>>
      %dma_start3A_748 = tpu.memref_squeeze %dma_start3A_747 : memref<1x128x16xf32, #tpu.memory_space<vmem>> -> memref<128x16xf32, #tpu.memory_space<vmem>>
      %dma_start3A_749 = arith.constant 0 : i32
      %dma_start3A_750 = tpu.memref_slice %arg8[%add3A_743, %dma_start3A_749] : memref<80x128xi32, #tpu.memory_space<vmem>> -> memref<1x128xi32, #tpu.memory_space<vmem>>
      %dma_start3A_751 = tpu.memref_squeeze %dma_start3A_750 : memref<1x128xi32, #tpu.memory_space<vmem>> -> memref<128xi32, #tpu.memory_space<vmem>>
      %dma_start3A_752 = arith.constant 0 : i32
      %dma_start3A_753 = arith.constant 0 : i32
      %dma_start3A_754 = tpu.memref_slice %arg16[%dma_start3A_752, %dma_start3A_753] : memref<10240x16xf32, #tpu.memory_space<vmem_shared>> -> memref<10240x16xf32, #tpu.memory_space<vmem_shared>>
      tpu.enqueue_indirect_dma source(%dma_start3A_748 : memref<128x16xf32, #tpu.memory_space<vmem>>) target(%dma_start3A_754 : memref<10240x16xf32, #tpu.memory_space<vmem_shared>>) offsets(%dma_start3A_751 : memref<128xi32, #tpu.memory_space<vmem>>) semaphore(%arg20 : memref<!tpu.dma_semaphore, #tpu.memory_space<semaphore_mem>>) {add = true}
      %mul3A_755 = arith.constant 8 : i32
      %mul3A_756 = arith.muli %add3A_135, %mul3A_755 : i32
      %add3A_757 = arith.constant 6 : i32
      %add3A_758 = arith.addi %mul3A_756, %add3A_757 : i32
      %dma_start3A_759 = arith.constant 6 : i32
      %dma_start3A_760 = arith.constant 0 : i32
      %dma_start3A_761 = arith.constant 0 : i32
      %dma_start3A_762 = tpu.memref_slice %arg10[%dma_start3A_759, %dma_start3A_760, %dma_start3A_761] : memref<8x128x16xf32, #tpu.memory_space<vmem>> -> memref<1x128x16xf32, #tpu.memory_space<vmem>>
      %dma_start3A_763 = tpu.memref_squeeze %dma_start3A_762 : memref<1x128x16xf32, #tpu.memory_space<vmem>> -> memref<128x16xf32, #tpu.memory_space<vmem>>
      %dma_start3A_764 = arith.constant 0 : i32
      %dma_start3A_765 = tpu.memref_slice %arg8[%add3A_758, %dma_start3A_764] : memref<80x128xi32, #tpu.memory_space<vmem>> -> memref<1x128xi32, #tpu.memory_space<vmem>>
      %dma_start3A_766 = tpu.memref_squeeze %dma_start3A_765 : memref<1x128xi32, #tpu.memory_space<vmem>> -> memref<128xi32, #tpu.memory_space<vmem>>
      %dma_start3A_767 = arith.constant 0 : i32
      %dma_start3A_768 = arith.constant 0 : i32
      %dma_start3A_769 = tpu.memref_slice %arg16[%dma_start3A_767, %dma_start3A_768] : memref<10240x16xf32, #tpu.memory_space<vmem_shared>> -> memref<10240x16xf32, #tpu.memory_space<vmem_shared>>
      tpu.enqueue_indirect_dma source(%dma_start3A_763 : memref<128x16xf32, #tpu.memory_space<vmem>>) target(%dma_start3A_769 : memref<10240x16xf32, #tpu.memory_space<vmem_shared>>) offsets(%dma_start3A_766 : memref<128xi32, #tpu.memory_space<vmem>>) semaphore(%arg20 : memref<!tpu.dma_semaphore, #tpu.memory_space<semaphore_mem>>) {add = true}
      %mul3A_770 = arith.constant 8 : i32
      %mul3A_771 = arith.muli %add3A_135, %mul3A_770 : i32
      %add3A_772 = arith.constant 7 : i32
      %add3A_773 = arith.addi %mul3A_771, %add3A_772 : i32
      %dma_start3A_774 = arith.constant 7 : i32
      %dma_start3A_775 = arith.constant 0 : i32
      %dma_start3A_776 = arith.constant 0 : i32
      %dma_start3A_777 = tpu.memref_slice %arg10[%dma_start3A_774, %dma_start3A_775, %dma_start3A_776] : memref<8x128x16xf32, #tpu.memory_space<vmem>> -> memref<1x128x16xf32, #tpu.memory_space<vmem>>
      %dma_start3A_778 = tpu.memref_squeeze %dma_start3A_777 : memref<1x128x16xf32, #tpu.memory_space<vmem>> -> memref<128x16xf32, #tpu.memory_space<vmem>>
      %dma_start3A_779 = arith.constant 0 : i32
      %dma_start3A_780 = tpu.memref_slice %arg8[%add3A_773, %dma_start3A_779] : memref<80x128xi32, #tpu.memory_space<vmem>> -> memref<1x128xi32, #tpu.memory_space<vmem>>
      %dma_start3A_781 = tpu.memref_squeeze %dma_start3A_780 : memref<1x128xi32, #tpu.memory_space<vmem>> -> memref<128xi32, #tpu.memory_space<vmem>>
      %dma_start3A_782 = arith.constant 0 : i32
      %dma_start3A_783 = arith.constant 0 : i32
      %dma_start3A_784 = tpu.memref_slice %arg16[%dma_start3A_782, %dma_start3A_783] : memref<10240x16xf32, #tpu.memory_space<vmem_shared>> -> memref<10240x16xf32, #tpu.memory_space<vmem_shared>>
      tpu.enqueue_indirect_dma source(%dma_start3A_778 : memref<128x16xf32, #tpu.memory_space<vmem>>) target(%dma_start3A_784 : memref<10240x16xf32, #tpu.memory_space<vmem_shared>>) offsets(%dma_start3A_781 : memref<128xi32, #tpu.memory_space<vmem>>) semaphore(%arg20 : memref<!tpu.dma_semaphore, #tpu.memory_space<semaphore_mem>>) {add = true}
      %dma_wait3A_785 = arith.constant 0 : i32
      %dma_wait3A_786 = arith.constant 0 : i32
      %dma_wait3A_787 = arith.constant 0 : i32
      %dma_wait3A_788 = arith.constant 0 : i32
      %dma_wait3A_789 = tpu.memref_slice %arg10[%dma_wait3A_785, %dma_wait3A_787, %dma_wait3A_788] : memref<8x128x16xf32, #tpu.memory_space<vmem>> -> memref<1x128x16xf32, #tpu.memory_space<vmem>>
      %dma_wait3A_790 = tpu.memref_squeeze %dma_wait3A_789 : memref<1x128x16xf32, #tpu.memory_space<vmem>> -> memref<128x16xf32, #tpu.memory_space<vmem>>
      %dma_wait3A_791 = arith.constant 0 : i32
      %dma_wait3A_792 = tpu.memref_slice %arg8[%dma_wait3A_786, %dma_wait3A_791] : memref<80x128xi32, #tpu.memory_space<vmem>> -> memref<1x128xi32, #tpu.memory_space<vmem>>
      %dma_wait3A_793 = tpu.memref_squeeze %dma_wait3A_792 : memref<1x128xi32, #tpu.memory_space<vmem>> -> memref<128xi32, #tpu.memory_space<vmem>>
      %dma_wait3A_794 = arith.constant 0 : i32
      %dma_wait3A_795 = arith.constant 0 : i32
      %dma_wait3A_796 = tpu.memref_slice %arg16[%dma_wait3A_794, %dma_wait3A_795] : memref<10240x16xf32, #tpu.memory_space<vmem_shared>> -> memref<10240x16xf32, #tpu.memory_space<vmem_shared>>
      tpu.wait_indirect_dma semaphore(%arg20 : memref<!tpu.dma_semaphore, #tpu.memory_space<semaphore_mem>>) src(%dma_wait3A_790 : memref<128x16xf32, #tpu.memory_space<vmem>>) dst(%dma_wait3A_796 : memref<10240x16xf32, #tpu.memory_space<vmem_shared>>)
      %dma_wait3A_797 = arith.constant 1 : i32
      %dma_wait3A_798 = arith.constant 0 : i32
      %dma_wait3A_799 = arith.constant 0 : i32
      %dma_wait3A_800 = arith.constant 0 : i32
      %dma_wait3A_801 = tpu.memref_slice %arg10[%dma_wait3A_797, %dma_wait3A_799, %dma_wait3A_800] : memref<8x128x16xf32, #tpu.memory_space<vmem>> -> memref<1x128x16xf32, #tpu.memory_space<vmem>>
      %dma_wait3A_802 = tpu.memref_squeeze %dma_wait3A_801 : memref<1x128x16xf32, #tpu.memory_space<vmem>> -> memref<128x16xf32, #tpu.memory_space<vmem>>
      %dma_wait3A_803 = arith.constant 0 : i32
      %dma_wait3A_804 = tpu.memref_slice %arg8[%dma_wait3A_798, %dma_wait3A_803] : memref<80x128xi32, #tpu.memory_space<vmem>> -> memref<1x128xi32, #tpu.memory_space<vmem>>
      %dma_wait3A_805 = tpu.memref_squeeze %dma_wait3A_804 : memref<1x128xi32, #tpu.memory_space<vmem>> -> memref<128xi32, #tpu.memory_space<vmem>>
      %dma_wait3A_806 = arith.constant 0 : i32
      %dma_wait3A_807 = arith.constant 0 : i32
      %dma_wait3A_808 = tpu.memref_slice %arg16[%dma_wait3A_806, %dma_wait3A_807] : memref<10240x16xf32, #tpu.memory_space<vmem_shared>> -> memref<10240x16xf32, #tpu.memory_space<vmem_shared>>
      tpu.wait_indirect_dma semaphore(%arg20 : memref<!tpu.dma_semaphore, #tpu.memory_space<semaphore_mem>>) src(%dma_wait3A_802 : memref<128x16xf32, #tpu.memory_space<vmem>>) dst(%dma_wait3A_808 : memref<10240x16xf32, #tpu.memory_space<vmem_shared>>)
      %dma_wait3A_809 = arith.constant 2 : i32
      %dma_wait3A_810 = arith.constant 0 : i32
      %dma_wait3A_811 = arith.constant 0 : i32
      %dma_wait3A_812 = arith.constant 0 : i32
      %dma_wait3A_813 = tpu.memref_slice %arg10[%dma_wait3A_809, %dma_wait3A_811, %dma_wait3A_812] : memref<8x128x16xf32, #tpu.memory_space<vmem>> -> memref<1x128x16xf32, #tpu.memory_space<vmem>>
      %dma_wait3A_814 = tpu.memref_squeeze %dma_wait3A_813 : memref<1x128x16xf32, #tpu.memory_space<vmem>> -> memref<128x16xf32, #tpu.memory_space<vmem>>
      %dma_wait3A_815 = arith.constant 0 : i32
      %dma_wait3A_816 = tpu.memref_slice %arg8[%dma_wait3A_810, %dma_wait3A_815] : memref<80x128xi32, #tpu.memory_space<vmem>> -> memref<1x128xi32, #tpu.memory_space<vmem>>
      %dma_wait3A_817 = tpu.memref_squeeze %dma_wait3A_816 : memref<1x128xi32, #tpu.memory_space<vmem>> -> memref<128xi32, #tpu.memory_space<vmem>>
      %dma_wait3A_818 = arith.constant 0 : i32
      %dma_wait3A_819 = arith.constant 0 : i32
      %dma_wait3A_820 = tpu.memref_slice %arg16[%dma_wait3A_818, %dma_wait3A_819] : memref<10240x16xf32, #tpu.memory_space<vmem_shared>> -> memref<10240x16xf32, #tpu.memory_space<vmem_shared>>
      tpu.wait_indirect_dma semaphore(%arg20 : memref<!tpu.dma_semaphore, #tpu.memory_space<semaphore_mem>>) src(%dma_wait3A_814 : memref<128x16xf32, #tpu.memory_space<vmem>>) dst(%dma_wait3A_820 : memref<10240x16xf32, #tpu.memory_space<vmem_shared>>)
      %dma_wait3A_821 = arith.constant 3 : i32
      %dma_wait3A_822 = arith.constant 0 : i32
      %dma_wait3A_823 = arith.constant 0 : i32
      %dma_wait3A_824 = arith.constant 0 : i32
      %dma_wait3A_825 = tpu.memref_slice %arg10[%dma_wait3A_821, %dma_wait3A_823, %dma_wait3A_824] : memref<8x128x16xf32, #tpu.memory_space<vmem>> -> memref<1x128x16xf32, #tpu.memory_space<vmem>>
      %dma_wait3A_826 = tpu.memref_squeeze %dma_wait3A_825 : memref<1x128x16xf32, #tpu.memory_space<vmem>> -> memref<128x16xf32, #tpu.memory_space<vmem>>
      %dma_wait3A_827 = arith.constant 0 : i32
      %dma_wait3A_828 = tpu.memref_slice %arg8[%dma_wait3A_822, %dma_wait3A_827] : memref<80x128xi32, #tpu.memory_space<vmem>> -> memref<1x128xi32, #tpu.memory_space<vmem>>
      %dma_wait3A_829 = tpu.memref_squeeze %dma_wait3A_828 : memref<1x128xi32, #tpu.memory_space<vmem>> -> memref<128xi32, #tpu.memory_space<vmem>>
      %dma_wait3A_830 = arith.constant 0 : i32
      %dma_wait3A_831 = arith.constant 0 : i32
      %dma_wait3A_832 = tpu.memref_slice %arg16[%dma_wait3A_830, %dma_wait3A_831] : memref<10240x16xf32, #tpu.memory_space<vmem_shared>> -> memref<10240x16xf32, #tpu.memory_space<vmem_shared>>
      tpu.wait_indirect_dma semaphore(%arg20 : memref<!tpu.dma_semaphore, #tpu.memory_space<semaphore_mem>>) src(%dma_wait3A_826 : memref<128x16xf32, #tpu.memory_space<vmem>>) dst(%dma_wait3A_832 : memref<10240x16xf32, #tpu.memory_space<vmem_shared>>)
      %dma_wait3A_833 = arith.constant 4 : i32
      %dma_wait3A_834 = arith.constant 0 : i32
      %dma_wait3A_835 = arith.constant 0 : i32
      %dma_wait3A_836 = arith.constant 0 : i32
      %dma_wait3A_837 = tpu.memref_slice %arg10[%dma_wait3A_833, %dma_wait3A_835, %dma_wait3A_836] : memref<8x128x16xf32, #tpu.memory_space<vmem>> -> memref<1x128x16xf32, #tpu.memory_space<vmem>>
      %dma_wait3A_838 = tpu.memref_squeeze %dma_wait3A_837 : memref<1x128x16xf32, #tpu.memory_space<vmem>> -> memref<128x16xf32, #tpu.memory_space<vmem>>
      %dma_wait3A_839 = arith.constant 0 : i32
      %dma_wait3A_840 = tpu.memref_slice %arg8[%dma_wait3A_834, %dma_wait3A_839] : memref<80x128xi32, #tpu.memory_space<vmem>> -> memref<1x128xi32, #tpu.memory_space<vmem>>
      %dma_wait3A_841 = tpu.memref_squeeze %dma_wait3A_840 : memref<1x128xi32, #tpu.memory_space<vmem>> -> memref<128xi32, #tpu.memory_space<vmem>>
      %dma_wait3A_842 = arith.constant 0 : i32
      %dma_wait3A_843 = arith.constant 0 : i32
      %dma_wait3A_844 = tpu.memref_slice %arg16[%dma_wait3A_842, %dma_wait3A_843] : memref<10240x16xf32, #tpu.memory_space<vmem_shared>> -> memref<10240x16xf32, #tpu.memory_space<vmem_shared>>
      tpu.wait_indirect_dma semaphore(%arg20 : memref<!tpu.dma_semaphore, #tpu.memory_space<semaphore_mem>>) src(%dma_wait3A_838 : memref<128x16xf32, #tpu.memory_space<vmem>>) dst(%dma_wait3A_844 : memref<10240x16xf32, #tpu.memory_space<vmem_shared>>)
      %dma_wait3A_845 = arith.constant 5 : i32
      %dma_wait3A_846 = arith.constant 0 : i32
      %dma_wait3A_847 = arith.constant 0 : i32
      %dma_wait3A_848 = arith.constant 0 : i32
      %dma_wait3A_849 = tpu.memref_slice %arg10[%dma_wait3A_845, %dma_wait3A_847, %dma_wait3A_848] : memref<8x128x16xf32, #tpu.memory_space<vmem>> -> memref<1x128x16xf32, #tpu.memory_space<vmem>>
      %dma_wait3A_850 = tpu.memref_squeeze %dma_wait3A_849 : memref<1x128x16xf32, #tpu.memory_space<vmem>> -> memref<128x16xf32, #tpu.memory_space<vmem>>
      %dma_wait3A_851 = arith.constant 0 : i32
      %dma_wait3A_852 = tpu.memref_slice %arg8[%dma_wait3A_846, %dma_wait3A_851] : memref<80x128xi32, #tpu.memory_space<vmem>> -> memref<1x128xi32, #tpu.memory_space<vmem>>
      %dma_wait3A_853 = tpu.memref_squeeze %dma_wait3A_852 : memref<1x128xi32, #tpu.memory_space<vmem>> -> memref<128xi32, #tpu.memory_space<vmem>>
      %dma_wait3A_854 = arith.constant 0 : i32
      %dma_wait3A_855 = arith.constant 0 : i32
      %dma_wait3A_856 = tpu.memref_slice %arg16[%dma_wait3A_854, %dma_wait3A_855] : memref<10240x16xf32, #tpu.memory_space<vmem_shared>> -> memref<10240x16xf32, #tpu.memory_space<vmem_shared>>
      tpu.wait_indirect_dma semaphore(%arg20 : memref<!tpu.dma_semaphore, #tpu.memory_space<semaphore_mem>>) src(%dma_wait3A_850 : memref<128x16xf32, #tpu.memory_space<vmem>>) dst(%dma_wait3A_856 : memref<10240x16xf32, #tpu.memory_space<vmem_shared>>)
      %dma_wait3A_857 = arith.constant 6 : i32
      %dma_wait3A_858 = arith.constant 0 : i32
      %dma_wait3A_859 = arith.constant 0 : i32
      %dma_wait3A_860 = arith.constant 0 : i32
      %dma_wait3A_861 = tpu.memref_slice %arg10[%dma_wait3A_857, %dma_wait3A_859, %dma_wait3A_860] : memref<8x128x16xf32, #tpu.memory_space<vmem>> -> memref<1x128x16xf32, #tpu.memory_space<vmem>>
      %dma_wait3A_862 = tpu.memref_squeeze %dma_wait3A_861 : memref<1x128x16xf32, #tpu.memory_space<vmem>> -> memref<128x16xf32, #tpu.memory_space<vmem>>
      %dma_wait3A_863 = arith.constant 0 : i32
      %dma_wait3A_864 = tpu.memref_slice %arg8[%dma_wait3A_858, %dma_wait3A_863] : memref<80x128xi32, #tpu.memory_space<vmem>> -> memref<1x128xi32, #tpu.memory_space<vmem>>
      %dma_wait3A_865 = tpu.memref_squeeze %dma_wait3A_864 : memref<1x128xi32, #tpu.memory_space<vmem>> -> memref<128xi32, #tpu.memory_space<vmem>>
      %dma_wait3A_866 = arith.constant 0 : i32
      %dma_wait3A_867 = arith.constant 0 : i32
      %dma_wait3A_868 = tpu.memref_slice %arg16[%dma_wait3A_866, %dma_wait3A_867] : memref<10240x16xf32, #tpu.memory_space<vmem_shared>> -> memref<10240x16xf32, #tpu.memory_space<vmem_shared>>
      tpu.wait_indirect_dma semaphore(%arg20 : memref<!tpu.dma_semaphore, #tpu.memory_space<semaphore_mem>>) src(%dma_wait3A_862 : memref<128x16xf32, #tpu.memory_space<vmem>>) dst(%dma_wait3A_868 : memref<10240x16xf32, #tpu.memory_space<vmem_shared>>)
      %dma_wait3A_869 = arith.constant 7 : i32
      %dma_wait3A_870 = arith.constant 0 : i32
      %dma_wait3A_871 = arith.constant 0 : i32
      %dma_wait3A_872 = arith.constant 0 : i32
      %dma_wait3A_873 = tpu.memref_slice %arg10[%dma_wait3A_869, %dma_wait3A_871, %dma_wait3A_872] : memref<8x128x16xf32, #tpu.memory_space<vmem>> -> memref<1x128x16xf32, #tpu.memory_space<vmem>>
      %dma_wait3A_874 = tpu.memref_squeeze %dma_wait3A_873 : memref<1x128x16xf32, #tpu.memory_space<vmem>> -> memref<128x16xf32, #tpu.memory_space<vmem>>
      %dma_wait3A_875 = arith.constant 0 : i32
      %dma_wait3A_876 = tpu.memref_slice %arg8[%dma_wait3A_870, %dma_wait3A_875] : memref<80x128xi32, #tpu.memory_space<vmem>> -> memref<1x128xi32, #tpu.memory_space<vmem>>
      %dma_wait3A_877 = tpu.memref_squeeze %dma_wait3A_876 : memref<1x128xi32, #tpu.memory_space<vmem>> -> memref<128xi32, #tpu.memory_space<vmem>>
      %dma_wait3A_878 = arith.constant 0 : i32
      %dma_wait3A_879 = arith.constant 0 : i32
      %dma_wait3A_880 = tpu.memref_slice %arg16[%dma_wait3A_878, %dma_wait3A_879] : memref<10240x16xf32, #tpu.memory_space<vmem_shared>> -> memref<10240x16xf32, #tpu.memory_space<vmem_shared>>
      tpu.wait_indirect_dma semaphore(%arg20 : memref<!tpu.dma_semaphore, #tpu.memory_space<semaphore_mem>>) src(%dma_wait3A_874 : memref<128x16xf32, #tpu.memory_space<vmem>>) dst(%dma_wait3A_880 : memref<10240x16xf32, #tpu.memory_space<vmem_shared>>)
    }
    %scan3A_127 = arith.constant 5 : i32
    %barrier3A_128 = arith.constant 0 : index
    tpu.barrier barrier_id(%barrier3A_128)
    "tpu.region"() ({
      %run_scoped3A_129 = tpu.sem_alloc : memref<!tpu.dma_semaphore, #tpu.memory_space<semaphore_mem>>
      %dma_start3A_130 = arith.constant 0 : i32
      %dma_start3A_131 = tpu.memref_slice %arg6[%arg0, %mul3A_2, %dma_start3A_130] : memref<2x10240x16xf32, #tpu.memory_space<hbm>> -> memref<1x640x16xf32, #tpu.memory_space<hbm>>
      %dma_start3A_132 = tpu.memref_squeeze %dma_start3A_131 : memref<1x640x16xf32, #tpu.memory_space<hbm>> -> memref<640x16xf32, #tpu.memory_space<hbm>>
      %dma_start3A_133 = arith.constant 0 : i32
      %dma_start3A_134 = tpu.memref_slice %arg16[%mul3A_2, %dma_start3A_133] : memref<10240x16xf32, #tpu.memory_space<vmem_shared>> -> memref<640x16xf32, #tpu.memory_space<vmem_shared>>
      tpu.enqueue_dma source(%dma_start3A_134 : memref<640x16xf32, #tpu.memory_space<vmem_shared>>) target(%dma_start3A_132 : memref<640x16xf32, #tpu.memory_space<hbm>>) target_semaphore(%run_scoped3A_129 : memref<!tpu.dma_semaphore, #tpu.memory_space<semaphore_mem>>)
      %dma_wait3A = arith.constant 0 : i32
      %dma_wait3A_135 = tpu.memref_slice %arg6[%arg0, %mul3A_2, %dma_wait3A] : memref<2x10240x16xf32, #tpu.memory_space<hbm>> -> memref<1x640x16xf32, #tpu.memory_space<hbm>>
      %dma_wait3A_136 = tpu.memref_squeeze %dma_wait3A_135 : memref<1x640x16xf32, #tpu.memory_space<hbm>> -> memref<640x16xf32, #tpu.memory_space<hbm>>
      %dma_wait3A_137 = arith.constant 0 : i32
      %dma_wait3A_138 = tpu.memref_slice %arg16[%mul3A_2, %dma_wait3A_137] : memref<10240x16xf32, #tpu.memory_space<vmem_shared>> -> memref<640x16xf32, #tpu.memory_space<vmem_shared>>
      tpu.wait_dma2 semaphore(%run_scoped3A_129 : memref<!tpu.dma_semaphore, #tpu.memory_space<semaphore_mem>>) src(%dma_wait3A_138 : memref<640x16xf32, #tpu.memory_space<vmem_shared>>) dst(%dma_wait3A_136 : memref<640x16xf32, #tpu.memory_space<hbm>>)
      tpu.yield
    }) : () -> ()
    return
  }
}

#map = affine_map<(d0, d1) -> (0, 0, 0)>
#map1 = affine_map<(d0, d1) -> (0, 0)>
module attributes {stable_mosaic.version = 14 : i64} {
  func.func @_sc_deg(%arg0: i32, %arg1: i32, %arg2: memref<32x80x128xi32, #tpu.memory_space<hbm>>, %arg3: memref<2x10240xf32, #tpu.memory_space<hbm>>, %arg4: memref<80x128xi32, #tpu.memory_space<vmem>>, %arg5: memref<128xf32, #tpu.memory_space<vmem>>, %arg6: memref<640xf32, #tpu.memory_space<vmem>>, %arg7: memref<10240xf32, #tpu.memory_space<vmem_shared>>, %arg8: memref<!tpu.dma_semaphore, #tpu.memory_space<semaphore_mem>>) attributes {dimension_semantics = [#tpu.dimension_semantics<core_parallel>, #tpu.dimension_semantics<subcore_parallel>], iteration_bounds = array<i64: 2, 16>, scalar_prefetch = 0 : i64, scratch_operands = 5 : i64, tpu.core_type = #tpu.core_type<sc_vector_subcore>, window_params = [{transform_indices = #map}, {transform_indices = #map1}]} {
    %mul3A = arith.constant 16 : i32
    %mul3A_0 = arith.muli %arg0, %mul3A : i32
    %add3A = arith.addi %mul3A_0, %arg1 : i32
    %mul3A_1 = arith.constant 640 : i32
    %mul3A_2 = arith.muli %arg1, %mul3A_1 : i32
    %scan3A = arith.constant 0 : i32
    %scan3A_3 = arith.constant 0 : i32
    %scan3A_4 = arith.constant 40 : i32
    %scan3A_5 = arith.addi %scan3A_3, %scan3A_4 : i32
    %scan3A_6 = arith.constant 1 : i32
    scf.for %scan3A_21 = %scan3A_3 to %scan3A_5 step %scan3A_6  : i32 {
      %broadcast_in_dim3A = arith.constant 0.000000e+00 : f32
      %broadcast_in_dim3A_22 = vector.broadcast %broadcast_in_dim3A : f32 to vector<16xf32>
      %mul3A_23 = arith.constant 16 : i32
      %mul3A_24 = arith.muli %scan3A_21, %mul3A_23 : i32
      %swap3A = arith.index_cast %mul3A_24 : i32 to index
      %swap3A_25 = tpu.vector_load %arg6[%swap3A] {strides = array<i32>} : memref<640xf32, #tpu.memory_space<vmem>>, vector<16xf32>,
      tpu.vector_store %arg6[%swap3A], %broadcast_in_dim3A_22 {strides = array<i32>} : memref<640xf32, #tpu.memory_space<vmem>>, vector<16xf32>,
    }
    %scan3A_7 = arith.constant 40 : i32
    %scan3A_8 = arith.constant 0 : i32
    %scan3A_9 = arith.constant 0 : i32
    %scan3A_10 = arith.constant 8 : i32
    %scan3A_11 = arith.addi %scan3A_9, %scan3A_10 : i32
    %scan3A_12 = arith.constant 1 : i32
    scf.for %scan3A_21 = %scan3A_9 to %scan3A_11 step %scan3A_12  : i32 {
      %broadcast_in_dim3A = arith.constant 1.000000e+00 : f32
      %broadcast_in_dim3A_22 = vector.broadcast %broadcast_in_dim3A : f32 to vector<16xf32>
      %mul3A_23 = arith.constant 16 : i32
      %mul3A_24 = arith.muli %scan3A_21, %mul3A_23 : i32
      %swap3A = arith.index_cast %mul3A_24 : i32 to index
      %swap3A_25 = tpu.vector_load %arg5[%swap3A] {strides = array<i32>} : memref<128xf32, #tpu.memory_space<vmem>>, vector<16xf32>,
      tpu.vector_store %arg5[%swap3A], %broadcast_in_dim3A_22 {strides = array<i32>} : memref<128xf32, #tpu.memory_space<vmem>>, vector<16xf32>,
    }
    %scan3A_13 = arith.constant 8 : i32
    "tpu.region"() ({
      %run_scoped3A = tpu.sem_alloc : memref<!tpu.dma_semaphore, #tpu.memory_space<semaphore_mem>>
      %dma_start3A = tpu.memref_slice %arg7[%mul3A_2] : memref<10240xf32, #tpu.memory_space<vmem_shared>> -> memref<640xf32, #tpu.memory_space<vmem_shared>>
      %dma_start3A_21 = tpu.memref_slice %arg7[%mul3A_2] : memref<10240xf32, #tpu.memory_space<vmem_shared>> -> memref<640xf32, #tpu.memory_space<vmem_shared>>
      tpu.enqueue_dma source(%arg6 : memref<640xf32, #tpu.memory_space<vmem>>) target(%dma_start3A_21 : memref<640xf32, #tpu.memory_space<vmem_shared>>) target_semaphore(%run_scoped3A : memref<!tpu.dma_semaphore, #tpu.memory_space<semaphore_mem>>)
      %dma_wait3A = tpu.memref_slice %arg7[%mul3A_2] : memref<10240xf32, #tpu.memory_space<vmem_shared>> -> memref<640xf32, #tpu.memory_space<vmem_shared>>
      %dma_wait3A_22 = tpu.memref_slice %arg7[%mul3A_2] : memref<10240xf32, #tpu.memory_space<vmem_shared>> -> memref<640xf32, #tpu.memory_space<vmem_shared>>
      tpu.wait_dma2 semaphore(%run_scoped3A : memref<!tpu.dma_semaphore, #tpu.memory_space<semaphore_mem>>) src(%arg6 : memref<640xf32, #tpu.memory_space<vmem>>) dst(%dma_wait3A_22 : memref<640xf32, #tpu.memory_space<vmem_shared>>)
      tpu.yield
    }) : () -> ()
    "tpu.region"() ({
      %run_scoped3A = tpu.sem_alloc : memref<!tpu.dma_semaphore, #tpu.memory_space<semaphore_mem>>
      %dma_start3A = arith.constant 0 : i32
      %dma_start3A_21 = arith.constant 0 : i32
      %dma_start3A_22 = tpu.memref_slice %arg2[%add3A, %dma_start3A, %dma_start3A_21] : memref<32x80x128xi32, #tpu.memory_space<hbm>> -> memref<1x80x128xi32, #tpu.memory_space<hbm>>
      %dma_start3A_23 = tpu.memref_squeeze %dma_start3A_22 : memref<1x80x128xi32, #tpu.memory_space<hbm>> -> memref<80x128xi32, #tpu.memory_space<hbm>>
      %dma_start3A_24 = arith.constant 0 : i32
      %dma_start3A_25 = arith.constant 0 : i32
      %dma_start3A_26 = tpu.memref_slice %arg2[%add3A, %dma_start3A_24, %dma_start3A_25] : memref<32x80x128xi32, #tpu.memory_space<hbm>> -> memref<1x80x128xi32, #tpu.memory_space<hbm>>
      %dma_start3A_27 = tpu.memref_squeeze %dma_start3A_26 : memref<1x80x128xi32, #tpu.memory_space<hbm>> -> memref<80x128xi32, #tpu.memory_space<hbm>>
      tpu.enqueue_dma source(%dma_start3A_27 : memref<80x128xi32, #tpu.memory_space<hbm>>) target(%arg4 : memref<80x128xi32, #tpu.memory_space<vmem>>) target_semaphore(%run_scoped3A : memref<!tpu.dma_semaphore, #tpu.memory_space<semaphore_mem>>)
      %dma_wait3A = arith.constant 0 : i32
      %dma_wait3A_28 = arith.constant 0 : i32
      %dma_wait3A_29 = tpu.memref_slice %arg2[%add3A, %dma_wait3A, %dma_wait3A_28] : memref<32x80x128xi32, #tpu.memory_space<hbm>> -> memref<1x80x128xi32, #tpu.memory_space<hbm>>
      %dma_wait3A_30 = tpu.memref_squeeze %dma_wait3A_29 : memref<1x80x128xi32, #tpu.memory_space<hbm>> -> memref<80x128xi32, #tpu.memory_space<hbm>>
      %dma_wait3A_31 = arith.constant 0 : i32
      %dma_wait3A_32 = arith.constant 0 : i32
      %dma_wait3A_33 = tpu.memref_slice %arg2[%add3A, %dma_wait3A_31, %dma_wait3A_32] : memref<32x80x128xi32, #tpu.memory_space<hbm>> -> memref<1x80x128xi32, #tpu.memory_space<hbm>>
      %dma_wait3A_34 = tpu.memref_squeeze %dma_wait3A_33 : memref<1x80x128xi32, #tpu.memory_space<hbm>> -> memref<80x128xi32, #tpu.memory_space<hbm>>
      tpu.wait_dma2 semaphore(%run_scoped3A : memref<!tpu.dma_semaphore, #tpu.memory_space<semaphore_mem>>) src(%dma_wait3A_34 : memref<80x128xi32, #tpu.memory_space<hbm>>) dst(%arg4 : memref<80x128xi32, #tpu.memory_space<vmem>>)
      tpu.yield
    }) : () -> ()
    %barrier3A = arith.constant 0 : index
    tpu.barrier barrier_id(%barrier3A)
    %scan3A_14 = arith.constant 0 : i32
    %scan3A_15 = arith.constant 0 : i32
    %scan3A_16 = arith.constant 10 : i32
    %scan3A_17 = arith.addi %scan3A_15, %scan3A_16 : i32
    %scan3A_18 = arith.constant 1 : i32
    scf.for %scan3A_21 = %scan3A_15 to %scan3A_17 step %scan3A_18  : i32 {
      %mul3A_22 = arith.constant 8 : i32
      %mul3A_23 = arith.muli %scan3A_21, %mul3A_22 : i32
      %add3A_24 = arith.constant 0 : i32
      %add3A_25 = arith.addi %mul3A_23, %add3A_24 : i32
      %dma_start3A = arith.constant 0 : i32
      %dma_start3A_26 = tpu.memref_slice %arg4[%add3A_25, %dma_start3A] : memref<80x128xi32, #tpu.memory_space<vmem>> -> memref<1x128xi32, #tpu.memory_space<vmem>>
      %dma_start3A_27 = tpu.memref_squeeze %dma_start3A_26 : memref<1x128xi32, #tpu.memory_space<vmem>> -> memref<128xi32, #tpu.memory_space<vmem>>
      %dma_start3A_28 = arith.constant 0 : i32
      %dma_start3A_29 = tpu.memref_slice %arg7[%dma_start3A_28] : memref<10240xf32, #tpu.memory_space<vmem_shared>> -> memref<10240xf32, #tpu.memory_space<vmem_shared>>
      tpu.enqueue_indirect_dma source(%arg5 : memref<128xf32, #tpu.memory_space<vmem>>) target(%dma_start3A_29 : memref<10240xf32, #tpu.memory_space<vmem_shared>>) offsets(%dma_start3A_27 : memref<128xi32, #tpu.memory_space<vmem>>) semaphore(%arg8 : memref<!tpu.dma_semaphore, #tpu.memory_space<semaphore_mem>>) {add = true}
      %mul3A_30 = arith.constant 8 : i32
      %mul3A_31 = arith.muli %scan3A_21, %mul3A_30 : i32
      %add3A_32 = arith.constant 1 : i32
      %add3A_33 = arith.addi %mul3A_31, %add3A_32 : i32
      %dma_start3A_34 = arith.constant 0 : i32
      %dma_start3A_35 = tpu.memref_slice %arg4[%add3A_33, %dma_start3A_34] : memref<80x128xi32, #tpu.memory_space<vmem>> -> memref<1x128xi32, #tpu.memory_space<vmem>>
      %dma_start3A_36 = tpu.memref_squeeze %dma_start3A_35 : memref<1x128xi32, #tpu.memory_space<vmem>> -> memref<128xi32, #tpu.memory_space<vmem>>
      %dma_start3A_37 = arith.constant 0 : i32
      %dma_start3A_38 = tpu.memref_slice %arg7[%dma_start3A_37] : memref<10240xf32, #tpu.memory_space<vmem_shared>> -> memref<10240xf32, #tpu.memory_space<vmem_shared>>
      tpu.enqueue_indirect_dma source(%arg5 : memref<128xf32, #tpu.memory_space<vmem>>) target(%dma_start3A_38 : memref<10240xf32, #tpu.memory_space<vmem_shared>>) offsets(%dma_start3A_36 : memref<128xi32, #tpu.memory_space<vmem>>) semaphore(%arg8 : memref<!tpu.dma_semaphore, #tpu.memory_space<semaphore_mem>>) {add = true}
      %mul3A_39 = arith.constant 8 : i32
      %mul3A_40 = arith.muli %scan3A_21, %mul3A_39 : i32
      %add3A_41 = arith.constant 2 : i32
      %add3A_42 = arith.addi %mul3A_40, %add3A_41 : i32
      %dma_start3A_43 = arith.constant 0 : i32
      %dma_start3A_44 = tpu.memref_slice %arg4[%add3A_42, %dma_start3A_43] : memref<80x128xi32, #tpu.memory_space<vmem>> -> memref<1x128xi32, #tpu.memory_space<vmem>>
      %dma_start3A_45 = tpu.memref_squeeze %dma_start3A_44 : memref<1x128xi32, #tpu.memory_space<vmem>> -> memref<128xi32, #tpu.memory_space<vmem>>
      %dma_start3A_46 = arith.constant 0 : i32
      %dma_start3A_47 = tpu.memref_slice %arg7[%dma_start3A_46] : memref<10240xf32, #tpu.memory_space<vmem_shared>> -> memref<10240xf32, #tpu.memory_space<vmem_shared>>
      tpu.enqueue_indirect_dma source(%arg5 : memref<128xf32, #tpu.memory_space<vmem>>) target(%dma_start3A_47 : memref<10240xf32, #tpu.memory_space<vmem_shared>>) offsets(%dma_start3A_45 : memref<128xi32, #tpu.memory_space<vmem>>) semaphore(%arg8 : memref<!tpu.dma_semaphore, #tpu.memory_space<semaphore_mem>>) {add = true}
      %mul3A_48 = arith.constant 8 : i32
      %mul3A_49 = arith.muli %scan3A_21, %mul3A_48 : i32
      %add3A_50 = arith.constant 3 : i32
      %add3A_51 = arith.addi %mul3A_49, %add3A_50 : i32
      %dma_start3A_52 = arith.constant 0 : i32
      %dma_start3A_53 = tpu.memref_slice %arg4[%add3A_51, %dma_start3A_52] : memref<80x128xi32, #tpu.memory_space<vmem>> -> memref<1x128xi32, #tpu.memory_space<vmem>>
      %dma_start3A_54 = tpu.memref_squeeze %dma_start3A_53 : memref<1x128xi32, #tpu.memory_space<vmem>> -> memref<128xi32, #tpu.memory_space<vmem>>
      %dma_start3A_55 = arith.constant 0 : i32
      %dma_start3A_56 = tpu.memref_slice %arg7[%dma_start3A_55] : memref<10240xf32, #tpu.memory_space<vmem_shared>> -> memref<10240xf32, #tpu.memory_space<vmem_shared>>
      tpu.enqueue_indirect_dma source(%arg5 : memref<128xf32, #tpu.memory_space<vmem>>) target(%dma_start3A_56 : memref<10240xf32, #tpu.memory_space<vmem_shared>>) offsets(%dma_start3A_54 : memref<128xi32, #tpu.memory_space<vmem>>) semaphore(%arg8 : memref<!tpu.dma_semaphore, #tpu.memory_space<semaphore_mem>>) {add = true}
      %mul3A_57 = arith.constant 8 : i32
      %mul3A_58 = arith.muli %scan3A_21, %mul3A_57 : i32
      %add3A_59 = arith.constant 4 : i32
      %add3A_60 = arith.addi %mul3A_58, %add3A_59 : i32
      %dma_start3A_61 = arith.constant 0 : i32
      %dma_start3A_62 = tpu.memref_slice %arg4[%add3A_60, %dma_start3A_61] : memref<80x128xi32, #tpu.memory_space<vmem>> -> memref<1x128xi32, #tpu.memory_space<vmem>>
      %dma_start3A_63 = tpu.memref_squeeze %dma_start3A_62 : memref<1x128xi32, #tpu.memory_space<vmem>> -> memref<128xi32, #tpu.memory_space<vmem>>
      %dma_start3A_64 = arith.constant 0 : i32
      %dma_start3A_65 = tpu.memref_slice %arg7[%dma_start3A_64] : memref<10240xf32, #tpu.memory_space<vmem_shared>> -> memref<10240xf32, #tpu.memory_space<vmem_shared>>
      tpu.enqueue_indirect_dma source(%arg5 : memref<128xf32, #tpu.memory_space<vmem>>) target(%dma_start3A_65 : memref<10240xf32, #tpu.memory_space<vmem_shared>>) offsets(%dma_start3A_63 : memref<128xi32, #tpu.memory_space<vmem>>) semaphore(%arg8 : memref<!tpu.dma_semaphore, #tpu.memory_space<semaphore_mem>>) {add = true}
      %mul3A_66 = arith.constant 8 : i32
      %mul3A_67 = arith.muli %scan3A_21, %mul3A_66 : i32
      %add3A_68 = arith.constant 5 : i32
      %add3A_69 = arith.addi %mul3A_67, %add3A_68 : i32
      %dma_start3A_70 = arith.constant 0 : i32
      %dma_start3A_71 = tpu.memref_slice %arg4[%add3A_69, %dma_start3A_70] : memref<80x128xi32, #tpu.memory_space<vmem>> -> memref<1x128xi32, #tpu.memory_space<vmem>>
      %dma_start3A_72 = tpu.memref_squeeze %dma_start3A_71 : memref<1x128xi32, #tpu.memory_space<vmem>> -> memref<128xi32, #tpu.memory_space<vmem>>
      %dma_start3A_73 = arith.constant 0 : i32
      %dma_start3A_74 = tpu.memref_slice %arg7[%dma_start3A_73] : memref<10240xf32, #tpu.memory_space<vmem_shared>> -> memref<10240xf32, #tpu.memory_space<vmem_shared>>
      tpu.enqueue_indirect_dma source(%arg5 : memref<128xf32, #tpu.memory_space<vmem>>) target(%dma_start3A_74 : memref<10240xf32, #tpu.memory_space<vmem_shared>>) offsets(%dma_start3A_72 : memref<128xi32, #tpu.memory_space<vmem>>) semaphore(%arg8 : memref<!tpu.dma_semaphore, #tpu.memory_space<semaphore_mem>>) {add = true}
      %mul3A_75 = arith.constant 8 : i32
      %mul3A_76 = arith.muli %scan3A_21, %mul3A_75 : i32
      %add3A_77 = arith.constant 6 : i32
      %add3A_78 = arith.addi %mul3A_76, %add3A_77 : i32
      %dma_start3A_79 = arith.constant 0 : i32
      %dma_start3A_80 = tpu.memref_slice %arg4[%add3A_78, %dma_start3A_79] : memref<80x128xi32, #tpu.memory_space<vmem>> -> memref<1x128xi32, #tpu.memory_space<vmem>>
      %dma_start3A_81 = tpu.memref_squeeze %dma_start3A_80 : memref<1x128xi32, #tpu.memory_space<vmem>> -> memref<128xi32, #tpu.memory_space<vmem>>
      %dma_start3A_82 = arith.constant 0 : i32
      %dma_start3A_83 = tpu.memref_slice %arg7[%dma_start3A_82] : memref<10240xf32, #tpu.memory_space<vmem_shared>> -> memref<10240xf32, #tpu.memory_space<vmem_shared>>
      tpu.enqueue_indirect_dma source(%arg5 : memref<128xf32, #tpu.memory_space<vmem>>) target(%dma_start3A_83 : memref<10240xf32, #tpu.memory_space<vmem_shared>>) offsets(%dma_start3A_81 : memref<128xi32, #tpu.memory_space<vmem>>) semaphore(%arg8 : memref<!tpu.dma_semaphore, #tpu.memory_space<semaphore_mem>>) {add = true}
      %mul3A_84 = arith.constant 8 : i32
      %mul3A_85 = arith.muli %scan3A_21, %mul3A_84 : i32
      %add3A_86 = arith.constant 7 : i32
      %add3A_87 = arith.addi %mul3A_85, %add3A_86 : i32
      %dma_start3A_88 = arith.constant 0 : i32
      %dma_start3A_89 = tpu.memref_slice %arg4[%add3A_87, %dma_start3A_88] : memref<80x128xi32, #tpu.memory_space<vmem>> -> memref<1x128xi32, #tpu.memory_space<vmem>>
      %dma_start3A_90 = tpu.memref_squeeze %dma_start3A_89 : memref<1x128xi32, #tpu.memory_space<vmem>> -> memref<128xi32, #tpu.memory_space<vmem>>
      %dma_start3A_91 = arith.constant 0 : i32
      %dma_start3A_92 = tpu.memref_slice %arg7[%dma_start3A_91] : memref<10240xf32, #tpu.memory_space<vmem_shared>> -> memref<10240xf32, #tpu.memory_space<vmem_shared>>
      tpu.enqueue_indirect_dma source(%arg5 : memref<128xf32, #tpu.memory_space<vmem>>) target(%dma_start3A_92 : memref<10240xf32, #tpu.memory_space<vmem_shared>>) offsets(%dma_start3A_90 : memref<128xi32, #tpu.memory_space<vmem>>) semaphore(%arg8 : memref<!tpu.dma_semaphore, #tpu.memory_space<semaphore_mem>>) {add = true}
      %mul3A_93 = arith.constant 8 : i32
      %mul3A_94 = arith.muli %scan3A_21, %mul3A_93 : i32
      %add3A_95 = arith.constant 0 : i32
      %add3A_96 = arith.addi %mul3A_94, %add3A_95 : i32
      %dma_wait3A = arith.constant 0 : i32
      %dma_wait3A_97 = tpu.memref_slice %arg4[%add3A_96, %dma_wait3A] : memref<80x128xi32, #tpu.memory_space<vmem>> -> memref<1x128xi32, #tpu.memory_space<vmem>>
      %dma_wait3A_98 = tpu.memref_squeeze %dma_wait3A_97 : memref<1x128xi32, #tpu.memory_space<vmem>> -> memref<128xi32, #tpu.memory_space<vmem>>
      %dma_wait3A_99 = arith.constant 0 : i32
      %dma_wait3A_100 = tpu.memref_slice %arg7[%dma_wait3A_99] : memref<10240xf32, #tpu.memory_space<vmem_shared>> -> memref<10240xf32, #tpu.memory_space<vmem_shared>>
      tpu.wait_indirect_dma semaphore(%arg8 : memref<!tpu.dma_semaphore, #tpu.memory_space<semaphore_mem>>) src(%arg5 : memref<128xf32, #tpu.memory_space<vmem>>) dst(%dma_wait3A_100 : memref<10240xf32, #tpu.memory_space<vmem_shared>>)
      %mul3A_101 = arith.constant 8 : i32
      %mul3A_102 = arith.muli %scan3A_21, %mul3A_101 : i32
      %add3A_103 = arith.constant 1 : i32
      %add3A_104 = arith.addi %mul3A_102, %add3A_103 : i32
      %dma_wait3A_105 = arith.constant 0 : i32
      %dma_wait3A_106 = tpu.memref_slice %arg4[%add3A_104, %dma_wait3A_105] : memref<80x128xi32, #tpu.memory_space<vmem>> -> memref<1x128xi32, #tpu.memory_space<vmem>>
      %dma_wait3A_107 = tpu.memref_squeeze %dma_wait3A_106 : memref<1x128xi32, #tpu.memory_space<vmem>> -> memref<128xi32, #tpu.memory_space<vmem>>
      %dma_wait3A_108 = arith.constant 0 : i32
      %dma_wait3A_109 = tpu.memref_slice %arg7[%dma_wait3A_108] : memref<10240xf32, #tpu.memory_space<vmem_shared>> -> memref<10240xf32, #tpu.memory_space<vmem_shared>>
      tpu.wait_indirect_dma semaphore(%arg8 : memref<!tpu.dma_semaphore, #tpu.memory_space<semaphore_mem>>) src(%arg5 : memref<128xf32, #tpu.memory_space<vmem>>) dst(%dma_wait3A_109 : memref<10240xf32, #tpu.memory_space<vmem_shared>>)
      %mul3A_110 = arith.constant 8 : i32
      %mul3A_111 = arith.muli %scan3A_21, %mul3A_110 : i32
      %add3A_112 = arith.constant 2 : i32
      %add3A_113 = arith.addi %mul3A_111, %add3A_112 : i32
      %dma_wait3A_114 = arith.constant 0 : i32
      %dma_wait3A_115 = tpu.memref_slice %arg4[%add3A_113, %dma_wait3A_114] : memref<80x128xi32, #tpu.memory_space<vmem>> -> memref<1x128xi32, #tpu.memory_space<vmem>>
      %dma_wait3A_116 = tpu.memref_squeeze %dma_wait3A_115 : memref<1x128xi32, #tpu.memory_space<vmem>> -> memref<128xi32, #tpu.memory_space<vmem>>
      %dma_wait3A_117 = arith.constant 0 : i32
      %dma_wait3A_118 = tpu.memref_slice %arg7[%dma_wait3A_117] : memref<10240xf32, #tpu.memory_space<vmem_shared>> -> memref<10240xf32, #tpu.memory_space<vmem_shared>>
      tpu.wait_indirect_dma semaphore(%arg8 : memref<!tpu.dma_semaphore, #tpu.memory_space<semaphore_mem>>) src(%arg5 : memref<128xf32, #tpu.memory_space<vmem>>) dst(%dma_wait3A_118 : memref<10240xf32, #tpu.memory_space<vmem_shared>>)
      %mul3A_119 = arith.constant 8 : i32
      %mul3A_120 = arith.muli %scan3A_21, %mul3A_119 : i32
      %add3A_121 = arith.constant 3 : i32
      %add3A_122 = arith.addi %mul3A_120, %add3A_121 : i32
      %dma_wait3A_123 = arith.constant 0 : i32
      %dma_wait3A_124 = tpu.memref_slice %arg4[%add3A_122, %dma_wait3A_123] : memref<80x128xi32, #tpu.memory_space<vmem>> -> memref<1x128xi32, #tpu.memory_space<vmem>>
      %dma_wait3A_125 = tpu.memref_squeeze %dma_wait3A_124 : memref<1x128xi32, #tpu.memory_space<vmem>> -> memref<128xi32, #tpu.memory_space<vmem>>
      %dma_wait3A_126 = arith.constant 0 : i32
      %dma_wait3A_127 = tpu.memref_slice %arg7[%dma_wait3A_126] : memref<10240xf32, #tpu.memory_space<vmem_shared>> -> memref<10240xf32, #tpu.memory_space<vmem_shared>>
      tpu.wait_indirect_dma semaphore(%arg8 : memref<!tpu.dma_semaphore, #tpu.memory_space<semaphore_mem>>) src(%arg5 : memref<128xf32, #tpu.memory_space<vmem>>) dst(%dma_wait3A_127 : memref<10240xf32, #tpu.memory_space<vmem_shared>>)
      %mul3A_128 = arith.constant 8 : i32
      %mul3A_129 = arith.muli %scan3A_21, %mul3A_128 : i32
      %add3A_130 = arith.constant 4 : i32
      %add3A_131 = arith.addi %mul3A_129, %add3A_130 : i32
      %dma_wait3A_132 = arith.constant 0 : i32
      %dma_wait3A_133 = tpu.memref_slice %arg4[%add3A_131, %dma_wait3A_132] : memref<80x128xi32, #tpu.memory_space<vmem>> -> memref<1x128xi32, #tpu.memory_space<vmem>>
      %dma_wait3A_134 = tpu.memref_squeeze %dma_wait3A_133 : memref<1x128xi32, #tpu.memory_space<vmem>> -> memref<128xi32, #tpu.memory_space<vmem>>
      %dma_wait3A_135 = arith.constant 0 : i32
      %dma_wait3A_136 = tpu.memref_slice %arg7[%dma_wait3A_135] : memref<10240xf32, #tpu.memory_space<vmem_shared>> -> memref<10240xf32, #tpu.memory_space<vmem_shared>>
      tpu.wait_indirect_dma semaphore(%arg8 : memref<!tpu.dma_semaphore, #tpu.memory_space<semaphore_mem>>) src(%arg5 : memref<128xf32, #tpu.memory_space<vmem>>) dst(%dma_wait3A_136 : memref<10240xf32, #tpu.memory_space<vmem_shared>>)
      %mul3A_137 = arith.constant 8 : i32
      %mul3A_138 = arith.muli %scan3A_21, %mul3A_137 : i32
      %add3A_139 = arith.constant 5 : i32
      %add3A_140 = arith.addi %mul3A_138, %add3A_139 : i32
      %dma_wait3A_141 = arith.constant 0 : i32
      %dma_wait3A_142 = tpu.memref_slice %arg4[%add3A_140, %dma_wait3A_141] : memref<80x128xi32, #tpu.memory_space<vmem>> -> memref<1x128xi32, #tpu.memory_space<vmem>>
      %dma_wait3A_143 = tpu.memref_squeeze %dma_wait3A_142 : memref<1x128xi32, #tpu.memory_space<vmem>> -> memref<128xi32, #tpu.memory_space<vmem>>
      %dma_wait3A_144 = arith.constant 0 : i32
      %dma_wait3A_145 = tpu.memref_slice %arg7[%dma_wait3A_144] : memref<10240xf32, #tpu.memory_space<vmem_shared>> -> memref<10240xf32, #tpu.memory_space<vmem_shared>>
      tpu.wait_indirect_dma semaphore(%arg8 : memref<!tpu.dma_semaphore, #tpu.memory_space<semaphore_mem>>) src(%arg5 : memref<128xf32, #tpu.memory_space<vmem>>) dst(%dma_wait3A_145 : memref<10240xf32, #tpu.memory_space<vmem_shared>>)
      %mul3A_146 = arith.constant 8 : i32
      %mul3A_147 = arith.muli %scan3A_21, %mul3A_146 : i32
      %add3A_148 = arith.constant 6 : i32
      %add3A_149 = arith.addi %mul3A_147, %add3A_148 : i32
      %dma_wait3A_150 = arith.constant 0 : i32
      %dma_wait3A_151 = tpu.memref_slice %arg4[%add3A_149, %dma_wait3A_150] : memref<80x128xi32, #tpu.memory_space<vmem>> -> memref<1x128xi32, #tpu.memory_space<vmem>>
      %dma_wait3A_152 = tpu.memref_squeeze %dma_wait3A_151 : memref<1x128xi32, #tpu.memory_space<vmem>> -> memref<128xi32, #tpu.memory_space<vmem>>
      %dma_wait3A_153 = arith.constant 0 : i32
      %dma_wait3A_154 = tpu.memref_slice %arg7[%dma_wait3A_153] : memref<10240xf32, #tpu.memory_space<vmem_shared>> -> memref<10240xf32, #tpu.memory_space<vmem_shared>>
      tpu.wait_indirect_dma semaphore(%arg8 : memref<!tpu.dma_semaphore, #tpu.memory_space<semaphore_mem>>) src(%arg5 : memref<128xf32, #tpu.memory_space<vmem>>) dst(%dma_wait3A_154 : memref<10240xf32, #tpu.memory_space<vmem_shared>>)
      %mul3A_155 = arith.constant 8 : i32
      %mul3A_156 = arith.muli %scan3A_21, %mul3A_155 : i32
      %add3A_157 = arith.constant 7 : i32
      %add3A_158 = arith.addi %mul3A_156, %add3A_157 : i32
      %dma_wait3A_159 = arith.constant 0 : i32
      %dma_wait3A_160 = tpu.memref_slice %arg4[%add3A_158, %dma_wait3A_159] : memref<80x128xi32, #tpu.memory_space<vmem>> -> memref<1x128xi32, #tpu.memory_space<vmem>>
      %dma_wait3A_161 = tpu.memref_squeeze %dma_wait3A_160 : memref<1x128xi32, #tpu.memory_space<vmem>> -> memref<128xi32, #tpu.memory_space<vmem>>
      %dma_wait3A_162 = arith.constant 0 : i32
      %dma_wait3A_163 = tpu.memref_slice %arg7[%dma_wait3A_162] : memref<10240xf32, #tpu.memory_space<vmem_shared>> -> memref<10240xf32, #tpu.memory_space<vmem_shared>>
      tpu.wait_indirect_dma semaphore(%arg8 : memref<!tpu.dma_semaphore, #tpu.memory_space<semaphore_mem>>) src(%arg5 : memref<128xf32, #tpu.memory_space<vmem>>) dst(%dma_wait3A_163 : memref<10240xf32, #tpu.memory_space<vmem_shared>>)
    }
    %scan3A_19 = arith.constant 10 : i32
    %barrier3A_20 = arith.constant 0 : index
    tpu.barrier barrier_id(%barrier3A_20)
    "tpu.region"() ({
      %run_scoped3A = tpu.sem_alloc : memref<!tpu.dma_semaphore, #tpu.memory_space<semaphore_mem>>
      %dma_start3A = tpu.memref_slice %arg3[%arg0, %mul3A_2] : memref<2x10240xf32, #tpu.memory_space<hbm>> -> memref<1x640xf32, #tpu.memory_space<hbm>>
      %dma_start3A_21 = tpu.memref_squeeze %dma_start3A : memref<1x640xf32, #tpu.memory_space<hbm>> -> memref<640xf32, #tpu.memory_space<hbm>>
      %dma_start3A_22 = tpu.memref_slice %arg7[%mul3A_2] : memref<10240xf32, #tpu.memory_space<vmem_shared>> -> memref<640xf32, #tpu.memory_space<vmem_shared>>
      tpu.enqueue_dma source(%dma_start3A_22 : memref<640xf32, #tpu.memory_space<vmem_shared>>) target(%dma_start3A_21 : memref<640xf32, #tpu.memory_space<hbm>>) target_semaphore(%run_scoped3A : memref<!tpu.dma_semaphore, #tpu.memory_space<semaphore_mem>>)
      %dma_wait3A = tpu.memref_slice %arg3[%arg0, %mul3A_2] : memref<2x10240xf32, #tpu.memory_space<hbm>> -> memref<1x640xf32, #tpu.memory_space<hbm>>
      %dma_wait3A_23 = tpu.memref_squeeze %dma_wait3A : memref<1x640xf32, #tpu.memory_space<hbm>> -> memref<640xf32, #tpu.memory_space<hbm>>
      %dma_wait3A_24 = tpu.memref_slice %arg7[%mul3A_2] : memref<10240xf32, #tpu.memory_space<vmem_shared>> -> memref<640xf32, #tpu.memory_space<vmem_shared>>
      tpu.wait_dma2 semaphore(%run_scoped3A : memref<!tpu.dma_semaphore, #tpu.memory_space<semaphore_mem>>) src(%dma_wait3A_24 : memref<640xf32, #tpu.memory_space<vmem_shared>>) dst(%dma_wait3A_23 : memref<640xf32, #tpu.memory_space<hbm>>)
      tpu.yield
    }) : () -> ()
    return
  }
}

module attributes {stable_mosaic.version = 14 : i64} {
  func.func @_tc_xw_body(%arg0: memref<10240x128xf32, #tpu.memory_space<vmem>>, %arg1: memref<128x16xf32, #tpu.memory_space<vmem>>, %arg2: memref<10240x16xf32, #tpu.memory_space<vmem>>) attributes {dimension_semantics = [], scalar_prefetch = 0 : i64, scratch_operands = 0 : i64, tpu.core_type = #tpu.core_type<tc>} {
    %get3A = arith.constant 0 : index
    %get3A_0 = arith.constant 0 : index
    %get3A_1 = vector.load %arg0[%get3A, %get3A_0] : memref<10240x128xf32, #tpu.memory_space<vmem>>, vector<10240x128xf32>
    %get3A_2 = arith.constant 0 : index
    %get3A_3 = arith.constant 0 : index
    %get3A_4 = vector.load %arg1[%get3A_2, %get3A_3] : memref<128x16xf32, #tpu.memory_space<vmem>>, vector<128x16xf32>
    %dot_general3A = arith.constant dense<0.000000e+00> : vector<10240x16xf32>
    %dot_general3A_5 = tpu.matmul %get3A_1, %get3A_4, %dot_general3A {dimension_numbers = #tpu.dot_dimension_numbers<[1], [0], [0], [1], [0, 0, 1, 1], [], []>, transpose_lhs_hint = false} : vector<10240x128xf32>, vector<128x16xf32>, vector<10240x16xf32> -> vector<10240x16xf32>
    %swap3A = arith.constant 0 : index
    %swap3A_6 = arith.constant 0 : index
    %swap3A_7 = vector.load %arg2[%swap3A, %swap3A_6] : memref<10240x16xf32, #tpu.memory_space<vmem>>, vector<10240x16xf32>
    tpu.vector_store %arg2[%swap3A, %swap3A_6], %dot_general3A_5 {strides = array<i32>} : memref<10240x16xf32, #tpu.memory_space<vmem>>, vector<10240x16xf32>,
    return
  }
}

</mosaic_0001>

<sc_bundles>
// kernel: kernel.12.cloned.1.call-start
scs
__scs_entry_jumppad:
0x0: {  	(pc) =	sbr.rel $0x88, $3  }
0x1: {  	(tag) =	ssettag $0x0;
	lr =	simm.s32 $0x1  }
0x2: {  	[smem:$0x3F9C] =	sst lr;
	_ =	strace $0xD0000000  }
0x3: {  	_ = 	snop  }
0x4: {  	_ = 	snop  }
0x5: {  	_ = 	snop  }
0x6: {  	_ = 	snop  }
0x7: {  	_ = 	snop  }
__scs_overlays_trampoline_lowered:
0x8: {  	[smem:$0x3FAB] =	sst s0  }
0x9: {  	[smem:$0x3FAC] =	sst s1  }
0xa: {  	[smem:$0x3FAD] =	sst s2  }
0xb: {  	[smem:$0x3FAE] =	sst s3  }
0xc: {  	[smem:$0x3FAF] =	sst s4  }
0xd: {  	[smem:$0x3FB0] =	sst s5  }
0xe: {  	[smem:$0x3FB1] =	sst s6  }
0xf: {  	[smem:$0x3FB2] =	sst s7  }
0x10: {  	[smem:$0x3FB3] =	sst s8  }
0x11: {  	[smem:$0x3FB4] =	sst s9;
	s0 =	simm.s32 @!p0 $0x0  }
0x12: {  	s1 =	sld [smem:$0x3F9A];
	s0 =	simm.s32 @p0 $0x1  }
0x13: {  	[smem:$0x3FB5] =	sst s0;
	s0 =	simm.s32 @!p1 $0x0  }
0x14: {  	s2 =	sld [smem:$0x3F99];
	s0 =	simm.s32 @p1 $0x1  }
0x15: {  	[smem:$0x3FB6] =	sst s0;
	s0 =	simm.s32 @!p2 $0x0  }
0x16: {  	s3 =	sld [smem:$0x3FDB];
	s0 =	simm.s32 @p2 $0x1  }
0x17: {  	s4 =	simm.s32 $0x1BF5;
	[smem:$0x3FB8] =	sst s0  }
0x18: {  	s0 =	sld [smem:$0x3F9B];
	_ =	swait.ge [sflag:s4], $0x0  }
0x19: {  	s7 =	sld [smem:$0x3F9C]  }
0x1a: {  	s8 =	sadd.s32 $0xFFFFE003, lr  }
0x1b: {  	s9 =	sadd.s32 $0xFFFFFEF7, lr;
	s5 =	simm.s32 $0xFFFFFFFF;
	p2 =	slt.u32 s8, $0xFFFFF086  }
0x1c: {  	p1 =	slt.u32 s9, $0xF7A;
	s5 =	simm.s32 @!p2 $0x0  }
0x1d: {  	s5 =	simm.s32 @p1 $0x1;
	p0 =	seq.s32 s7, s2  }
0x1e: {  	s7 =	smul.u32 @!p0 $0xF7A, s2;
	p2 =	seq.s32 @!p0 s5, $0x0  }
0x1f: {  	s9 =	smul.u32 $0xF7A, s1;
	s8 =	simm.s32 @!p0 $0x1BF5;
	p2 =	por !p2, p0  }
0x20: {  	[sflag:s8] =	ssyncset.s32 @!p0 $0xFFFFF086;
	s6 =	sadd.s32 @!p0 s3, s7;
	s7 =	simm.s32 @!p0 $0x108  }
0x21: {  	s3 =	sadd.s32 s3, s9;
	s6 =	sadd.s32 @!p0 $0x88, s6;
	s7 =	simm.s32 @p2 $0x1082  }
0x22: {  	[simem:s7], [sflag:s8] =	dma.local @!p0 [hbm:s6], $0xF7A  }
0x23: {  	s9 =	sor.u32 $0xD0000000, s2;
	s6 =	simm.s32 $0x108;
	_ =	swait.ge @!p0 [sflag:s8], $0x0  }
0x24: {  	s3 =	sadd.s32 $0x88, s3;
	s6 =	simm.s32 @!p1 $0x1082;
	[sflag:s4] =	ssyncset.s32 $0xFFFFF086  }
0x25: {  	[simem:s6], [sflag:s4] =	dma.local [hbm:s3], $0xF7A  }
0x26: {  	[smem:$0x3F9C] =	sst s1;
	(tag) =	ssettag s2;
	_ =	strace s9  }
0x27: {  	s1 =	sld [smem:$0x3FAC]  }
0x28: {  	s2 =	sld [smem:$0x3FAD]  }
0x29: {  	s4 =	sld [smem:$0x3FAF]  }
0x2a: {  	p0 =	seq.s32 s5, $0x0;
	s5 =	sld [smem:$0x3FB0]  }
0x2b: {  	s6 =	sld [smem:$0x3FB1]  }
0x2c: {  	s7 =	sld [smem:$0x3FB2]  }
0x2d: {  	s3 =	simm.s32 $0x108;
	s8 =	sld [smem:$0x3FB3]  }
0x2e: {  	s3 =	simm.s32 @!p0 $0x1082;
	s9 =	sld [smem:$0x3FB4]  }
0x2f: {  	lr =	sadd.s32 s0, s3;
	s0 =	sld [smem:$0x3FAB]  }
0x30: {  	s3 =	sld [smem:$0x3FAE]  }
0x31: {  	[smem:$0x3FB7] =	sst s10  }
0x32: {  	s10 =	sld [smem:$0x3FB5];
	_ =	sdelay $0x3  }
0x33: {  	p0 =	seq.s32 s10, $0x1;
	s10 =	sld [smem:$0x3FB7];
	_ =	sdelay $0x3  }
0x34: {  	[smem:$0x3FB7] =	sst s10  }
0x35: {  	s10 =	sld [smem:$0x3FB6];
	_ =	sdelay $0x3  }
0x36: {  	p1 =	seq.s32 s10, $0x1;
	s10 =	sld [smem:$0x3FB7];
	_ =	sdelay $0x3  }
0x37: {  	[smem:$0x3FB7] =	sst s10  }
0x38: {  	s10 =	sld [smem:$0x3FB8]  }
0x39: {  	_ = 	snop;
	(pc) =	sbr.ind lr, $3  }
0x3a: {  	_ = 	snop  }
0x3b: {  	_ = 	snop  }
0x3c: {  	p2 =	seq.s32 s10, $0x1;
	s10 =	sld [smem:$0x3FB7]  }
0x3d: {  	_ =	shalt  }
0x3e: {  	_ =	shalt  }
0x3f: {  	_ =	shalt  }
0x40: {  	_ =	shalt  }
0x41: {  	_ =	shalt  }
0x42: {  	_ =	shalt  }
0x43: {  	_ =	shalt  }
0x44: {  	_ =	shalt  }
0x45: {  	_ =	shalt  }
0x46: {  	_ =	shalt  }
0x47: {  	_ =	shalt  }
0x48: {  	_ =	shalt  }
0x49: {  	_ =	shalt  }
0x4a: {  	_ =	shalt  }
0x4b: {  	_ =	shalt  }
0x4c: {  	_ =	shalt  }
0x4d: {  	_ =	shalt  }
0x4e: {  	_ =	shalt  }
0x4f: {  	_ =	shalt  }
0x50: {  	_ =	shalt  }
0x51: {  	_ =	shalt  }
0x52: {  	_ =	shalt  }
0x53: {  	_ =	shalt  }
0x54: {  	_ =	shalt  }
0x55: {  	_ =	shalt  }
0x56: {  	_ =	shalt  }
0x57: {  	_ =	shalt  }
0x58: {  	_ =	shalt  }
0x59: {  	_ =	shalt  }
0x5a: {  	_ =	shalt  }
0x5b: {  	_ =	shalt  }
0x5c: {  	_ =	shalt  }
0x5d: {  	_ =	shalt  }
0x5e: {  	_ =	shalt  }
0x5f: {  	_ =	shalt  }
0x60: {  	_ =	shalt  }
0x61: {  	_ =	shalt  }
0x62: {  	_ =	shalt  }
0x63: {  	_ =	shalt  }
0x64: {  	_ =	shalt  }
0x65: {  	_ =	shalt  }
0x66: {  	_ =	shalt  }
0x67: {  	_ =	shalt  }
0x68: {  	_ =	shalt  }
0x69: {  	_ =	shalt  }
0x6a: {  	_ =	shalt  }
0x6b: {  	_ =	shalt  }
0x6c: {  	_ =	shalt  }
0x6d: {  	_ =	shalt  }
0x6e: {  	_ =	shalt  }
0x6f: {  	_ =	shalt  }
0x70: {  	_ =	shalt  }
0x71: {  	_ =	shalt  }
0x72: {  	_ =	shalt  }
0x73: {  	_ =	shalt  }
0x74: {  	_ =	shalt  }
0x75: {  	_ =	shalt  }
0x76: {  	_ =	shalt  }
0x77: {  	_ =	shalt  }
0x78: {  	_ =	shalt  }
0x79: {  	_ =	shalt  }
0x7a: {  	_ =	shalt  }
0x7b: {  	_ =	shalt  }
0x7c: {  	_ =	shalt  }
0x7d: {  	_ =	shalt  }
0x7e: {  	_ =	shalt  }
0x7f: {  	_ =	shalt  }
0x80: {  	_ =	shalt  }
0x81: {  	_ =	shalt  }
0x82: {  	_ =	shalt  }
0x83: {  	_ =	shalt  }
0x84: {  	_ =	shalt  }
0x85: {  	_ =	shalt  }
0x86: {  	_ =	shalt  }
0x87: {  	_ =	shalt  }
.Lfunc_end0:
.L_simem_size_0:
called_computation.2_lowered:
.L_overlay_start_0:
0x88: {  	s2 =	sld [smem:$0x3FD9]  }
0x89: {  	s3 =	sld [smem:$0x3FFE];
	_ =	sdelay $0x1  }
0x8a: {  	s1 =	srdreg.scid  }
0x8b: {  	s0 =	sand.u32 $0x1, s1  }
0x8c: {  	s17 =	sshll.u32 s0, $0xA;
	s2 =	sadd.s32 s3, s2  }
0x8d: {  	s2 =	sadd.s32 s2, s17  }
0x8e: {  	[smem:$0x3FC3] =	sst s2  }
0x8f: {  	_ = 	snop  }
0x90: {  	s2 =	sld [smem:$0x3FC5]  }
0x91: {  	s18 =	sld [smem:$0x3FD0];
	(tm) =	ssettm $0x1  }
0x92: {  	s4 =	sld [smem:$0x3FFB];
	_ =	sdelay $0x3  }
0x93: {  	_ =	strace s4  }
0x94: {  	s4 =	sld [smem:$0x3FFC];
	_ =	sdelay $0x3  }
0x95: {  	_ =	strace s4  }
0x96: {  	s4 =	sld [smem:$0x3FFD];
	_ =	sdelay $0x3  }
0x97: {  	_ =	strace s4  }
0x98: {  	_ =	strace $0x8FFFFFFF  }
0x99: {  	s19 =	sld [smem:$0x3FDB];
	_ =	sdelay $0x1  }
0x9a: {  	s5 =	simm.s32 $_scs_section_size  }
0x9b: {  	s6 =	simm.s32 $_size__tile_overlayer_lowered;
	s7 =	simm.s32 $_tile_overlayer_lowered  }
0x9c: {  	s22 =	simm.s32 $0x1BFF;
	s21 =	sshll.u32 s7, $0x1;
	s4 =	sadd.s32 s5, s19  }
0x9d: {  	s8 =	simm.s32 $0x0;
	s20 =	sshll.u32 s6, $0x1;
	s6 =	sadd.s32 s21, s4  }
0x9e: {  	[timem:s8], [sflag:s22] =	dma.local [hbm:s6], s20  }
0x9f: {  	_ =	swait.ge [sflag:s22], s20  }
0xa0: {  	s5 =	ssub.s32 $0x0, s20;
	[sflag:s22] =	ssyncset.done $0x0  }
0xa1: {  	[sflag:s22] =	ssyncadd.s32 s5;
	_ =	sdelay $0x1  }
0xa2: {  	s23 =	simm.s32 $0x1B8B  }
0xa3: {  	_ =	swait.ge [sflag:s23], $0x1  }
0xa4: {  	[sflag:s23] =	ssyncset.done $0x0  }
0xa5: {  	s25 =	simm.s32 $0x1B8E;
	s24 =	sld [smem:$0x3FFE];
	[sflag:s23] =	ssyncadd.s32 $0xFFFFFFFF  }
0xa6: {  	s26 =	simm.s32 $execute0_lowered;
	[smem:$0x3FD2] =	sst s25  }
0xa7: {  	s6 =	sshll.u32 s26, $0x1;
	_ =	strace $0x8000004C;
	[dreg:$0x1] =	wrdreg $0xFFFFFFFF  }
0xa8: {  	s28 =	simm.s32 $_size_execute0_lowered;
	s4 =	sadd.s32 s4, s6;
	[dreg:$0x0] =	wrdreg $0x0  }
0xa9: {  	s6 =	sshll.u32 s28, $0x1;
	[dreg:$0x2] =	wrdreg s4  }
0xaa: {  	[dreg:$0x3] =	wrdreg s6  }
0xab: {  	[dreg:$0x4] =	wrdreg $0xC0  }
0xac: {  	_ =	task [dreg:s8], $0x5FFFF  }
0xad: {  	[dreg:$0x1] =	wrdreg $0xFFFFFFFF  }
0xae: {  	[dreg:$0x0] =	wrdreg $0x60  }
0xaf: {  	[dreg:$0x2] =	wrdreg s24  }
0xb0: {  	[dreg:$0x3] =	wrdreg s2  }
0xb1: {  	[dreg:$0x4] =	wrdreg s18  }
0xb2: {  	[dreg:$0x5] =	wrdreg $0x8A100  }
0xb3: {  	[dreg:$0x6] =	wrdreg $0x9  }
0xb4: {  	_ =	task.clear_ibuf [dreg:s8], $0x7FFFF;
	_ =	strace $0x9000004C  }
0xb5: {  	s29 =	simm.s32 $0x9;
	_ =	strace $0x8000004E  }
0xb6: {  	_ =	swait.ge [sflag:s29], $0x1  }
0xb7: {  	[sflag:s29] =	ssyncadd.s32 $0xFFFFFFFF  }
0xb8: {  	_ =	strace $0x9000004E  }
0xb9: {  	_ =	sfence  }
0xba: {  	s30 =	sld [smem:$0x0];
	_ =	sdelay $0x2  }
0xbb: {  	s31 =	sshll.u32 s1, $0xD;
	s1 =	sshrl.u32 s1, $0x2  }
0xbc: {  	s3 =	sand.u32 $0x4000, s31;
	s1 =	sadd.s32 s1, s30  }
0xbd: {  	s0 =	sor.u32 s3, s0;
	s1 =	sshll.u32 s1, $0x11  }
0xbe: {  	s0 =	sor.u32 s1, s0  }
0xbf: {  	s0 =	sadd.s32 $0x8F2B, s0  }
0xc0: {  	[sflag:s0] =	ssyncadd.remote.s32 $0x1  }
0xc1: {  	_ =	sfence.sel $0xFFFF  }
0xc2: {  	[dreg:$0x0] =	wrdreg $0xFFFFFFFF;
	(pc) =	sbr.abs _section_cstart, $3  }
0xc3: {  	[dreg:$0x1] =	wrdreg $0xFFFFFFFF  }
0xc4: {  	_ =	task.clear_ibuf [dreg:s8], $0x2FFFF;
	_ =	strace $0x9FFFFFFF  }
0xc5: {  	(tm) =	ssettm $0x7FFFFFFF  }
tec
execute0_lowered:
.L_overlay_start_1:
0x0: {  	(tag) =	ssettag $0x1  }
0x1: {  	s0 =	rddreg [dreg:$0x0]  }
0x2: {  	s1 =	rddreg [dreg:$0x2];
	s2 =	srdreg.scid  }
0x3: {  	s3 =	rddreg [dreg:$0x3];
	s16 =	stileid.u32  }
0x4: {  	s4 =	simm.s32 $0x0;
	s17 =	simm.s32 $0x5;
	s18 =	simm.s32 $0xD00  }
0x5: {  	s28 =	simm.s32 $0xBA10;
	s29 =	simm.s32 $0x2;
	s5 =	smul.u32 $0x280, s16  }
0x6: {  	s30 =	simm.s32 $0x3;
	s31 =	simm.s32 $0x4;
	s11 =	smul.u32 $0x2800, s16  }
0x7: {  	s2 =	sand.u32 $0x1, s2;
	[smem:$0x7FF] =	sst s4;
	s15 =	smul.u32 $0xD00, s16  }
0x8: {  	s6 =	sshll.u32 s2, $0x4;
	_ =	strace $0x8000004D;
	s14 =	smul.u32 $0xD0000, s2  }
0x9: {  	s9 =	ssub.s32 $0x2, s2;
	s2 =	smul.u32 $0xD000, s2;
	s6 =	sor.u32 s16, s6  }
0xa: {  	s5 =	sshrl.u32 s5, $0x3;
	s8 =	sshrl.u32 s11, $0x3;
	s16 =	smul.u32 $0xD000, s16  }
0xb: {  	s21 =	sshrl.u32 s9, $0x1;
	s11 =	sadd.s32 s11, s3;
	s7 =	smul.u32 $0xD00, s6  }
0xc: {  	s5 =	sadd.s32 s5, s0;
	s8 =	sadd.s32 s8, s0;
	s12 =	smul.u32 $0xD000, s6  }
0xd: {  	s13 =	ssub.s32 s9, s21;
	s22 =	smul.u32 $0x1A00, s6;
	s2 =	sadd.s32 s15, s2  }
0xe: {  	s23 =	sadd.s32 $0x10400, s8;
	s9 =	sadd.s32 $0xA00, s5;
	s10 =	sadd.s32 $0xF00, s5  }
0xf: {  	s25 =	sadd.s32 s16, s14;
	s2 =	sshll.u32 s2, $0x1;
	s7 =	sshrl.u32 s7, $0x3  }
0x10: {  	[dreg:$0x6] =	wrdreg s23;
	s24 =	sshrl.u32 s12, $0x3;
	s12 =	smax.u32 s13, $0x1  }
0x11: {  	s26 =	sshrl.u32 s25, $0x3;
	s2 =	sadd.s32 s2, s1;
	s25 =	simm.s32 $0x1  }
0x12: {  	s0 =	sadd.s32 s7, s0;
	s7 =	sadd.s32 $0x15400, s8;
	s8 =	sadd.s32 $0x1400, s8  }
0x13: {  	s5 =	sadd.s32 s1, s24;
	s15 =	sadd.s32 s26, s1;
	s16 =	sadd.s32 $0x100, s2  }
0x14: {  	s24 =	simm.s32 $0xB210;
	s26 =	simm.s32 $0x80;
	s0 =	sadd.s32 $0x1A400, s0  }
0x15: {  	s13 =	sadd.s32 $0x1800, s5;
	[dreg:$0x5] =	wrdreg s0;
	s0 =	sadd.s32 s1, s22  }
0x16: {  	s22 =	simm.s32 $0x8780;
	s1 =	simm.s32 $0x0;
	s14 =	sadd.s32 $0x1900, s0  }
.LBB2_1:
0x17: {  	s0 =	rddreg [dreg:$0x5]  }
0x18: {  	[tilespmem:s4], [sflag:$0x5] =	stream.linear.gather [hbm4b:s0+s4], $0xD00, $0x38;
	[tilespmem:$0xC210] =	vst v63  }
0x19: {  	_ =	swait.ge [sflag:s17], $0xD00  }
0x1a: {  	[sflag:s17] =	ssyncset.done $0x0  }
0x1b: {  	s6 =	rddreg [dreg:$0x6];
	[sflag:s17] =	ssyncadd.s32 $0xFFFFF300  }
0x1c: {  	[tilespmem:s18], [sflag:$0x5] =	stream.linear.gather [hbm4b:s6+s4], $0x2800, $0x38;
	[tilespmem:$0xC210] =	vst v63  }
0x1d: {  	_ =	swait.ge [sflag:s17], $0x2800  }
0x1e: {  	[sflag:s17] =	ssyncset.done $0x0  }
0x1f: {  	s19 =	simm.s32 $0x3500;
	[sflag:s17] =	ssyncadd.s32 $0xFFFFD800  }
0x20: {  	[tilespmem:s19], [sflag:$0x5] =	stream.linear.gather [hbm4b:s7+s4], $0x2800, $0x38;
	[tilespmem:$0xC210] =	vst v63  }
0x21: {  	_ =	swait.ge [sflag:s17], $0x2800  }
0x22: {  	[sflag:s17] =	ssyncset.done $0x0  }
0x23: {  	s20 =	simm.s32 $0x5D00;
	[sflag:s17] =	ssyncadd.s32 $0xFFFFD800  }
0x24: {  	[tilespmem:s20], [sflag:$0x5] =	stream.linear.gather [hbm4b:s8+s4], $0x2800, $0x38;
	[tilespmem:$0xC210] =	vst v63  }
0x25: {  	_ =	swait.ge [sflag:s17], $0x2800  }
0x26: {  	[sflag:s17] =	ssyncset.done $0x0  }
0x27: {  	s21 =	simm.s32 $0x8500;
	[sflag:s17] =	ssyncadd.s32 $0xFFFFD800  }
0x28: {  	[tilespmem:s21], [sflag:$0x5] =	stream.linear.gather [hbm4b:s9+s4], $0x280, $0x38;
	[tilespmem:$0xC210] =	vst v63  }
0x29: {  	_ =	swait.ge [sflag:s17], $0x280  }
0x2a: {  	[sflag:s17] =	ssyncset.done $0x0  }
0x2b: {  	[sflag:s17] =	ssyncadd.s32 $0xFFFFFD80  }
0x2c: {  	[tilespmem:s22], [sflag:$0x5] =	stream.linear.gather [hbm4b:s10+s4], $0x280, $0x38;
	[tilespmem:$0xC210] =	vst v63  }
0x2d: {  	_ =	swait.ge [sflag:s17], $0x280  }
0x2e: {  	[sflag:s17] =	ssyncset.done $0x0  }
0x2f: {  	[sflag:s17] =	ssyncadd.s32 $0xFFFFFD80  }
0x30: {  	s2 =	simm.s32 $0x8A00;
	s23 =	rddreg [dreg:$0x1]  }
0x31: {  	[tilespmem:s2], [sflag:$0x5] =	stream.linear.gather [hbm4b:s23+s4], $0x10, $0x38;
	[tilespmem:$0xC210] =	vst v63  }
0x32: {  	_ =	swait.ge [sflag:s17], $0x10  }
0x33: {  	[sflag:s17] =	ssyncset.done $0x0  }
0x34: {  	s0 =	simm.s32 $0x0;
	[sflag:s17] =	ssyncadd.s32 $0xFFFFFFF0  }
0x35: {  	s2 =	simm.s32 $0x40;
	v0 =	vld [tilespmem:s0+$0x8780]  }
.LBB2_2:
0x36: {  	p0 =	sne.s32 s2, $0x9C0;
	v1 =	vld [tilespmem:s0+$0x8500];
	_ =	sdelay $0x2  }
.Ltmp0:
0x37: {  	(pc) =	sbr.rel @p0 .LBB2_2-.Ltmp0, $4  }
0x38: {  	_ = 	snop  }
0x39: {  	v1 =	vadd.f32 v0, v1  }
0x3a: {  	s5 =	sshra.s32 s2, $0x2  }
0x3b: {  	s2 =	sadd.s32 $0x40, s2;
	v0 =	vld [tilespmem:s5+$0x8780];
	[tilespmem:s0+$0x8500] =	vst v1;
	s0 =	smov.u32 s5  }
0x3c: {  	v1 =	vld [tilespmem:s0+$0x8500];
	_ =	sdelay $0x4  }
0x3d: {  	v0 =	vadd.f32 v0, v1;
	_ =	sdelay $0x1  }
0x3e: {  	s19 =	simm.s32 $0x0;
	[tilespmem:s0+$0x8500] =	vst v0  }
0x3f: {  	v0 =	vld [tilespmem:s19+$0x8500];
	_ =	sdelay $0x4  }
0x40: {  	s2 =	simm.s32 $0x10;
	v0 =	vadd.f32 $1.000000000e+00, v0  }
0x41: {  	v1 =	vld [tilespmem:s2+$0x8500]  }
0x42: {  	v2 =	vshrl.u32 v0, $0x1;
	v3 =	vmul.f32 $5.000000000e-01, v0  }
0x43: {  	v0 =	vsub.s32 $0x5F3759DF, v2  }
0x44: {  	v2 =	vmul.f32 v0, v3  }
0x45: {  	s20 =	simm.s32 $0x20  }
0x46: {  	v4 =	vld [tilespmem:s20+$0x8500];
	v1 =	vadd.f32 $1.000000000e+00, v1;
	v2 =	vmul.f32 v0, v2;
	_ =	sdelay $0x1  }
0x47: {  	v5 =	vshrl.u32 v1, $0x1;
	v7 =	vmul.f32 $5.000000000e-01, v1;
	v1 =	vsub.f32 $1.500000000e+00, v2  }
0x48: {  	v2 =	vsub.s32 $0x5F3759DF, v5  }
0x49: {  	v5 =	vmul.f32 v2, v7;
	v1 =	vmul.f32 v0, v1  }
0x4a: {  	s21 =	simm.s32 $0x30;
	v0 =	vadd.f32 $1.000000000e+00, v4  }
0x4b: {  	v4 =	vld [tilespmem:s21+$0x8500];
	v5 =	vmul.f32 v2, v5;
	v6 =	vmul.f32 v1, v3  }
0x4c: {  	v8 =	vshrl.u32 v0, $0x1;
	v0 =	vmul.f32 $5.000000000e-01, v0  }
0x4d: {  	v5 =	vsub.f32 $1.500000000e+00, v5;
	v8 =	vsub.s32 $0x5F3759DF, v8;
	v6 =	vmul.f32 v6, v1  }
0x4e: {  	v9 =	vmul.f32 v8, v0  }
0x4f: {  	v2 =	vmul.f32 v2, v5;
	v5 =	vsub.f32 $1.500000000e+00, v6  }
0x50: {  	v4 =	vadd.f32 $1.000000000e+00, v4;
	v9 =	vmul.f32 v8, v9  }
0x51: {  	s23 =	simm.s32 $0x40;
	v10 =	vmul.f32 v2, v7;
	v5 =	vmul.f32 v5, v1  }
0x52: {  	v6 =	vld [tilespmem:s23+$0x8500];
	v11 =	vshrl.u32 v4, $0x1;
	v1 =	vmul.f32 $5.000000000e-01, v4;
	v4 =	vsub.f32 $1.500000000e+00, v9  }
0x53: {  	v12 =	vsub.s32 $0x5F3759DF, v11;
	v9 =	vmul.f32 v10, v2;
	v3 =	vmul.f32 v5, v3  }
0x54: {  	v10 =	vmul.f32 v12, v1;
	v4 =	vmul.f32 v8, v4  }
0x55: {  	v8 =	vsub.f32 $1.500000000e+00, v9;
	v3 =	vmul.f32 v3, v5  }
0x56: {  	v9 =	vmul.f32 v12, v10;
	v10 =	vmul.f32 v4, v0  }
0x57: {  	s0 =	simm.s32 $0x50;
	v6 =	vadd.f32 $1.000000000e+00, v6;
	v2 =	vmul.f32 v8, v2  }
0x58: {  	v13 =	vsub.f32 $1.500000000e+00, v3;
	v14 =	vsub.f32 $1.500000000e+00, v9;
	v9 =	vmul.f32 v10, v4;
	v10 =	vld [tilespmem:s0+$0x8500]  }
0x59: {  	v11 =	vshrl.u32 v6, $0x1;
	v3 =	vmul.f32 $5.000000000e-01, v6  }
0x5a: {  	v6 =	vsub.s32 $0x5F3759DF, v11;
	v8 =	vmul.f32 v2, v7;
	v5 =	vmul.f32 v13, v5  }
0x5b: {  	s5 =	simm.s32 $0x180;
	v11 =	vmul.f32 v6, v3;
	v7 =	vmul.f32 v12, v14  }
.LBB2_4:
0x5c: {  	s6 =	sshra.s32 s5, $0x2  }
0x5d: {  	v12 =	vadd.f32 $1.000000000e+00, v10;
	v9 =	vsub.f32 $1.500000000e+00, v9;
	v8 =	vmul.f32 v8, v2;
	[tilespmem:s19+$0x8780] =	vst v5;
	s19 =	smov.u32 s2;
	s2 =	smov.u32 s20;
	p0 =	sne.s32 s5, $0x9C0  }
.Ltmp1:
0x5e: {  	s20 =	smov.u32 s21;
	s21 =	smov.u32 s23;
	v10 =	vld [tilespmem:s6+$0x8500];
	v5 =	vmul.f32 v6, v11;
	v11 =	vmul.f32 v7, v1;
	(pc) =	sbr.rel @p0 .LBB2_4-.Ltmp1, $4  }
0x5f: {  	s5 =	sadd.s32 $0x40, s5;
	s23 =	smov.u32 s0;
	v13 =	vshrl.u32 v12, $0x1;
	v14 =	vmul.f32 v9, v4;
	v15 =	vsub.f32 $1.500000000e+00, v8;
	v4 =	vmovc v7  }
0x60: {  	s0 =	smov.u32 s6;
	v12 =	vmul.f32 $5.000000000e-01, v12;
	v7 =	vsub.f32 $1.500000000e+00, v5;
	v9 =	vmul.f32 v11, v4  }
0x61: {  	v13 =	vsub.s32 $0x5F3759DF, v13;
	v8 =	vmul.f32 v14, v0;
	v5 =	vmul.f32 v15, v2;
	v2 =	vmovc v14;
	v0 =	vmovc v1  }
0x62: {  	v11 =	vmul.f32 v13, v12;
	v1 =	vmovc v3;
	v3 =	vmovc v12;
	v7 =	vmul.f32 v6, v7;
	v6 =	vmov v13  }
0x63: {  	v10 =	vadd.f32 $1.000000000e+00, v10;
	_ =	sdelay $0x1  }
0x64: {  	v12 =	vshrl.u32 v10, $0x1;
	v10 =	vmul.f32 $5.000000000e-01, v10  }
0x65: {  	v12 =	vsub.s32 $0x5F3759DF, v12  }
0x66: {  	v13 =	vmul.f32 v12, v10  }
0x67: {  	v11 =	vmul.f32 v6, v11  }
0x68: {  	v13 =	vmul.f32 v12, v13  }
0x69: {  	v11 =	vsub.f32 $1.500000000e+00, v11  }
0x6a: {  	v13 =	vsub.f32 $1.500000000e+00, v13  }
0x6b: {  	v56 =	vmul.f32 v6, v11  }
0x6c: {  	v57 =	vmul.f32 v7, v1;
	v12 =	vmul.f32 v12, v13  }
0x6d: {  	v58 =	vmul.f32 v56, v3  }
0x6e: {  	v11 =	vmul.f32 v57, v7;
	v14 =	vmul.f32 v12, v10  }
0x6f: {  	v9 =	vsub.f32 $1.500000000e+00, v9;
	v13 =	vmul.f32 v58, v56  }
0x70: {  	v11 =	vsub.f32 $1.500000000e+00, v11;
	v14 =	vmul.f32 v14, v12  }
0x71: {  	v4 =	vmul.f32 v9, v4;
	v59 =	vsub.f32 $1.500000000e+00, v13  }
0x72: {  	v8 =	vmul.f32 v8, v2;
	v60 =	vmul.f32 v11, v7;
	v61 =	vsub.f32 $1.500000000e+00, v14  }
0x73: {  	v0 =	vmul.f32 v4, v0;
	v6 =	vmul.f32 v59, v56  }
0x74: {  	v1 =	vmul.f32 v60, v1;
	v62 =	vmul.f32 v61, v12  }
0x75: {  	v0 =	vmul.f32 v0, v4;
	v3 =	vmul.f32 v6, v3  }
0x76: {  	v8 =	vsub.f32 $1.500000000e+00, v8;
	v1 =	vmul.f32 v1, v60;
	v10 =	vmul.f32 v62, v10  }
0x77: {  	v0 =	vsub.f32 $1.500000000e+00, v0;
	v3 =	vmul.f32 v3, v6  }
0x78: {  	v2 =	vmul.f32 v8, v2;
	v1 =	vsub.f32 $1.500000000e+00, v1;
	v63 =	vmul.f32 v10, v62  }
0x79: {  	[tilespmem:s19+$0x8780] =	vst v5;
	v0 =	vmul.f32 v0, v4;
	v3 =	vsub.f32 $1.500000000e+00, v3  }
0x7a: {  	[tilespmem:s2+$0x8780] =	vst v2;
	v1 =	vmul.f32 v1, v60;
	v2 =	vsub.f32 $1.500000000e+00, v63  }
0x7b: {  	[tilespmem:s20+$0x8780] =	vst v0;
	v0 =	vmul.f32 v3, v6  }
0x7c: {  	s20 =	simm.s32 $0x0;
	[tilespmem:s21+$0x8780] =	vst v1;
	v1 =	vmul.f32 v2, v62  }
0x7d: {  	[tilespmem:s23+$0x8780] =	vst v0;
	v2 =	vmov s20  }
0x7e: {  	s19 =	simm.s32 $0xD00;
	[tilespmem:s0+$0x8780] =	vst v1  }
0x7f: {  	s0 =	simm.s32 $0x3500;
	v0 =	vld [tilespmem:s19+$0x0]  }
0x80: {  	s2 =	simm.s32 $0x5D00;
	v1 =	vld [tilespmem:s0+$0x0]  }
0x81: {  	v3 =	vld [tilespmem:s2+$0x0]  }
0x82: {  	v2 =	vld.idx.msk [tilespmem:v2+s22+$0x0], $0xffff;
	_ =	sdelay $0x4  }
0x83: {  	v1 =	vadd.f32 v1, v0;
	v3 =	vmul.f32 v3, v2  }
0x84: {  	v0 =	vld [tilespmem:$0x8A00]  }
0x85: {  	v1 =	vadd.f32 v3, v1;
	_ =	sdelay $0x1  }
0x86: {  	v2 =	vmul.f32 v1, v2  }
0x87: {  	s5 =	simm.s32 $0x1  }
0x88: {  	v1 =	vmov s5;
	s5 =	simm.s32 $0x2;
	v2 =	vadd.f32 v2, v0  }
.LBB2_6:
0x89: {  	p0 =	sne.s32 s5, $0x27F  }
0x8a: {  	[tilespmem:s19+$0x0] =	vst v2;
	s19 =	sadd.s32 $0x10, s19  }
0x8b: {  	s0 =	sadd.s32 $0x10, s0;
	v2 =	vld [tilespmem:s19+$0x0]  }
0x8c: {  	v3 =	vld [tilespmem:s0+$0x0]  }
0x8d: {  	s2 =	sadd.s32 $0x10, s2;
	v1 =	vld.idx.msk [tilespmem:v1+s22+$0x0], $0xffff  }
0x8e: {  	v4 =	vld [tilespmem:s2+$0x0];
	_ =	sdelay $0x4  }
0x8f: {  	v2 =	vadd.f32 v3, v2;
	v3 =	vmul.f32 v4, v1;
	_ =	sdelay $0x1  }
.Ltmp2:
0x90: {  	v2 =	vadd.f32 v3, v2;
	(pc) =	sbr.rel @p0 .LBB2_6-.Ltmp2, $3  }
0x91: {  	_ = 	snop  }
0x92: {  	v2 =	vmul.f32 v2, v1;
	_ =	sdelay $0x1  }
0x93: {  	v1 =	vmov s5;
	s5 =	sadd.s32 $0x1, s5;
	v2 =	vadd.f32 v2, v0  }
0x94: {  	_ = 	snop  }
0x95: {  	s5 =	sadd.s32 $0x10, s19;
	[tilespmem:s19+$0x0] =	vst v2  }
0x96: {  	s0 =	sadd.s32 $0x10, s0;
	v2 =	vld [tilespmem:s5+$0x0]  }
0x97: {  	v3 =	vld [tilespmem:s0+$0x0]  }
0x98: {  	s6 =	sadd.s32 $0x10, s2;
	v1 =	vld.idx.msk [tilespmem:v1+s22+$0x0], $0xffff  }
0x99: {  	v4 =	vld [tilespmem:s6+$0x0];
	_ =	sdelay $0x4  }
0x9a: {  	v2 =	vadd.f32 v3, v2;
	v63 =	vmul.f32 v4, v1;
	_ =	sdelay $0x1  }
0x9b: {  	v2 =	vadd.f32 v63, v2;
	_ =	sdelay $0x1  }
0x9c: {  	v1 =	vmul.f32 v2, v1;
	_ =	sdelay $0x1  }
0x9d: {  	v0 =	vadd.f32 v1, v0;
	_ =	sdelay $0x1  }
0x9e: {  	[tilespmem:s5+$0x0] =	vst v0  }
0x9f: {  	[spmem:s11] =	stream.linear.scatter [tilespmem:s18], [sflag:$0x5], $0x2800, $0x38;
	[tilespmem:$0xC210] =	vst v63  }
0xa0: {  	_ =	swait.ge [sflag:s17], $0x2800  }
0xa1: {  	[sflag:s17] =	ssyncset.done $0x0  }
0xa2: {  	[sflag:s17] =	ssyncadd.s32 $0xFFFFD800  }
0xa3: {  	s19 =	simm.s32 $0x0;
	s0 =	simm.s32 $0x80;
	[bflag:$0x0] =	sbarrier.arrive $0xFFFF  }
0xa4: {  	[tilespmem:s24], [sflag:$0x1] =	stream.indirect.gather [spmem:s3], $0x10, s19, s0, $0xb8;
	[tilespmem:$0xC210] =	vst v63  }
0xa5: {  	_ =	swait.ge [sflag:s25], $0x800  }
0xa6: {  	[sflag:s25] =	ssyncset.done $0x0  }
0xa7: {  	[sflag:s25] =	ssyncadd.s32 $0xFFFFF800  }
0xa8: {  	[tilespmem:s28], [sflag:$0x2] =	stream.indirect.gather [spmem:s3], $0x10, s0, s26, $0xb8;
	[tilespmem:$0xC210] =	vst v63  }
0xa9: {  	s20 =	sadd.s32 $0x0, s15  }
0xaa: {  	[hbm4b:s20+s4] =	stream.linear.scatter [tilespmem:s24], [sflag:$0x3], $0x800, $0x38;
	[tilespmem:$0xC210] =	vst v63  }
0xab: {  	_ =	swait.ge [sflag:s29], $0x800  }
0xac: {  	[sflag:s29] =	ssyncset.done $0x0  }
0xad: {  	[sflag:s29] =	ssyncadd.s32 $0xFFFFF800  }
0xae: {  	_ =	swait.ge [sflag:s30], $0x800  }
0xaf: {  	[sflag:s30] =	ssyncset.done $0x0  }
0xb0: {  	s21 =	simm.s32 $0x100;
	[sflag:s30] =	ssyncadd.s32 $0xFFFFF800  }
0xb1: {  	[tilespmem:s24], [sflag:$0x1] =	stream.indirect.gather [spmem:s3], $0x10, s21, s26, $0xb8;
	[tilespmem:$0xC210] =	vst v63  }
0xb2: {  	s23 =	sadd.s32 $0x0, s16  }
0xb3: {  	[hbm4b:s23+s4] =	stream.linear.scatter [tilespmem:s28], [sflag:$0x4], $0x800, $0x38;
	[tilespmem:$0xC210] =	vst v63  }
0xb4: {  	_ =	swait.ge [sflag:s31], $0x800  }
0xb5: {  	s2 =	simm.s32 $0x200;
	[sflag:s31] =	ssyncset.done $0x0  }
.LBB2_8:
0xb6: {  	p0 =	sne.s32 s2, $0x1600;
	[sflag:s31] =	ssyncadd.s32 $0xFFFFF800;
	s0 =	sadd.s32 $0x100, s0  }
0xb7: {  	s5 =	smov.u32 s2;
	s2 =	sadd.s32 $0x200, s2  }
0xb8: {  	_ =	swait.ge [sflag:s25], $0x800  }
0xb9: {  	[sflag:s25] =	ssyncset.done $0x0  }
0xba: {  	[sflag:s25] =	ssyncadd.s32 $0xFFFFF800  }
0xbb: {  	[tilespmem:s28], [sflag:$0x2] =	stream.indirect.gather [spmem:s3], $0x10, s0, s26, $0xb8;
	[tilespmem:$0xC210] =	vst v63  }
0xbc: {  	s6 =	sadd.s32 s5, s15  }
0xbd: {  	[hbm4b:s6+s4] =	stream.linear.scatter [tilespmem:s24], [sflag:$0x3], $0x800, $0x38;
	[tilespmem:$0xC210] =	vst v63  }
0xbe: {  	_ =	swait.ge [sflag:s29], $0x800  }
0xbf: {  	[sflag:s29] =	ssyncset.done $0x0  }
0xc0: {  	[sflag:s29] =	ssyncadd.s32 $0xFFFFF800  }
0xc1: {  	_ =	swait.ge [sflag:s30], $0x800  }
0xc2: {  	[sflag:s30] =	ssyncset.done $0x0  }
0xc3: {  	s6 =	sadd.s32 $0x80, s0;
	[sflag:s30] =	ssyncadd.s32 $0xFFFFF800  }
0xc4: {  	[tilespmem:s24], [sflag:$0x1] =	stream.indirect.gather [spmem:s3], $0x10, s6, s26, $0xb8;
	[tilespmem:$0xC210] =	vst v63  }
.Ltmp3:
0xc5: {  	_ = 	snop;
	(pc) =	sbr.rel @p0 .LBB2_8-.Ltmp3, $4  }
0xc6: {  	s5 =	sadd.s32 s5, s16  }
0xc7: {  	[hbm4b:s5+s4] =	stream.linear.scatter [tilespmem:s28], [sflag:$0x4], $0x800, $0x38;
	[tilespmem:$0xC210] =	vst v63  }
0xc8: {  	_ =	swait.ge [sflag:s31], $0x800  }
0xc9: {  	[sflag:s31] =	ssyncset.done $0x0  }
0xca: {  	[sflag:s31] =	ssyncadd.s32 $0xFFFFF800  }
0xcb: {  	_ =	swait.ge [sflag:s25], $0x800  }
0xcc: {  	[sflag:s25] =	ssyncset.done $0x0  }
0xcd: {  	s0 =	simm.s32 $0xC80;
	[sflag:s25] =	ssyncadd.s32 $0xFFFFF800  }
0xce: {  	[tilespmem:s28], [sflag:$0x2] =	stream.indirect.gather [spmem:s3], $0x10, s0, s26, $0xb8;
	[tilespmem:$0xC210] =	vst v63  }
0xcf: {  	_ = 	snop  }
0xd0: {  	[hbm4b:s13+s4] =	stream.linear.scatter [tilespmem:s24], [sflag:$0x3], $0x800, $0x38;
	[tilespmem:$0xC210] =	vst v63  }
0xd1: {  	_ =	swait.ge [sflag:s29], $0x800  }
0xd2: {  	[sflag:s29] =	ssyncset.done $0x0  }
0xd3: {  	[sflag:s29] =	ssyncadd.s32 $0xFFFFF800  }
0xd4: {  	s1 =	sadd.s32 $0x1, s1;
	_ =	swait.ge [sflag:s30], $0x800  }
0xd5: {  	p0 =	sne.s32 s1, s12;
	[sflag:s30] =	ssyncset.done $0x0  }
.Ltmp4:
0xd6: {  	[sflag:s30] =	ssyncadd.s32 $0xFFFFF800;
	(pc) =	sbr.rel @p0 .LBB2_1-.Ltmp4, $4  }
0xd7: {  	[hbm4b:s14+s4] =	stream.linear.scatter [tilespmem:s28], [sflag:$0x4], $0x800, $0x38;
	[tilespmem:$0xC210] =	vst v63  }
0xd8: {  	_ =	swait.ge [sflag:s31], $0x800  }
0xd9: {  	[sflag:s31] =	ssyncset.done $0x0  }
0xda: {  	[sflag:s31] =	ssyncadd.s32 $0xFFFFF800  }
0xdb: {  	_ =	sfence.sel $0x180000  }
0xdc: {  	[bflag:$0x0] =	sbarrier.arrive $0xFFFF  }
0xdd: {  	_ =	strace $0x9000004D  }
0xde: {  	s0 =	stileid.u32;
	[bflag:$0x2] =	sbarrier.arrive $0xFFFF  }
0xdf: {  	p0 =	sne.s32 s0, $0x0;
	s0 =	rddreg [dreg:$0x4]  }
0xe0: {  	s0 =	sadd.s32 @!p0 $0x100000, s0  }
0xe1: {  	[sflag:s0] =	ssyncadd.tile.s32 @!p0 $0x1;
	_ =	shalt  }
.Lfunc_end2:
_tile_overlayer_lowered:
.L_overlay_start_2:
0xe2: {  	(tag) =	ssettag $0x2  }
0xe3: {  	s0 =	rddreg [dreg:$0x0];
	s2 =	stileid.u32  }
0xe4: {  	s1 =	rddreg [dreg:$0x1];
	p0 =	sne.s32 s2, $0x0  }
0xe5: {  	s3 =	rddreg [dreg:$0x2];
	[bflag:$0x3] =	sbarrier.arrive $0xFFFF;
	s2 =	simm.s32 @!p0 $0x1C05  }
0xe6: {  	[timem:s3], [sflag:s2] =	dma.local @!p0 [hbm:s0], s1  }
0xe7: {  	s0 =	simm.s32 @!p0 $0x5  }
0xe8: {  	_ =	swait.ge @!p0 [sflag:s0], s1  }
0xe9: {  	s1 =	ssub.s32 @!p0 $0x0, s1;
	[sflag:s0] =	ssyncset.done @!p0 $0x0  }
0xea: {  	[sflag:s0] =	ssyncadd.s32 @!p0 s1  }
0xeb: {  	[bflag:$0x3] =	sbarrier.arrive $0xFFFF  }
0xec: {  	_ =	shalt  }

// kernel: kernel.6.cloned.1.call-start
scs
__scs_entry_jumppad:
0x0: {  	(pc) =	sbr.rel $0x88, $3  }
0x1: {  	(tag) =	ssettag $0x0;
	lr =	simm.s32 $0x1  }
0x2: {  	[smem:$0x3F9C] =	sst lr;
	_ =	strace $0xD0000000  }
0x3: {  	_ = 	snop  }
0x4: {  	_ = 	snop  }
0x5: {  	_ = 	snop  }
0x6: {  	_ = 	snop  }
0x7: {  	_ = 	snop  }
__scs_overlays_trampoline_lowered:
0x8: {  	[smem:$0x3FAB] =	sst s0  }
0x9: {  	[smem:$0x3FAC] =	sst s1  }
0xa: {  	[smem:$0x3FAD] =	sst s2  }
0xb: {  	[smem:$0x3FAE] =	sst s3  }
0xc: {  	[smem:$0x3FAF] =	sst s4  }
0xd: {  	[smem:$0x3FB0] =	sst s5  }
0xe: {  	[smem:$0x3FB1] =	sst s6  }
0xf: {  	[smem:$0x3FB2] =	sst s7  }
0x10: {  	[smem:$0x3FB3] =	sst s8  }
0x11: {  	[smem:$0x3FB4] =	sst s9;
	s0 =	simm.s32 @!p0 $0x0  }
0x12: {  	s1 =	sld [smem:$0x3F9A];
	s0 =	simm.s32 @p0 $0x1  }
0x13: {  	[smem:$0x3FB5] =	sst s0;
	s0 =	simm.s32 @!p1 $0x0  }
0x14: {  	s2 =	sld [smem:$0x3F99];
	s0 =	simm.s32 @p1 $0x1  }
0x15: {  	[smem:$0x3FB6] =	sst s0;
	s0 =	simm.s32 @!p2 $0x0  }
0x16: {  	s3 =	sld [smem:$0x3FDB];
	s0 =	simm.s32 @p2 $0x1  }
0x17: {  	s4 =	simm.s32 $0x1BF5;
	[smem:$0x3FB8] =	sst s0  }
0x18: {  	s0 =	sld [smem:$0x3F9B];
	_ =	swait.ge [sflag:s4], $0x0  }
0x19: {  	s7 =	sld [smem:$0x3F9C]  }
0x1a: {  	s8 =	sadd.s32 $0xFFFFE003, lr  }
0x1b: {  	s9 =	sadd.s32 $0xFFFFFEF7, lr;
	s5 =	simm.s32 $0xFFFFFFFF;
	p2 =	slt.u32 s8, $0xFFFFF086  }
0x1c: {  	p1 =	slt.u32 s9, $0xF7A;
	s5 =	simm.s32 @!p2 $0x0  }
0x1d: {  	s5 =	simm.s32 @p1 $0x1;
	p0 =	seq.s32 s7, s2  }
0x1e: {  	s7 =	smul.u32 @!p0 $0xF7A, s2;
	p2 =	seq.s32 @!p0 s5, $0x0  }
0x1f: {  	s9 =	smul.u32 $0xF7A, s1;
	s8 =	simm.s32 @!p0 $0x1BF5;
	p2 =	por !p2, p0  }
0x20: {  	[sflag:s8] =	ssyncset.s32 @!p0 $0xFFFFF086;
	s6 =	sadd.s32 @!p0 s3, s7;
	s7 =	simm.s32 @!p0 $0x108  }
0x21: {  	s3 =	sadd.s32 s3, s9;
	s6 =	sadd.s32 @!p0 $0x88, s6;
	s7 =	simm.s32 @p2 $0x1082  }
0x22: {  	[simem:s7], [sflag:s8] =	dma.local @!p0 [hbm:s6], $0xF7A  }
0x23: {  	s9 =	sor.u32 $0xD0000000, s2;
	s6 =	simm.s32 $0x108;
	_ =	swait.ge @!p0 [sflag:s8], $0x0  }
0x24: {  	s3 =	sadd.s32 $0x88, s3;
	s6 =	simm.s32 @!p1 $0x1082;
	[sflag:s4] =	ssyncset.s32 $0xFFFFF086  }
0x25: {  	[simem:s6], [sflag:s4] =	dma.local [hbm:s3], $0xF7A  }
0x26: {  	[smem:$0x3F9C] =	sst s1;
	(tag) =	ssettag s2;
	_ =	strace s9  }
0x27: {  	s1 =	sld [smem:$0x3FAC]  }
0x28: {  	s2 =	sld [smem:$0x3FAD]  }
0x29: {  	s4 =	sld [smem:$0x3FAF]  }
0x2a: {  	p0 =	seq.s32 s5, $0x0;
	s5 =	sld [smem:$0x3FB0]  }
0x2b: {  	s6 =	sld [smem:$0x3FB1]  }
0x2c: {  	s7 =	sld [smem:$0x3FB2]  }
0x2d: {  	s3 =	simm.s32 $0x108;
	s8 =	sld [smem:$0x3FB3]  }
0x2e: {  	s3 =	simm.s32 @!p0 $0x1082;
	s9 =	sld [smem:$0x3FB4]  }
0x2f: {  	lr =	sadd.s32 s0, s3;
	s0 =	sld [smem:$0x3FAB]  }
0x30: {  	s3 =	sld [smem:$0x3FAE]  }
0x31: {  	[smem:$0x3FB7] =	sst s10  }
0x32: {  	s10 =	sld [smem:$0x3FB5];
	_ =	sdelay $0x3  }
0x33: {  	p0 =	seq.s32 s10, $0x1;
	s10 =	sld [smem:$0x3FB7];
	_ =	sdelay $0x3  }
0x34: {  	[smem:$0x3FB7] =	sst s10  }
0x35: {  	s10 =	sld [smem:$0x3FB6];
	_ =	sdelay $0x3  }
0x36: {  	p1 =	seq.s32 s10, $0x1;
	s10 =	sld [smem:$0x3FB7];
	_ =	sdelay $0x3  }
0x37: {  	[smem:$0x3FB7] =	sst s10  }
0x38: {  	s10 =	sld [smem:$0x3FB8]  }
0x39: {  	_ = 	snop;
	(pc) =	sbr.ind lr, $3  }
0x3a: {  	_ = 	snop  }
0x3b: {  	_ = 	snop  }
0x3c: {  	p2 =	seq.s32 s10, $0x1;
	s10 =	sld [smem:$0x3FB7]  }
0x3d: {  	_ =	shalt  }
0x3e: {  	_ =	shalt  }
0x3f: {  	_ =	shalt  }
0x40: {  	_ =	shalt  }
0x41: {  	_ =	shalt  }
0x42: {  	_ =	shalt  }
0x43: {  	_ =	shalt  }
0x44: {  	_ =	shalt  }
0x45: {  	_ =	shalt  }
0x46: {  	_ =	shalt  }
0x47: {  	_ =	shalt  }
0x48: {  	_ =	shalt  }
0x49: {  	_ =	shalt  }
0x4a: {  	_ =	shalt  }
0x4b: {  	_ =	shalt  }
0x4c: {  	_ =	shalt  }
0x4d: {  	_ =	shalt  }
0x4e: {  	_ =	shalt  }
0x4f: {  	_ =	shalt  }
0x50: {  	_ =	shalt  }
0x51: {  	_ =	shalt  }
0x52: {  	_ =	shalt  }
0x53: {  	_ =	shalt  }
0x54: {  	_ =	shalt  }
0x55: {  	_ =	shalt  }
0x56: {  	_ =	shalt  }
0x57: {  	_ =	shalt  }
0x58: {  	_ =	shalt  }
0x59: {  	_ =	shalt  }
0x5a: {  	_ =	shalt  }
0x5b: {  	_ =	shalt  }
0x5c: {  	_ =	shalt  }
0x5d: {  	_ =	shalt  }
0x5e: {  	_ =	shalt  }
0x5f: {  	_ =	shalt  }
0x60: {  	_ =	shalt  }
0x61: {  	_ =	shalt  }
0x62: {  	_ =	shalt  }
0x63: {  	_ =	shalt  }
0x64: {  	_ =	shalt  }
0x65: {  	_ =	shalt  }
0x66: {  	_ =	shalt  }
0x67: {  	_ =	shalt  }
0x68: {  	_ =	shalt  }
0x69: {  	_ =	shalt  }
0x6a: {  	_ =	shalt  }
0x6b: {  	_ =	shalt  }
0x6c: {  	_ =	shalt  }
0x6d: {  	_ =	shalt  }
0x6e: {  	_ =	shalt  }
0x6f: {  	_ =	shalt  }
0x70: {  	_ =	shalt  }
0x71: {  	_ =	shalt  }
0x72: {  	_ =	shalt  }
0x73: {  	_ =	shalt  }
0x74: {  	_ =	shalt  }
0x75: {  	_ =	shalt  }
0x76: {  	_ =	shalt  }
0x77: {  	_ =	shalt  }
0x78: {  	_ =	shalt  }
0x79: {  	_ =	shalt  }
0x7a: {  	_ =	shalt  }
0x7b: {  	_ =	shalt  }
0x7c: {  	_ =	shalt  }
0x7d: {  	_ =	shalt  }
0x7e: {  	_ =	shalt  }
0x7f: {  	_ =	shalt  }
0x80: {  	_ =	shalt  }
0x81: {  	_ =	shalt  }
0x82: {  	_ =	shalt  }
0x83: {  	_ =	shalt  }
0x84: {  	_ =	shalt  }
0x85: {  	_ =	shalt  }
0x86: {  	_ =	shalt  }
0x87: {  	_ =	shalt  }
.Lfunc_end0:
.L_simem_size_0:
called_computation_lowered:
.L_overlay_start_0:
0x88: {  	s2 =	sld [smem:$0x3FD9]  }
0x89: {  	s3 =	sld [smem:$0x3FFE];
	_ =	sdelay $0x1  }
0x8a: {  	s1 =	srdreg.scid  }
0x8b: {  	s0 =	sand.u32 $0x1, s1  }
0x8c: {  	s17 =	sshll.u32 s0, $0xA;
	s2 =	sadd.s32 s3, s2  }
0x8d: {  	s2 =	sadd.s32 s2, s17  }
0x8e: {  	[smem:$0x3FC3] =	sst s2  }
0x8f: {  	_ = 	snop  }
0x90: {  	s2 =	sld [smem:$0x3FD0];
	(tm) =	ssettm $0x1  }
0x91: {  	s18 =	sld [smem:$0x3FFB];
	_ =	sdelay $0x3  }
0x92: {  	_ =	strace s18  }
0x93: {  	s3 =	sld [smem:$0x3FFC];
	_ =	sdelay $0x3  }
0x94: {  	_ =	strace s3  }
0x95: {  	s3 =	sld [smem:$0x3FFD];
	_ =	sdelay $0x3  }
0x96: {  	_ =	strace s3  }
0x97: {  	_ =	strace $0x8FFFFFFF  }
0x98: {  	s19 =	sld [smem:$0x3FDB];
	_ =	sdelay $0x1  }
0x99: {  	s4 =	simm.s32 $_scs_section_size  }
0x9a: {  	s5 =	simm.s32 $_size__tile_overlayer_lowered;
	s6 =	simm.s32 $_tile_overlayer_lowered  }
0x9b: {  	s22 =	simm.s32 $0x1BFF;
	s21 =	sshll.u32 s6, $0x1;
	s3 =	sadd.s32 s4, s19  }
0x9c: {  	s7 =	simm.s32 $0x0;
	s20 =	sshll.u32 s5, $0x1;
	s5 =	sadd.s32 s21, s3  }
0x9d: {  	[timem:s7], [sflag:s22] =	dma.local [hbm:s5], s20  }
0x9e: {  	_ =	swait.ge [sflag:s22], s20  }
0x9f: {  	s4 =	ssub.s32 $0x0, s20;
	[sflag:s22] =	ssyncset.done $0x0  }
0xa0: {  	[sflag:s22] =	ssyncadd.s32 s4;
	_ =	sdelay $0x1  }
0xa1: {  	s23 =	simm.s32 $0x1B8B  }
0xa2: {  	_ =	swait.ge [sflag:s23], $0x1  }
0xa3: {  	[sflag:s23] =	ssyncset.done $0x0  }
0xa4: {  	s25 =	simm.s32 $0x1B8E;
	s24 =	sld [smem:$0x3FFE];
	[sflag:s23] =	ssyncadd.s32 $0xFFFFFFFF  }
0xa5: {  	s26 =	simm.s32 $execute0_lowered;
	[smem:$0x3FD2] =	sst s25  }
0xa6: {  	s5 =	sshll.u32 s26, $0x1;
	_ =	strace $0x80000046;
	[dreg:$0x1] =	wrdreg $0xFFFFFFFF  }
0xa7: {  	s28 =	simm.s32 $_size_execute0_lowered;
	s3 =	sadd.s32 s3, s5;
	[dreg:$0x0] =	wrdreg $0x0  }
0xa8: {  	s5 =	sshll.u32 s28, $0x1;
	[dreg:$0x2] =	wrdreg s3  }
0xa9: {  	[dreg:$0x3] =	wrdreg s5  }
0xaa: {  	[dreg:$0x4] =	wrdreg $0xC0  }
0xab: {  	_ =	task [dreg:s7], $0x5FFFF  }
0xac: {  	[dreg:$0x1] =	wrdreg $0xFFFFFFFF  }
0xad: {  	[dreg:$0x0] =	wrdreg $0x60  }
0xae: {  	[dreg:$0x2] =	wrdreg s2  }
0xaf: {  	[dreg:$0x3] =	wrdreg s24  }
0xb0: {  	[dreg:$0x4] =	wrdreg $0x2B000  }
0xb1: {  	[dreg:$0x5] =	wrdreg $0x9  }
0xb2: {  	_ =	task.clear_ibuf [dreg:s7], $0x6FFFF;
	_ =	strace $0x90000046  }
0xb3: {  	s29 =	simm.s32 $0x9;
	_ =	strace $0x80000048  }
0xb4: {  	_ =	swait.ge [sflag:s29], $0x1  }
0xb5: {  	[sflag:s29] =	ssyncadd.s32 $0xFFFFFFFF  }
0xb6: {  	_ =	strace $0x90000048  }
0xb7: {  	_ =	sfence  }
0xb8: {  	s30 =	sld [smem:$0x0];
	_ =	sdelay $0x2  }
0xb9: {  	s31 =	sshll.u32 s1, $0xD;
	s1 =	sshrl.u32 s1, $0x2  }
0xba: {  	s3 =	sand.u32 $0x4000, s31;
	s1 =	sadd.s32 s1, s30  }
0xbb: {  	s0 =	sor.u32 s3, s0;
	s1 =	sshll.u32 s1, $0x11  }
0xbc: {  	s0 =	sor.u32 s1, s0  }
0xbd: {  	s0 =	sadd.s32 $0x8F2B, s0  }
0xbe: {  	[sflag:s0] =	ssyncadd.remote.s32 $0x1  }
0xbf: {  	_ =	sfence.sel $0xFFFF  }
0xc0: {  	[dreg:$0x0] =	wrdreg $0xFFFFFFFF;
	(pc) =	sbr.abs _section_cstart, $3  }
0xc1: {  	[dreg:$0x1] =	wrdreg $0xFFFFFFFF  }
0xc2: {  	_ =	task.clear_ibuf [dreg:s7], $0x2FFFF;
	_ =	strace $0x9FFFFFFF  }
0xc3: {  	(tm) =	ssettm $0x7FFFFFFF  }
tec
execute0_lowered:
.L_overlay_start_1:
0x0: {  	(tag) =	ssettag $0x1  }
0x1: {  	s5 =	rddreg [dreg:$0x0]  }
0x2: {  	s4 =	rddreg [dreg:$0x1]  }
0x3: {  	s2 =	rddreg [dreg:$0x2]  }
0x4: {  	s0 =	rddreg [dreg:$0x3]  }
0x5: {  	s6 =	srdreg.scid;
	s1 =	stileid.u32;
	s3 =	simm.s32 $0x0  }
0x6: {  	s11 =	simm.s32 $0x2800;
	s12 =	simm.s32 $0x1;
	s15 =	simm.s32 $0x0  }
0x7: {  	s6 =	sand.u32 $0x1, s6;
	s7 =	smul.u32 $0x280, s1;
	[smem:$0x7FF] =	sst s3  }
0x8: {  	s13 =	sshll.u32 s1, $0x6;
	s8 =	smul.u32 $0x2800, s6;
	s9 =	sshll.u32 s6, $0x4  }
0x9: {  	_ =	strace $0x80000047;
	s6 =	ssub.s32 $0x2, s6;
	s9 =	sor.u32 s1, s9  }
0xa: {  	s10 =	sshrl.u32 s6, $0x1;
	s8 =	sadd.s32 s7, s8;
	s9 =	smul.u32 $0x500, s9  }
0xb: {  	s13 =	sor.u32 $0x1C02, s13;
	s10 =	ssub.s32 s6, s10;
	s8 =	sshrl.u32 s8, $0x3  }
0xc: {  	s8 =	sadd.s32 s8, s4;
	s4 =	sadd.s32 s7, s2;
	s5 =	sadd.s32 s5, s9  }
0xd: {  	s7 =	smax.u32 s10, $0x1;
	s9 =	simm.s32 $0x2;
	s10 =	simm.s32 $0x80  }
0xe: {  	v0 =	vimm.f32 $0.0e+00;
	v1 =	vimm.f32 $1.000000000e+00;
	s6 =	sadd.s32 $0xA00, s8;
	s8 =	simm.s32 $0x2880;
	s14 =	sshrl.u32 s4, $0x3  }
.LBB2_1:
0xf: {  	[tilespmem:$0x2880] =	vst v0  }
0x10: {  	[tilespmem:$0x2890] =	vst v0  }
0x11: {  	[tilespmem:$0x28A0] =	vst v0  }
0x12: {  	[tilespmem:$0x28B0] =	vst v0  }
0x13: {  	[tilespmem:$0x28C0] =	vst v0  }
0x14: {  	[tilespmem:$0x28D0] =	vst v0  }
0x15: {  	[tilespmem:$0x28E0] =	vst v0  }
0x16: {  	[tilespmem:$0x28F0] =	vst v0  }
0x17: {  	[tilespmem:$0x2900] =	vst v0  }
0x18: {  	[tilespmem:$0x2910] =	vst v0  }
0x19: {  	[tilespmem:$0x2920] =	vst v0  }
0x1a: {  	[tilespmem:$0x2930] =	vst v0  }
0x1b: {  	[tilespmem:$0x2940] =	vst v0  }
0x1c: {  	[tilespmem:$0x2950] =	vst v0  }
0x1d: {  	[tilespmem:$0x2960] =	vst v0  }
0x1e: {  	[tilespmem:$0x2970] =	vst v0  }
0x1f: {  	[tilespmem:$0x2980] =	vst v0  }
0x20: {  	[tilespmem:$0x2990] =	vst v0  }
0x21: {  	[tilespmem:$0x29A0] =	vst v0  }
0x22: {  	[tilespmem:$0x29B0] =	vst v0  }
0x23: {  	[tilespmem:$0x29C0] =	vst v0  }
0x24: {  	[tilespmem:$0x29D0] =	vst v0  }
0x25: {  	[tilespmem:$0x29E0] =	vst v0  }
0x26: {  	[tilespmem:$0x29F0] =	vst v0  }
0x27: {  	[tilespmem:$0x2A00] =	vst v0  }
0x28: {  	[tilespmem:$0x2A10] =	vst v0  }
0x29: {  	[tilespmem:$0x2A20] =	vst v0  }
0x2a: {  	[tilespmem:$0x2A30] =	vst v0  }
0x2b: {  	[tilespmem:$0x2A40] =	vst v0  }
0x2c: {  	[tilespmem:$0x2A50] =	vst v0  }
0x2d: {  	[tilespmem:$0x2A60] =	vst v0  }
0x2e: {  	[tilespmem:$0x2A70] =	vst v0  }
0x2f: {  	[tilespmem:$0x2A80] =	vst v0  }
0x30: {  	[tilespmem:$0x2A90] =	vst v0  }
0x31: {  	[tilespmem:$0x2AA0] =	vst v0  }
0x32: {  	[tilespmem:$0x2AB0] =	vst v0  }
0x33: {  	[tilespmem:$0x2AC0] =	vst v0  }
0x34: {  	[tilespmem:$0x2AD0] =	vst v0  }
0x35: {  	[tilespmem:$0x2AE0] =	vst v0  }
0x36: {  	[tilespmem:$0x2AF0] =	vst v0  }
0x37: {  	[tilespmem:$0x2800] =	vst v1  }
0x38: {  	[tilespmem:$0x2810] =	vst v1  }
0x39: {  	[tilespmem:$0x2820] =	vst v1  }
0x3a: {  	[tilespmem:$0x2830] =	vst v1  }
0x3b: {  	[tilespmem:$0x2840] =	vst v1  }
0x3c: {  	[tilespmem:$0x2850] =	vst v1  }
0x3d: {  	[tilespmem:$0x2860] =	vst v1  }
0x3e: {  	[tilespmem:$0x2870] =	vst v1  }
0x3f: {  	[spmem:s4] =	stream.linear.scatter [tilespmem:s8], [sflag:$0x2], $0x280, $0x38;
	[tilespmem:$0x2D80] =	vst v63  }
0x40: {  	_ =	swait.ge [sflag:s9], $0x280  }
0x41: {  	[sflag:s9] =	ssyncset.done $0x0  }
0x42: {  	[sflag:s9] =	ssyncadd.s32 $0xFFFFFD80  }
0x43: {  	[tilespmem:s3], [sflag:$0x2] =	stream.linear.gather [hbm4b:s5+s3], $0x2800, $0x38;
	[tilespmem:$0x2D80] =	vst v63  }
0x44: {  	_ =	swait.ge [sflag:s9], $0x2800  }
0x45: {  	[sflag:s9] =	ssyncset.done $0x0  }
0x46: {  	[sflag:s9] =	ssyncadd.s32 $0xFFFFD800  }
0x47: {  	s16 =	simm.s32 $0x0;
	[bflag:$0x0] =	sbarrier.arrive $0xFFFF  }
0x48: {  	[spmem:s2] =	stream.indirect.scatter.add.f32 [tilespmem:s11], [sflag:$0x1], $0x1, s16, s10, $0xb8;
	[tilespmem:$0x2D80] =	vst v63  }
0x49: {  	s24 =	simm.s32 $0x80  }
0x4a: {  	[spmem:s2] =	stream.indirect.scatter.add.f32 [tilespmem:s11], [sflag:$0x1], $0x1, s24, s10, $0xb8;
	[tilespmem:$0x2D80] =	vst v63  }
0x4b: {  	s25 =	simm.s32 $0x100  }
0x4c: {  	[spmem:s2] =	stream.indirect.scatter.add.f32 [tilespmem:s11], [sflag:$0x1], $0x1, s25, s10, $0xb8;
	[tilespmem:$0x2D80] =	vst v63  }
0x4d: {  	s26 =	simm.s32 $0x180  }
0x4e: {  	[spmem:s2] =	stream.indirect.scatter.add.f32 [tilespmem:s11], [sflag:$0x1], $0x1, s26, s10, $0xb8;
	[tilespmem:$0x2D80] =	vst v63  }
0x4f: {  	s28 =	simm.s32 $0x200  }
0x50: {  	[spmem:s2] =	stream.indirect.scatter.add.f32 [tilespmem:s11], [sflag:$0x1], $0x1, s28, s10, $0xb8;
	[tilespmem:$0x2D80] =	vst v63  }
0x51: {  	s29 =	simm.s32 $0x280  }
0x52: {  	[spmem:s2] =	stream.indirect.scatter.add.f32 [tilespmem:s11], [sflag:$0x1], $0x1, s29, s10, $0xb8;
	[tilespmem:$0x2D80] =	vst v63  }
0x53: {  	s30 =	simm.s32 $0x300  }
0x54: {  	[spmem:s2] =	stream.indirect.scatter.add.f32 [tilespmem:s11], [sflag:$0x1], $0x1, s30, s10, $0xb8;
	[tilespmem:$0x2D80] =	vst v63  }
0x55: {  	s31 =	simm.s32 $0x380  }
0x56: {  	[spmem:s2] =	stream.indirect.scatter.add.f32 [tilespmem:s11], [sflag:$0x1], $0x1, s31, s10, $0xb8;
	[tilespmem:$0x2D80] =	vst v63  }
0x57: {  	_ =	swait.ge [sflag:s12], $0x80  }
0x58: {  	[sflag:s12] =	ssyncset.done $0x0  }
0x59: {  	[sflag:s12] =	ssyncadd.s32 $0xFFFFFF80  }
0x5a: {  	_ =	swait.ge [sflag:s12], $0x80  }
0x5b: {  	[sflag:s12] =	ssyncset.done $0x0  }
0x5c: {  	[sflag:s12] =	ssyncadd.s32 $0xFFFFFF80  }
0x5d: {  	_ =	swait.ge [sflag:s12], $0x80  }
0x5e: {  	[sflag:s12] =	ssyncset.done $0x0  }
0x5f: {  	[sflag:s12] =	ssyncadd.s32 $0xFFFFFF80  }
0x60: {  	_ =	swait.ge [sflag:s12], $0x80  }
0x61: {  	[sflag:s12] =	ssyncset.done $0x0  }
0x62: {  	[sflag:s12] =	ssyncadd.s32 $0xFFFFFF80  }
0x63: {  	_ =	swait.ge [sflag:s12], $0x80  }
0x64: {  	[sflag:s12] =	ssyncset.done $0x0  }
0x65: {  	[sflag:s12] =	ssyncadd.s32 $0xFFFFFF80  }
0x66: {  	_ =	swait.ge [sflag:s12], $0x80  }
0x67: {  	[sflag:s12] =	ssyncset.done $0x0  }
0x68: {  	[sflag:s12] =	ssyncadd.s32 $0xFFFFFF80  }
0x69: {  	_ =	swait.ge [sflag:s12], $0x80  }
0x6a: {  	[sflag:s12] =	ssyncset.done $0x0  }
0x6b: {  	[sflag:s12] =	ssyncadd.s32 $0xFFFFFF80  }
0x6c: {  	_ =	swait.ge [sflag:s12], $0x80  }
0x6d: {  	s18 =	simm.s32 $0x2000;
	s16 =	simm.s32 $0x1000;
	[sflag:s12] =	ssyncset.done $0x0  }
.LBB2_2:
0x6e: {  	s19 =	sshra.s32 s16, $0x2  }
0x6f: {  	[sflag:s12] =	ssyncadd.s32 $0xFFFFFF80;
	s16 =	smov.u32 s18;
	s17 =	sadd.s32 $0x1000, s18  }
0x70: {  	[spmem:s2] =	stream.indirect.scatter.add.f32 [tilespmem:s11], [sflag:$0x1], $0x1, s19, s10, $0xb8;
	[tilespmem:$0x2D80] =	vst v63  }
0x71: {  	p0 =	sne.s32 s18, $0x9000;
	s18 =	sadd.s32 $0x80, s19  }
0x72: {  	[spmem:s2] =	stream.indirect.scatter.add.f32 [tilespmem:s11], [sflag:$0x1], $0x1, s18, s10, $0xb8;
	[tilespmem:$0x2D80] =	vst v63  }
0x73: {  	s18 =	sadd.s32 $0x100, s19  }
0x74: {  	[spmem:s2] =	stream.indirect.scatter.add.f32 [tilespmem:s11], [sflag:$0x1], $0x1, s18, s10, $0xb8;
	[tilespmem:$0x2D80] =	vst v63  }
0x75: {  	s18 =	sadd.s32 $0x180, s19  }
0x76: {  	[spmem:s2] =	stream.indirect.scatter.add.f32 [tilespmem:s11], [sflag:$0x1], $0x1, s18, s10, $0xb8;
	[tilespmem:$0x2D80] =	vst v63  }
0x77: {  	s18 =	sadd.s32 $0x200, s19  }
0x78: {  	[spmem:s2] =	stream.indirect.scatter.add.f32 [tilespmem:s11], [sflag:$0x1], $0x1, s18, s10, $0xb8;
	[tilespmem:$0x2D80] =	vst v63  }
0x79: {  	s18 =	sadd.s32 $0x280, s19  }
0x7a: {  	[spmem:s2] =	stream.indirect.scatter.add.f32 [tilespmem:s11], [sflag:$0x1], $0x1, s18, s10, $0xb8;
	[tilespmem:$0x2D80] =	vst v63  }
0x7b: {  	s18 =	sadd.s32 $0x300, s19  }
0x7c: {  	[spmem:s2] =	stream.indirect.scatter.add.f32 [tilespmem:s11], [sflag:$0x1], $0x1, s18, s10, $0xb8;
	[tilespmem:$0x2D80] =	vst v63  }
0x7d: {  	s18 =	sadd.s32 $0x380, s19  }
0x7e: {  	[spmem:s2] =	stream.indirect.scatter.add.f32 [tilespmem:s11], [sflag:$0x1], $0x1, s18, s10, $0xb8;
	[tilespmem:$0x2D80] =	vst v63  }
0x7f: {  	_ =	swait.ge [sflag:s12], $0x80  }
0x80: {  	[sflag:s12] =	ssyncset.done $0x0  }
0x81: {  	[sflag:s12] =	ssyncadd.s32 $0xFFFFFF80  }
0x82: {  	_ =	swait.ge [sflag:s12], $0x80  }
0x83: {  	[sflag:s12] =	ssyncset.done $0x0  }
0x84: {  	[sflag:s12] =	ssyncadd.s32 $0xFFFFFF80  }
0x85: {  	_ =	swait.ge [sflag:s12], $0x80  }
0x86: {  	[sflag:s12] =	ssyncset.done $0x0  }
0x87: {  	[sflag:s12] =	ssyncadd.s32 $0xFFFFFF80  }
0x88: {  	_ =	swait.ge [sflag:s12], $0x80  }
0x89: {  	[sflag:s12] =	ssyncset.done $0x0  }
0x8a: {  	[sflag:s12] =	ssyncadd.s32 $0xFFFFFF80  }
0x8b: {  	_ =	swait.ge [sflag:s12], $0x80  }
0x8c: {  	[sflag:s12] =	ssyncset.done $0x0  }
0x8d: {  	[sflag:s12] =	ssyncadd.s32 $0xFFFFFF80  }
0x8e: {  	_ =	swait.ge [sflag:s12], $0x80  }
0x8f: {  	[sflag:s12] =	ssyncset.done $0x0  }
0x90: {  	[sflag:s12] =	ssyncadd.s32 $0xFFFFFF80  }
.Ltmp0:
0x91: {  	_ =	swait.ge [sflag:s12], $0x80;
	(pc) =	sbr.rel @p0 .LBB2_2-.Ltmp0, $4  }
0x92: {  	[sflag:s12] =	ssyncset.done $0x0  }
0x93: {  	[sflag:s12] =	ssyncadd.s32 $0xFFFFFF80  }
0x94: {  	_ =	swait.ge [sflag:s12], $0x80  }
0x95: {  	s18 =	smov.u32 s17;
	[sflag:s12] =	ssyncset.done $0x0  }
0x96: {  	s16 =	sshra.s32 s16, $0x2;
	[sflag:s12] =	ssyncadd.s32 $0xFFFFFF80  }
0x97: {  	[spmem:s2] =	stream.indirect.scatter.add.f32 [tilespmem:s11], [sflag:$0x1], $0x1, s16, s10, $0xb8;
	[tilespmem:$0x2D80] =	vst v63  }
0x98: {  	s17 =	sadd.s32 $0x80, s16  }
0x99: {  	[spmem:s2] =	stream.indirect.scatter.add.f32 [tilespmem:s11], [sflag:$0x1], $0x1, s17, s10, $0xb8;
	[tilespmem:$0x2D80] =	vst v63  }
0x9a: {  	s26 =	sadd.s32 $0x100, s16  }
0x9b: {  	[spmem:s2] =	stream.indirect.scatter.add.f32 [tilespmem:s11], [sflag:$0x1], $0x1, s26, s10, $0xb8;
	[tilespmem:$0x2D80] =	vst v63  }
0x9c: {  	s28 =	sadd.s32 $0x180, s16  }
0x9d: {  	[spmem:s2] =	stream.indirect.scatter.add.f32 [tilespmem:s11], [sflag:$0x1], $0x1, s28, s10, $0xb8;
	[tilespmem:$0x2D80] =	vst v63  }
0x9e: {  	s29 =	sadd.s32 $0x200, s16  }
0x9f: {  	[spmem:s2] =	stream.indirect.scatter.add.f32 [tilespmem:s11], [sflag:$0x1], $0x1, s29, s10, $0xb8;
	[tilespmem:$0x2D80] =	vst v63  }
0xa0: {  	s30 =	sadd.s32 $0x280, s16  }
0xa1: {  	[spmem:s2] =	stream.indirect.scatter.add.f32 [tilespmem:s11], [sflag:$0x1], $0x1, s30, s10, $0xb8;
	[tilespmem:$0x2D80] =	vst v63  }
0xa2: {  	s31 =	sadd.s32 $0x300, s16  }
0xa3: {  	[spmem:s2] =	stream.indirect.scatter.add.f32 [tilespmem:s11], [sflag:$0x1], $0x1, s31, s10, $0xb8;
	[tilespmem:$0x2D80] =	vst v63  }
0xa4: {  	s16 =	sadd.s32 $0x380, s16  }
0xa5: {  	[spmem:s2] =	stream.indirect.scatter.add.f32 [tilespmem:s11], [sflag:$0x1], $0x1, s16, s10, $0xb8;
	[tilespmem:$0x2D80] =	vst v63  }
0xa6: {  	_ =	swait.ge [sflag:s12], $0x80  }
0xa7: {  	[sflag:s12] =	ssyncset.done $0x0  }
0xa8: {  	[sflag:s12] =	ssyncadd.s32 $0xFFFFFF80  }
0xa9: {  	_ =	swait.ge [sflag:s12], $0x80  }
0xaa: {  	[sflag:s12] =	ssyncset.done $0x0  }
0xab: {  	[sflag:s12] =	ssyncadd.s32 $0xFFFFFF80  }
0xac: {  	_ =	swait.ge [sflag:s12], $0x80  }
0xad: {  	[sflag:s12] =	ssyncset.done $0x0  }
0xae: {  	[sflag:s12] =	ssyncadd.s32 $0xFFFFFF80  }
0xaf: {  	_ =	swait.ge [sflag:s12], $0x80  }
0xb0: {  	[sflag:s12] =	ssyncset.done $0x0  }
0xb1: {  	[sflag:s12] =	ssyncadd.s32 $0xFFFFFF80  }
0xb2: {  	_ =	swait.ge [sflag:s12], $0x80  }
0xb3: {  	[sflag:s12] =	ssyncset.done $0x0  }
0xb4: {  	[sflag:s12] =	ssyncadd.s32 $0xFFFFFF80  }
0xb5: {  	_ =	swait.ge [sflag:s12], $0x80  }
0xb6: {  	[sflag:s12] =	ssyncset.done $0x0  }
0xb7: {  	[sflag:s12] =	ssyncadd.s32 $0xFFFFFF80  }
0xb8: {  	_ =	swait.ge [sflag:s12], $0x80  }
0xb9: {  	[sflag:s12] =	ssyncset.done $0x0  }
0xba: {  	[sflag:s12] =	ssyncadd.s32 $0xFFFFFF80  }
0xbb: {  	_ =	swait.ge [sflag:s12], $0x80  }
0xbc: {  	s15 =	sadd.s32 $0x1, s15;
	[sflag:s12] =	ssyncset.done $0x0  }
0xbd: {  	p0 =	sne.s32 s15, s7;
	[sflag:s12] =	ssyncadd.s32 $0xFFFFFF80  }
.Ltmp1:
0xbe: {  	[bflag:$0x0] =	sbarrier.arrive $0xFFFF;
	(pc) =	sbr.rel @p0 .LBB2_1-.Ltmp1, $4  }
0xbf: {  	[hbm:s6], [sflag:s13] =	dma.local [spmem:s14], $0x50  }
0xc0: {  	_ =	swait.ge [sflag:s9], $0x50  }
0xc1: {  	[sflag:s9] =	ssyncset.done $0x0  }
0xc2: {  	[sflag:s9] =	ssyncadd.s32 $0xFFFFFFB0  }
0xc3: {  	_ =	sfence.sel $0x180000  }
0xc4: {  	[bflag:$0x0] =	sbarrier.arrive $0xFFFF  }
0xc5: {  	p0 =	sne.s32 s1, $0x0;
	_ =	strace $0x90000047  }
0xc6: {  	s0 =	sadd.s32 @!p0 $0x100000, s0;
	[bflag:$0x2] =	sbarrier.arrive $0xFFFF  }
0xc7: {  	[sflag:s0] =	ssyncadd.tile.s32 @!p0 $0x1;
	_ =	shalt  }
.Lfunc_end2:
_tile_overlayer_lowered:
.L_overlay_start_2:
0xc8: {  	(tag) =	ssettag $0x2  }
0xc9: {  	s0 =	rddreg [dreg:$0x0];
	s2 =	stileid.u32  }
0xca: {  	s1 =	rddreg [dreg:$0x1];
	p0 =	sne.s32 s2, $0x0  }
0xcb: {  	s3 =	rddreg [dreg:$0x2];
	[bflag:$0x3] =	sbarrier.arrive $0xFFFF;
	s2 =	simm.s32 @!p0 $0x1C02  }
0xcc: {  	[timem:s3], [sflag:s2] =	dma.local @!p0 [hbm:s0], s1  }
0xcd: {  	s0 =	simm.s32 @!p0 $0x2  }
0xce: {  	_ =	swait.ge @!p0 [sflag:s0], s1  }
0xcf: {  	s1 =	ssub.s32 @!p0 $0x0, s1;
	[sflag:s0] =	ssyncset.done @!p0 $0x0  }
0xd0: {  	[sflag:s0] =	ssyncadd.s32 @!p0 s1  }
0xd1: {  	[bflag:$0x3] =	sbarrier.arrive $0xFFFF  }
0xd2: {  	_ =	shalt  }

// kernel: kernel.9.cloned.1.call-start
scs
__scs_entry_jumppad:
0x0: {  	(pc) =	sbr.rel $0x88, $3  }
0x1: {  	(tag) =	ssettag $0x0;
	lr =	simm.s32 $0x1  }
0x2: {  	[smem:$0x3F9C] =	sst lr;
	_ =	strace $0xD0000000  }
0x3: {  	_ = 	snop  }
0x4: {  	_ = 	snop  }
0x5: {  	_ = 	snop  }
0x6: {  	_ = 	snop  }
0x7: {  	_ = 	snop  }
__scs_overlays_trampoline_lowered:
0x8: {  	[smem:$0x3FAB] =	sst s0  }
0x9: {  	[smem:$0x3FAC] =	sst s1  }
0xa: {  	[smem:$0x3FAD] =	sst s2  }
0xb: {  	[smem:$0x3FAE] =	sst s3  }
0xc: {  	[smem:$0x3FAF] =	sst s4  }
0xd: {  	[smem:$0x3FB0] =	sst s5  }
0xe: {  	[smem:$0x3FB1] =	sst s6  }
0xf: {  	[smem:$0x3FB2] =	sst s7  }
0x10: {  	[smem:$0x3FB3] =	sst s8  }
0x11: {  	[smem:$0x3FB4] =	sst s9;
	s0 =	simm.s32 @!p0 $0x0  }
0x12: {  	s1 =	sld [smem:$0x3F9A];
	s0 =	simm.s32 @p0 $0x1  }
0x13: {  	[smem:$0x3FB5] =	sst s0;
	s0 =	simm.s32 @!p1 $0x0  }
0x14: {  	s2 =	sld [smem:$0x3F99];
	s0 =	simm.s32 @p1 $0x1  }
0x15: {  	[smem:$0x3FB6] =	sst s0;
	s0 =	simm.s32 @!p2 $0x0  }
0x16: {  	s3 =	sld [smem:$0x3FDB];
	s0 =	simm.s32 @p2 $0x1  }
0x17: {  	s4 =	simm.s32 $0x1BF5;
	[smem:$0x3FB8] =	sst s0  }
0x18: {  	s0 =	sld [smem:$0x3F9B];
	_ =	swait.ge [sflag:s4], $0x0  }
0x19: {  	s7 =	sld [smem:$0x3F9C]  }
0x1a: {  	s8 =	sadd.s32 $0xFFFFE003, lr  }
0x1b: {  	s9 =	sadd.s32 $0xFFFFFEF7, lr;
	s5 =	simm.s32 $0xFFFFFFFF;
	p2 =	slt.u32 s8, $0xFFFFF086  }
0x1c: {  	p1 =	slt.u32 s9, $0xF7A;
	s5 =	simm.s32 @!p2 $0x0  }
0x1d: {  	s5 =	simm.s32 @p1 $0x1;
	p0 =	seq.s32 s7, s2  }
0x1e: {  	s7 =	smul.u32 @!p0 $0xF7A, s2;
	p2 =	seq.s32 @!p0 s5, $0x0  }
0x1f: {  	s9 =	smul.u32 $0xF7A, s1;
	s8 =	simm.s32 @!p0 $0x1BF5;
	p2 =	por !p2, p0  }
0x20: {  	[sflag:s8] =	ssyncset.s32 @!p0 $0xFFFFF086;
	s6 =	sadd.s32 @!p0 s3, s7;
	s7 =	simm.s32 @!p0 $0x108  }
0x21: {  	s3 =	sadd.s32 s3, s9;
	s6 =	sadd.s32 @!p0 $0x88, s6;
	s7 =	simm.s32 @p2 $0x1082  }
0x22: {  	[simem:s7], [sflag:s8] =	dma.local @!p0 [hbm:s6], $0xF7A  }
0x23: {  	s9 =	sor.u32 $0xD0000000, s2;
	s6 =	simm.s32 $0x108;
	_ =	swait.ge @!p0 [sflag:s8], $0x0  }
0x24: {  	s3 =	sadd.s32 $0x88, s3;
	s6 =	simm.s32 @!p1 $0x1082;
	[sflag:s4] =	ssyncset.s32 $0xFFFFF086  }
0x25: {  	[simem:s6], [sflag:s4] =	dma.local [hbm:s3], $0xF7A  }
0x26: {  	[smem:$0x3F9C] =	sst s1;
	(tag) =	ssettag s2;
	_ =	strace s9  }
0x27: {  	s1 =	sld [smem:$0x3FAC]  }
0x28: {  	s2 =	sld [smem:$0x3FAD]  }
0x29: {  	s4 =	sld [smem:$0x3FAF]  }
0x2a: {  	p0 =	seq.s32 s5, $0x0;
	s5 =	sld [smem:$0x3FB0]  }
0x2b: {  	s6 =	sld [smem:$0x3FB1]  }
0x2c: {  	s7 =	sld [smem:$0x3FB2]  }
0x2d: {  	s3 =	simm.s32 $0x108;
	s8 =	sld [smem:$0x3FB3]  }
0x2e: {  	s3 =	simm.s32 @!p0 $0x1082;
	s9 =	sld [smem:$0x3FB4]  }
0x2f: {  	lr =	sadd.s32 s0, s3;
	s0 =	sld [smem:$0x3FAB]  }
0x30: {  	s3 =	sld [smem:$0x3FAE]  }
0x31: {  	[smem:$0x3FB7] =	sst s10  }
0x32: {  	s10 =	sld [smem:$0x3FB5];
	_ =	sdelay $0x3  }
0x33: {  	p0 =	seq.s32 s10, $0x1;
	s10 =	sld [smem:$0x3FB7];
	_ =	sdelay $0x3  }
0x34: {  	[smem:$0x3FB7] =	sst s10  }
0x35: {  	s10 =	sld [smem:$0x3FB6];
	_ =	sdelay $0x3  }
0x36: {  	p1 =	seq.s32 s10, $0x1;
	s10 =	sld [smem:$0x3FB7];
	_ =	sdelay $0x3  }
0x37: {  	[smem:$0x3FB7] =	sst s10  }
0x38: {  	s10 =	sld [smem:$0x3FB8]  }
0x39: {  	_ = 	snop;
	(pc) =	sbr.ind lr, $3  }
0x3a: {  	_ = 	snop  }
0x3b: {  	_ = 	snop  }
0x3c: {  	p2 =	seq.s32 s10, $0x1;
	s10 =	sld [smem:$0x3FB7]  }
0x3d: {  	_ =	shalt  }
0x3e: {  	_ =	shalt  }
0x3f: {  	_ =	shalt  }
0x40: {  	_ =	shalt  }
0x41: {  	_ =	shalt  }
0x42: {  	_ =	shalt  }
0x43: {  	_ =	shalt  }
0x44: {  	_ =	shalt  }
0x45: {  	_ =	shalt  }
0x46: {  	_ =	shalt  }
0x47: {  	_ =	shalt  }
0x48: {  	_ =	shalt  }
0x49: {  	_ =	shalt  }
0x4a: {  	_ =	shalt  }
0x4b: {  	_ =	shalt  }
0x4c: {  	_ =	shalt  }
0x4d: {  	_ =	shalt  }
0x4e: {  	_ =	shalt  }
0x4f: {  	_ =	shalt  }
0x50: {  	_ =	shalt  }
0x51: {  	_ =	shalt  }
0x52: {  	_ =	shalt  }
0x53: {  	_ =	shalt  }
0x54: {  	_ =	shalt  }
0x55: {  	_ =	shalt  }
0x56: {  	_ =	shalt  }
0x57: {  	_ =	shalt  }
0x58: {  	_ =	shalt  }
0x59: {  	_ =	shalt  }
0x5a: {  	_ =	shalt  }
0x5b: {  	_ =	shalt  }
0x5c: {  	_ =	shalt  }
0x5d: {  	_ =	shalt  }
0x5e: {  	_ =	shalt  }
0x5f: {  	_ =	shalt  }
0x60: {  	_ =	shalt  }
0x61: {  	_ =	shalt  }
0x62: {  	_ =	shalt  }
0x63: {  	_ =	shalt  }
0x64: {  	_ =	shalt  }
0x65: {  	_ =	shalt  }
0x66: {  	_ =	shalt  }
0x67: {  	_ =	shalt  }
0x68: {  	_ =	shalt  }
0x69: {  	_ =	shalt  }
0x6a: {  	_ =	shalt  }
0x6b: {  	_ =	shalt  }
0x6c: {  	_ =	shalt  }
0x6d: {  	_ =	shalt  }
0x6e: {  	_ =	shalt  }
0x6f: {  	_ =	shalt  }
0x70: {  	_ =	shalt  }
0x71: {  	_ =	shalt  }
0x72: {  	_ =	shalt  }
0x73: {  	_ =	shalt  }
0x74: {  	_ =	shalt  }
0x75: {  	_ =	shalt  }
0x76: {  	_ =	shalt  }
0x77: {  	_ =	shalt  }
0x78: {  	_ =	shalt  }
0x79: {  	_ =	shalt  }
0x7a: {  	_ =	shalt  }
0x7b: {  	_ =	shalt  }
0x7c: {  	_ =	shalt  }
0x7d: {  	_ =	shalt  }
0x7e: {  	_ =	shalt  }
0x7f: {  	_ =	shalt  }
0x80: {  	_ =	shalt  }
0x81: {  	_ =	shalt  }
0x82: {  	_ =	shalt  }
0x83: {  	_ =	shalt  }
0x84: {  	_ =	shalt  }
0x85: {  	_ =	shalt  }
0x86: {  	_ =	shalt  }
0x87: {  	_ =	shalt  }
.Lfunc_end0:
.L_simem_size_0:
called_computation.1_lowered:
.L_overlay_start_0:
0x88: {  	s2 =	sld [smem:$0x3FD9]  }
0x89: {  	s3 =	sld [smem:$0x3FFE];
	_ =	sdelay $0x1  }
0x8a: {  	s1 =	srdreg.scid  }
0x8b: {  	s0 =	sand.u32 $0x1, s1  }
0x8c: {  	s17 =	sshll.u32 s0, $0xA;
	s2 =	sadd.s32 s3, s2  }
0x8d: {  	s2 =	sadd.s32 s2, s17  }
0x8e: {  	[smem:$0x3FC3] =	sst s2  }
0x8f: {  	_ = 	snop  }
0x90: {  	s2 =	sld [smem:$0x3FD0];
	(tm) =	ssettm $0x1  }
0x91: {  	s18 =	sld [smem:$0x3FFB];
	_ =	sdelay $0x3  }
0x92: {  	_ =	strace s18  }
0x93: {  	s3 =	sld [smem:$0x3FFC];
	_ =	sdelay $0x3  }
0x94: {  	_ =	strace s3  }
0x95: {  	s3 =	sld [smem:$0x3FFD];
	_ =	sdelay $0x3  }
0x96: {  	_ =	strace s3  }
0x97: {  	_ =	strace $0x8FFFFFFF  }
0x98: {  	s19 =	sld [smem:$0x3FDB];
	_ =	sdelay $0x1  }
0x99: {  	s4 =	simm.s32 $_scs_section_size  }
0x9a: {  	s5 =	simm.s32 $_size__tile_overlayer_lowered;
	s6 =	simm.s32 $_tile_overlayer_lowered  }
0x9b: {  	s22 =	simm.s32 $0x1BFF;
	s21 =	sshll.u32 s6, $0x1;
	s3 =	sadd.s32 s4, s19  }
0x9c: {  	s7 =	simm.s32 $0x0;
	s20 =	sshll.u32 s5, $0x1;
	s5 =	sadd.s32 s21, s3  }
0x9d: {  	[timem:s7], [sflag:s22] =	dma.local [hbm:s5], s20  }
0x9e: {  	_ =	swait.ge [sflag:s22], s20  }
0x9f: {  	s4 =	ssub.s32 $0x0, s20;
	[sflag:s22] =	ssyncset.done $0x0  }
0xa0: {  	[sflag:s22] =	ssyncadd.s32 s4;
	_ =	sdelay $0x1  }
0xa1: {  	s23 =	simm.s32 $0x1B8B  }
0xa2: {  	_ =	swait.ge [sflag:s23], $0x1  }
0xa3: {  	[sflag:s23] =	ssyncset.done $0x0  }
0xa4: {  	s25 =	simm.s32 $0x1B8E;
	s24 =	sld [smem:$0x3FFE];
	[sflag:s23] =	ssyncadd.s32 $0xFFFFFFFF  }
0xa5: {  	s26 =	simm.s32 $execute0_lowered;
	[smem:$0x3FD2] =	sst s25  }
0xa6: {  	s5 =	sshll.u32 s26, $0x1;
	_ =	strace $0x80000049;
	[dreg:$0x1] =	wrdreg $0xFFFFFFFF  }
0xa7: {  	s28 =	simm.s32 $_size_execute0_lowered;
	s3 =	sadd.s32 s3, s5;
	[dreg:$0x0] =	wrdreg $0x0  }
0xa8: {  	s5 =	sshll.u32 s28, $0x1;
	[dreg:$0x2] =	wrdreg s3  }
0xa9: {  	[dreg:$0x3] =	wrdreg s5  }
0xaa: {  	[dreg:$0x4] =	wrdreg $0xC0  }
0xab: {  	_ =	task [dreg:s7], $0x5FFFF  }
0xac: {  	[dreg:$0x1] =	wrdreg $0xFFFFFFFF  }
0xad: {  	[dreg:$0x0] =	wrdreg $0x60  }
0xae: {  	[dreg:$0x2] =	wrdreg s24  }
0xaf: {  	[dreg:$0x3] =	wrdreg s2  }
0xb0: {  	[dreg:$0x4] =	wrdreg $0x125000  }
0xb1: {  	[dreg:$0x5] =	wrdreg $0x14D000  }
0xb2: {  	[dreg:$0x6] =	wrdreg $0x9  }
0xb3: {  	_ =	task.clear_ibuf [dreg:s7], $0x7FFFF;
	_ =	strace $0x90000049  }
0xb4: {  	s29 =	simm.s32 $0x9;
	_ =	strace $0x8000004B  }
0xb5: {  	_ =	swait.ge [sflag:s29], $0x1  }
0xb6: {  	[sflag:s29] =	ssyncadd.s32 $0xFFFFFFFF  }
0xb7: {  	_ =	strace $0x9000004B  }
0xb8: {  	_ =	sfence  }
0xb9: {  	s30 =	sld [smem:$0x0];
	_ =	sdelay $0x2  }
0xba: {  	s31 =	sshll.u32 s1, $0xD;
	s1 =	sshrl.u32 s1, $0x2  }
0xbb: {  	s3 =	sand.u32 $0x4000, s31;
	s1 =	sadd.s32 s1, s30  }
0xbc: {  	s0 =	sor.u32 s3, s0;
	s1 =	sshll.u32 s1, $0x11  }
0xbd: {  	s0 =	sor.u32 s1, s0  }
0xbe: {  	s0 =	sadd.s32 $0x8F2B, s0  }
0xbf: {  	[sflag:s0] =	ssyncadd.remote.s32 $0x1  }
0xc0: {  	_ =	sfence.sel $0xFFFF  }
0xc1: {  	[dreg:$0x0] =	wrdreg $0xFFFFFFFF;
	(pc) =	sbr.abs _section_cstart, $3  }
0xc2: {  	[dreg:$0x1] =	wrdreg $0xFFFFFFFF  }
0xc3: {  	_ =	task.clear_ibuf [dreg:s7], $0x2FFFF;
	_ =	strace $0x9FFFFFFF  }
0xc4: {  	(tm) =	ssettm $0x7FFFFFFF  }
0xc5: {  	_ =	shalt  }
tec
execute0_lowered:
.L_overlay_start_1:
0x0: {  	(tag) =	ssettag $0x1  }
0x1: {  	s0 =	rddreg [dreg:$0x0]  }
0x2: {  	s1 =	rddreg [dreg:$0x1]  }
0x3: {  	s2 =	rddreg [dreg:$0x2]  }
0x4: {  	s3 =	rddreg [dreg:$0x3]  }
0x5: {  	s5 =	simm.s32 $0x0;
	s9 =	stileid.u32;
	s4 =	srdreg.scid  }
0x6: {  	s29 =	simm.s32 $0x7000;
	s31 =	simm.s32 $0x7800;
	s15 =	simm.s32 $0x8000  }
0x7: {  	s28 =	simm.s32 $0x9800;
	s30 =	simm.s32 $0xA000;
	s17 =	simm.s32 $0xB000  }
0x8: {  	s16 =	simm.s32 $0xC000;
	[smem:$0x7FF] =	sst s5;
	s19 =	smul.u32 $0x2800, s9  }
0x9: {  	s4 =	sand.u32 $0x1, s4;
	s6 =	smul.u32 $0x280, s9;
	s5 =	simm.s32 $0xC800  }
0xa: {  	_ =	strace $0x8000004A;
	s7 =	sshll.u32 s4, $0x4;
	s20 =	smul.u32 $0x28000, s4  }
0xb: {  	s4 =	ssub.s32 $0x2, s4;
	s8 =	sshrl.u32 s19, $0x3;
	s7 =	sor.u32 s9, s7  }
0xc: {  	s6 =	sshrl.u32 s6, $0x3;
	s11 =	sshrl.u32 s4, $0x1;
	s25 =	sadd.s32 s19, s2  }
0xd: {  	s8 =	sadd.s32 s8, s0;
	s7 =	smul.u32 $0x500, s7;
	s6 =	sadd.s32 s6, s0  }
0xe: {  	s9 =	sadd.s32 s19, s20;
	s4 =	ssub.s32 s4, s11;
	[dreg:$0xa] =	wrdreg s25  }
0xf: {  	s11 =	simm.s32 $0x12280;
	s20 =	simm.s32 $0x80;
	s25 =	simm.s32 $0x9000  }
0x10: {  	s9 =	sshrl.u32 s9, $0x3;
	s22 =	sadd.s32 $0x1400, s8;
	s23 =	sadd.s32 $0xA00, s6  }
0x11: {  	s24 =	sadd.s32 $0xF00, s6;
	s26 =	smax.u32 s4, $0x1;
	[dreg:$0x7] =	wrdreg s22  }
0x12: {  	s6 =	simm.s32 $0x2;
	s8 =	simm.s32 $0x4;
	[dreg:$0x8] =	wrdreg s23  }
0x13: {  	s10 =	sadd.s32 s7, s0;
	s0 =	sadd.s32 s9, s0;
	[dreg:$0x9] =	wrdreg s24  }
0x14: {  	s1 =	sadd.s32 s1, s7;
	[dreg:$0xd] =	wrdreg s26;
	s22 =	simm.s32 $0x5  }
0x15: {  	s24 =	simm.s32 $0x6000;
	s26 =	simm.s32 $0x6800;
	s23 =	simm.s32 $0x1  }
0x16: {  	s7 =	simm.s32 $0x3;
	s21 =	sadd.s32 $0x6400, s10;
	[dreg:$0x6] =	wrdreg s1  }
0x17: {  	s9 =	simm.s32 $0x0;
	s0 =	sadd.s32 $0x10400, s0;
	[dreg:$0x5] =	wrdreg s21  }
0x18: {  	s1 =	simm.s32 $0xB800;
	s21 =	sadd.s32 s19, s3;
	[dreg:$0xc] =	wrdreg s0  }
0x19: {  	v0 =	vimm.f32 $0.0e+00;
	s19 =	simm.s32 $0x8800;
	s0 =	simm.s32 $0xA800;
	[dreg:$0xb] =	wrdreg s21  }
.LBB2_1:
0x1a: {  	[dreg:$0xe] =	wrdreg s9  }
0x1b: {  	s4 =	simm.s32 $0x0;
	s14 =	rddreg [dreg:$0x5]  }
0x1c: {  	[tilespmem:s4], [sflag:$0x5] =	stream.linear.gather [hbm4b:s14+s4], $0x2800, $0x38;
	[tilespmem:$0x17500] =	vst v63  }
0x1d: {  	_ =	swait.ge [sflag:s22], $0x2800  }
0x1e: {  	[sflag:s22] =	ssyncset.done $0x0  }
0x1f: {  	s10 =	simm.s32 $0x2800;
	s18 =	rddreg [dreg:$0x6];
	[sflag:s22] =	ssyncadd.s32 $0xFFFFD800  }
0x20: {  	[tilespmem:s10], [sflag:$0x5] =	stream.linear.gather [hbm4b:s18+s4], $0x2800, $0x38;
	[tilespmem:$0x17500] =	vst v63  }
0x21: {  	_ =	swait.ge [sflag:s22], $0x2800  }
0x22: {  	[sflag:s22] =	ssyncset.done $0x0  }
0x23: {  	s12 =	simm.s32 $0xD000;
	s10 =	rddreg [dreg:$0x7];
	[sflag:s22] =	ssyncadd.s32 $0xFFFFD800  }
0x24: {  	[tilespmem:s12], [sflag:$0x5] =	stream.linear.gather [hbm4b:s10+s4], $0x2800, $0x38;
	[tilespmem:$0x17500] =	vst v63  }
0x25: {  	_ =	swait.ge [sflag:s22], $0x2800  }
0x26: {  	[sflag:s22] =	ssyncset.done $0x0  }
0x27: {  	s14 =	simm.s32 $0x12000;
	s13 =	rddreg [dreg:$0x8];
	[sflag:s22] =	ssyncadd.s32 $0xFFFFD800  }
0x28: {  	[tilespmem:s14], [sflag:$0x5] =	stream.linear.gather [hbm4b:s13+s4], $0x280, $0x38;
	[tilespmem:$0x17500] =	vst v63  }
0x29: {  	_ =	swait.ge [sflag:s22], $0x280  }
0x2a: {  	[sflag:s22] =	ssyncset.done $0x0  }
0x2b: {  	s18 =	rddreg [dreg:$0x9];
	[sflag:s22] =	ssyncadd.s32 $0xFFFFFD80  }
0x2c: {  	[tilespmem:s11], [sflag:$0x5] =	stream.linear.gather [hbm4b:s18+s4], $0x280, $0x38;
	[tilespmem:$0x17500] =	vst v63  }
0x2d: {  	_ =	swait.ge [sflag:s22], $0x280  }
0x2e: {  	[sflag:s22] =	ssyncset.done $0x0  }
0x2f: {  	s4 =	simm.s32 $0x0;
	[sflag:s22] =	ssyncadd.s32 $0xFFFFFD80  }
0x30: {  	s9 =	simm.s32 $0x40;
	v1 =	vld [tilespmem:s4+$0x12280]  }
.LBB2_2:
0x31: {  	p0 =	sne.s32 s9, $0x9C0;
	v2 =	vld [tilespmem:s4+$0x12000];
	_ =	sdelay $0x2  }
.Ltmp0:
0x32: {  	(pc) =	sbr.rel @p0 .LBB2_2-.Ltmp0, $4  }
0x33: {  	_ = 	snop  }
0x34: {  	v2 =	vadd.f32 v1, v2  }
0x35: {  	s10 =	sshra.s32 s9, $0x2  }
0x36: {  	s9 =	sadd.s32 $0x40, s9;
	v1 =	vld [tilespmem:s10+$0x12280];
	[tilespmem:s4+$0x12000] =	vst v2;
	s4 =	smov.u32 s10  }
0x37: {  	v2 =	vld [tilespmem:s4+$0x12000];
	_ =	sdelay $0x4  }
0x38: {  	v1 =	vadd.f32 v1, v2;
	_ =	sdelay $0x1  }
0x39: {  	s12 =	simm.s32 $0x0;
	[tilespmem:s4+$0x12000] =	vst v1  }
0x3a: {  	v1 =	vld [tilespmem:s12+$0x12000];
	_ =	sdelay $0x4  }
0x3b: {  	s10 =	simm.s32 $0x10;
	v1 =	vadd.f32 $1.000000000e+00, v1  }
0x3c: {  	v2 =	vld [tilespmem:s10+$0x12000]  }
0x3d: {  	v3 =	vshrl.u32 v1, $0x1;
	v4 =	vmul.f32 $5.000000000e-01, v1  }
0x3e: {  	v1 =	vsub.s32 $0x5F3759DF, v3  }
0x3f: {  	v3 =	vmul.f32 v1, v4  }
0x40: {  	s13 =	simm.s32 $0x20  }
0x41: {  	v5 =	vld [tilespmem:s13+$0x12000];
	v2 =	vadd.f32 $1.000000000e+00, v2;
	v3 =	vmul.f32 v1, v3;
	_ =	sdelay $0x1  }
0x42: {  	v6 =	vshrl.u32 v2, $0x1;
	v8 =	vmul.f32 $5.000000000e-01, v2;
	v2 =	vsub.f32 $1.500000000e+00, v3  }
0x43: {  	v3 =	vsub.s32 $0x5F3759DF, v6  }
0x44: {  	v6 =	vmul.f32 v3, v8;
	v2 =	vmul.f32 v1, v2  }
0x45: {  	s11 =	simm.s32 $0x30;
	v1 =	vadd.f32 $1.000000000e+00, v5  }
0x46: {  	v5 =	vld [tilespmem:s11+$0x12000];
	v6 =	vmul.f32 v3, v6;
	v7 =	vmul.f32 v2, v4  }
0x47: {  	v9 =	vshrl.u32 v1, $0x1;
	v1 =	vmul.f32 $5.000000000e-01, v1  }
0x48: {  	v6 =	vsub.f32 $1.500000000e+00, v6;
	v9 =	vsub.s32 $0x5F3759DF, v9;
	v7 =	vmul.f32 v7, v2  }
0x49: {  	v10 =	vmul.f32 v9, v1  }
0x4a: {  	v3 =	vmul.f32 v3, v6;
	v6 =	vsub.f32 $1.500000000e+00, v7  }
0x4b: {  	v5 =	vadd.f32 $1.000000000e+00, v5;
	v10 =	vmul.f32 v9, v10  }
0x4c: {  	s4 =	simm.s32 $0x40;
	v11 =	vmul.f32 v3, v8;
	v6 =	vmul.f32 v6, v2  }
0x4d: {  	v7 =	vld [tilespmem:s4+$0x12000];
	v12 =	vshrl.u32 v5, $0x1;
	v2 =	vmul.f32 $5.000000000e-01, v5;
	v5 =	vsub.f32 $1.500000000e+00, v10  }
0x4e: {  	v13 =	vsub.s32 $0x5F3759DF, v12;
	v10 =	vmul.f32 v11, v3;
	v4 =	vmul.f32 v6, v4  }
0x4f: {  	v11 =	vmul.f32 v13, v2;
	v5 =	vmul.f32 v9, v5  }
0x50: {  	v9 =	vsub.f32 $1.500000000e+00, v10;
	v4 =	vmul.f32 v4, v6  }
0x51: {  	v10 =	vmul.f32 v13, v11;
	v11 =	vmul.f32 v5, v1  }
0x52: {  	s9 =	simm.s32 $0x50;
	v7 =	vadd.f32 $1.000000000e+00, v7;
	v3 =	vmul.f32 v9, v3  }
0x53: {  	v14 =	vsub.f32 $1.500000000e+00, v4;
	v15 =	vsub.f32 $1.500000000e+00, v10;
	v10 =	vmul.f32 v11, v5;
	v11 =	vld [tilespmem:s9+$0x12000]  }
0x54: {  	v12 =	vshrl.u32 v7, $0x1;
	v4 =	vmul.f32 $5.000000000e-01, v7  }
0x55: {  	v7 =	vsub.s32 $0x5F3759DF, v12;
	v9 =	vmul.f32 v3, v8;
	v6 =	vmul.f32 v14, v6  }
0x56: {  	s14 =	simm.s32 $0x180;
	v12 =	vmul.f32 v7, v4;
	v8 =	vmul.f32 v13, v15  }
.LBB2_4:
0x57: {  	s18 =	sshra.s32 s14, $0x2  }
0x58: {  	v13 =	vadd.f32 $1.000000000e+00, v11;
	v10 =	vsub.f32 $1.500000000e+00, v10;
	v9 =	vmul.f32 v9, v3;
	[tilespmem:s12+$0x12280] =	vst v6;
	s12 =	smov.u32 s10;
	s10 =	smov.u32 s13;
	p0 =	sne.s32 s14, $0x9C0  }
.Ltmp1:
0x59: {  	s13 =	smov.u32 s11;
	s11 =	smov.u32 s4;
	v11 =	vld [tilespmem:s18+$0x12000];
	v6 =	vmul.f32 v7, v12;
	v12 =	vmul.f32 v8, v2;
	(pc) =	sbr.rel @p0 .LBB2_4-.Ltmp1, $4  }
0x5a: {  	s14 =	sadd.s32 $0x40, s14;
	s4 =	smov.u32 s9;
	v14 =	vshrl.u32 v13, $0x1;
	v15 =	vmul.f32 v10, v5;
	v16 =	vsub.f32 $1.500000000e+00, v9;
	v5 =	vmovc v8  }
0x5b: {  	s9 =	smov.u32 s18;
	v13 =	vmul.f32 $5.000000000e-01, v13;
	v8 =	vsub.f32 $1.500000000e+00, v6;
	v10 =	vmul.f32 v12, v5  }
0x5c: {  	v14 =	vsub.s32 $0x5F3759DF, v14;
	v9 =	vmul.f32 v15, v1;
	v6 =	vmul.f32 v16, v3;
	v3 =	vmovc v15;
	v1 =	vmovc v2  }
0x5d: {  	v12 =	vmul.f32 v14, v13;
	v2 =	vmovc v4;
	v4 =	vmovc v13;
	v8 =	vmul.f32 v7, v8;
	v7 =	vmov v14  }
0x5e: {  	v11 =	vadd.f32 $1.000000000e+00, v11;
	_ =	sdelay $0x1  }
0x5f: {  	v13 =	vshrl.u32 v11, $0x1;
	v11 =	vmul.f32 $5.000000000e-01, v11  }
0x60: {  	v13 =	vsub.s32 $0x5F3759DF, v13  }
0x61: {  	v14 =	vmul.f32 v13, v11  }
0x62: {  	v12 =	vmul.f32 v7, v12  }
0x63: {  	v14 =	vmul.f32 v13, v14  }
0x64: {  	v12 =	vsub.f32 $1.500000000e+00, v12  }
0x65: {  	v14 =	vsub.f32 $1.500000000e+00, v14  }
0x66: {  	v56 =	vmul.f32 v7, v12  }
0x67: {  	v57 =	vmul.f32 v8, v2;
	v13 =	vmul.f32 v13, v14  }
0x68: {  	v58 =	vmul.f32 v56, v4  }
0x69: {  	v12 =	vmul.f32 v57, v8;
	v15 =	vmul.f32 v13, v11  }
0x6a: {  	v10 =	vsub.f32 $1.500000000e+00, v10;
	v14 =	vmul.f32 v58, v56  }
0x6b: {  	v12 =	vsub.f32 $1.500000000e+00, v12;
	v15 =	vmul.f32 v15, v13  }
0x6c: {  	v5 =	vmul.f32 v10, v5;
	v59 =	vsub.f32 $1.500000000e+00, v14  }
0x6d: {  	v9 =	vmul.f32 v9, v3;
	v60 =	vmul.f32 v12, v8;
	v61 =	vsub.f32 $1.500000000e+00, v15  }
0x6e: {  	v1 =	vmul.f32 v5, v1;
	v7 =	vmul.f32 v59, v56  }
0x6f: {  	v2 =	vmul.f32 v60, v2;
	v62 =	vmul.f32 v61, v13  }
0x70: {  	v1 =	vmul.f32 v1, v5;
	v4 =	vmul.f32 v7, v4  }
0x71: {  	v9 =	vsub.f32 $1.500000000e+00, v9;
	v2 =	vmul.f32 v2, v60;
	v11 =	vmul.f32 v62, v11  }
0x72: {  	v1 =	vsub.f32 $1.500000000e+00, v1;
	v4 =	vmul.f32 v4, v7  }
0x73: {  	v3 =	vmul.f32 v9, v3;
	v2 =	vsub.f32 $1.500000000e+00, v2;
	v63 =	vmul.f32 v11, v62  }
0x74: {  	[tilespmem:s12+$0x12280] =	vst v6;
	s12 =	simm.s32 $0x0;
	v1 =	vmul.f32 v1, v5;
	v4 =	vsub.f32 $1.500000000e+00, v4  }
0x75: {  	[tilespmem:s10+$0x12280] =	vst v3;
	v5 =	vmov s12;
	v2 =	vmul.f32 v2, v60;
	v3 =	vsub.f32 $1.500000000e+00, v63  }
0x76: {  	[tilespmem:s13+$0x12280] =	vst v1;
	v1 =	vmul.f32 v4, v7  }
0x77: {  	[tilespmem:s11+$0x12280] =	vst v2;
	v2 =	vmul.f32 v3, v62  }
0x78: {  	[tilespmem:s4+$0x12280] =	vst v1  }
0x79: {  	s11 =	simm.s32 $0x12280;
	[tilespmem:s9+$0x12280] =	vst v2  }
0x7a: {  	s13 =	simm.s32 $0xD000;
	v1 =	vld.idx.msk [tilespmem:v5+s11+$0x0], $0xffff  }
0x7b: {  	v2 =	vld [tilespmem:s13+$0x0];
	_ =	sdelay $0x1  }
0x7c: {  	s14 =	simm.s32 $0x1  }
0x7d: {  	v3 =	vmov s14;
	_ =	sdelay $0x1  }
0x7e: {  	v1 =	vmul.f32 v1, v2  }
0x7f: {  	s4 =	simm.s32 $0xF800  }
0x80: {  	[tilespmem:s4+$0x0] =	vst v1  }
0x81: {  	s9 =	simm.s32 $0xD010;
	v1 =	vld.idx.msk [tilespmem:v3+s11+$0x0], $0xffff  }
0x82: {  	v3 =	vld [tilespmem:s9+$0x0];
	_ =	sdelay $0x1  }
0x83: {  	s18 =	simm.s32 $0x2  }
0x84: {  	s10 =	simm.s32 $0x3;
	s14 =	simm.s32 $0x5000;
	v2 =	vmov s18  }
.LBB2_6:
0x85: {  	p0 =	sne.s32 s10, $0x27F  }
0x86: {  	v1 =	vmul.f32 v1, v3  }
0x87: {  	s4 =	sadd.s32 $0x10, s4  }
0x88: {  	[tilespmem:s4+$0x0] =	vst v1  }
.Ltmp2:
0x89: {  	s9 =	sadd.s32 $0x10, s9;
	v1 =	vld.idx.msk [tilespmem:v2+s11+$0x0], $0xffff;
	(pc) =	sbr.rel @p0 .LBB2_6-.Ltmp2, $2  }
0x8a: {  	v3 =	vld [tilespmem:s9+$0x0];
	_ =	sdelay $0x2  }
0x8b: {  	v2 =	vmov s10;
	s10 =	sadd.s32 $0x1, s10  }
0x8c: {  	_ = 	snop  }
0x8d: {  	v1 =	vmul.f32 v1, v3  }
0x8e: {  	s4 =	sadd.s32 $0x10, s4  }
0x8f: {  	[tilespmem:s4+$0x0] =	vst v1  }
0x90: {  	s9 =	sadd.s32 $0x10, s9;
	v1 =	vld.idx.msk [tilespmem:v2+s11+$0x0], $0xffff  }
0x91: {  	v2 =	vld [tilespmem:s9+$0x0];
	_ =	sdelay $0x4  }
0x92: {  	v1 =	vmul.f32 v1, v2  }
0x93: {  	s4 =	sadd.s32 $0x10, s4  }
0x94: {  	s13 =	rddreg [dreg:$0xa];
	s18 =	simm.s32 $0xF800;
	[tilespmem:s4+$0x0] =	vst v1  }
0x95: {  	[spmem:s13] =	stream.linear.scatter [tilespmem:s18], [sflag:$0x5], $0x2800, $0x38;
	[tilespmem:$0x17500] =	vst v63  }
0x96: {  	_ =	swait.ge [sflag:s22], $0x2800  }
0x97: {  	s9 =	simm.s32 $0x0;
	[sflag:s22] =	ssyncset.done $0x0  }
0x98: {  	s4 =	simm.s32 $0x40;
	s18 =	simm.s32 $0x5800;
	[sflag:s22] =	ssyncadd.s32 $0xFFFFD800  }
.LBB2_8:
0x99: {  	p0 =	sne.s32 s4, $0x9FC0;
	[tilespmem:s9+$0xD000] =	vst v0;
	s9 =	smov.u32 s4;
	s4 =	sadd.s32 $0x40, s4  }
.Ltmp3:
0x9a: {  	(pc) =	sbr.rel @p0 .LBB2_8-.Ltmp3, $2  }
0x9b: {  	_ =	sdelay $0x2  }
0x9c: {  	s9 =	sshra.s32 s9, $0x2  }
0x9d: {  	[tilespmem:s9+$0xD000] =	vst v0;
	s4 =	simm.s32 $0xD000  }
0x9e: {  	[spmem:s21] =	stream.linear.scatter [tilespmem:s4], [sflag:$0x5], $0x2800, $0x38;
	[tilespmem:$0x17500] =	vst v63  }
0x9f: {  	_ =	swait.ge [sflag:s22], $0x2800  }
0xa0: {  	[sflag:s22] =	ssyncset.done $0x0  }
0xa1: {  	[sflag:s22] =	ssyncadd.s32 $0xFFFFD800  }
0xa2: {  	s13 =	simm.s32 $0x0;
	[bflag:$0x0] =	sbarrier.arrive $0xFFFF  }
0xa3: {  	[tilespmem:s14], [sflag:$0x1] =	stream.indirect.gather [spmem:s2], $0x10, s13, s20, $0xb8;
	[tilespmem:$0x17500] =	vst v63  }
0xa4: {  	_ = 	snop  }
0xa5: {  	[tilespmem:s18], [sflag:$0x1] =	stream.indirect.gather [spmem:s2], $0x10, s20, s20, $0xb8;
	[tilespmem:$0x17500] =	vst v63  }
0xa6: {  	s21 =	simm.s32 $0x100  }
0xa7: {  	[tilespmem:s24], [sflag:$0x1] =	stream.indirect.gather [spmem:s2], $0x10, s21, s20, $0xb8;
	[tilespmem:$0x17500] =	vst v63  }
0xa8: {  	s22 =	simm.s32 $0x180  }
0xa9: {  	[tilespmem:s26], [sflag:$0x1] =	stream.indirect.gather [spmem:s2], $0x10, s22, s20, $0xb8;
	[tilespmem:$0x17500] =	vst v63  }
0xaa: {  	s9 =	simm.s32 $0x200  }
0xab: {  	[tilespmem:s29], [sflag:$0x1] =	stream.indirect.gather [spmem:s2], $0x10, s9, s20, $0xb8;
	[tilespmem:$0x17500] =	vst v63  }
0xac: {  	s10 =	simm.s32 $0x280  }
0xad: {  	[tilespmem:s31], [sflag:$0x1] =	stream.indirect.gather [spmem:s2], $0x10, s10, s20, $0xb8;
	[tilespmem:$0x17500] =	vst v63  }
0xae: {  	s11 =	simm.s32 $0x300  }
0xaf: {  	[tilespmem:s15], [sflag:$0x1] =	stream.indirect.gather [spmem:s2], $0x10, s11, s20, $0xb8;
	[tilespmem:$0x17500] =	vst v63  }
0xb0: {  	s12 =	simm.s32 $0x380  }
0xb1: {  	[tilespmem:s19], [sflag:$0x1] =	stream.indirect.gather [spmem:s2], $0x10, s12, s20, $0xb8;
	[tilespmem:$0x17500] =	vst v63  }
0xb2: {  	_ =	swait.ge [sflag:s23], $0x800  }
0xb3: {  	[sflag:s23] =	ssyncset.done $0x0  }
0xb4: {  	[sflag:s23] =	ssyncadd.s32 $0xFFFFF800  }
0xb5: {  	_ =	swait.ge [sflag:s23], $0x800  }
0xb6: {  	[sflag:s23] =	ssyncset.done $0x0  }
0xb7: {  	[sflag:s23] =	ssyncadd.s32 $0xFFFFF800  }
0xb8: {  	_ =	swait.ge [sflag:s23], $0x800  }
0xb9: {  	[sflag:s23] =	ssyncset.done $0x0  }
0xba: {  	[sflag:s23] =	ssyncadd.s32 $0xFFFFF800  }
0xbb: {  	_ =	swait.ge [sflag:s23], $0x800  }
0xbc: {  	[sflag:s23] =	ssyncset.done $0x0  }
0xbd: {  	[sflag:s23] =	ssyncadd.s32 $0xFFFFF800  }
0xbe: {  	_ =	swait.ge [sflag:s23], $0x800  }
0xbf: {  	[sflag:s23] =	ssyncset.done $0x0  }
0xc0: {  	[sflag:s23] =	ssyncadd.s32 $0xFFFFF800  }
0xc1: {  	_ =	swait.ge [sflag:s23], $0x800  }
0xc2: {  	[sflag:s23] =	ssyncset.done $0x0  }
0xc3: {  	[sflag:s23] =	ssyncadd.s32 $0xFFFFF800  }
0xc4: {  	_ =	swait.ge [sflag:s23], $0x800  }
0xc5: {  	[sflag:s23] =	ssyncset.done $0x0  }
0xc6: {  	[sflag:s23] =	ssyncadd.s32 $0xFFFFF800  }
0xc7: {  	_ =	swait.ge [sflag:s23], $0x800  }
0xc8: {  	[sflag:s23] =	ssyncset.done $0x0  }
0xc9: {  	s13 =	simm.s32 $0x400;
	[sflag:s23] =	ssyncadd.s32 $0xFFFFF800  }
0xca: {  	[tilespmem:s25], [sflag:$0x2] =	stream.indirect.gather [spmem:s2], $0x10, s13, s20, $0xb8;
	[tilespmem:$0x17500] =	vst v63  }
0xcb: {  	s21 =	simm.s32 $0x480  }
0xcc: {  	[tilespmem:s28], [sflag:$0x2] =	stream.indirect.gather [spmem:s2], $0x10, s21, s20, $0xb8;
	[tilespmem:$0x17500] =	vst v63  }
0xcd: {  	s22 =	simm.s32 $0x500  }
0xce: {  	[tilespmem:s30], [sflag:$0x2] =	stream.indirect.gather [spmem:s2], $0x10, s22, s20, $0xb8;
	[tilespmem:$0x17500] =	vst v63  }
0xcf: {  	s9 =	simm.s32 $0x580  }
0xd0: {  	[tilespmem:s0], [sflag:$0x2] =	stream.indirect.gather [spmem:s2], $0x10, s9, s20, $0xb8;
	[tilespmem:$0x17500] =	vst v63  }
0xd1: {  	s10 =	simm.s32 $0x600  }
0xd2: {  	[tilespmem:s17], [sflag:$0x2] =	stream.indirect.gather [spmem:s2], $0x10, s10, s20, $0xb8;
	[tilespmem:$0x17500] =	vst v63  }
0xd3: {  	s11 =	simm.s32 $0x680  }
0xd4: {  	[tilespmem:s1], [sflag:$0x2] =	stream.indirect.gather [spmem:s2], $0x10, s11, s20, $0xb8;
	[tilespmem:$0x17500] =	vst v63  }
0xd5: {  	s12 =	simm.s32 $0x700  }
0xd6: {  	[tilespmem:s16], [sflag:$0x2] =	stream.indirect.gather [spmem:s2], $0x10, s12, s20, $0xb8;
	[tilespmem:$0x17500] =	vst v63  }
0xd7: {  	s13 =	simm.s32 $0x780  }
0xd8: {  	[tilespmem:s5], [sflag:$0x2] =	stream.indirect.gather [spmem:s2], $0x10, s13, s20, $0xb8;
	[tilespmem:$0x17500] =	vst v63  }
0xd9: {  	s21 =	simm.s32 $0x2800  }
0xda: {  	[spmem:s3] =	stream.indirect.scatter.add.f32 [tilespmem:s14], [sflag:$0x3], $0x10, s21, s20, $0xb8;
	[tilespmem:$0x17500] =	vst v63  }
0xdb: {  	s22 =	simm.s32 $0x2880  }
0xdc: {  	[spmem:s3] =	stream.indirect.scatter.add.f32 [tilespmem:s18], [sflag:$0x3], $0x10, s22, s20, $0xb8;
	[tilespmem:$0x17500] =	vst v63  }
0xdd: {  	s9 =	simm.s32 $0x2900  }
0xde: {  	[spmem:s3] =	stream.indirect.scatter.add.f32 [tilespmem:s24], [sflag:$0x3], $0x10, s9, s20, $0xb8;
	[tilespmem:$0x17500] =	vst v63  }
0xdf: {  	s10 =	simm.s32 $0x2980  }
0xe0: {  	[spmem:s3] =	stream.indirect.scatter.add.f32 [tilespmem:s26], [sflag:$0x3], $0x10, s10, s20, $0xb8;
	[tilespmem:$0x17500] =	vst v63  }
0xe1: {  	s11 =	simm.s32 $0x2A00  }
0xe2: {  	[spmem:s3] =	stream.indirect.scatter.add.f32 [tilespmem:s29], [sflag:$0x3], $0x10, s11, s20, $0xb8;
	[tilespmem:$0x17500] =	vst v63  }
0xe3: {  	s12 =	simm.s32 $0x2A80  }
0xe4: {  	[spmem:s3] =	stream.indirect.scatter.add.f32 [tilespmem:s31], [sflag:$0x3], $0x10, s12, s20, $0xb8;
	[tilespmem:$0x17500] =	vst v63  }
0xe5: {  	s13 =	simm.s32 $0x2B00  }
0xe6: {  	[spmem:s3] =	stream.indirect.scatter.add.f32 [tilespmem:s15], [sflag:$0x3], $0x10, s13, s20, $0xb8;
	[tilespmem:$0x17500] =	vst v63  }
0xe7: {  	s21 =	simm.s32 $0x2B80  }
0xe8: {  	[spmem:s3] =	stream.indirect.scatter.add.f32 [tilespmem:s19], [sflag:$0x3], $0x10, s21, s20, $0xb8;
	[tilespmem:$0x17500] =	vst v63  }
0xe9: {  	_ =	swait.ge [sflag:s6], $0x800  }
0xea: {  	[sflag:s6] =	ssyncset.done $0x0  }
0xeb: {  	[sflag:s6] =	ssyncadd.s32 $0xFFFFF800  }
0xec: {  	_ =	swait.ge [sflag:s6], $0x800  }
0xed: {  	[sflag:s6] =	ssyncset.done $0x0  }
0xee: {  	[sflag:s6] =	ssyncadd.s32 $0xFFFFF800  }
0xef: {  	_ =	swait.ge [sflag:s6], $0x800  }
0xf0: {  	[sflag:s6] =	ssyncset.done $0x0  }
0xf1: {  	[sflag:s6] =	ssyncadd.s32 $0xFFFFF800  }
0xf2: {  	_ =	swait.ge [sflag:s6], $0x800  }
0xf3: {  	[sflag:s6] =	ssyncset.done $0x0  }
0xf4: {  	[sflag:s6] =	ssyncadd.s32 $0xFFFFF800  }
0xf5: {  	_ =	swait.ge [sflag:s6], $0x800  }
0xf6: {  	[sflag:s6] =	ssyncset.done $0x0  }
0xf7: {  	[sflag:s6] =	ssyncadd.s32 $0xFFFFF800  }
0xf8: {  	_ =	swait.ge [sflag:s6], $0x800  }
0xf9: {  	[sflag:s6] =	ssyncset.done $0x0  }
0xfa: {  	[sflag:s6] =	ssyncadd.s32 $0xFFFFF800  }
0xfb: {  	_ =	swait.ge [sflag:s6], $0x800  }
0xfc: {  	[sflag:s6] =	ssyncset.done $0x0  }
0xfd: {  	[sflag:s6] =	ssyncadd.s32 $0xFFFFF800  }
0xfe: {  	_ =	swait.ge [sflag:s6], $0x800  }
0xff: {  	[sflag:s6] =	ssyncset.done $0x0  }
0x100: {  	[sflag:s6] =	ssyncadd.s32 $0xFFFFF800  }
0x101: {  	_ =	swait.ge [sflag:s7], $0x800  }
0x102: {  	[sflag:s7] =	ssyncset.done $0x0  }
0x103: {  	[sflag:s7] =	ssyncadd.s32 $0xFFFFF800  }
0x104: {  	_ =	swait.ge [sflag:s7], $0x800  }
0x105: {  	[sflag:s7] =	ssyncset.done $0x0  }
0x106: {  	[sflag:s7] =	ssyncadd.s32 $0xFFFFF800  }
0x107: {  	_ =	swait.ge [sflag:s7], $0x800  }
0x108: {  	[sflag:s7] =	ssyncset.done $0x0  }
0x109: {  	[sflag:s7] =	ssyncadd.s32 $0xFFFFF800  }
0x10a: {  	_ =	swait.ge [sflag:s7], $0x800  }
0x10b: {  	[sflag:s7] =	ssyncset.done $0x0  }
0x10c: {  	[sflag:s7] =	ssyncadd.s32 $0xFFFFF800  }
0x10d: {  	_ =	swait.ge [sflag:s7], $0x800  }
0x10e: {  	[sflag:s7] =	ssyncset.done $0x0  }
0x10f: {  	[sflag:s7] =	ssyncadd.s32 $0xFFFFF800  }
0x110: {  	_ =	swait.ge [sflag:s7], $0x800  }
0x111: {  	[sflag:s7] =	ssyncset.done $0x0  }
0x112: {  	[sflag:s7] =	ssyncadd.s32 $0xFFFFF800  }
0x113: {  	_ =	swait.ge [sflag:s7], $0x800  }
0x114: {  	[sflag:s7] =	ssyncset.done $0x0  }
0x115: {  	[sflag:s7] =	ssyncadd.s32 $0xFFFFF800  }
0x116: {  	p0 =	por $0x0, $0x0;
	_ =	swait.ge [sflag:s7], $0x800  }
0x117: {  	s4 =	simm.s32 @!p0 $0x80;
	[sflag:s7] =	ssyncset.done $0x0  }
0x118: {  	s9 =	simm.s32 @!p0 $0x800;
	s10 =	simm.s32 @!p0 $0x5000;
	[sflag:s7] =	ssyncadd.s32 $0xFFFFF800  }
0x119: {  	[tilespmem:s10], [sflag:$0x1] =	stream.indirect.gather @!p0 [spmem:s2], $0x10, s9, s4, $0xb8;
	[tilespmem:$0x17500] =	vst v63  }
0x11a: {  	s9 =	simm.s32 @!p0 $0x5800;
	s10 =	simm.s32 @!p0 $0x880  }
0x11b: {  	[tilespmem:s9], [sflag:$0x1] =	stream.indirect.gather @!p0 [spmem:s2], $0x10, s10, s4, $0xb8;
	[tilespmem:$0x17500] =	vst v63  }
0x11c: {  	s9 =	simm.s32 @!p0 $0x900;
	s10 =	simm.s32 @!p0 $0x6000  }
0x11d: {  	[tilespmem:s10], [sflag:$0x1] =	stream.indirect.gather @!p0 [spmem:s2], $0x10, s9, s4, $0xb8;
	[tilespmem:$0x17500] =	vst v63  }
0x11e: {  	s9 =	simm.s32 @!p0 $0x980;
	s10 =	simm.s32 @!p0 $0x6800  }
0x11f: {  	[tilespmem:s10], [sflag:$0x1] =	stream.indirect.gather @!p0 [spmem:s2], $0x10, s9, s4, $0xb8;
	[tilespmem:$0x17500] =	vst v63  }
0x120: {  	s9 =	simm.s32 @!p0 $0xA00;
	s10 =	simm.s32 @!p0 $0x7000  }
0x121: {  	[tilespmem:s10], [sflag:$0x1] =	stream.indirect.gather @!p0 [spmem:s2], $0x10, s9, s4, $0xb8;
	[tilespmem:$0x17500] =	vst v63  }
0x122: {  	s9 =	simm.s32 @!p0 $0xA80;
	s10 =	simm.s32 @!p0 $0x7800  }
0x123: {  	[tilespmem:s10], [sflag:$0x1] =	stream.indirect.gather @!p0 [spmem:s2], $0x10, s9, s4, $0xb8;
	[tilespmem:$0x17500] =	vst v63  }
0x124: {  	s9 =	simm.s32 @!p0 $0xB00;
	s10 =	simm.s32 @!p0 $0x8000  }
0x125: {  	[tilespmem:s10], [sflag:$0x1] =	stream.indirect.gather @!p0 [spmem:s2], $0x10, s9, s4, $0xb8;
	[tilespmem:$0x17500] =	vst v63  }
0x126: {  	s9 =	simm.s32 @!p0 $0xB80;
	s10 =	simm.s32 @!p0 $0x8800  }
0x127: {  	[tilespmem:s10], [sflag:$0x1] =	stream.indirect.gather @!p0 [spmem:s2], $0x10, s9, s4, $0xb8;
	[tilespmem:$0x17500] =	vst v63  }
0x128: {  	s22 =	simm.s32 $0x2C00  }
0x129: {  	[spmem:s3] =	stream.indirect.scatter.add.f32 [tilespmem:s25], [sflag:$0x4], $0x10, s22, s20, $0xb8;
	[tilespmem:$0x17500] =	vst v63  }
0x12a: {  	s9 =	simm.s32 $0x2C80  }
0x12b: {  	[spmem:s3] =	stream.indirect.scatter.add.f32 [tilespmem:s28], [sflag:$0x4], $0x10, s9, s20, $0xb8;
	[tilespmem:$0x17500] =	vst v63  }
0x12c: {  	s10 =	simm.s32 $0x2D00  }
0x12d: {  	[spmem:s3] =	stream.indirect.scatter.add.f32 [tilespmem:s30], [sflag:$0x4], $0x10, s10, s20, $0xb8;
	[tilespmem:$0x17500] =	vst v63  }
0x12e: {  	s11 =	simm.s32 $0x2D80  }
0x12f: {  	[spmem:s3] =	stream.indirect.scatter.add.f32 [tilespmem:s0], [sflag:$0x4], $0x10, s11, s20, $0xb8;
	[tilespmem:$0x17500] =	vst v63  }
0x130: {  	s12 =	simm.s32 $0x2E00  }
0x131: {  	[spmem:s3] =	stream.indirect.scatter.add.f32 [tilespmem:s17], [sflag:$0x4], $0x10, s12, s20, $0xb8;
	[tilespmem:$0x17500] =	vst v63  }
0x132: {  	s13 =	simm.s32 $0x2E80  }
0x133: {  	[spmem:s3] =	stream.indirect.scatter.add.f32 [tilespmem:s1], [sflag:$0x4], $0x10, s13, s20, $0xb8;
	[tilespmem:$0x17500] =	vst v63  }
0x134: {  	s21 =	simm.s32 $0x2F00  }
0x135: {  	[spmem:s3] =	stream.indirect.scatter.add.f32 [tilespmem:s16], [sflag:$0x4], $0x10, s21, s20, $0xb8;
	[tilespmem:$0x17500] =	vst v63  }
0x136: {  	s22 =	simm.s32 $0x2F80  }
0x137: {  	[spmem:s3] =	stream.indirect.scatter.add.f32 [tilespmem:s5], [sflag:$0x4], $0x10, s22, s20, $0xb8;
	[tilespmem:$0x17500] =	vst v63  }
0x138: {  	_ =	swait.ge [sflag:s8], $0x800  }
0x139: {  	[sflag:s8] =	ssyncset.done $0x0  }
0x13a: {  	[sflag:s8] =	ssyncadd.s32 $0xFFFFF800  }
0x13b: {  	_ =	swait.ge [sflag:s8], $0x800  }
0x13c: {  	[sflag:s8] =	ssyncset.done $0x0  }
0x13d: {  	[sflag:s8] =	ssyncadd.s32 $0xFFFFF800  }
0x13e: {  	_ =	swait.ge [sflag:s8], $0x800  }
0x13f: {  	[sflag:s8] =	ssyncset.done $0x0  }
0x140: {  	[sflag:s8] =	ssyncadd.s32 $0xFFFFF800  }
0x141: {  	_ =	swait.ge [sflag:s8], $0x800  }
0x142: {  	[sflag:s8] =	ssyncset.done $0x0  }
0x143: {  	[sflag:s8] =	ssyncadd.s32 $0xFFFFF800  }
0x144: {  	_ =	swait.ge [sflag:s8], $0x800  }
0x145: {  	[sflag:s8] =	ssyncset.done $0x0  }
0x146: {  	[sflag:s8] =	ssyncadd.s32 $0xFFFFF800  }
0x147: {  	_ =	swait.ge [sflag:s8], $0x800  }
0x148: {  	[sflag:s8] =	ssyncset.done $0x0  }
0x149: {  	[sflag:s8] =	ssyncadd.s32 $0xFFFFF800  }
0x14a: {  	_ =	swait.ge [sflag:s8], $0x800  }
0x14b: {  	[sflag:s8] =	ssyncset.done $0x0  }
0x14c: {  	[sflag:s8] =	ssyncadd.s32 $0xFFFFF800  }
0x14d: {  	s10 =	simm.s32 $0x2000;
	_ =	swait.ge [sflag:s8], $0x800  }
.LBB2_10:
0x14e: {  	[sflag:s8] =	ssyncset.done $0x0;
	s13 =	smov.u32 s10;
	s10 =	sadd.s32 $0x2000, s10  }
0x14f: {  	p0 =	sne.s32 s10, $0xA000;
	[sflag:s8] =	ssyncadd.s32 $0xFFFFF800  }
0x150: {  	_ =	swait.ge [sflag:s23], $0x800  }
0x151: {  	[sflag:s23] =	ssyncset.done $0x0  }
0x152: {  	[sflag:s23] =	ssyncadd.s32 $0xFFFFF800  }
0x153: {  	_ =	swait.ge [sflag:s23], $0x800  }
0x154: {  	[sflag:s23] =	ssyncset.done $0x0  }
0x155: {  	[sflag:s23] =	ssyncadd.s32 $0xFFFFF800  }
0x156: {  	_ =	swait.ge [sflag:s23], $0x800  }
0x157: {  	[sflag:s23] =	ssyncset.done $0x0  }
0x158: {  	[sflag:s23] =	ssyncadd.s32 $0xFFFFF800  }
0x159: {  	_ =	swait.ge [sflag:s23], $0x800  }
0x15a: {  	[sflag:s23] =	ssyncset.done $0x0  }
0x15b: {  	[sflag:s23] =	ssyncadd.s32 $0xFFFFF800  }
0x15c: {  	_ =	swait.ge [sflag:s23], $0x800  }
0x15d: {  	[sflag:s23] =	ssyncset.done $0x0  }
0x15e: {  	[sflag:s23] =	ssyncadd.s32 $0xFFFFF800  }
0x15f: {  	_ =	swait.ge [sflag:s23], $0x800  }
0x160: {  	[sflag:s23] =	ssyncset.done $0x0  }
0x161: {  	[sflag:s23] =	ssyncadd.s32 $0xFFFFF800  }
0x162: {  	_ =	swait.ge [sflag:s23], $0x800  }
0x163: {  	[sflag:s23] =	ssyncset.done $0x0  }
0x164: {  	[sflag:s23] =	ssyncadd.s32 $0xFFFFF800  }
0x165: {  	s12 =	sshra.s32 s13, $0x2;
	_ =	swait.ge [sflag:s23], $0x800  }
0x166: {  	s4 =	sadd.s32 $0x400, s12;
	[sflag:s23] =	ssyncset.done $0x0  }
0x167: {  	[sflag:s23] =	ssyncadd.s32 $0xFFFFF800  }
0x168: {  	[tilespmem:s25], [sflag:$0x2] =	stream.indirect.gather [spmem:s2], $0x10, s4, s20, $0xb8;
	[tilespmem:$0x17500] =	vst v63  }
0x169: {  	s4 =	sadd.s32 $0x480, s12  }
0x16a: {  	[tilespmem:s28], [sflag:$0x2] =	stream.indirect.gather [spmem:s2], $0x10, s4, s20, $0xb8;
	[tilespmem:$0x17500] =	vst v63  }
0x16b: {  	s4 =	sadd.s32 $0x500, s12  }
0x16c: {  	[tilespmem:s30], [sflag:$0x2] =	stream.indirect.gather [spmem:s2], $0x10, s4, s20, $0xb8;
	[tilespmem:$0x17500] =	vst v63  }
0x16d: {  	s4 =	sadd.s32 $0x580, s12  }
0x16e: {  	[tilespmem:s0], [sflag:$0x2] =	stream.indirect.gather [spmem:s2], $0x10, s4, s20, $0xb8;
	[tilespmem:$0x17500] =	vst v63  }
0x16f: {  	s4 =	sadd.s32 $0x600, s12  }
0x170: {  	[tilespmem:s17], [sflag:$0x2] =	stream.indirect.gather [spmem:s2], $0x10, s4, s20, $0xb8;
	[tilespmem:$0x17500] =	vst v63  }
0x171: {  	s4 =	sadd.s32 $0x680, s12  }
0x172: {  	[tilespmem:s1], [sflag:$0x2] =	stream.indirect.gather [spmem:s2], $0x10, s4, s20, $0xb8;
	[tilespmem:$0x17500] =	vst v63  }
0x173: {  	s4 =	sadd.s32 $0x700, s12  }
0x174: {  	[tilespmem:s16], [sflag:$0x2] =	stream.indirect.gather [spmem:s2], $0x10, s4, s20, $0xb8;
	[tilespmem:$0x17500] =	vst v63  }
0x175: {  	s4 =	sadd.s32 $0x780, s12  }
0x176: {  	[tilespmem:s5], [sflag:$0x2] =	stream.indirect.gather [spmem:s2], $0x10, s4, s20, $0xb8;
	[tilespmem:$0x17500] =	vst v63  }
0x177: {  	s4 =	sadd.s32 $0x2800, s12  }
0x178: {  	[spmem:s3] =	stream.indirect.scatter.add.f32 [tilespmem:s14], [sflag:$0x3], $0x10, s4, s20, $0xb8;
	[tilespmem:$0x17500] =	vst v63  }
0x179: {  	s4 =	sadd.s32 $0x2880, s12  }
0x17a: {  	[spmem:s3] =	stream.indirect.scatter.add.f32 [tilespmem:s18], [sflag:$0x3], $0x10, s4, s20, $0xb8;
	[tilespmem:$0x17500] =	vst v63  }
0x17b: {  	s4 =	sadd.s32 $0x2900, s12  }
0x17c: {  	[spmem:s3] =	stream.indirect.scatter.add.f32 [tilespmem:s24], [sflag:$0x3], $0x10, s4, s20, $0xb8;
	[tilespmem:$0x17500] =	vst v63  }
0x17d: {  	s4 =	sadd.s32 $0x2980, s12  }
0x17e: {  	[spmem:s3] =	stream.indirect.scatter.add.f32 [tilespmem:s26], [sflag:$0x3], $0x10, s4, s20, $0xb8;
	[tilespmem:$0x17500] =	vst v63  }
0x17f: {  	s4 =	sadd.s32 $0x2A00, s12  }
0x180: {  	[spmem:s3] =	stream.indirect.scatter.add.f32 [tilespmem:s29], [sflag:$0x3], $0x10, s4, s20, $0xb8;
	[tilespmem:$0x17500] =	vst v63  }
0x181: {  	s4 =	sadd.s32 $0x2A80, s12  }
0x182: {  	[spmem:s3] =	stream.indirect.scatter.add.f32 [tilespmem:s31], [sflag:$0x3], $0x10, s4, s20, $0xb8;
	[tilespmem:$0x17500] =	vst v63  }
0x183: {  	s4 =	sadd.s32 $0x2B00, s12  }
0x184: {  	[spmem:s3] =	stream.indirect.scatter.add.f32 [tilespmem:s15], [sflag:$0x3], $0x10, s4, s20, $0xb8;
	[tilespmem:$0x17500] =	vst v63  }
0x185: {  	s4 =	sadd.s32 $0x2B80, s12  }
0x186: {  	[spmem:s3] =	stream.indirect.scatter.add.f32 [tilespmem:s19], [sflag:$0x3], $0x10, s4, s20, $0xb8;
	[tilespmem:$0x17500] =	vst v63  }
0x187: {  	_ =	swait.ge [sflag:s6], $0x800  }
0x188: {  	[sflag:s6] =	ssyncset.done $0x0  }
0x189: {  	[sflag:s6] =	ssyncadd.s32 $0xFFFFF800  }
0x18a: {  	_ =	swait.ge [sflag:s6], $0x800  }
0x18b: {  	[sflag:s6] =	ssyncset.done $0x0  }
0x18c: {  	[sflag:s6] =	ssyncadd.s32 $0xFFFFF800  }
0x18d: {  	_ =	swait.ge [sflag:s6], $0x800  }
0x18e: {  	[sflag:s6] =	ssyncset.done $0x0  }
0x18f: {  	[sflag:s6] =	ssyncadd.s32 $0xFFFFF800  }
0x190: {  	_ =	swait.ge [sflag:s6], $0x800  }
0x191: {  	[sflag:s6] =	ssyncset.done $0x0  }
0x192: {  	[sflag:s6] =	ssyncadd.s32 $0xFFFFF800  }
0x193: {  	_ =	swait.ge [sflag:s6], $0x800  }
0x194: {  	[sflag:s6] =	ssyncset.done $0x0  }
0x195: {  	[sflag:s6] =	ssyncadd.s32 $0xFFFFF800  }
0x196: {  	_ =	swait.ge [sflag:s6], $0x800  }
0x197: {  	[sflag:s6] =	ssyncset.done $0x0  }
0x198: {  	[sflag:s6] =	ssyncadd.s32 $0xFFFFF800  }
0x199: {  	_ =	swait.ge [sflag:s6], $0x800  }
0x19a: {  	[sflag:s6] =	ssyncset.done $0x0  }
0x19b: {  	[sflag:s6] =	ssyncadd.s32 $0xFFFFF800  }
0x19c: {  	_ =	swait.ge [sflag:s6], $0x800  }
0x19d: {  	[sflag:s6] =	ssyncset.done $0x0  }
0x19e: {  	[sflag:s6] =	ssyncadd.s32 $0xFFFFF800  }
0x19f: {  	_ =	swait.ge [sflag:s7], $0x800  }
0x1a0: {  	[sflag:s7] =	ssyncset.done $0x0  }
0x1a1: {  	[sflag:s7] =	ssyncadd.s32 $0xFFFFF800  }
0x1a2: {  	_ =	swait.ge [sflag:s7], $0x800  }
0x1a3: {  	[sflag:s7] =	ssyncset.done $0x0  }
0x1a4: {  	[sflag:s7] =	ssyncadd.s32 $0xFFFFF800  }
0x1a5: {  	_ =	swait.ge [sflag:s7], $0x800  }
0x1a6: {  	[sflag:s7] =	ssyncset.done $0x0  }
0x1a7: {  	[sflag:s7] =	ssyncadd.s32 $0xFFFFF800  }
0x1a8: {  	_ =	swait.ge [sflag:s7], $0x800  }
0x1a9: {  	[sflag:s7] =	ssyncset.done $0x0  }
0x1aa: {  	[sflag:s7] =	ssyncadd.s32 $0xFFFFF800  }
0x1ab: {  	_ =	swait.ge [sflag:s7], $0x800  }
0x1ac: {  	[sflag:s7] =	ssyncset.done $0x0  }
0x1ad: {  	[sflag:s7] =	ssyncadd.s32 $0xFFFFF800  }
0x1ae: {  	_ =	swait.ge [sflag:s7], $0x800  }
0x1af: {  	[sflag:s7] =	ssyncset.done $0x0  }
0x1b0: {  	[sflag:s7] =	ssyncadd.s32 $0xFFFFF800  }
0x1b1: {  	_ =	swait.ge [sflag:s7], $0x800  }
0x1b2: {  	[sflag:s7] =	ssyncset.done $0x0  }
0x1b3: {  	p1 =	seq.s32 s13, $0x8000;
	[sflag:s7] =	ssyncadd.s32 $0xFFFFF800  }
0x1b4: {  	s9 =	simm.s32 @!p1 $0x80;
	s4 =	sshra.s32 @!p1 s13, $0x2;
	_ =	swait.ge [sflag:s7], $0x800  }
0x1b5: {  	s13 =	simm.s32 @!p1 $0x5800;
	s11 =	sadd.s32 @!p1 $0x800, s4;
	[sflag:s7] =	ssyncset.done $0x0  }
0x1b6: {  	s14 =	simm.s32 @!p1 $0x5000;
	s18 =	sadd.s32 @!p1 $0x880, s4;
	[sflag:s7] =	ssyncadd.s32 $0xFFFFF800  }
0x1b7: {  	[tilespmem:s14], [sflag:$0x1] =	stream.indirect.gather @!p1 [spmem:s2], $0x10, s11, s9, $0xb8;
	[tilespmem:$0x17500] =	vst v63  }
0x1b8: {  	s21 =	sadd.s32 @!p1 $0xA00, s4;
	s11 =	sadd.s32 @!p1 $0x900, s4;
	s14 =	sadd.s32 @!p1 $0x980, s4  }
0x1b9: {  	[tilespmem:s13], [sflag:$0x1] =	stream.indirect.gather @!p1 [spmem:s2], $0x10, s18, s9, $0xb8;
	[tilespmem:$0x17500] =	vst v63  }
0x1ba: {  	s22 =	sadd.s32 @!p1 $0xB00, s4;
	s13 =	simm.s32 @!p1 $0x6000;
	s18 =	sadd.s32 @!p1 $0xA80, s4  }
0x1bb: {  	[tilespmem:s13], [sflag:$0x1] =	stream.indirect.gather @!p1 [spmem:s2], $0x10, s11, s9, $0xb8;
	[tilespmem:$0x17500] =	vst v63  }
0x1bc: {  	s4 =	sadd.s32 @!p1 $0xB80, s4;
	s11 =	simm.s32 @!p1 $0x6800  }
0x1bd: {  	[tilespmem:s11], [sflag:$0x1] =	stream.indirect.gather @!p1 [spmem:s2], $0x10, s14, s9, $0xb8;
	[tilespmem:$0x17500] =	vst v63  }
0x1be: {  	s14 =	simm.s32 $0x5000  }
0x1bf: {  	s11 =	simm.s32 @!p1 $0x7000  }
0x1c0: {  	[tilespmem:s11], [sflag:$0x1] =	stream.indirect.gather @!p1 [spmem:s2], $0x10, s21, s9, $0xb8;
	[tilespmem:$0x17500] =	vst v63  }
0x1c1: {  	s11 =	simm.s32 @!p1 $0x7800  }
0x1c2: {  	[tilespmem:s11], [sflag:$0x1] =	stream.indirect.gather @!p1 [spmem:s2], $0x10, s18, s9, $0xb8;
	[tilespmem:$0x17500] =	vst v63  }
0x1c3: {  	s18 =	simm.s32 $0x5800  }
0x1c4: {  	s13 =	simm.s32 @!p1 $0x8800;
	s11 =	simm.s32 @!p1 $0x8000  }
0x1c5: {  	[tilespmem:s11], [sflag:$0x1] =	stream.indirect.gather @!p1 [spmem:s2], $0x10, s22, s9, $0xb8;
	[tilespmem:$0x17500] =	vst v63  }
0x1c6: {  	_ = 	snop  }
0x1c7: {  	[tilespmem:s13], [sflag:$0x1] =	stream.indirect.gather @!p1 [spmem:s2], $0x10, s4, s9, $0xb8;
	[tilespmem:$0x17500] =	vst v63  }
0x1c8: {  	s4 =	sadd.s32 $0x2C00, s12  }
0x1c9: {  	[spmem:s3] =	stream.indirect.scatter.add.f32 [tilespmem:s25], [sflag:$0x4], $0x10, s4, s20, $0xb8;
	[tilespmem:$0x17500] =	vst v63  }
0x1ca: {  	s4 =	sadd.s32 $0x2C80, s12  }
0x1cb: {  	[spmem:s3] =	stream.indirect.scatter.add.f32 [tilespmem:s28], [sflag:$0x4], $0x10, s4, s20, $0xb8;
	[tilespmem:$0x17500] =	vst v63  }
0x1cc: {  	s9 =	sadd.s32 $0x2D80, s12;
	s4 =	sadd.s32 $0x2D00, s12  }
0x1cd: {  	[spmem:s3] =	stream.indirect.scatter.add.f32 [tilespmem:s30], [sflag:$0x4], $0x10, s4, s20, $0xb8;
	[tilespmem:$0x17500] =	vst v63  }
0x1ce: {  	s4 =	sadd.s32 $0x2E00, s12  }
0x1cf: {  	[spmem:s3] =	stream.indirect.scatter.add.f32 [tilespmem:s0], [sflag:$0x4], $0x10, s9, s20, $0xb8;
	[tilespmem:$0x17500] =	vst v63  }
0x1d0: {  	s9 =	sadd.s32 $0x2E80, s12  }
0x1d1: {  	[spmem:s3] =	stream.indirect.scatter.add.f32 [tilespmem:s17], [sflag:$0x4], $0x10, s4, s20, $0xb8;
	[tilespmem:$0x17500] =	vst v63  }
0x1d2: {  	s4 =	sadd.s32 $0x2F00, s12  }
0x1d3: {  	[spmem:s3] =	stream.indirect.scatter.add.f32 [tilespmem:s1], [sflag:$0x4], $0x10, s9, s20, $0xb8;
	[tilespmem:$0x17500] =	vst v63  }
0x1d4: {  	s9 =	sadd.s32 $0x2F80, s12  }
0x1d5: {  	[spmem:s3] =	stream.indirect.scatter.add.f32 [tilespmem:s16], [sflag:$0x4], $0x10, s4, s20, $0xb8;
	[tilespmem:$0x17500] =	vst v63  }
0x1d6: {  	_ = 	snop  }
0x1d7: {  	[spmem:s3] =	stream.indirect.scatter.add.f32 [tilespmem:s5], [sflag:$0x4], $0x10, s9, s20, $0xb8;
	[tilespmem:$0x17500] =	vst v63  }
0x1d8: {  	_ =	swait.ge [sflag:s8], $0x800  }
0x1d9: {  	[sflag:s8] =	ssyncset.done $0x0  }
0x1da: {  	[sflag:s8] =	ssyncadd.s32 $0xFFFFF800  }
0x1db: {  	_ =	swait.ge [sflag:s8], $0x800  }
0x1dc: {  	[sflag:s8] =	ssyncset.done $0x0  }
0x1dd: {  	[sflag:s8] =	ssyncadd.s32 $0xFFFFF800  }
0x1de: {  	_ =	swait.ge [sflag:s8], $0x800  }
0x1df: {  	[sflag:s8] =	ssyncset.done $0x0  }
0x1e0: {  	[sflag:s8] =	ssyncadd.s32 $0xFFFFF800  }
0x1e1: {  	_ =	swait.ge [sflag:s8], $0x800  }
0x1e2: {  	[sflag:s8] =	ssyncset.done $0x0  }
0x1e3: {  	[sflag:s8] =	ssyncadd.s32 $0xFFFFF800  }
0x1e4: {  	_ =	swait.ge [sflag:s8], $0x800  }
0x1e5: {  	[sflag:s8] =	ssyncset.done $0x0  }
0x1e6: {  	[sflag:s8] =	ssyncadd.s32 $0xFFFFF800  }
0x1e7: {  	_ =	swait.ge [sflag:s8], $0x800  }
0x1e8: {  	[sflag:s8] =	ssyncset.done $0x0  }
.Ltmp4:
0x1e9: {  	[sflag:s8] =	ssyncadd.s32 $0xFFFFF800;
	(pc) =	sbr.rel @p0 .LBB2_10-.Ltmp4, $4  }
0x1ea: {  	_ =	swait.ge [sflag:s8], $0x800  }
0x1eb: {  	[sflag:s8] =	ssyncset.done $0x0  }
0x1ec: {  	[sflag:s8] =	ssyncadd.s32 $0xFFFFF800  }
0x1ed: {  	_ =	swait.ge [sflag:s8], $0x800  }
0x1ee: {  	[sflag:s8] =	ssyncset.done $0x0  }
0x1ef: {  	[sflag:s8] =	ssyncadd.s32 $0xFFFFF800  }
0x1f0: {  	s4 =	stileid.u32;
	[bflag:$0x0] =	sbarrier.arrive $0xFFFF  }
0x1f1: {  	s22 =	simm.s32 $0x5;
	s4 =	sshll.u32 s4, $0x6;
	s21 =	rddreg [dreg:$0xb]  }
0x1f2: {  	s4 =	sor.u32 $0x1C05, s4;
	s10 =	rddreg [dreg:$0xc];
	s9 =	sshrl.u32 s21, $0x3  }
0x1f3: {  	[hbm:s10], [sflag:s4] =	dma.local [spmem:s9], $0x500  }
0x1f4: {  	_ =	swait.ge [sflag:s22], $0x500  }
0x1f5: {  	s14 =	rddreg [dreg:$0xe]  }
0x1f6: {  	s18 =	rddreg [dreg:$0xd];
	s9 =	sadd.s32 $0x1, s14  }
0x1f7: {  	p0 =	sne.s32 s9, s18  }
.Ltmp5:
0x1f8: {  	_ = 	snop;
	(pc) =	sbr.rel @p0 .LBB2_1-.Ltmp5, $3  }
0x1f9: {  	_ =	sdelay $0x1  }
0x1fa: {  	[sflag:s22] =	ssyncset.done $0x0  }
0x1fb: {  	s11 =	simm.s32 $0x12280;
	[sflag:s22] =	ssyncadd.s32 $0xFFFFFB00  }
0x1fc: {  	_ =	sfence.sel $0x180000  }
0x1fd: {  	[bflag:$0x0] =	sbarrier.arrive $0xFFFF  }
0x1fe: {  	_ =	strace $0x9000004A  }
0x1ff: {  	s0 =	stileid.u32;
	[bflag:$0x2] =	sbarrier.arrive $0xFFFF  }
0x200: {  	p0 =	sne.s32 s0, $0x0;
	s0 =	rddreg [dreg:$0x4]  }
0x201: {  	s0 =	sadd.s32 @!p0 $0x100000, s0  }
0x202: {  	[sflag:s0] =	ssyncadd.tile.s32 @!p0 $0x1;
	_ =	shalt  }
.Lfunc_end2:
_tile_overlayer_lowered:
.L_overlay_start_2:
0x203: {  	(tag) =	ssettag $0x2  }
0x204: {  	s0 =	rddreg [dreg:$0x0];
	s2 =	stileid.u32  }
0x205: {  	s1 =	rddreg [dreg:$0x1];
	p0 =	sne.s32 s2, $0x0  }
0x206: {  	s3 =	rddreg [dreg:$0x2];
	[bflag:$0x3] =	sbarrier.arrive $0xFFFF;
	s2 =	simm.s32 @!p0 $0x1C05  }
0x207: {  	[timem:s3], [sflag:s2] =	dma.local @!p0 [hbm:s0], s1  }
0x208: {  	s0 =	simm.s32 @!p0 $0x5  }
0x209: {  	_ =	swait.ge @!p0 [sflag:s0], s1  }
0x20a: {  	s1 =	ssub.s32 @!p0 $0x0, s1;
	[sflag:s0] =	ssyncset.done @!p0 $0x0  }
0x20b: {  	[sflag:s0] =	ssyncadd.s32 @!p0 s1  }
0x20c: {  	[bflag:$0x3] =	sbarrier.arrive $0xFFFF  }
0x20d: {  	_ =	shalt  }

</sc_bundles>
